<compile_context>
chip_gen: v7x
topology: tpu7x:2x2x1
jax: 0.10.2.dev20260603
libtpu: 0.0.44.dev20260713+nightly
codegen_flags: <defaults>
</compile_context>

<pallas_src>
import jax
import jax.numpy as jnp
from jax import lax
from jax.experimental import pallas as pl
from jax.experimental.pallas import tpu as pltpu
from jax.experimental.pallas import tpu_sc as plsc

N = 10000
D_IN = 128
D_H1 = 128
D_H2 = 64
E = 320000

NC = 2
NS = 16
NW = NC * NS
CW = 128
GB = 8
NGROUP = 10
NCHUNK = GB * NGROUP
EPAD = NW * NCHUNK * CW
SINK = N
NPAD = 10016
ZPT = NPAD // NS
DRT = N // NS

BLK = 1000


def _fill_zero(ref, rows, cols):
    vec = jnp.zeros((16,), dtype=jnp.float32)

    def body(r, _):
        for k in range(cols // 16):
            ref[r, pl.ds(k * 16, 16)] = vec
        return 0

    lax.fori_loop(0, rows, body, 0, unroll=False)


def _make_spmm(D, with_deg, gb, nbuf):
    mesh = plsc.VectorSubcoreMesh(core_axis_name="c", subcore_axis_name="s")
    ngroup = NCHUNK // gb

    out_type = [jax.ShapeDtypeStruct((NC * N, D), jnp.float32)]
    scratch = [
        pltpu.VMEM((gb, CW), jnp.int32),
        pltpu.VMEM((gb, CW), jnp.int32),
    ]
    scratch += [pltpu.VMEM((CW, D), jnp.float32) for _ in range(nbuf)]
    scratch.append(pltpu.VMEM_SHARED((NPAD, D), jnp.float32))
    scratch += [pltpu.SemaphoreType.DMA for _ in range(2 * nbuf)]
    if with_deg:
        out_type.append(jax.ShapeDtypeStruct((NW * NPAD,), jnp.float32))
        scratch.append(pltpu.VMEM((NPAD,), jnp.float32))

    def body(y_hbm, srcs_hbm, dsts_hbm, *rest):
        if with_deg:
            out_hbm, deg_hbm = rest[0], rest[1]
            rest = rest[2:]
        else:
            out_hbm = rest[0]
            rest = rest[1:]
        src_v, dst_v = rest[0], rest[1]
        bufs = rest[2:2 + nbuf]
        acc = rest[2 + nbuf]
        sems = rest[3 + nbuf:3 + 2 * nbuf]
        ssems = rest[3 + 2 * nbuf:3 + 3 * nbuf]
        hist = rest[3 + 3 * nbuf] if with_deg else None
        cid = lax.axis_index("c")
        sid = lax.axis_index("s")
        wid = cid * NS + sid
        rows_a = bufs[0]
        ones16 = jnp.full((16,), 1.0, dtype=jnp.float32)

        _fill_zero(rows_a, CW, D)
        z0 = sid * ZPT
        zoff = 0
        while zoff < ZPT:
            zn = min(CW, ZPT - zoff)
            pltpu.sync_copy(rows_a.at[pl.ds(0, zn)],
                            acc.at[pl.ds(z0 + zoff, zn)])
            zoff += zn
        if with_deg:
            zv = jnp.zeros((16,), dtype=jnp.float32)

            def zrow(r, _):
                hist[pl.ds(r * 16, 16)] = zv
                return 0

            lax.fori_loop(0, NPAD // 16, zrow, 0, unroll=False)
        plsc.subcore_barrier()

        def group(g, _):
            i0 = wid * NCHUNK + g * gb
            pltpu.sync_copy(srcs_hbm.at[pl.ds(i0, gb)], src_v)
            pltpu.sync_copy(dsts_hbm.at[pl.ds(i0, gb)], dst_v)
            lead = min(nbuf - 1, gb)
            cps = [pltpu.async_copy(y_hbm.at[src_v.at[b]], bufs[b % nbuf],
                                    sems[b % nbuf]) for b in range(lead)]
            scps = [None] * gb
            for b in range(gb):
                if b + lead < gb:
                    if b >= 1:
                        scps[b - 1].wait()
                    cps.append(pltpu.async_copy(
                        y_hbm.at[src_v.at[b + lead]], bufs[(b + lead) % nbuf],
                        sems[(b + lead) % nbuf]))
                cps[b].wait()
                if with_deg:
                    for l in range(CW // 16):
                        idx = dst_v[b, pl.ds(l * 16, 16)]
                        plsc.addupdate_scatter(hist, [idx], ones16)
                scps[b] = pltpu.async_copy(bufs[b % nbuf],
                                           acc.at[dst_v.at[b]],
                                           ssems[b % nbuf], add=True)
            for b in range(max(0, gb - lead - 1), gb):
                scps[b].wait()
            return 0

        lax.fori_loop(0, ngroup, group, 0, unroll=False)
        plsc.subcore_barrier()

        t0 = sid * DRT
        for q in range(5):
            pltpu.sync_copy(acc.at[pl.ds(t0 + q * 125, 125)],
                            rows_a.at[pl.ds(0, 125)])
            pltpu.sync_copy(rows_a.at[pl.ds(0, 125)],
                            out_hbm.at[pl.ds(cid * N + t0 + q * 125, 125)])
        if with_deg:
            pltpu.sync_copy(hist, deg_hbm.at[pl.ds(wid * NPAD, NPAD)])

    return pl.kernel(
        body, out_type=out_type, mesh=mesh, scratch_types=scratch,
        compiler_params=pltpu.CompilerParams(use_tc_tiling_on_sc=False,
                                             needs_layout_passes=False))


_spmm_deg = _make_spmm(D_H1, True, gb=8, nbuf=2)
_spmm = _make_spmm(D_H2, False, gb=16, nbuf=4)


def _pre_body(x_ref, wl_ref, wr_ref, b1_ref, y1_ref, z1_ref):
    x = x_ref[...]
    y1_ref[...] = jnp.dot(x, wl_ref[...], preferred_element_type=jnp.float32)
    z1_ref[...] = (jnp.dot(x, wr_ref[...], preferred_element_type=jnp.float32)
                   + b1_ref[...])


def _pre(x, W1l, W1r, b1):
    return pl.pallas_call(
        _pre_body,
        grid=(N // BLK,),
        in_specs=[
            pl.BlockSpec((BLK, D_IN), lambda i: (i, 0)),
            pl.BlockSpec((D_IN, D_H1), lambda i: (0, 0)),
            pl.BlockSpec((D_IN, D_H1), lambda i: (0, 0)),
            pl.BlockSpec((1, D_H1), lambda i: (0, 0)),
        ],
        out_specs=[
            pl.BlockSpec((BLK, D_H1), lambda i: (i, 0)),
            pl.BlockSpec((BLK, D_H1), lambda i: (i, 0)),
        ],
        out_shape=[
            jax.ShapeDtypeStruct((N, D_H1), jnp.float32),
            jax.ShapeDtypeStruct((N, D_H1), jnp.float32),
        ],
    )(x, W1l, W1r, b1)


def _rdeg(degt_ref):
    deg = jnp.sum(degt_ref[...], axis=1, keepdims=True)
    return 1.0 / jnp.maximum(deg, 1.0)


def _mid_body(s1a_ref, s1b_ref, degt_ref, z1_ref, w2l_ref, w2r_ref,
              b2_ref, y2_ref, z2_ref):
    s1 = s1a_ref[...] + s1b_ref[...]
    h1 = jnp.maximum(s1 * _rdeg(degt_ref) + z1_ref[...], 0.0)
    y2_ref[...] = jnp.dot(h1, w2l_ref[...], preferred_element_type=jnp.float32)
    z2_ref[...] = (jnp.dot(h1, w2r_ref[...], preferred_element_type=jnp.float32)
                   + b2_ref[...])


def _mid(s1p, degt, z1, W2l, W2r, b2):
    return pl.pallas_call(
        _mid_body,
        grid=(N // BLK,),
        in_specs=[
            pl.BlockSpec((BLK, D_H1), lambda i: (i, 0)),
            pl.BlockSpec((BLK, D_H1), lambda i: (i + N // BLK, 0)),
            pl.BlockSpec((BLK, NW), lambda i: (i, 0)),
            pl.BlockSpec((BLK, D_H1), lambda i: (i, 0)),
            pl.BlockSpec((D_H1, D_H2), lambda i: (0, 0)),
            pl.BlockSpec((D_H1, D_H2), lambda i: (0, 0)),
            pl.BlockSpec((1, D_H2), lambda i: (0, 0)),
        ],
        out_specs=[
            pl.BlockSpec((BLK, D_H2), lambda i: (i, 0)),
            pl.BlockSpec((BLK, D_H2), lambda i: (i, 0)),
        ],
        out_shape=[
            jax.ShapeDtypeStruct((N, D_H2), jnp.float32),
            jax.ShapeDtypeStruct((N, D_H2), jnp.float32),
        ],
    )(s1p, s1p, degt, z1, W2l, W2r, b2)


def _post_body(s2a_ref, s2b_ref, degt_ref, z2_ref, wc_ref, bc_ref, out_ref):
    mean2 = (s2a_ref[...] + s2b_ref[...]) * _rdeg(degt_ref)
    h2 = jnp.maximum(mean2 + z2_ref[...], 0.0)
    logits = (jnp.dot(h2, wc_ref[...], preferred_element_type=jnp.float32)
              + bc_ref[...])
    l0 = logits[:, 0:1]
    l1 = logits[:, 1:2]
    m = jnp.maximum(l0, l1)
    lse = m + jnp.log(jnp.exp(l0 - m) + jnp.exp(l1 - m))
    out_ref[...] = jnp.concatenate([l0 - lse, l1 - lse], axis=1)


def _post(s2p, degt, z2, Wc, bc):
    return pl.pallas_call(
        _post_body,
        grid=(N // BLK,),
        in_specs=[
            pl.BlockSpec((BLK, D_H2), lambda i: (i, 0)),
            pl.BlockSpec((BLK, D_H2), lambda i: (i + N // BLK, 0)),
            pl.BlockSpec((BLK, NW), lambda i: (i, 0)),
            pl.BlockSpec((BLK, D_H2), lambda i: (i, 0)),
            pl.BlockSpec((D_H2, 128), lambda i: (0, 0)),
            pl.BlockSpec((1, 128), lambda i: (0, 0)),
        ],
        out_specs=pl.BlockSpec((BLK, 2), lambda i: (i, 0)),
        out_shape=jax.ShapeDtypeStruct((N, 2), jnp.float32),
    )(s2p, s2p, degt, z2, Wc, bc)


def kernel(x, edge_index, W1l, W1r, b1, W2l, W2r, b2, Wc, bc):
    src = edge_index[0].astype(jnp.int32)
    dst = edge_index[1].astype(jnp.int32)
    pad = EPAD - E
    pad_src = jnp.arange(pad, dtype=jnp.int32) % 128
    pad_dst = SINK + jnp.arange(pad, dtype=jnp.int32) % (NPAD - SINK)
    srcs = jnp.concatenate([src, pad_src]).reshape(NW * NCHUNK, CW)
    dsts = jnp.concatenate([dst, pad_dst]).reshape(NW * NCHUNK, CW)

    wc_pad = jnp.zeros((D_H2, 128), jnp.float32).at[:, :2].set(Wc)
    bc_pad = jnp.zeros((1, 128), jnp.float32).at[0, :2].set(bc)

    y1, z1 = _pre(x, W1l, W1r, b1.reshape(1, -1))
    s1p, deg_flat = _spmm_deg(y1, srcs, dsts)
    degt = deg_flat.reshape(NW, NPAD).T
    y2, z2 = _mid(s1p, degt, z1, W2l, W2r, b2.reshape(1, -1))
    (s2p,) = _spmm(y2, srcs, dsts)
    return _post(s2p, degt, z2, wc_pad, bc_pad)

# --- scband reference (transcript-rebuilt; emitter-appended) ---
"""Pipeline reference for scband-graph-sage-36979668418994 (READ-ONLY COPY).

The authoritative reference and input builder live on the scoring server;
editing this copy changes nothing except your own understanding.
"""

import jax, jax.numpy as jnp
import numpy as np

N_NODES = 10000
D_IN = 128
D_H1 = 128
D_H2 = 64
N_CLASSES = 2
N_EDGES = 320000


def setup_inputs(seed: int = 0) -> dict:
    key = jax.random.key(seed)
    ks = jax.random.split(key, 12)
    x = jax.random.normal(ks[0], (N_NODES, D_IN), dtype=jnp.float32)
    edge_index = jax.random.randint(ks[1], (2, N_EDGES), 0, N_NODES, dtype=jnp.int64)
    def glorot(k, shape):
        fan_in, fan_out = shape
        lim = np.sqrt(6.0 / (fan_in + fan_out))
        return jax.random.uniform(k, shape, dtype=jnp.float32, minval=-lim, maxval=lim)
    W1l = glorot(ks[2], (D_IN, D_H1))
    W1r = glorot(ks[3], (D_IN, D_H1))
    b1 = jnp.zeros((D_H1,), dtype=jnp.float32)
    W2l = glorot(ks[4], (D_H1, D_H2))
    W2r = glorot(ks[5], (D_H1, D_H2))
    b2 = jnp.zeros((D_H2,), dtype=jnp.float32)
    Wc = glorot(ks[6], (D_H2, N_CLASSES))
    bc = jnp.zeros((N_CLASSES,), dtype=jnp.float32)
    return {"x": x, "edge_index": edge_index, "W1l": W1l, "W1r": W1r, "b1": b1,
            "W2l": W2l, "W2r": W2r, "b2": b2, "Wc": Wc, "bc": bc}


def _sage_conv(x, src, dst, Wl, Wr, b, num_nodes):
    # PyG SAGEConv with mean aggregation: out = lin_l(mean_{j in N(i)} x_j) + lin_r(x_i) + b
    msgs = jnp.take(x, src, axis=0)                                  # gather  [E, d]
    agg = jax.ops.segment_sum(msgs, dst, num_segments=num_nodes)      # scatter-add [N, d]
    deg = jax.ops.segment_sum(jnp.ones((src.shape[0],), dtype=x.dtype), dst, num_segments=num_nodes)
    mean = agg / jnp.maximum(deg, 1.0)[:, None]
    return mean @ Wl + x @ Wr + b


def reference(x, edge_index, W1l, W1r, b1, W2l, W2r, b2, Wc, bc):
    src = edge_index[0]
    dst = edge_index[1]
    n = x.shape[0]
    # eval mode: dropout is identity
    h = jax.nn.relu(_sage_conv(x, src, dst, W1l, W1r, b1, n))
    h = jax.nn.relu(_sage_conv(h, src, dst, W2l, W2r, b2, n))
    logits = h @ Wc + bc
    return jax.nn.log_softmax(logits, axis=1)

if __name__ == "__main__":
    import jax
    _d = setup_inputs()
    print(jax.jit(kernel)(*tuple(_d.values())))

</pallas_src>

<mosaic_0001>
#map = affine_map<(d0, d1) -> (0, 0)>
#map1 = affine_map<(d0, d1) -> (0)>
module attributes {stable_mosaic.version = 14 : i64} {
  func.func @body(%arg0: i32, %arg1: i32, %arg2: memref<10000x128xf32, #tpu.memory_space<hbm>>, %arg3: memref<2560x128xi32, #tpu.memory_space<hbm>>, %arg4: memref<2560x128xi32, #tpu.memory_space<hbm>>, %arg5: memref<20000x128xf32, #tpu.memory_space<hbm>>, %arg6: memref<320512xf32, #tpu.memory_space<hbm>>, %arg7: memref<8x128xi32, #tpu.memory_space<vmem>>, %arg8: memref<8x128xi32, #tpu.memory_space<vmem>>, %arg9: memref<128x128xf32, #tpu.memory_space<vmem>>, %arg10: memref<128x128xf32, #tpu.memory_space<vmem>>, %arg11: memref<10016x128xf32, #tpu.memory_space<vmem_shared>>, %arg12: memref<!tpu.dma_semaphore, #tpu.memory_space<semaphore_mem>>, %arg13: memref<!tpu.dma_semaphore, #tpu.memory_space<semaphore_mem>>, %arg14: memref<!tpu.dma_semaphore, #tpu.memory_space<semaphore_mem>>, %arg15: memref<!tpu.dma_semaphore, #tpu.memory_space<semaphore_mem>>, %arg16: memref<10016xf32, #tpu.memory_space<vmem>>) attributes {dimension_semantics = [#tpu.dimension_semantics<core_parallel>, #tpu.dimension_semantics<subcore_parallel>], iteration_bounds = array<i64: 2, 16>, scalar_prefetch = 0 : i64, scratch_operands = 10 : i64, tpu.core_type = #tpu.core_type<sc_vector_subcore>, window_params = [{transform_indices = #map}, {transform_indices = #map}, {transform_indices = #map}, {transform_indices = #map}, {transform_indices = #map1}]} {
    %mul3A = arith.constant 16 : i32
    %mul3A_0 = arith.muli %arg0, %mul3A : i32
    %add3A = arith.addi %mul3A_0, %arg1 : i32
    %broadcast_in_dim3A = arith.constant 1.000000e+00 : f32
    %broadcast_in_dim3A_1 = vector.broadcast %broadcast_in_dim3A : f32 to vector<16xf32>
    %broadcast_in_dim3A_2 = arith.constant 0.000000e+00 : f32
    %broadcast_in_dim3A_3 = vector.broadcast %broadcast_in_dim3A_2 : f32 to vector<16xf32>
    %scan3A = arith.constant 0 : i32
    %scan3A_4 = arith.constant 0 : i32
    %scan3A_5 = arith.constant 128 : i32
    %scan3A_6 = arith.addi %scan3A_4, %scan3A_5 : i32
    %scan3A_7 = arith.constant 1 : i32
    %scan3A_8 = scf.for %scan3A_78 = %scan3A_4 to %scan3A_6 step %scan3A_7 iter_args(%scan3A_79 = %scan3A) -> (i32)  : i32 {
      %swap3A = arith.index_cast %scan3A_78 : i32 to index
      %swap3A_80 = arith.constant 0 : index
      %swap3A_81 = tpu.vector_load %arg9[%swap3A, %swap3A_80] {strides = array<i32>} : memref<128x128xf32, #tpu.memory_space<vmem>>, vector<16xf32>,
      tpu.vector_store %arg9[%swap3A, %swap3A_80], %broadcast_in_dim3A_3 {strides = array<i32>} : memref<128x128xf32, #tpu.memory_space<vmem>>, vector<16xf32>,
      %swap3A_82 = arith.index_cast %scan3A_78 : i32 to index
      %swap3A_83 = arith.constant 16 : index
      %swap3A_84 = tpu.vector_load %arg9[%swap3A_82, %swap3A_83] {strides = array<i32>} : memref<128x128xf32, #tpu.memory_space<vmem>>, vector<16xf32>,
      tpu.vector_store %arg9[%swap3A_82, %swap3A_83], %broadcast_in_dim3A_3 {strides = array<i32>} : memref<128x128xf32, #tpu.memory_space<vmem>>, vector<16xf32>,
      %swap3A_85 = arith.index_cast %scan3A_78 : i32 to index
      %swap3A_86 = arith.constant 32 : index
      %swap3A_87 = tpu.vector_load %arg9[%swap3A_85, %swap3A_86] {strides = array<i32>} : memref<128x128xf32, #tpu.memory_space<vmem>>, vector<16xf32>,
      tpu.vector_store %arg9[%swap3A_85, %swap3A_86], %broadcast_in_dim3A_3 {strides = array<i32>} : memref<128x128xf32, #tpu.memory_space<vmem>>, vector<16xf32>,
      %swap3A_88 = arith.index_cast %scan3A_78 : i32 to index
      %swap3A_89 = arith.constant 48 : index
      %swap3A_90 = tpu.vector_load %arg9[%swap3A_88, %swap3A_89] {strides = array<i32>} : memref<128x128xf32, #tpu.memory_space<vmem>>, vector<16xf32>,
      tpu.vector_store %arg9[%swap3A_88, %swap3A_89], %broadcast_in_dim3A_3 {strides = array<i32>} : memref<128x128xf32, #tpu.memory_space<vmem>>, vector<16xf32>,
      %swap3A_91 = arith.index_cast %scan3A_78 : i32 to index
      %swap3A_92 = arith.constant 64 : index
      %swap3A_93 = tpu.vector_load %arg9[%swap3A_91, %swap3A_92] {strides = array<i32>} : memref<128x128xf32, #tpu.memory_space<vmem>>, vector<16xf32>,
      tpu.vector_store %arg9[%swap3A_91, %swap3A_92], %broadcast_in_dim3A_3 {strides = array<i32>} : memref<128x128xf32, #tpu.memory_space<vmem>>, vector<16xf32>,
      %swap3A_94 = arith.index_cast %scan3A_78 : i32 to index
      %swap3A_95 = arith.constant 80 : index
      %swap3A_96 = tpu.vector_load %arg9[%swap3A_94, %swap3A_95] {strides = array<i32>} : memref<128x128xf32, #tpu.memory_space<vmem>>, vector<16xf32>,
      tpu.vector_store %arg9[%swap3A_94, %swap3A_95], %broadcast_in_dim3A_3 {strides = array<i32>} : memref<128x128xf32, #tpu.memory_space<vmem>>, vector<16xf32>,
      %swap3A_97 = arith.index_cast %scan3A_78 : i32 to index
      %swap3A_98 = arith.constant 96 : index
      %swap3A_99 = tpu.vector_load %arg9[%swap3A_97, %swap3A_98] {strides = array<i32>} : memref<128x128xf32, #tpu.memory_space<vmem>>, vector<16xf32>,
      tpu.vector_store %arg9[%swap3A_97, %swap3A_98], %broadcast_in_dim3A_3 {strides = array<i32>} : memref<128x128xf32, #tpu.memory_space<vmem>>, vector<16xf32>,
      %swap3A_100 = arith.index_cast %scan3A_78 : i32 to index
      %swap3A_101 = arith.constant 112 : index
      %swap3A_102 = tpu.vector_load %arg9[%swap3A_100, %swap3A_101] {strides = array<i32>} : memref<128x128xf32, #tpu.memory_space<vmem>>, vector<16xf32>,
      tpu.vector_store %arg9[%swap3A_100, %swap3A_101], %broadcast_in_dim3A_3 {strides = array<i32>} : memref<128x128xf32, #tpu.memory_space<vmem>>, vector<16xf32>,
      %scan3A_103 = arith.constant 0 : i32
      scf.yield %scan3A_103 : i32
    }
    %scan3A_9 = arith.constant 128 : i32
    %mul3A_10 = arith.constant 626 : i32
    %mul3A_11 = arith.muli %arg1, %mul3A_10 : i32
    %add3A_12 = arith.constant 0 : i32
    %add3A_13 = arith.addi %mul3A_11, %add3A_12 : i32
    "tpu.region"() ({
      %run_scoped3A = tpu.sem_alloc : memref<!tpu.dma_semaphore, #tpu.memory_space<semaphore_mem>>
      %dma_start3A = arith.constant 0 : i32
      %dma_start3A_78 = arith.constant 0 : i32
      %dma_start3A_79 = tpu.memref_slice %arg9[%dma_start3A, %dma_start3A_78] : memref<128x128xf32, #tpu.memory_space<vmem>> -> memref<128x128xf32, #tpu.memory_space<vmem>>
      %dma_start3A_80 = arith.constant 0 : i32
      %dma_start3A_81 = tpu.memref_slice %arg11[%add3A_13, %dma_start3A_80] : memref<10016x128xf32, #tpu.memory_space<vmem_shared>> -> memref<128x128xf32, #tpu.memory_space<vmem_shared>>
      %dma_start3A_82 = arith.constant 0 : i32
      %dma_start3A_83 = tpu.memref_slice %arg11[%add3A_13, %dma_start3A_82] : memref<10016x128xf32, #tpu.memory_space<vmem_shared>> -> memref<128x128xf32, #tpu.memory_space<vmem_shared>>
      %dma_start3A_84 = arith.constant 0 : i32
      %dma_start3A_85 = arith.constant 0 : i32
      %dma_start3A_86 = tpu.memref_slice %arg9[%dma_start3A_84, %dma_start3A_85] : memref<128x128xf32, #tpu.memory_space<vmem>> -> memref<128x128xf32, #tpu.memory_space<vmem>>
      tpu.enqueue_dma source(%dma_start3A_86 : memref<128x128xf32, #tpu.memory_space<vmem>>) target(%dma_start3A_83 : memref<128x128xf32, #tpu.memory_space<vmem_shared>>) target_semaphore(%run_scoped3A : memref<!tpu.dma_semaphore, #tpu.memory_space<semaphore_mem>>)
      %dma_wait3A = arith.constant 0 : i32
      %dma_wait3A_87 = arith.constant 0 : i32
      %dma_wait3A_88 = tpu.memref_slice %arg9[%dma_wait3A, %dma_wait3A_87] : memref<128x128xf32, #tpu.memory_space<vmem>> -> memref<128x128xf32, #tpu.memory_space<vmem>>
      %dma_wait3A_89 = arith.constant 0 : i32
      %dma_wait3A_90 = tpu.memref_slice %arg11[%add3A_13, %dma_wait3A_89] : memref<10016x128xf32, #tpu.memory_space<vmem_shared>> -> memref<128x128xf32, #tpu.memory_space<vmem_shared>>
      %dma_wait3A_91 = arith.constant 0 : i32
      %dma_wait3A_92 = tpu.memref_slice %arg11[%add3A_13, %dma_wait3A_91] : memref<10016x128xf32, #tpu.memory_space<vmem_shared>> -> memref<128x128xf32, #tpu.memory_space<vmem_shared>>
      %dma_wait3A_93 = arith.constant 0 : i32
      %dma_wait3A_94 = arith.constant 0 : i32
      %dma_wait3A_95 = tpu.memref_slice %arg9[%dma_wait3A_93, %dma_wait3A_94] : memref<128x128xf32, #tpu.memory_space<vmem>> -> memref<128x128xf32, #tpu.memory_space<vmem>>
      tpu.wait_dma2 semaphore(%run_scoped3A : memref<!tpu.dma_semaphore, #tpu.memory_space<semaphore_mem>>) src(%dma_wait3A_95 : memref<128x128xf32, #tpu.memory_space<vmem>>) dst(%dma_wait3A_92 : memref<128x128xf32, #tpu.memory_space<vmem_shared>>)
      tpu.yield
    }) : () -> ()
    %add3A_14 = arith.constant 128 : i32
    %add3A_15 = arith.addi %mul3A_11, %add3A_14 : i32
    "tpu.region"() ({
      %run_scoped3A = tpu.sem_alloc : memref<!tpu.dma_semaphore, #tpu.memory_space<semaphore_mem>>
      %dma_start3A = arith.constant 0 : i32
      %dma_start3A_78 = arith.constant 0 : i32
      %dma_start3A_79 = tpu.memref_slice %arg9[%dma_start3A, %dma_start3A_78] : memref<128x128xf32, #tpu.memory_space<vmem>> -> memref<128x128xf32, #tpu.memory_space<vmem>>
      %dma_start3A_80 = arith.constant 0 : i32
      %dma_start3A_81 = tpu.memref_slice %arg11[%add3A_15, %dma_start3A_80] : memref<10016x128xf32, #tpu.memory_space<vmem_shared>> -> memref<128x128xf32, #tpu.memory_space<vmem_shared>>
      %dma_start3A_82 = arith.constant 0 : i32
      %dma_start3A_83 = tpu.memref_slice %arg11[%add3A_15, %dma_start3A_82] : memref<10016x128xf32, #tpu.memory_space<vmem_shared>> -> memref<128x128xf32, #tpu.memory_space<vmem_shared>>
      %dma_start3A_84 = arith.constant 0 : i32
      %dma_start3A_85 = arith.constant 0 : i32
      %dma_start3A_86 = tpu.memref_slice %arg9[%dma_start3A_84, %dma_start3A_85] : memref<128x128xf32, #tpu.memory_space<vmem>> -> memref<128x128xf32, #tpu.memory_space<vmem>>
      tpu.enqueue_dma source(%dma_start3A_86 : memref<128x128xf32, #tpu.memory_space<vmem>>) target(%dma_start3A_83 : memref<128x128xf32, #tpu.memory_space<vmem_shared>>) target_semaphore(%run_scoped3A : memref<!tpu.dma_semaphore, #tpu.memory_space<semaphore_mem>>)
      %dma_wait3A = arith.constant 0 : i32
      %dma_wait3A_87 = arith.constant 0 : i32
      %dma_wait3A_88 = tpu.memref_slice %arg9[%dma_wait3A, %dma_wait3A_87] : memref<128x128xf32, #tpu.memory_space<vmem>> -> memref<128x128xf32, #tpu.memory_space<vmem>>
      %dma_wait3A_89 = arith.constant 0 : i32
      %dma_wait3A_90 = tpu.memref_slice %arg11[%add3A_15, %dma_wait3A_89] : memref<10016x128xf32, #tpu.memory_space<vmem_shared>> -> memref<128x128xf32, #tpu.memory_space<vmem_shared>>
      %dma_wait3A_91 = arith.constant 0 : i32
      %dma_wait3A_92 = tpu.memref_slice %arg11[%add3A_15, %dma_wait3A_91] : memref<10016x128xf32, #tpu.memory_space<vmem_shared>> -> memref<128x128xf32, #tpu.memory_space<vmem_shared>>
      %dma_wait3A_93 = arith.constant 0 : i32
      %dma_wait3A_94 = arith.constant 0 : i32
      %dma_wait3A_95 = tpu.memref_slice %arg9[%dma_wait3A_93, %dma_wait3A_94] : memref<128x128xf32, #tpu.memory_space<vmem>> -> memref<128x128xf32, #tpu.memory_space<vmem>>
      tpu.wait_dma2 semaphore(%run_scoped3A : memref<!tpu.dma_semaphore, #tpu.memory_space<semaphore_mem>>) src(%dma_wait3A_95 : memref<128x128xf32, #tpu.memory_space<vmem>>) dst(%dma_wait3A_92 : memref<128x128xf32, #tpu.memory_space<vmem_shared>>)
      tpu.yield
    }) : () -> ()
    %add3A_16 = arith.constant 256 : i32
    %add3A_17 = arith.addi %mul3A_11, %add3A_16 : i32
    "tpu.region"() ({
      %run_scoped3A = tpu.sem_alloc : memref<!tpu.dma_semaphore, #tpu.memory_space<semaphore_mem>>
      %dma_start3A = arith.constant 0 : i32
      %dma_start3A_78 = arith.constant 0 : i32
      %dma_start3A_79 = tpu.memref_slice %arg9[%dma_start3A, %dma_start3A_78] : memref<128x128xf32, #tpu.memory_space<vmem>> -> memref<128x128xf32, #tpu.memory_space<vmem>>
      %dma_start3A_80 = arith.constant 0 : i32
      %dma_start3A_81 = tpu.memref_slice %arg11[%add3A_17, %dma_start3A_80] : memref<10016x128xf32, #tpu.memory_space<vmem_shared>> -> memref<128x128xf32, #tpu.memory_space<vmem_shared>>
      %dma_start3A_82 = arith.constant 0 : i32
      %dma_start3A_83 = tpu.memref_slice %arg11[%add3A_17, %dma_start3A_82] : memref<10016x128xf32, #tpu.memory_space<vmem_shared>> -> memref<128x128xf32, #tpu.memory_space<vmem_shared>>
      %dma_start3A_84 = arith.constant 0 : i32
      %dma_start3A_85 = arith.constant 0 : i32
      %dma_start3A_86 = tpu.memref_slice %arg9[%dma_start3A_84, %dma_start3A_85] : memref<128x128xf32, #tpu.memory_space<vmem>> -> memref<128x128xf32, #tpu.memory_space<vmem>>
      tpu.enqueue_dma source(%dma_start3A_86 : memref<128x128xf32, #tpu.memory_space<vmem>>) target(%dma_start3A_83 : memref<128x128xf32, #tpu.memory_space<vmem_shared>>) target_semaphore(%run_scoped3A : memref<!tpu.dma_semaphore, #tpu.memory_space<semaphore_mem>>)
      %dma_wait3A = arith.constant 0 : i32
      %dma_wait3A_87 = arith.constant 0 : i32
      %dma_wait3A_88 = tpu.memref_slice %arg9[%dma_wait3A, %dma_wait3A_87] : memref<128x128xf32, #tpu.memory_space<vmem>> -> memref<128x128xf32, #tpu.memory_space<vmem>>
      %dma_wait3A_89 = arith.constant 0 : i32
      %dma_wait3A_90 = tpu.memref_slice %arg11[%add3A_17, %dma_wait3A_89] : memref<10016x128xf32, #tpu.memory_space<vmem_shared>> -> memref<128x128xf32, #tpu.memory_space<vmem_shared>>
      %dma_wait3A_91 = arith.constant 0 : i32
      %dma_wait3A_92 = tpu.memref_slice %arg11[%add3A_17, %dma_wait3A_91] : memref<10016x128xf32, #tpu.memory_space<vmem_shared>> -> memref<128x128xf32, #tpu.memory_space<vmem_shared>>
      %dma_wait3A_93 = arith.constant 0 : i32
      %dma_wait3A_94 = arith.constant 0 : i32
      %dma_wait3A_95 = tpu.memref_slice %arg9[%dma_wait3A_93, %dma_wait3A_94] : memref<128x128xf32, #tpu.memory_space<vmem>> -> memref<128x128xf32, #tpu.memory_space<vmem>>
      tpu.wait_dma2 semaphore(%run_scoped3A : memref<!tpu.dma_semaphore, #tpu.memory_space<semaphore_mem>>) src(%dma_wait3A_95 : memref<128x128xf32, #tpu.memory_space<vmem>>) dst(%dma_wait3A_92 : memref<128x128xf32, #tpu.memory_space<vmem_shared>>)
      tpu.yield
    }) : () -> ()
    %add3A_18 = arith.constant 384 : i32
    %add3A_19 = arith.addi %mul3A_11, %add3A_18 : i32
    "tpu.region"() ({
      %run_scoped3A = tpu.sem_alloc : memref<!tpu.dma_semaphore, #tpu.memory_space<semaphore_mem>>
      %dma_start3A = arith.constant 0 : i32
      %dma_start3A_78 = arith.constant 0 : i32
      %dma_start3A_79 = tpu.memref_slice %arg9[%dma_start3A, %dma_start3A_78] : memref<128x128xf32, #tpu.memory_space<vmem>> -> memref<128x128xf32, #tpu.memory_space<vmem>>
      %dma_start3A_80 = arith.constant 0 : i32
      %dma_start3A_81 = tpu.memref_slice %arg11[%add3A_19, %dma_start3A_80] : memref<10016x128xf32, #tpu.memory_space<vmem_shared>> -> memref<128x128xf32, #tpu.memory_space<vmem_shared>>
      %dma_start3A_82 = arith.constant 0 : i32
      %dma_start3A_83 = tpu.memref_slice %arg11[%add3A_19, %dma_start3A_82] : memref<10016x128xf32, #tpu.memory_space<vmem_shared>> -> memref<128x128xf32, #tpu.memory_space<vmem_shared>>
      %dma_start3A_84 = arith.constant 0 : i32
      %dma_start3A_85 = arith.constant 0 : i32
      %dma_start3A_86 = tpu.memref_slice %arg9[%dma_start3A_84, %dma_start3A_85] : memref<128x128xf32, #tpu.memory_space<vmem>> -> memref<128x128xf32, #tpu.memory_space<vmem>>
      tpu.enqueue_dma source(%dma_start3A_86 : memref<128x128xf32, #tpu.memory_space<vmem>>) target(%dma_start3A_83 : memref<128x128xf32, #tpu.memory_space<vmem_shared>>) target_semaphore(%run_scoped3A : memref<!tpu.dma_semaphore, #tpu.memory_space<semaphore_mem>>)
      %dma_wait3A = arith.constant 0 : i32
      %dma_wait3A_87 = arith.constant 0 : i32
      %dma_wait3A_88 = tpu.memref_slice %arg9[%dma_wait3A, %dma_wait3A_87] : memref<128x128xf32, #tpu.memory_space<vmem>> -> memref<128x128xf32, #tpu.memory_space<vmem>>
      %dma_wait3A_89 = arith.constant 0 : i32
      %dma_wait3A_90 = tpu.memref_slice %arg11[%add3A_19, %dma_wait3A_89] : memref<10016x128xf32, #tpu.memory_space<vmem_shared>> -> memref<128x128xf32, #tpu.memory_space<vmem_shared>>
      %dma_wait3A_91 = arith.constant 0 : i32
      %dma_wait3A_92 = tpu.memref_slice %arg11[%add3A_19, %dma_wait3A_91] : memref<10016x128xf32, #tpu.memory_space<vmem_shared>> -> memref<128x128xf32, #tpu.memory_space<vmem_shared>>
      %dma_wait3A_93 = arith.constant 0 : i32
      %dma_wait3A_94 = arith.constant 0 : i32
      %dma_wait3A_95 = tpu.memref_slice %arg9[%dma_wait3A_93, %dma_wait3A_94] : memref<128x128xf32, #tpu.memory_space<vmem>> -> memref<128x128xf32, #tpu.memory_space<vmem>>
      tpu.wait_dma2 semaphore(%run_scoped3A : memref<!tpu.dma_semaphore, #tpu.memory_space<semaphore_mem>>) src(%dma_wait3A_95 : memref<128x128xf32, #tpu.memory_space<vmem>>) dst(%dma_wait3A_92 : memref<128x128xf32, #tpu.memory_space<vmem_shared>>)
      tpu.yield
    }) : () -> ()
    %add3A_20 = arith.constant 512 : i32
    %add3A_21 = arith.addi %mul3A_11, %add3A_20 : i32
    "tpu.region"() ({
      %run_scoped3A = tpu.sem_alloc : memref<!tpu.dma_semaphore, #tpu.memory_space<semaphore_mem>>
      %dma_start3A = arith.constant 0 : i32
      %dma_start3A_78 = arith.constant 0 : i32
      %dma_start3A_79 = tpu.memref_slice %arg9[%dma_start3A, %dma_start3A_78] : memref<128x128xf32, #tpu.memory_space<vmem>> -> memref<114x128xf32, #tpu.memory_space<vmem>>
      %dma_start3A_80 = arith.constant 0 : i32
      %dma_start3A_81 = tpu.memref_slice %arg11[%add3A_21, %dma_start3A_80] : memref<10016x128xf32, #tpu.memory_space<vmem_shared>> -> memref<114x128xf32, #tpu.memory_space<vmem_shared>>
      %dma_start3A_82 = arith.constant 0 : i32
      %dma_start3A_83 = tpu.memref_slice %arg11[%add3A_21, %dma_start3A_82] : memref<10016x128xf32, #tpu.memory_space<vmem_shared>> -> memref<114x128xf32, #tpu.memory_space<vmem_shared>>
      %dma_start3A_84 = arith.constant 0 : i32
      %dma_start3A_85 = arith.constant 0 : i32
      %dma_start3A_86 = tpu.memref_slice %arg9[%dma_start3A_84, %dma_start3A_85] : memref<128x128xf32, #tpu.memory_space<vmem>> -> memref<114x128xf32, #tpu.memory_space<vmem>>
      tpu.enqueue_dma source(%dma_start3A_86 : memref<114x128xf32, #tpu.memory_space<vmem>>) target(%dma_start3A_83 : memref<114x128xf32, #tpu.memory_space<vmem_shared>>) target_semaphore(%run_scoped3A : memref<!tpu.dma_semaphore, #tpu.memory_space<semaphore_mem>>)
      %dma_wait3A = arith.constant 0 : i32
      %dma_wait3A_87 = arith.constant 0 : i32
      %dma_wait3A_88 = tpu.memref_slice %arg9[%dma_wait3A, %dma_wait3A_87] : memref<128x128xf32, #tpu.memory_space<vmem>> -> memref<114x128xf32, #tpu.memory_space<vmem>>
      %dma_wait3A_89 = arith.constant 0 : i32
      %dma_wait3A_90 = tpu.memref_slice %arg11[%add3A_21, %dma_wait3A_89] : memref<10016x128xf32, #tpu.memory_space<vmem_shared>> -> memref<114x128xf32, #tpu.memory_space<vmem_shared>>
      %dma_wait3A_91 = arith.constant 0 : i32
      %dma_wait3A_92 = tpu.memref_slice %arg11[%add3A_21, %dma_wait3A_91] : memref<10016x128xf32, #tpu.memory_space<vmem_shared>> -> memref<114x128xf32, #tpu.memory_space<vmem_shared>>
      %dma_wait3A_93 = arith.constant 0 : i32
      %dma_wait3A_94 = arith.constant 0 : i32
      %dma_wait3A_95 = tpu.memref_slice %arg9[%dma_wait3A_93, %dma_wait3A_94] : memref<128x128xf32, #tpu.memory_space<vmem>> -> memref<114x128xf32, #tpu.memory_space<vmem>>
      tpu.wait_dma2 semaphore(%run_scoped3A : memref<!tpu.dma_semaphore, #tpu.memory_space<semaphore_mem>>) src(%dma_wait3A_95 : memref<114x128xf32, #tpu.memory_space<vmem>>) dst(%dma_wait3A_92 : memref<114x128xf32, #tpu.memory_space<vmem_shared>>)
      tpu.yield
    }) : () -> ()
    %broadcast_in_dim3A_22 = arith.constant 0.000000e+00 : f32
    %broadcast_in_dim3A_23 = vector.broadcast %broadcast_in_dim3A_22 : f32 to vector<16xf32>
    %scan3A_24 = arith.constant 0 : i32
    %scan3A_25 = arith.constant 0 : i32
    %scan3A_26 = arith.constant 626 : i32
    %scan3A_27 = arith.addi %scan3A_25, %scan3A_26 : i32
    %scan3A_28 = arith.constant 1 : i32
    %scan3A_29 = scf.for %scan3A_78 = %scan3A_25 to %scan3A_27 step %scan3A_28 iter_args(%scan3A_79 = %scan3A_24) -> (i32)  : i32 {
      %mul3A_80 = arith.constant 16 : i32
      %mul3A_81 = arith.muli %scan3A_78, %mul3A_80 : i32
      %swap3A = arith.index_cast %mul3A_81 : i32 to index
      %swap3A_82 = tpu.vector_load %arg16[%swap3A] {strides = array<i32>} : memref<10016xf32, #tpu.memory_space<vmem>>, vector<16xf32>,
      tpu.vector_store %arg16[%swap3A], %broadcast_in_dim3A_23 {strides = array<i32>} : memref<10016xf32, #tpu.memory_space<vmem>>, vector<16xf32>,
      %scan3A_83 = arith.constant 0 : i32
      scf.yield %scan3A_83 : i32
    }
    %scan3A_30 = arith.constant 626 : i32
    %barrier3A = arith.constant 0 : index
    tpu.barrier barrier_id(%barrier3A)
    %scan3A_31 = arith.constant 0 : i32
    %scan3A_32 = arith.constant 0 : i32
    %scan3A_33 = arith.constant 10 : i32
    %scan3A_34 = arith.addi %scan3A_32, %scan3A_33 : i32
    %scan3A_35 = arith.constant 1 : i32
    %scan3A_36 = scf.for %scan3A_78 = %scan3A_32 to %scan3A_34 step %scan3A_35 iter_args(%scan3A_79 = %scan3A_31) -> (i32)  : i32 {
      %mul3A_80 = arith.constant 80 : i32
      %mul3A_81 = arith.muli %add3A, %mul3A_80 : i32
      %mul3A_82 = arith.constant 8 : i32
      %mul3A_83 = arith.muli %scan3A_78, %mul3A_82 : i32
      %add3A_84 = arith.addi %mul3A_81, %mul3A_83 : i32
      "tpu.region"() ({
        %run_scoped3A = tpu.sem_alloc : memref<!tpu.dma_semaphore, #tpu.memory_space<semaphore_mem>>
        %dma_start3A_563 = arith.constant 0 : i32
        %dma_start3A_564 = tpu.memref_slice %arg3[%add3A_84, %dma_start3A_563] : memref<2560x128xi32, #tpu.memory_space<hbm>> -> memref<8x128xi32, #tpu.memory_space<hbm>>
        %dma_start3A_565 = arith.constant 0 : i32
        %dma_start3A_566 = tpu.memref_slice %arg3[%add3A_84, %dma_start3A_565] : memref<2560x128xi32, #tpu.memory_space<hbm>> -> memref<8x128xi32, #tpu.memory_space<hbm>>
        tpu.enqueue_dma source(%dma_start3A_566 : memref<8x128xi32, #tpu.memory_space<hbm>>) target(%arg7 : memref<8x128xi32, #tpu.memory_space<vmem>>) target_semaphore(%run_scoped3A : memref<!tpu.dma_semaphore, #tpu.memory_space<semaphore_mem>>)
        %dma_wait3A_567 = arith.constant 0 : i32
        %dma_wait3A_568 = tpu.memref_slice %arg3[%add3A_84, %dma_wait3A_567] : memref<2560x128xi32, #tpu.memory_space<hbm>> -> memref<8x128xi32, #tpu.memory_space<hbm>>
        %dma_wait3A_569 = arith.constant 0 : i32
        %dma_wait3A_570 = tpu.memref_slice %arg3[%add3A_84, %dma_wait3A_569] : memref<2560x128xi32, #tpu.memory_space<hbm>> -> memref<8x128xi32, #tpu.memory_space<hbm>>
        tpu.wait_dma2 semaphore(%run_scoped3A : memref<!tpu.dma_semaphore, #tpu.memory_space<semaphore_mem>>) src(%dma_wait3A_570 : memref<8x128xi32, #tpu.memory_space<hbm>>) dst(%arg7 : memref<8x128xi32, #tpu.memory_space<vmem>>)
        tpu.yield
      }) : () -> ()
      "tpu.region"() ({
        %run_scoped3A = tpu.sem_alloc : memref<!tpu.dma_semaphore, #tpu.memory_space<semaphore_mem>>
        %dma_start3A_563 = arith.constant 0 : i32
        %dma_start3A_564 = tpu.memref_slice %arg4[%add3A_84, %dma_start3A_563] : memref<2560x128xi32, #tpu.memory_space<hbm>> -> memref<8x128xi32, #tpu.memory_space<hbm>>
        %dma_start3A_565 = arith.constant 0 : i32
        %dma_start3A_566 = tpu.memref_slice %arg4[%add3A_84, %dma_start3A_565] : memref<2560x128xi32, #tpu.memory_space<hbm>> -> memref<8x128xi32, #tpu.memory_space<hbm>>
        tpu.enqueue_dma source(%dma_start3A_566 : memref<8x128xi32, #tpu.memory_space<hbm>>) target(%arg8 : memref<8x128xi32, #tpu.memory_space<vmem>>) target_semaphore(%run_scoped3A : memref<!tpu.dma_semaphore, #tpu.memory_space<semaphore_mem>>)
        %dma_wait3A_567 = arith.constant 0 : i32
        %dma_wait3A_568 = tpu.memref_slice %arg4[%add3A_84, %dma_wait3A_567] : memref<2560x128xi32, #tpu.memory_space<hbm>> -> memref<8x128xi32, #tpu.memory_space<hbm>>
        %dma_wait3A_569 = arith.constant 0 : i32
        %dma_wait3A_570 = tpu.memref_slice %arg4[%add3A_84, %dma_wait3A_569] : memref<2560x128xi32, #tpu.memory_space<hbm>> -> memref<8x128xi32, #tpu.memory_space<hbm>>
        tpu.wait_dma2 semaphore(%run_scoped3A : memref<!tpu.dma_semaphore, #tpu.memory_space<semaphore_mem>>) src(%dma_wait3A_570 : memref<8x128xi32, #tpu.memory_space<hbm>>) dst(%arg8 : memref<8x128xi32, #tpu.memory_space<vmem>>)
        tpu.yield
      }) : () -> ()
      %dma_start3A = arith.constant 0 : i32
      %dma_start3A_85 = arith.constant 0 : i32
      %dma_start3A_86 = tpu.memref_slice %arg7[%dma_start3A, %dma_start3A_85] : memref<8x128xi32, #tpu.memory_space<vmem>> -> memref<1x128xi32, #tpu.memory_space<vmem>>
      %dma_start3A_87 = tpu.memref_squeeze %dma_start3A_86 : memref<1x128xi32, #tpu.memory_space<vmem>> -> memref<128xi32, #tpu.memory_space<vmem>>
      %dma_start3A_88 = arith.constant 0 : i32
      %dma_start3A_89 = arith.constant 0 : i32
      %dma_start3A_90 = tpu.memref_slice %arg2[%dma_start3A_88, %dma_start3A_89] : memref<10000x128xf32, #tpu.memory_space<hbm>> -> memref<10000x128xf32, #tpu.memory_space<hbm>>
      tpu.enqueue_indirect_dma source(%dma_start3A_90 : memref<10000x128xf32, #tpu.memory_space<hbm>>) target(%arg9 : memref<128x128xf32, #tpu.memory_space<vmem>>) offsets(%dma_start3A_87 : memref<128xi32, #tpu.memory_space<vmem>>) semaphore(%arg12 : memref<!tpu.dma_semaphore, #tpu.memory_space<semaphore_mem>>)
      %dma_start3A_91 = arith.constant 1 : i32
      %dma_start3A_92 = arith.constant 0 : i32
      %dma_start3A_93 = tpu.memref_slice %arg7[%dma_start3A_91, %dma_start3A_92] : memref<8x128xi32, #tpu.memory_space<vmem>> -> memref<1x128xi32, #tpu.memory_space<vmem>>
      %dma_start3A_94 = tpu.memref_squeeze %dma_start3A_93 : memref<1x128xi32, #tpu.memory_space<vmem>> -> memref<128xi32, #tpu.memory_space<vmem>>
      %dma_start3A_95 = arith.constant 0 : i32
      %dma_start3A_96 = arith.constant 0 : i32
      %dma_start3A_97 = tpu.memref_slice %arg2[%dma_start3A_95, %dma_start3A_96] : memref<10000x128xf32, #tpu.memory_space<hbm>> -> memref<10000x128xf32, #tpu.memory_space<hbm>>
      tpu.enqueue_indirect_dma source(%dma_start3A_97 : memref<10000x128xf32, #tpu.memory_space<hbm>>) target(%arg10 : memref<128x128xf32, #tpu.memory_space<vmem>>) offsets(%dma_start3A_94 : memref<128xi32, #tpu.memory_space<vmem>>) semaphore(%arg13 : memref<!tpu.dma_semaphore, #tpu.memory_space<semaphore_mem>>)
      %dma_wait3A = arith.constant 0 : i32
      %dma_wait3A_98 = arith.constant 0 : i32
      %dma_wait3A_99 = tpu.memref_slice %arg7[%dma_wait3A, %dma_wait3A_98] : memref<8x128xi32, #tpu.memory_space<vmem>> -> memref<1x128xi32, #tpu.memory_space<vmem>>
      %dma_wait3A_100 = tpu.memref_squeeze %dma_wait3A_99 : memref<1x128xi32, #tpu.memory_space<vmem>> -> memref<128xi32, #tpu.memory_space<vmem>>
      %dma_wait3A_101 = arith.constant 0 : i32
      %dma_wait3A_102 = arith.constant 0 : i32
      %dma_wait3A_103 = tpu.memref_slice %arg2[%dma_wait3A_101, %dma_wait3A_102] : memref<10000x128xf32, #tpu.memory_space<hbm>> -> memref<10000x128xf32, #tpu.memory_space<hbm>>
      tpu.wait_indirect_dma semaphore(%arg12 : memref<!tpu.dma_semaphore, #tpu.memory_space<semaphore_mem>>) src(%dma_wait3A_103 : memref<10000x128xf32, #tpu.memory_space<hbm>>) dst(%arg9 : memref<128x128xf32, #tpu.memory_space<vmem>>)
      %get3A = arith.constant 0 : i32
      %get3A_104 = arith.index_cast %get3A : i32 to index
      %get3A_105 = arith.constant 0 : index
      %get3A_106 = tpu.vector_load %arg8[%get3A_104, %get3A_105] {strides = array<i32>} : memref<8x128xi32, #tpu.memory_space<vmem>>, vector<16xi32>,
      tpu.vector_store_idx %arg16[%get3A_106], %broadcast_in_dim3A_1 {add = true} : memref<10016xf32, #tpu.memory_space<vmem>>[vector<16xi32>], vector<16xf32>,
      %get3A_107 = arith.constant 0 : i32
      %get3A_108 = arith.index_cast %get3A_107 : i32 to index
      %get3A_109 = arith.constant 16 : index
      %get3A_110 = tpu.vector_load %arg8[%get3A_108, %get3A_109] {strides = array<i32>} : memref<8x128xi32, #tpu.memory_space<vmem>>, vector<16xi32>,
      tpu.vector_store_idx %arg16[%get3A_110], %broadcast_in_dim3A_1 {add = true} : memref<10016xf32, #tpu.memory_space<vmem>>[vector<16xi32>], vector<16xf32>,
      %get3A_111 = arith.constant 0 : i32
      %get3A_112 = arith.index_cast %get3A_111 : i32 to index
      %get3A_113 = arith.constant 32 : index
      %get3A_114 = tpu.vector_load %arg8[%get3A_112, %get3A_113] {strides = array<i32>} : memref<8x128xi32, #tpu.memory_space<vmem>>, vector<16xi32>,
      tpu.vector_store_idx %arg16[%get3A_114], %broadcast_in_dim3A_1 {add = true} : memref<10016xf32, #tpu.memory_space<vmem>>[vector<16xi32>], vector<16xf32>,
      %get3A_115 = arith.constant 0 : i32
      %get3A_116 = arith.index_cast %get3A_115 : i32 to index
      %get3A_117 = arith.constant 48 : index
      %get3A_118 = tpu.vector_load %arg8[%get3A_116, %get3A_117] {strides = array<i32>} : memref<8x128xi32, #tpu.memory_space<vmem>>, vector<16xi32>,
      tpu.vector_store_idx %arg16[%get3A_118], %broadcast_in_dim3A_1 {add = true} : memref<10016xf32, #tpu.memory_space<vmem>>[vector<16xi32>], vector<16xf32>,
      %get3A_119 = arith.constant 0 : i32
      %get3A_120 = arith.index_cast %get3A_119 : i32 to index
      %get3A_121 = arith.constant 64 : index
      %get3A_122 = tpu.vector_load %arg8[%get3A_120, %get3A_121] {strides = array<i32>} : memref<8x128xi32, #tpu.memory_space<vmem>>, vector<16xi32>,
      tpu.vector_store_idx %arg16[%get3A_122], %broadcast_in_dim3A_1 {add = true} : memref<10016xf32, #tpu.memory_space<vmem>>[vector<16xi32>], vector<16xf32>,
      %get3A_123 = arith.constant 0 : i32
      %get3A_124 = arith.index_cast %get3A_123 : i32 to index
      %get3A_125 = arith.constant 80 : index
      %get3A_126 = tpu.vector_load %arg8[%get3A_124, %get3A_125] {strides = array<i32>} : memref<8x128xi32, #tpu.memory_space<vmem>>, vector<16xi32>,
      tpu.vector_store_idx %arg16[%get3A_126], %broadcast_in_dim3A_1 {add = true} : memref<10016xf32, #tpu.memory_space<vmem>>[vector<16xi32>], vector<16xf32>,
      %get3A_127 = arith.constant 0 : i32
      %get3A_128 = arith.index_cast %get3A_127 : i32 to index
      %get3A_129 = arith.constant 96 : index
      %get3A_130 = tpu.vector_load %arg8[%get3A_128, %get3A_129] {strides = array<i32>} : memref<8x128xi32, #tpu.memory_space<vmem>>, vector<16xi32>,
      tpu.vector_store_idx %arg16[%get3A_130], %broadcast_in_dim3A_1 {add = true} : memref<10016xf32, #tpu.memory_space<vmem>>[vector<16xi32>], vector<16xf32>,
      %get3A_131 = arith.constant 0 : i32
      %get3A_132 = arith.index_cast %get3A_131 : i32 to index
      %get3A_133 = arith.constant 112 : index
      %get3A_134 = tpu.vector_load %arg8[%get3A_132, %get3A_133] {strides = array<i32>} : memref<8x128xi32, #tpu.memory_space<vmem>>, vector<16xi32>,
      tpu.vector_store_idx %arg16[%get3A_134], %broadcast_in_dim3A_1 {add = true} : memref<10016xf32, #tpu.memory_space<vmem>>[vector<16xi32>], vector<16xf32>,
      %dma_start3A_135 = arith.constant 0 : i32
      %dma_start3A_136 = arith.constant 0 : i32
      %dma_start3A_137 = tpu.memref_slice %arg8[%dma_start3A_135, %dma_start3A_136] : memref<8x128xi32, #tpu.memory_space<vmem>> -> memref<1x128xi32, #tpu.memory_space<vmem>>
      %dma_start3A_138 = tpu.memref_squeeze %dma_start3A_137 : memref<1x128xi32, #tpu.memory_space<vmem>> -> memref<128xi32, #tpu.memory_space<vmem>>
      %dma_start3A_139 = arith.constant 0 : i32
      %dma_start3A_140 = arith.constant 0 : i32
      %dma_start3A_141 = tpu.memref_slice %arg11[%dma_start3A_139, %dma_start3A_140] : memref<10016x128xf32, #tpu.memory_space<vmem_shared>> -> memref<10016x128xf32, #tpu.memory_space<vmem_shared>>
      tpu.enqueue_indirect_dma source(%arg9 : memref<128x128xf32, #tpu.memory_space<vmem>>) target(%dma_start3A_141 : memref<10016x128xf32, #tpu.memory_space<vmem_shared>>) offsets(%dma_start3A_138 : memref<128xi32, #tpu.memory_space<vmem>>) semaphore(%arg14 : memref<!tpu.dma_semaphore, #tpu.memory_space<semaphore_mem>>) {add = true}
      %dma_wait3A_142 = arith.constant 0 : i32
      %dma_wait3A_143 = arith.constant 0 : i32
      %dma_wait3A_144 = tpu.memref_slice %arg8[%dma_wait3A_142, %dma_wait3A_143] : memref<8x128xi32, #tpu.memory_space<vmem>> -> memref<1x128xi32, #tpu.memory_space<vmem>>
      %dma_wait3A_145 = tpu.memref_squeeze %dma_wait3A_144 : memref<1x128xi32, #tpu.memory_space<vmem>> -> memref<128xi32, #tpu.memory_space<vmem>>
      %dma_wait3A_146 = arith.constant 0 : i32
      %dma_wait3A_147 = arith.constant 0 : i32
      %dma_wait3A_148 = tpu.memref_slice %arg11[%dma_wait3A_146, %dma_wait3A_147] : memref<10016x128xf32, #tpu.memory_space<vmem_shared>> -> memref<10016x128xf32, #tpu.memory_space<vmem_shared>>
      tpu.wait_indirect_dma semaphore(%arg14 : memref<!tpu.dma_semaphore, #tpu.memory_space<semaphore_mem>>) src(%arg9 : memref<128x128xf32, #tpu.memory_space<vmem>>) dst(%dma_wait3A_148 : memref<10016x128xf32, #tpu.memory_space<vmem_shared>>)
      %dma_start3A_149 = arith.constant 2 : i32
      %dma_start3A_150 = arith.constant 0 : i32
      %dma_start3A_151 = tpu.memref_slice %arg7[%dma_start3A_149, %dma_start3A_150] : memref<8x128xi32, #tpu.memory_space<vmem>> -> memref<1x128xi32, #tpu.memory_space<vmem>>
      %dma_start3A_152 = tpu.memref_squeeze %dma_start3A_151 : memref<1x128xi32, #tpu.memory_space<vmem>> -> memref<128xi32, #tpu.memory_space<vmem>>
      %dma_start3A_153 = arith.constant 0 : i32
      %dma_start3A_154 = arith.constant 0 : i32
      %dma_start3A_155 = tpu.memref_slice %arg2[%dma_start3A_153, %dma_start3A_154] : memref<10000x128xf32, #tpu.memory_space<hbm>> -> memref<10000x128xf32, #tpu.memory_space<hbm>>
      tpu.enqueue_indirect_dma source(%dma_start3A_155 : memref<10000x128xf32, #tpu.memory_space<hbm>>) target(%arg9 : memref<128x128xf32, #tpu.memory_space<vmem>>) offsets(%dma_start3A_152 : memref<128xi32, #tpu.memory_space<vmem>>) semaphore(%arg12 : memref<!tpu.dma_semaphore, #tpu.memory_space<semaphore_mem>>)
      %dma_wait3A_156 = arith.constant 1 : i32
      %dma_wait3A_157 = arith.constant 0 : i32
      %dma_wait3A_158 = tpu.memref_slice %arg7[%dma_wait3A_156, %dma_wait3A_157] : memref<8x128xi32, #tpu.memory_space<vmem>> -> memref<1x128xi32, #tpu.memory_space<vmem>>
      %dma_wait3A_159 = tpu.memref_squeeze %dma_wait3A_158 : memref<1x128xi32, #tpu.memory_space<vmem>> -> memref<128xi32, #tpu.memory_space<vmem>>
      %dma_wait3A_160 = arith.constant 0 : i32
      %dma_wait3A_161 = arith.constant 0 : i32
      %dma_wait3A_162 = tpu.memref_slice %arg2[%dma_wait3A_160, %dma_wait3A_161] : memref<10000x128xf32, #tpu.memory_space<hbm>> -> memref<10000x128xf32, #tpu.memory_space<hbm>>
      tpu.wait_indirect_dma semaphore(%arg13 : memref<!tpu.dma_semaphore, #tpu.memory_space<semaphore_mem>>) src(%dma_wait3A_162 : memref<10000x128xf32, #tpu.memory_space<hbm>>) dst(%arg10 : memref<128x128xf32, #tpu.memory_space<vmem>>)
      %get3A_163 = arith.constant 1 : i32
      %get3A_164 = arith.index_cast %get3A_163 : i32 to index
      %get3A_165 = arith.constant 0 : index
      %get3A_166 = tpu.vector_load %arg8[%get3A_164, %get3A_165] {strides = array<i32>} : memref<8x128xi32, #tpu.memory_space<vmem>>, vector<16xi32>,
      tpu.vector_store_idx %arg16[%get3A_166], %broadcast_in_dim3A_1 {add = true} : memref<10016xf32, #tpu.memory_space<vmem>>[vector<16xi32>], vector<16xf32>,
      %get3A_167 = arith.constant 1 : i32
      %get3A_168 = arith.index_cast %get3A_167 : i32 to index
      %get3A_169 = arith.constant 16 : index
      %get3A_170 = tpu.vector_load %arg8[%get3A_168, %get3A_169] {strides = array<i32>} : memref<8x128xi32, #tpu.memory_space<vmem>>, vector<16xi32>,
      tpu.vector_store_idx %arg16[%get3A_170], %broadcast_in_dim3A_1 {add = true} : memref<10016xf32, #tpu.memory_space<vmem>>[vector<16xi32>], vector<16xf32>,
      %get3A_171 = arith.constant 1 : i32
      %get3A_172 = arith.index_cast %get3A_171 : i32 to index
      %get3A_173 = arith.constant 32 : index
      %get3A_174 = tpu.vector_load %arg8[%get3A_172, %get3A_173] {strides = array<i32>} : memref<8x128xi32, #tpu.memory_space<vmem>>, vector<16xi32>,
      tpu.vector_store_idx %arg16[%get3A_174], %broadcast_in_dim3A_1 {add = true} : memref<10016xf32, #tpu.memory_space<vmem>>[vector<16xi32>], vector<16xf32>,
      %get3A_175 = arith.constant 1 : i32
      %get3A_176 = arith.index_cast %get3A_175 : i32 to index
      %get3A_177 = arith.constant 48 : index
      %get3A_178 = tpu.vector_load %arg8[%get3A_176, %get3A_177] {strides = array<i32>} : memref<8x128xi32, #tpu.memory_space<vmem>>, vector<16xi32>,
      tpu.vector_store_idx %arg16[%get3A_178], %broadcast_in_dim3A_1 {add = true} : memref<10016xf32, #tpu.memory_space<vmem>>[vector<16xi32>], vector<16xf32>,
      %get3A_179 = arith.constant 1 : i32
      %get3A_180 = arith.index_cast %get3A_179 : i32 to index
      %get3A_181 = arith.constant 64 : index
      %get3A_182 = tpu.vector_load %arg8[%get3A_180, %get3A_181] {strides = array<i32>} : memref<8x128xi32, #tpu.memory_space<vmem>>, vector<16xi32>,
      tpu.vector_store_idx %arg16[%get3A_182], %broadcast_in_dim3A_1 {add = true} : memref<10016xf32, #tpu.memory_space<vmem>>[vector<16xi32>], vector<16xf32>,
      %get3A_183 = arith.constant 1 : i32
      %get3A_184 = arith.index_cast %get3A_183 : i32 to index
      %get3A_185 = arith.constant 80 : index
      %get3A_186 = tpu.vector_load %arg8[%get3A_184, %get3A_185] {strides = array<i32>} : memref<8x128xi32, #tpu.memory_space<vmem>>, vector<16xi32>,
      tpu.vector_store_idx %arg16[%get3A_186], %broadcast_in_dim3A_1 {add = true} : memref<10016xf32, #tpu.memory_space<vmem>>[vector<16xi32>], vector<16xf32>,
      %get3A_187 = arith.constant 1 : i32
      %get3A_188 = arith.index_cast %get3A_187 : i32 to index
      %get3A_189 = arith.constant 96 : index
      %get3A_190 = tpu.vector_load %arg8[%get3A_188, %get3A_189] {strides = array<i32>} : memref<8x128xi32, #tpu.memory_space<vmem>>, vector<16xi32>,
      tpu.vector_store_idx %arg16[%get3A_190], %broadcast_in_dim3A_1 {add = true} : memref<10016xf32, #tpu.memory_space<vmem>>[vector<16xi32>], vector<16xf32>,
      %get3A_191 = arith.constant 1 : i32
      %get3A_192 = arith.index_cast %get3A_191 : i32 to index
      %get3A_193 = arith.constant 112 : index
      %get3A_194 = tpu.vector_load %arg8[%get3A_192, %get3A_193] {strides = array<i32>} : memref<8x128xi32, #tpu.memory_space<vmem>>, vector<16xi32>,
      tpu.vector_store_idx %arg16[%get3A_194], %broadcast_in_dim3A_1 {add = true} : memref<10016xf32, #tpu.memory_space<vmem>>[vector<16xi32>], vector<16xf32>,
      %dma_start3A_195 = arith.constant 1 : i32
      %dma_start3A_196 = arith.constant 0 : i32
      %dma_start3A_197 = tpu.memref_slice %arg8[%dma_start3A_195, %dma_start3A_196] : memref<8x128xi32, #tpu.memory_space<vmem>> -> memref<1x128xi32, #tpu.memory_space<vmem>>
      %dma_start3A_198 = tpu.memref_squeeze %dma_start3A_197 : memref<1x128xi32, #tpu.memory_space<vmem>> -> memref<128xi32, #tpu.memory_space<vmem>>
      %dma_start3A_199 = arith.constant 0 : i32
      %dma_start3A_200 = arith.constant 0 : i32
      %dma_start3A_201 = tpu.memref_slice %arg11[%dma_start3A_199, %dma_start3A_200] : memref<10016x128xf32, #tpu.memory_space<vmem_shared>> -> memref<10016x128xf32, #tpu.memory_space<vmem_shared>>
      tpu.enqueue_indirect_dma source(%arg10 : memref<128x128xf32, #tpu.memory_space<vmem>>) target(%dma_start3A_201 : memref<10016x128xf32, #tpu.memory_space<vmem_shared>>) offsets(%dma_start3A_198 : memref<128xi32, #tpu.memory_space<vmem>>) semaphore(%arg15 : memref<!tpu.dma_semaphore, #tpu.memory_space<semaphore_mem>>) {add = true}
      %dma_wait3A_202 = arith.constant 1 : i32
      %dma_wait3A_203 = arith.constant 0 : i32
      %dma_wait3A_204 = tpu.memref_slice %arg8[%dma_wait3A_202, %dma_wait3A_203] : memref<8x128xi32, #tpu.memory_space<vmem>> -> memref<1x128xi32, #tpu.memory_space<vmem>>
      %dma_wait3A_205 = tpu.memref_squeeze %dma_wait3A_204 : memref<1x128xi32, #tpu.memory_space<vmem>> -> memref<128xi32, #tpu.memory_space<vmem>>
      %dma_wait3A_206 = arith.constant 0 : i32
      %dma_wait3A_207 = arith.constant 0 : i32
      %dma_wait3A_208 = tpu.memref_slice %arg11[%dma_wait3A_206, %dma_wait3A_207] : memref<10016x128xf32, #tpu.memory_space<vmem_shared>> -> memref<10016x128xf32, #tpu.memory_space<vmem_shared>>
      tpu.wait_indirect_dma semaphore(%arg15 : memref<!tpu.dma_semaphore, #tpu.memory_space<semaphore_mem>>) src(%arg10 : memref<128x128xf32, #tpu.memory_space<vmem>>) dst(%dma_wait3A_208 : memref<10016x128xf32, #tpu.memory_space<vmem_shared>>)
      %dma_start3A_209 = arith.constant 3 : i32
      %dma_start3A_210 = arith.constant 0 : i32
      %dma_start3A_211 = tpu.memref_slice %arg7[%dma_start3A_209, %dma_start3A_210] : memref<8x128xi32, #tpu.memory_space<vmem>> -> memref<1x128xi32, #tpu.memory_space<vmem>>
      %dma_start3A_212 = tpu.memref_squeeze %dma_start3A_211 : memref<1x128xi32, #tpu.memory_space<vmem>> -> memref<128xi32, #tpu.memory_space<vmem>>
      %dma_start3A_213 = arith.constant 0 : i32
      %dma_start3A_214 = arith.constant 0 : i32
      %dma_start3A_215 = tpu.memref_slice %arg2[%dma_start3A_213, %dma_start3A_214] : memref<10000x128xf32, #tpu.memory_space<hbm>> -> memref<10000x128xf32, #tpu.memory_space<hbm>>
      tpu.enqueue_indirect_dma source(%dma_start3A_215 : memref<10000x128xf32, #tpu.memory_space<hbm>>) target(%arg10 : memref<128x128xf32, #tpu.memory_space<vmem>>) offsets(%dma_start3A_212 : memref<128xi32, #tpu.memory_space<vmem>>) semaphore(%arg13 : memref<!tpu.dma_semaphore, #tpu.memory_space<semaphore_mem>>)
      %dma_wait3A_216 = arith.constant 2 : i32
      %dma_wait3A_217 = arith.constant 0 : i32
      %dma_wait3A_218 = tpu.memref_slice %arg7[%dma_wait3A_216, %dma_wait3A_217] : memref<8x128xi32, #tpu.memory_space<vmem>> -> memref<1x128xi32, #tpu.memory_space<vmem>>
      %dma_wait3A_219 = tpu.memref_squeeze %dma_wait3A_218 : memref<1x128xi32, #tpu.memory_space<vmem>> -> memref<128xi32, #tpu.memory_space<vmem>>
      %dma_wait3A_220 = arith.constant 0 : i32
      %dma_wait3A_221 = arith.constant 0 : i32
      %dma_wait3A_222 = tpu.memref_slice %arg2[%dma_wait3A_220, %dma_wait3A_221] : memref<10000x128xf32, #tpu.memory_space<hbm>> -> memref<10000x128xf32, #tpu.memory_space<hbm>>
      tpu.wait_indirect_dma semaphore(%arg12 : memref<!tpu.dma_semaphore, #tpu.memory_space<semaphore_mem>>) src(%dma_wait3A_222 : memref<10000x128xf32, #tpu.memory_space<hbm>>) dst(%arg9 : memref<128x128xf32, #tpu.memory_space<vmem>>)
      %get3A_223 = arith.constant 2 : i32
      %get3A_224 = arith.index_cast %get3A_223 : i32 to index
      %get3A_225 = arith.constant 0 : index
      %get3A_226 = tpu.vector_load %arg8[%get3A_224, %get3A_225] {strides = array<i32>} : memref<8x128xi32, #tpu.memory_space<vmem>>, vector<16xi32>,
      tpu.vector_store_idx %arg16[%get3A_226], %broadcast_in_dim3A_1 {add = true} : memref<10016xf32, #tpu.memory_space<vmem>>[vector<16xi32>], vector<16xf32>,
      %get3A_227 = arith.constant 2 : i32
      %get3A_228 = arith.index_cast %get3A_227 : i32 to index
      %get3A_229 = arith.constant 16 : index
      %get3A_230 = tpu.vector_load %arg8[%get3A_228, %get3A_229] {strides = array<i32>} : memref<8x128xi32, #tpu.memory_space<vmem>>, vector<16xi32>,
      tpu.vector_store_idx %arg16[%get3A_230], %broadcast_in_dim3A_1 {add = true} : memref<10016xf32, #tpu.memory_space<vmem>>[vector<16xi32>], vector<16xf32>,
      %get3A_231 = arith.constant 2 : i32
      %get3A_232 = arith.index_cast %get3A_231 : i32 to index
      %get3A_233 = arith.constant 32 : index
      %get3A_234 = tpu.vector_load %arg8[%get3A_232, %get3A_233] {strides = array<i32>} : memref<8x128xi32, #tpu.memory_space<vmem>>, vector<16xi32>,
      tpu.vector_store_idx %arg16[%get3A_234], %broadcast_in_dim3A_1 {add = true} : memref<10016xf32, #tpu.memory_space<vmem>>[vector<16xi32>], vector<16xf32>,
      %get3A_235 = arith.constant 2 : i32
      %get3A_236 = arith.index_cast %get3A_235 : i32 to index
      %get3A_237 = arith.constant 48 : index
      %get3A_238 = tpu.vector_load %arg8[%get3A_236, %get3A_237] {strides = array<i32>} : memref<8x128xi32, #tpu.memory_space<vmem>>, vector<16xi32>,
      tpu.vector_store_idx %arg16[%get3A_238], %broadcast_in_dim3A_1 {add = true} : memref<10016xf32, #tpu.memory_space<vmem>>[vector<16xi32>], vector<16xf32>,
      %get3A_239 = arith.constant 2 : i32
      %get3A_240 = arith.index_cast %get3A_239 : i32 to index
      %get3A_241 = arith.constant 64 : index
      %get3A_242 = tpu.vector_load %arg8[%get3A_240, %get3A_241] {strides = array<i32>} : memref<8x128xi32, #tpu.memory_space<vmem>>, vector<16xi32>,
      tpu.vector_store_idx %arg16[%get3A_242], %broadcast_in_dim3A_1 {add = true} : memref<10016xf32, #tpu.memory_space<vmem>>[vector<16xi32>], vector<16xf32>,
      %get3A_243 = arith.constant 2 : i32
      %get3A_244 = arith.index_cast %get3A_243 : i32 to index
      %get3A_245 = arith.constant 80 : index
      %get3A_246 = tpu.vector_load %arg8[%get3A_244, %get3A_245] {strides = array<i32>} : memref<8x128xi32, #tpu.memory_space<vmem>>, vector<16xi32>,
      tpu.vector_store_idx %arg16[%get3A_246], %broadcast_in_dim3A_1 {add = true} : memref<10016xf32, #tpu.memory_space<vmem>>[vector<16xi32>], vector<16xf32>,
      %get3A_247 = arith.constant 2 : i32
      %get3A_248 = arith.index_cast %get3A_247 : i32 to index
      %get3A_249 = arith.constant 96 : index
      %get3A_250 = tpu.vector_load %arg8[%get3A_248, %get3A_249] {strides = array<i32>} : memref<8x128xi32, #tpu.memory_space<vmem>>, vector<16xi32>,
      tpu.vector_store_idx %arg16[%get3A_250], %broadcast_in_dim3A_1 {add = true} : memref<10016xf32, #tpu.memory_space<vmem>>[vector<16xi32>], vector<16xf32>,
      %get3A_251 = arith.constant 2 : i32
      %get3A_252 = arith.index_cast %get3A_251 : i32 to index
      %get3A_253 = arith.constant 112 : index
      %get3A_254 = tpu.vector_load %arg8[%get3A_252, %get3A_253] {strides = array<i32>} : memref<8x128xi32, #tpu.memory_space<vmem>>, vector<16xi32>,
      tpu.vector_store_idx %arg16[%get3A_254], %broadcast_in_dim3A_1 {add = true} : memref<10016xf32, #tpu.memory_space<vmem>>[vector<16xi32>], vector<16xf32>,
      %dma_start3A_255 = arith.constant 2 : i32
      %dma_start3A_256 = arith.constant 0 : i32
      %dma_start3A_257 = tpu.memref_slice %arg8[%dma_start3A_255, %dma_start3A_256] : memref<8x128xi32, #tpu.memory_space<vmem>> -> memref<1x128xi32, #tpu.memory_space<vmem>>
      %dma_start3A_258 = tpu.memref_squeeze %dma_start3A_257 : memref<1x128xi32, #tpu.memory_space<vmem>> -> memref<128xi32, #tpu.memory_space<vmem>>
      %dma_start3A_259 = arith.constant 0 : i32
      %dma_start3A_260 = arith.constant 0 : i32
      %dma_start3A_261 = tpu.memref_slice %arg11[%dma_start3A_259, %dma_start3A_260] : memref<10016x128xf32, #tpu.memory_space<vmem_shared>> -> memref<10016x128xf32, #tpu.memory_space<vmem_shared>>
      tpu.enqueue_indirect_dma source(%arg9 : memref<128x128xf32, #tpu.memory_space<vmem>>) target(%dma_start3A_261 : memref<10016x128xf32, #tpu.memory_space<vmem_shared>>) offsets(%dma_start3A_258 : memref<128xi32, #tpu.memory_space<vmem>>) semaphore(%arg14 : memref<!tpu.dma_semaphore, #tpu.memory_space<semaphore_mem>>) {add = true}
      %dma_wait3A_262 = arith.constant 2 : i32
      %dma_wait3A_263 = arith.constant 0 : i32
      %dma_wait3A_264 = tpu.memref_slice %arg8[%dma_wait3A_262, %dma_wait3A_263] : memref<8x128xi32, #tpu.memory_space<vmem>> -> memref<1x128xi32, #tpu.memory_space<vmem>>
      %dma_wait3A_265 = tpu.memref_squeeze %dma_wait3A_264 : memref<1x128xi32, #tpu.memory_space<vmem>> -> memref<128xi32, #tpu.memory_space<vmem>>
      %dma_wait3A_266 = arith.constant 0 : i32
      %dma_wait3A_267 = arith.constant 0 : i32
      %dma_wait3A_268 = tpu.memref_slice %arg11[%dma_wait3A_266, %dma_wait3A_267] : memref<10016x128xf32, #tpu.memory_space<vmem_shared>> -> memref<10016x128xf32, #tpu.memory_space<vmem_shared>>
      tpu.wait_indirect_dma semaphore(%arg14 : memref<!tpu.dma_semaphore, #tpu.memory_space<semaphore_mem>>) src(%arg9 : memref<128x128xf32, #tpu.memory_space<vmem>>) dst(%dma_wait3A_268 : memref<10016x128xf32, #tpu.memory_space<vmem_shared>>)
      %dma_start3A_269 = arith.constant 4 : i32
      %dma_start3A_270 = arith.constant 0 : i32
      %dma_start3A_271 = tpu.memref_slice %arg7[%dma_start3A_269, %dma_start3A_270] : memref<8x128xi32, #tpu.memory_space<vmem>> -> memref<1x128xi32, #tpu.memory_space<vmem>>
      %dma_start3A_272 = tpu.memref_squeeze %dma_start3A_271 : memref<1x128xi32, #tpu.memory_space<vmem>> -> memref<128xi32, #tpu.memory_space<vmem>>
      %dma_start3A_273 = arith.constant 0 : i32
      %dma_start3A_274 = arith.constant 0 : i32
      %dma_start3A_275 = tpu.memref_slice %arg2[%dma_start3A_273, %dma_start3A_274] : memref<10000x128xf32, #tpu.memory_space<hbm>> -> memref<10000x128xf32, #tpu.memory_space<hbm>>
      tpu.enqueue_indirect_dma source(%dma_start3A_275 : memref<10000x128xf32, #tpu.memory_space<hbm>>) target(%arg9 : memref<128x128xf32, #tpu.memory_space<vmem>>) offsets(%dma_start3A_272 : memref<128xi32, #tpu.memory_space<vmem>>) semaphore(%arg12 : memref<!tpu.dma_semaphore, #tpu.memory_space<semaphore_mem>>)
      %dma_wait3A_276 = arith.constant 3 : i32
      %dma_wait3A_277 = arith.constant 0 : i32
      %dma_wait3A_278 = tpu.memref_slice %arg7[%dma_wait3A_276, %dma_wait3A_277] : memref<8x128xi32, #tpu.memory_space<vmem>> -> memref<1x128xi32, #tpu.memory_space<vmem>>
      %dma_wait3A_279 = tpu.memref_squeeze %dma_wait3A_278 : memref<1x128xi32, #tpu.memory_space<vmem>> -> memref<128xi32, #tpu.memory_space<vmem>>
      %dma_wait3A_280 = arith.constant 0 : i32
      %dma_wait3A_281 = arith.constant 0 : i32
      %dma_wait3A_282 = tpu.memref_slice %arg2[%dma_wait3A_280, %dma_wait3A_281] : memref<10000x128xf32, #tpu.memory_space<hbm>> -> memref<10000x128xf32, #tpu.memory_space<hbm>>
      tpu.wait_indirect_dma semaphore(%arg13 : memref<!tpu.dma_semaphore, #tpu.memory_space<semaphore_mem>>) src(%dma_wait3A_282 : memref<10000x128xf32, #tpu.memory_space<hbm>>) dst(%arg10 : memref<128x128xf32, #tpu.memory_space<vmem>>)
      %get3A_283 = arith.constant 3 : i32
      %get3A_284 = arith.index_cast %get3A_283 : i32 to index
      %get3A_285 = arith.constant 0 : index
      %get3A_286 = tpu.vector_load %arg8[%get3A_284, %get3A_285] {strides = array<i32>} : memref<8x128xi32, #tpu.memory_space<vmem>>, vector<16xi32>,
      tpu.vector_store_idx %arg16[%get3A_286], %broadcast_in_dim3A_1 {add = true} : memref<10016xf32, #tpu.memory_space<vmem>>[vector<16xi32>], vector<16xf32>,
      %get3A_287 = arith.constant 3 : i32
      %get3A_288 = arith.index_cast %get3A_287 : i32 to index
      %get3A_289 = arith.constant 16 : index
      %get3A_290 = tpu.vector_load %arg8[%get3A_288, %get3A_289] {strides = array<i32>} : memref<8x128xi32, #tpu.memory_space<vmem>>, vector<16xi32>,
      tpu.vector_store_idx %arg16[%get3A_290], %broadcast_in_dim3A_1 {add = true} : memref<10016xf32, #tpu.memory_space<vmem>>[vector<16xi32>], vector<16xf32>,
      %get3A_291 = arith.constant 3 : i32
      %get3A_292 = arith.index_cast %get3A_291 : i32 to index
      %get3A_293 = arith.constant 32 : index
      %get3A_294 = tpu.vector_load %arg8[%get3A_292, %get3A_293] {strides = array<i32>} : memref<8x128xi32, #tpu.memory_space<vmem>>, vector<16xi32>,
      tpu.vector_store_idx %arg16[%get3A_294], %broadcast_in_dim3A_1 {add = true} : memref<10016xf32, #tpu.memory_space<vmem>>[vector<16xi32>], vector<16xf32>,
      %get3A_295 = arith.constant 3 : i32
      %get3A_296 = arith.index_cast %get3A_295 : i32 to index
      %get3A_297 = arith.constant 48 : index
      %get3A_298 = tpu.vector_load %arg8[%get3A_296, %get3A_297] {strides = array<i32>} : memref<8x128xi32, #tpu.memory_space<vmem>>, vector<16xi32>,
      tpu.vector_store_idx %arg16[%get3A_298], %broadcast_in_dim3A_1 {add = true} : memref<10016xf32, #tpu.memory_space<vmem>>[vector<16xi32>], vector<16xf32>,
      %get3A_299 = arith.constant 3 : i32
      %get3A_300 = arith.index_cast %get3A_299 : i32 to index
      %get3A_301 = arith.constant 64 : index
      %get3A_302 = tpu.vector_load %arg8[%get3A_300, %get3A_301] {strides = array<i32>} : memref<8x128xi32, #tpu.memory_space<vmem>>, vector<16xi32>,
      tpu.vector_store_idx %arg16[%get3A_302], %broadcast_in_dim3A_1 {add = true} : memref<10016xf32, #tpu.memory_space<vmem>>[vector<16xi32>], vector<16xf32>,
      %get3A_303 = arith.constant 3 : i32
      %get3A_304 = arith.index_cast %get3A_303 : i32 to index
      %get3A_305 = arith.constant 80 : index
      %get3A_306 = tpu.vector_load %arg8[%get3A_304, %get3A_305] {strides = array<i32>} : memref<8x128xi32, #tpu.memory_space<vmem>>, vector<16xi32>,
      tpu.vector_store_idx %arg16[%get3A_306], %broadcast_in_dim3A_1 {add = true} : memref<10016xf32, #tpu.memory_space<vmem>>[vector<16xi32>], vector<16xf32>,
      %get3A_307 = arith.constant 3 : i32
      %get3A_308 = arith.index_cast %get3A_307 : i32 to index
      %get3A_309 = arith.constant 96 : index
      %get3A_310 = tpu.vector_load %arg8[%get3A_308, %get3A_309] {strides = array<i32>} : memref<8x128xi32, #tpu.memory_space<vmem>>, vector<16xi32>,
      tpu.vector_store_idx %arg16[%get3A_310], %broadcast_in_dim3A_1 {add = true} : memref<10016xf32, #tpu.memory_space<vmem>>[vector<16xi32>], vector<16xf32>,
      %get3A_311 = arith.constant 3 : i32
      %get3A_312 = arith.index_cast %get3A_311 : i32 to index
      %get3A_313 = arith.constant 112 : index
      %get3A_314 = tpu.vector_load %arg8[%get3A_312, %get3A_313] {strides = array<i32>} : memref<8x128xi32, #tpu.memory_space<vmem>>, vector<16xi32>,
      tpu.vector_store_idx %arg16[%get3A_314], %broadcast_in_dim3A_1 {add = true} : memref<10016xf32, #tpu.memory_space<vmem>>[vector<16xi32>], vector<16xf32>,
      %dma_start3A_315 = arith.constant 3 : i32
      %dma_start3A_316 = arith.constant 0 : i32
      %dma_start3A_317 = tpu.memref_slice %arg8[%dma_start3A_315, %dma_start3A_316] : memref<8x128xi32, #tpu.memory_space<vmem>> -> memref<1x128xi32, #tpu.memory_space<vmem>>
      %dma_start3A_318 = tpu.memref_squeeze %dma_start3A_317 : memref<1x128xi32, #tpu.memory_space<vmem>> -> memref<128xi32, #tpu.memory_space<vmem>>
      %dma_start3A_319 = arith.constant 0 : i32
      %dma_start3A_320 = arith.constant 0 : i32
      %dma_start3A_321 = tpu.memref_slice %arg11[%dma_start3A_319, %dma_start3A_320] : memref<10016x128xf32, #tpu.memory_space<vmem_shared>> -> memref<10016x128xf32, #tpu.memory_space<vmem_shared>>
      tpu.enqueue_indirect_dma source(%arg10 : memref<128x128xf32, #tpu.memory_space<vmem>>) target(%dma_start3A_321 : memref<10016x128xf32, #tpu.memory_space<vmem_shared>>) offsets(%dma_start3A_318 : memref<128xi32, #tpu.memory_space<vmem>>) semaphore(%arg15 : memref<!tpu.dma_semaphore, #tpu.memory_space<semaphore_mem>>) {add = true}
      %dma_wait3A_322 = arith.constant 3 : i32
      %dma_wait3A_323 = arith.constant 0 : i32
      %dma_wait3A_324 = tpu.memref_slice %arg8[%dma_wait3A_322, %dma_wait3A_323] : memref<8x128xi32, #tpu.memory_space<vmem>> -> memref<1x128xi32, #tpu.memory_space<vmem>>
      %dma_wait3A_325 = tpu.memref_squeeze %dma_wait3A_324 : memref<1x128xi32, #tpu.memory_space<vmem>> -> memref<128xi32, #tpu.memory_space<vmem>>
      %dma_wait3A_326 = arith.constant 0 : i32
      %dma_wait3A_327 = arith.constant 0 : i32
      %dma_wait3A_328 = tpu.memref_slice %arg11[%dma_wait3A_326, %dma_wait3A_327] : memref<10016x128xf32, #tpu.memory_space<vmem_shared>> -> memref<10016x128xf32, #tpu.memory_space<vmem_shared>>
      tpu.wait_indirect_dma semaphore(%arg15 : memref<!tpu.dma_semaphore, #tpu.memory_space<semaphore_mem>>) src(%arg10 : memref<128x128xf32, #tpu.memory_space<vmem>>) dst(%dma_wait3A_328 : memref<10016x128xf32, #tpu.memory_space<vmem_shared>>)
      %dma_start3A_329 = arith.constant 5 : i32
      %dma_start3A_330 = arith.constant 0 : i32
      %dma_start3A_331 = tpu.memref_slice %arg7[%dma_start3A_329, %dma_start3A_330] : memref<8x128xi32, #tpu.memory_space<vmem>> -> memref<1x128xi32, #tpu.memory_space<vmem>>
      %dma_start3A_332 = tpu.memref_squeeze %dma_start3A_331 : memref<1x128xi32, #tpu.memory_space<vmem>> -> memref<128xi32, #tpu.memory_space<vmem>>
      %dma_start3A_333 = arith.constant 0 : i32
      %dma_start3A_334 = arith.constant 0 : i32
      %dma_start3A_335 = tpu.memref_slice %arg2[%dma_start3A_333, %dma_start3A_334] : memref<10000x128xf32, #tpu.memory_space<hbm>> -> memref<10000x128xf32, #tpu.memory_space<hbm>>
      tpu.enqueue_indirect_dma source(%dma_start3A_335 : memref<10000x128xf32, #tpu.memory_space<hbm>>) target(%arg10 : memref<128x128xf32, #tpu.memory_space<vmem>>) offsets(%dma_start3A_332 : memref<128xi32, #tpu.memory_space<vmem>>) semaphore(%arg13 : memref<!tpu.dma_semaphore, #tpu.memory_space<semaphore_mem>>)
      %dma_wait3A_336 = arith.constant 4 : i32
      %dma_wait3A_337 = arith.constant 0 : i32
      %dma_wait3A_338 = tpu.memref_slice %arg7[%dma_wait3A_336, %dma_wait3A_337] : memref<8x128xi32, #tpu.memory_space<vmem>> -> memref<1x128xi32, #tpu.memory_space<vmem>>
      %dma_wait3A_339 = tpu.memref_squeeze %dma_wait3A_338 : memref<1x128xi32, #tpu.memory_space<vmem>> -> memref<128xi32, #tpu.memory_space<vmem>>
      %dma_wait3A_340 = arith.constant 0 : i32
      %dma_wait3A_341 = arith.constant 0 : i32
      %dma_wait3A_342 = tpu.memref_slice %arg2[%dma_wait3A_340, %dma_wait3A_341] : memref<10000x128xf32, #tpu.memory_space<hbm>> -> memref<10000x128xf32, #tpu.memory_space<hbm>>
      tpu.wait_indirect_dma semaphore(%arg12 : memref<!tpu.dma_semaphore, #tpu.memory_space<semaphore_mem>>) src(%dma_wait3A_342 : memref<10000x128xf32, #tpu.memory_space<hbm>>) dst(%arg9 : memref<128x128xf32, #tpu.memory_space<vmem>>)
      %get3A_343 = arith.constant 4 : i32
      %get3A_344 = arith.index_cast %get3A_343 : i32 to index
      %get3A_345 = arith.constant 0 : index
      %get3A_346 = tpu.vector_load %arg8[%get3A_344, %get3A_345] {strides = array<i32>} : memref<8x128xi32, #tpu.memory_space<vmem>>, vector<16xi32>,
      tpu.vector_store_idx %arg16[%get3A_346], %broadcast_in_dim3A_1 {add = true} : memref<10016xf32, #tpu.memory_space<vmem>>[vector<16xi32>], vector<16xf32>,
      %get3A_347 = arith.constant 4 : i32
      %get3A_348 = arith.index_cast %get3A_347 : i32 to index
      %get3A_349 = arith.constant 16 : index
      %get3A_350 = tpu.vector_load %arg8[%get3A_348, %get3A_349] {strides = array<i32>} : memref<8x128xi32, #tpu.memory_space<vmem>>, vector<16xi32>,
      tpu.vector_store_idx %arg16[%get3A_350], %broadcast_in_dim3A_1 {add = true} : memref<10016xf32, #tpu.memory_space<vmem>>[vector<16xi32>], vector<16xf32>,
      %get3A_351 = arith.constant 4 : i32
      %get3A_352 = arith.index_cast %get3A_351 : i32 to index
      %get3A_353 = arith.constant 32 : index
      %get3A_354 = tpu.vector_load %arg8[%get3A_352, %get3A_353] {strides = array<i32>} : memref<8x128xi32, #tpu.memory_space<vmem>>, vector<16xi32>,
      tpu.vector_store_idx %arg16[%get3A_354], %broadcast_in_dim3A_1 {add = true} : memref<10016xf32, #tpu.memory_space<vmem>>[vector<16xi32>], vector<16xf32>,
      %get3A_355 = arith.constant 4 : i32
      %get3A_356 = arith.index_cast %get3A_355 : i32 to index
      %get3A_357 = arith.constant 48 : index
      %get3A_358 = tpu.vector_load %arg8[%get3A_356, %get3A_357] {strides = array<i32>} : memref<8x128xi32, #tpu.memory_space<vmem>>, vector<16xi32>,
      tpu.vector_store_idx %arg16[%get3A_358], %broadcast_in_dim3A_1 {add = true} : memref<10016xf32, #tpu.memory_space<vmem>>[vector<16xi32>], vector<16xf32>,
      %get3A_359 = arith.constant 4 : i32
      %get3A_360 = arith.index_cast %get3A_359 : i32 to index
      %get3A_361 = arith.constant 64 : index
      %get3A_362 = tpu.vector_load %arg8[%get3A_360, %get3A_361] {strides = array<i32>} : memref<8x128xi32, #tpu.memory_space<vmem>>, vector<16xi32>,
      tpu.vector_store_idx %arg16[%get3A_362], %broadcast_in_dim3A_1 {add = true} : memref<10016xf32, #tpu.memory_space<vmem>>[vector<16xi32>], vector<16xf32>,
      %get3A_363 = arith.constant 4 : i32
      %get3A_364 = arith.index_cast %get3A_363 : i32 to index
      %get3A_365 = arith.constant 80 : index
      %get3A_366 = tpu.vector_load %arg8[%get3A_364, %get3A_365] {strides = array<i32>} : memref<8x128xi32, #tpu.memory_space<vmem>>, vector<16xi32>,
      tpu.vector_store_idx %arg16[%get3A_366], %broadcast_in_dim3A_1 {add = true} : memref<10016xf32, #tpu.memory_space<vmem>>[vector<16xi32>], vector<16xf32>,
      %get3A_367 = arith.constant 4 : i32
      %get3A_368 = arith.index_cast %get3A_367 : i32 to index
      %get3A_369 = arith.constant 96 : index
      %get3A_370 = tpu.vector_load %arg8[%get3A_368, %get3A_369] {strides = array<i32>} : memref<8x128xi32, #tpu.memory_space<vmem>>, vector<16xi32>,
      tpu.vector_store_idx %arg16[%get3A_370], %broadcast_in_dim3A_1 {add = true} : memref<10016xf32, #tpu.memory_space<vmem>>[vector<16xi32>], vector<16xf32>,
      %get3A_371 = arith.constant 4 : i32
      %get3A_372 = arith.index_cast %get3A_371 : i32 to index
      %get3A_373 = arith.constant 112 : index
      %get3A_374 = tpu.vector_load %arg8[%get3A_372, %get3A_373] {strides = array<i32>} : memref<8x128xi32, #tpu.memory_space<vmem>>, vector<16xi32>,
      tpu.vector_store_idx %arg16[%get3A_374], %broadcast_in_dim3A_1 {add = true} : memref<10016xf32, #tpu.memory_space<vmem>>[vector<16xi32>], vector<16xf32>,
      %dma_start3A_375 = arith.constant 4 : i32
      %dma_start3A_376 = arith.constant 0 : i32
      %dma_start3A_377 = tpu.memref_slice %arg8[%dma_start3A_375, %dma_start3A_376] : memref<8x128xi32, #tpu.memory_space<vmem>> -> memref<1x128xi32, #tpu.memory_space<vmem>>
      %dma_start3A_378 = tpu.memref_squeeze %dma_start3A_377 : memref<1x128xi32, #tpu.memory_space<vmem>> -> memref<128xi32, #tpu.memory_space<vmem>>
      %dma_start3A_379 = arith.constant 0 : i32
      %dma_start3A_380 = arith.constant 0 : i32
      %dma_start3A_381 = tpu.memref_slice %arg11[%dma_start3A_379, %dma_start3A_380] : memref<10016x128xf32, #tpu.memory_space<vmem_shared>> -> memref<10016x128xf32, #tpu.memory_space<vmem_shared>>
      tpu.enqueue_indirect_dma source(%arg9 : memref<128x128xf32, #tpu.memory_space<vmem>>) target(%dma_start3A_381 : memref<10016x128xf32, #tpu.memory_space<vmem_shared>>) offsets(%dma_start3A_378 : memref<128xi32, #tpu.memory_space<vmem>>) semaphore(%arg14 : memref<!tpu.dma_semaphore, #tpu.memory_space<semaphore_mem>>) {add = true}
      %dma_wait3A_382 = arith.constant 4 : i32
      %dma_wait3A_383 = arith.constant 0 : i32
      %dma_wait3A_384 = tpu.memref_slice %arg8[%dma_wait3A_382, %dma_wait3A_383] : memref<8x128xi32, #tpu.memory_space<vmem>> -> memref<1x128xi32, #tpu.memory_space<vmem>>
      %dma_wait3A_385 = tpu.memref_squeeze %dma_wait3A_384 : memref<1x128xi32, #tpu.memory_space<vmem>> -> memref<128xi32, #tpu.memory_space<vmem>>
      %dma_wait3A_386 = arith.constant 0 : i32
      %dma_wait3A_387 = arith.constant 0 : i32
      %dma_wait3A_388 = tpu.memref_slice %arg11[%dma_wait3A_386, %dma_wait3A_387] : memref<10016x128xf32, #tpu.memory_space<vmem_shared>> -> memref<10016x128xf32, #tpu.memory_space<vmem_shared>>
      tpu.wait_indirect_dma semaphore(%arg14 : memref<!tpu.dma_semaphore, #tpu.memory_space<semaphore_mem>>) src(%arg9 : memref<128x128xf32, #tpu.memory_space<vmem>>) dst(%dma_wait3A_388 : memref<10016x128xf32, #tpu.memory_space<vmem_shared>>)
      %dma_start3A_389 = arith.constant 6 : i32
      %dma_start3A_390 = arith.constant 0 : i32
      %dma_start3A_391 = tpu.memref_slice %arg7[%dma_start3A_389, %dma_start3A_390] : memref<8x128xi32, #tpu.memory_space<vmem>> -> memref<1x128xi32, #tpu.memory_space<vmem>>
      %dma_start3A_392 = tpu.memref_squeeze %dma_start3A_391 : memref<1x128xi32, #tpu.memory_space<vmem>> -> memref<128xi32, #tpu.memory_space<vmem>>
      %dma_start3A_393 = arith.constant 0 : i32
      %dma_start3A_394 = arith.constant 0 : i32
      %dma_start3A_395 = tpu.memref_slice %arg2[%dma_start3A_393, %dma_start3A_394] : memref<10000x128xf32, #tpu.memory_space<hbm>> -> memref<10000x128xf32, #tpu.memory_space<hbm>>
      tpu.enqueue_indirect_dma source(%dma_start3A_395 : memref<10000x128xf32, #tpu.memory_space<hbm>>) target(%arg9 : memref<128x128xf32, #tpu.memory_space<vmem>>) offsets(%dma_start3A_392 : memref<128xi32, #tpu.memory_space<vmem>>) semaphore(%arg12 : memref<!tpu.dma_semaphore, #tpu.memory_space<semaphore_mem>>)
      %dma_wait3A_396 = arith.constant 5 : i32
      %dma_wait3A_397 = arith.constant 0 : i32
      %dma_wait3A_398 = tpu.memref_slice %arg7[%dma_wait3A_396, %dma_wait3A_397] : memref<8x128xi32, #tpu.memory_space<vmem>> -> memref<1x128xi32, #tpu.memory_space<vmem>>
      %dma_wait3A_399 = tpu.memref_squeeze %dma_wait3A_398 : memref<1x128xi32, #tpu.memory_space<vmem>> -> memref<128xi32, #tpu.memory_space<vmem>>
      %dma_wait3A_400 = arith.constant 0 : i32
      %dma_wait3A_401 = arith.constant 0 : i32
      %dma_wait3A_402 = tpu.memref_slice %arg2[%dma_wait3A_400, %dma_wait3A_401] : memref<10000x128xf32, #tpu.memory_space<hbm>> -> memref<10000x128xf32, #tpu.memory_space<hbm>>
      tpu.wait_indirect_dma semaphore(%arg13 : memref<!tpu.dma_semaphore, #tpu.memory_space<semaphore_mem>>) src(%dma_wait3A_402 : memref<10000x128xf32, #tpu.memory_space<hbm>>) dst(%arg10 : memref<128x128xf32, #tpu.memory_space<vmem>>)
      %get3A_403 = arith.constant 5 : i32
      %get3A_404 = arith.index_cast %get3A_403 : i32 to index
      %get3A_405 = arith.constant 0 : index
      %get3A_406 = tpu.vector_load %arg8[%get3A_404, %get3A_405] {strides = array<i32>} : memref<8x128xi32, #tpu.memory_space<vmem>>, vector<16xi32>,
      tpu.vector_store_idx %arg16[%get3A_406], %broadcast_in_dim3A_1 {add = true} : memref<10016xf32, #tpu.memory_space<vmem>>[vector<16xi32>], vector<16xf32>,
      %get3A_407 = arith.constant 5 : i32
      %get3A_408 = arith.index_cast %get3A_407 : i32 to index
      %get3A_409 = arith.constant 16 : index
      %get3A_410 = tpu.vector_load %arg8[%get3A_408, %get3A_409] {strides = array<i32>} : memref<8x128xi32, #tpu.memory_space<vmem>>, vector<16xi32>,
      tpu.vector_store_idx %arg16[%get3A_410], %broadcast_in_dim3A_1 {add = true} : memref<10016xf32, #tpu.memory_space<vmem>>[vector<16xi32>], vector<16xf32>,
      %get3A_411 = arith.constant 5 : i32
      %get3A_412 = arith.index_cast %get3A_411 : i32 to index
      %get3A_413 = arith.constant 32 : index
      %get3A_414 = tpu.vector_load %arg8[%get3A_412, %get3A_413] {strides = array<i32>} : memref<8x128xi32, #tpu.memory_space<vmem>>, vector<16xi32>,
      tpu.vector_store_idx %arg16[%get3A_414], %broadcast_in_dim3A_1 {add = true} : memref<10016xf32, #tpu.memory_space<vmem>>[vector<16xi32>], vector<16xf32>,
      %get3A_415 = arith.constant 5 : i32
      %get3A_416 = arith.index_cast %get3A_415 : i32 to index
      %get3A_417 = arith.constant 48 : index
      %get3A_418 = tpu.vector_load %arg8[%get3A_416, %get3A_417] {strides = array<i32>} : memref<8x128xi32, #tpu.memory_space<vmem>>, vector<16xi32>,
      tpu.vector_store_idx %arg16[%get3A_418], %broadcast_in_dim3A_1 {add = true} : memref<10016xf32, #tpu.memory_space<vmem>>[vector<16xi32>], vector<16xf32>,
      %get3A_419 = arith.constant 5 : i32
      %get3A_420 = arith.index_cast %get3A_419 : i32 to index
      %get3A_421 = arith.constant 64 : index
      %get3A_422 = tpu.vector_load %arg8[%get3A_420, %get3A_421] {strides = array<i32>} : memref<8x128xi32, #tpu.memory_space<vmem>>, vector<16xi32>,
      tpu.vector_store_idx %arg16[%get3A_422], %broadcast_in_dim3A_1 {add = true} : memref<10016xf32, #tpu.memory_space<vmem>>[vector<16xi32>], vector<16xf32>,
      %get3A_423 = arith.constant 5 : i32
      %get3A_424 = arith.index_cast %get3A_423 : i32 to index
      %get3A_425 = arith.constant 80 : index
      %get3A_426 = tpu.vector_load %arg8[%get3A_424, %get3A_425] {strides = array<i32>} : memref<8x128xi32, #tpu.memory_space<vmem>>, vector<16xi32>,
      tpu.vector_store_idx %arg16[%get3A_426], %broadcast_in_dim3A_1 {add = true} : memref<10016xf32, #tpu.memory_space<vmem>>[vector<16xi32>], vector<16xf32>,
      %get3A_427 = arith.constant 5 : i32
      %get3A_428 = arith.index_cast %get3A_427 : i32 to index
      %get3A_429 = arith.constant 96 : index
      %get3A_430 = tpu.vector_load %arg8[%get3A_428, %get3A_429] {strides = array<i32>} : memref<8x128xi32, #tpu.memory_space<vmem>>, vector<16xi32>,
      tpu.vector_store_idx %arg16[%get3A_430], %broadcast_in_dim3A_1 {add = true} : memref<10016xf32, #tpu.memory_space<vmem>>[vector<16xi32>], vector<16xf32>,
      %get3A_431 = arith.constant 5 : i32
      %get3A_432 = arith.index_cast %get3A_431 : i32 to index
      %get3A_433 = arith.constant 112 : index
      %get3A_434 = tpu.vector_load %arg8[%get3A_432, %get3A_433] {strides = array<i32>} : memref<8x128xi32, #tpu.memory_space<vmem>>, vector<16xi32>,
      tpu.vector_store_idx %arg16[%get3A_434], %broadcast_in_dim3A_1 {add = true} : memref<10016xf32, #tpu.memory_space<vmem>>[vector<16xi32>], vector<16xf32>,
      %dma_start3A_435 = arith.constant 5 : i32
      %dma_start3A_436 = arith.constant 0 : i32
      %dma_start3A_437 = tpu.memref_slice %arg8[%dma_start3A_435, %dma_start3A_436] : memref<8x128xi32, #tpu.memory_space<vmem>> -> memref<1x128xi32, #tpu.memory_space<vmem>>
      %dma_start3A_438 = tpu.memref_squeeze %dma_start3A_437 : memref<1x128xi32, #tpu.memory_space<vmem>> -> memref<128xi32, #tpu.memory_space<vmem>>
      %dma_start3A_439 = arith.constant 0 : i32
      %dma_start3A_440 = arith.constant 0 : i32
      %dma_start3A_441 = tpu.memref_slice %arg11[%dma_start3A_439, %dma_start3A_440] : memref<10016x128xf32, #tpu.memory_space<vmem_shared>> -> memref<10016x128xf32, #tpu.memory_space<vmem_shared>>
      tpu.enqueue_indirect_dma source(%arg10 : memref<128x128xf32, #tpu.memory_space<vmem>>) target(%dma_start3A_441 : memref<10016x128xf32, #tpu.memory_space<vmem_shared>>) offsets(%dma_start3A_438 : memref<128xi32, #tpu.memory_space<vmem>>) semaphore(%arg15 : memref<!tpu.dma_semaphore, #tpu.memory_space<semaphore_mem>>) {add = true}
      %dma_wait3A_442 = arith.constant 5 : i32
      %dma_wait3A_443 = arith.constant 0 : i32
      %dma_wait3A_444 = tpu.memref_slice %arg8[%dma_wait3A_442, %dma_wait3A_443] : memref<8x128xi32, #tpu.memory_space<vmem>> -> memref<1x128xi32, #tpu.memory_space<vmem>>
      %dma_wait3A_445 = tpu.memref_squeeze %dma_wait3A_444 : memref<1x128xi32, #tpu.memory_space<vmem>> -> memref<128xi32, #tpu.memory_space<vmem>>
      %dma_wait3A_446 = arith.constant 0 : i32
      %dma_wait3A_447 = arith.constant 0 : i32
      %dma_wait3A_448 = tpu.memref_slice %arg11[%dma_wait3A_446, %dma_wait3A_447] : memref<10016x128xf32, #tpu.memory_space<vmem_shared>> -> memref<10016x128xf32, #tpu.memory_space<vmem_shared>>
      tpu.wait_indirect_dma semaphore(%arg15 : memref<!tpu.dma_semaphore, #tpu.memory_space<semaphore_mem>>) src(%arg10 : memref<128x128xf32, #tpu.memory_space<vmem>>) dst(%dma_wait3A_448 : memref<10016x128xf32, #tpu.memory_space<vmem_shared>>)
      %dma_start3A_449 = arith.constant 7 : i32
      %dma_start3A_450 = arith.constant 0 : i32
      %dma_start3A_451 = tpu.memref_slice %arg7[%dma_start3A_449, %dma_start3A_450] : memref<8x128xi32, #tpu.memory_space<vmem>> -> memref<1x128xi32, #tpu.memory_space<vmem>>
      %dma_start3A_452 = tpu.memref_squeeze %dma_start3A_451 : memref<1x128xi32, #tpu.memory_space<vmem>> -> memref<128xi32, #tpu.memory_space<vmem>>
      %dma_start3A_453 = arith.constant 0 : i32
      %dma_start3A_454 = arith.constant 0 : i32
      %dma_start3A_455 = tpu.memref_slice %arg2[%dma_start3A_453, %dma_start3A_454] : memref<10000x128xf32, #tpu.memory_space<hbm>> -> memref<10000x128xf32, #tpu.memory_space<hbm>>
      tpu.enqueue_indirect_dma source(%dma_start3A_455 : memref<10000x128xf32, #tpu.memory_space<hbm>>) target(%arg10 : memref<128x128xf32, #tpu.memory_space<vmem>>) offsets(%dma_start3A_452 : memref<128xi32, #tpu.memory_space<vmem>>) semaphore(%arg13 : memref<!tpu.dma_semaphore, #tpu.memory_space<semaphore_mem>>)
      %dma_wait3A_456 = arith.constant 6 : i32
      %dma_wait3A_457 = arith.constant 0 : i32
      %dma_wait3A_458 = tpu.memref_slice %arg7[%dma_wait3A_456, %dma_wait3A_457] : memref<8x128xi32, #tpu.memory_space<vmem>> -> memref<1x128xi32, #tpu.memory_space<vmem>>
      %dma_wait3A_459 = tpu.memref_squeeze %dma_wait3A_458 : memref<1x128xi32, #tpu.memory_space<vmem>> -> memref<128xi32, #tpu.memory_space<vmem>>
      %dma_wait3A_460 = arith.constant 0 : i32
      %dma_wait3A_461 = arith.constant 0 : i32
      %dma_wait3A_462 = tpu.memref_slice %arg2[%dma_wait3A_460, %dma_wait3A_461] : memref<10000x128xf32, #tpu.memory_space<hbm>> -> memref<10000x128xf32, #tpu.memory_space<hbm>>
      tpu.wait_indirect_dma semaphore(%arg12 : memref<!tpu.dma_semaphore, #tpu.memory_space<semaphore_mem>>) src(%dma_wait3A_462 : memref<10000x128xf32, #tpu.memory_space<hbm>>) dst(%arg9 : memref<128x128xf32, #tpu.memory_space<vmem>>)
      %get3A_463 = arith.constant 6 : i32
      %get3A_464 = arith.index_cast %get3A_463 : i32 to index
      %get3A_465 = arith.constant 0 : index
      %get3A_466 = tpu.vector_load %arg8[%get3A_464, %get3A_465] {strides = array<i32>} : memref<8x128xi32, #tpu.memory_space<vmem>>, vector<16xi32>,
      tpu.vector_store_idx %arg16[%get3A_466], %broadcast_in_dim3A_1 {add = true} : memref<10016xf32, #tpu.memory_space<vmem>>[vector<16xi32>], vector<16xf32>,
      %get3A_467 = arith.constant 6 : i32
      %get3A_468 = arith.index_cast %get3A_467 : i32 to index
      %get3A_469 = arith.constant 16 : index
      %get3A_470 = tpu.vector_load %arg8[%get3A_468, %get3A_469] {strides = array<i32>} : memref<8x128xi32, #tpu.memory_space<vmem>>, vector<16xi32>,
      tpu.vector_store_idx %arg16[%get3A_470], %broadcast_in_dim3A_1 {add = true} : memref<10016xf32, #tpu.memory_space<vmem>>[vector<16xi32>], vector<16xf32>,
      %get3A_471 = arith.constant 6 : i32
      %get3A_472 = arith.index_cast %get3A_471 : i32 to index
      %get3A_473 = arith.constant 32 : index
      %get3A_474 = tpu.vector_load %arg8[%get3A_472, %get3A_473] {strides = array<i32>} : memref<8x128xi32, #tpu.memory_space<vmem>>, vector<16xi32>,
      tpu.vector_store_idx %arg16[%get3A_474], %broadcast_in_dim3A_1 {add = true} : memref<10016xf32, #tpu.memory_space<vmem>>[vector<16xi32>], vector<16xf32>,
      %get3A_475 = arith.constant 6 : i32
      %get3A_476 = arith.index_cast %get3A_475 : i32 to index
      %get3A_477 = arith.constant 48 : index
      %get3A_478 = tpu.vector_load %arg8[%get3A_476, %get3A_477] {strides = array<i32>} : memref<8x128xi32, #tpu.memory_space<vmem>>, vector<16xi32>,
      tpu.vector_store_idx %arg16[%get3A_478], %broadcast_in_dim3A_1 {add = true} : memref<10016xf32, #tpu.memory_space<vmem>>[vector<16xi32>], vector<16xf32>,
      %get3A_479 = arith.constant 6 : i32
      %get3A_480 = arith.index_cast %get3A_479 : i32 to index
      %get3A_481 = arith.constant 64 : index
      %get3A_482 = tpu.vector_load %arg8[%get3A_480, %get3A_481] {strides = array<i32>} : memref<8x128xi32, #tpu.memory_space<vmem>>, vector<16xi32>,
      tpu.vector_store_idx %arg16[%get3A_482], %broadcast_in_dim3A_1 {add = true} : memref<10016xf32, #tpu.memory_space<vmem>>[vector<16xi32>], vector<16xf32>,
      %get3A_483 = arith.constant 6 : i32
      %get3A_484 = arith.index_cast %get3A_483 : i32 to index
      %get3A_485 = arith.constant 80 : index
      %get3A_486 = tpu.vector_load %arg8[%get3A_484, %get3A_485] {strides = array<i32>} : memref<8x128xi32, #tpu.memory_space<vmem>>, vector<16xi32>,
      tpu.vector_store_idx %arg16[%get3A_486], %broadcast_in_dim3A_1 {add = true} : memref<10016xf32, #tpu.memory_space<vmem>>[vector<16xi32>], vector<16xf32>,
      %get3A_487 = arith.constant 6 : i32
      %get3A_488 = arith.index_cast %get3A_487 : i32 to index
      %get3A_489 = arith.constant 96 : index
      %get3A_490 = tpu.vector_load %arg8[%get3A_488, %get3A_489] {strides = array<i32>} : memref<8x128xi32, #tpu.memory_space<vmem>>, vector<16xi32>,
      tpu.vector_store_idx %arg16[%get3A_490], %broadcast_in_dim3A_1 {add = true} : memref<10016xf32, #tpu.memory_space<vmem>>[vector<16xi32>], vector<16xf32>,
      %get3A_491 = arith.constant 6 : i32
      %get3A_492 = arith.index_cast %get3A_491 : i32 to index
      %get3A_493 = arith.constant 112 : index
      %get3A_494 = tpu.vector_load %arg8[%get3A_492, %get3A_493] {strides = array<i32>} : memref<8x128xi32, #tpu.memory_space<vmem>>, vector<16xi32>,
      tpu.vector_store_idx %arg16[%get3A_494], %broadcast_in_dim3A_1 {add = true} : memref<10016xf32, #tpu.memory_space<vmem>>[vector<16xi32>], vector<16xf32>,
      %dma_start3A_495 = arith.constant 6 : i32
      %dma_start3A_496 = arith.constant 0 : i32
      %dma_start3A_497 = tpu.memref_slice %arg8[%dma_start3A_495, %dma_start3A_496] : memref<8x128xi32, #tpu.memory_space<vmem>> -> memref<1x128xi32, #tpu.memory_space<vmem>>
      %dma_start3A_498 = tpu.memref_squeeze %dma_start3A_497 : memref<1x128xi32, #tpu.memory_space<vmem>> -> memref<128xi32, #tpu.memory_space<vmem>>
      %dma_start3A_499 = arith.constant 0 : i32
      %dma_start3A_500 = arith.constant 0 : i32
      %dma_start3A_501 = tpu.memref_slice %arg11[%dma_start3A_499, %dma_start3A_500] : memref<10016x128xf32, #tpu.memory_space<vmem_shared>> -> memref<10016x128xf32, #tpu.memory_space<vmem_shared>>
      tpu.enqueue_indirect_dma source(%arg9 : memref<128x128xf32, #tpu.memory_space<vmem>>) target(%dma_start3A_501 : memref<10016x128xf32, #tpu.memory_space<vmem_shared>>) offsets(%dma_start3A_498 : memref<128xi32, #tpu.memory_space<vmem>>) semaphore(%arg14 : memref<!tpu.dma_semaphore, #tpu.memory_space<semaphore_mem>>) {add = true}
      %dma_wait3A_502 = arith.constant 7 : i32
      %dma_wait3A_503 = arith.constant 0 : i32
      %dma_wait3A_504 = tpu.memref_slice %arg7[%dma_wait3A_502, %dma_wait3A_503] : memref<8x128xi32, #tpu.memory_space<vmem>> -> memref<1x128xi32, #tpu.memory_space<vmem>>
      %dma_wait3A_505 = tpu.memref_squeeze %dma_wait3A_504 : memref<1x128xi32, #tpu.memory_space<vmem>> -> memref<128xi32, #tpu.memory_space<vmem>>
      %dma_wait3A_506 = arith.constant 0 : i32
      %dma_wait3A_507 = arith.constant 0 : i32
      %dma_wait3A_508 = tpu.memref_slice %arg2[%dma_wait3A_506, %dma_wait3A_507] : memref<10000x128xf32, #tpu.memory_space<hbm>> -> memref<10000x128xf32, #tpu.memory_space<hbm>>
      tpu.wait_indirect_dma semaphore(%arg13 : memref<!tpu.dma_semaphore, #tpu.memory_space<semaphore_mem>>) src(%dma_wait3A_508 : memref<10000x128xf32, #tpu.memory_space<hbm>>) dst(%arg10 : memref<128x128xf32, #tpu.memory_space<vmem>>)
      %get3A_509 = arith.constant 7 : i32
      %get3A_510 = arith.index_cast %get3A_509 : i32 to index
      %get3A_511 = arith.constant 0 : index
      %get3A_512 = tpu.vector_load %arg8[%get3A_510, %get3A_511] {strides = array<i32>} : memref<8x128xi32, #tpu.memory_space<vmem>>, vector<16xi32>,
      tpu.vector_store_idx %arg16[%get3A_512], %broadcast_in_dim3A_1 {add = true} : memref<10016xf32, #tpu.memory_space<vmem>>[vector<16xi32>], vector<16xf32>,
      %get3A_513 = arith.constant 7 : i32
      %get3A_514 = arith.index_cast %get3A_513 : i32 to index
      %get3A_515 = arith.constant 16 : index
      %get3A_516 = tpu.vector_load %arg8[%get3A_514, %get3A_515] {strides = array<i32>} : memref<8x128xi32, #tpu.memory_space<vmem>>, vector<16xi32>,
      tpu.vector_store_idx %arg16[%get3A_516], %broadcast_in_dim3A_1 {add = true} : memref<10016xf32, #tpu.memory_space<vmem>>[vector<16xi32>], vector<16xf32>,
      %get3A_517 = arith.constant 7 : i32
      %get3A_518 = arith.index_cast %get3A_517 : i32 to index
      %get3A_519 = arith.constant 32 : index
      %get3A_520 = tpu.vector_load %arg8[%get3A_518, %get3A_519] {strides = array<i32>} : memref<8x128xi32, #tpu.memory_space<vmem>>, vector<16xi32>,
      tpu.vector_store_idx %arg16[%get3A_520], %broadcast_in_dim3A_1 {add = true} : memref<10016xf32, #tpu.memory_space<vmem>>[vector<16xi32>], vector<16xf32>,
      %get3A_521 = arith.constant 7 : i32
      %get3A_522 = arith.index_cast %get3A_521 : i32 to index
      %get3A_523 = arith.constant 48 : index
      %get3A_524 = tpu.vector_load %arg8[%get3A_522, %get3A_523] {strides = array<i32>} : memref<8x128xi32, #tpu.memory_space<vmem>>, vector<16xi32>,
      tpu.vector_store_idx %arg16[%get3A_524], %broadcast_in_dim3A_1 {add = true} : memref<10016xf32, #tpu.memory_space<vmem>>[vector<16xi32>], vector<16xf32>,
      %get3A_525 = arith.constant 7 : i32
      %get3A_526 = arith.index_cast %get3A_525 : i32 to index
      %get3A_527 = arith.constant 64 : index
      %get3A_528 = tpu.vector_load %arg8[%get3A_526, %get3A_527] {strides = array<i32>} : memref<8x128xi32, #tpu.memory_space<vmem>>, vector<16xi32>,
      tpu.vector_store_idx %arg16[%get3A_528], %broadcast_in_dim3A_1 {add = true} : memref<10016xf32, #tpu.memory_space<vmem>>[vector<16xi32>], vector<16xf32>,
      %get3A_529 = arith.constant 7 : i32
      %get3A_530 = arith.index_cast %get3A_529 : i32 to index
      %get3A_531 = arith.constant 80 : index
      %get3A_532 = tpu.vector_load %arg8[%get3A_530, %get3A_531] {strides = array<i32>} : memref<8x128xi32, #tpu.memory_space<vmem>>, vector<16xi32>,
      tpu.vector_store_idx %arg16[%get3A_532], %broadcast_in_dim3A_1 {add = true} : memref<10016xf32, #tpu.memory_space<vmem>>[vector<16xi32>], vector<16xf32>,
      %get3A_533 = arith.constant 7 : i32
      %get3A_534 = arith.index_cast %get3A_533 : i32 to index
      %get3A_535 = arith.constant 96 : index
      %get3A_536 = tpu.vector_load %arg8[%get3A_534, %get3A_535] {strides = array<i32>} : memref<8x128xi32, #tpu.memory_space<vmem>>, vector<16xi32>,
      tpu.vector_store_idx %arg16[%get3A_536], %broadcast_in_dim3A_1 {add = true} : memref<10016xf32, #tpu.memory_space<vmem>>[vector<16xi32>], vector<16xf32>,
      %get3A_537 = arith.constant 7 : i32
      %get3A_538 = arith.index_cast %get3A_537 : i32 to index
      %get3A_539 = arith.constant 112 : index
      %get3A_540 = tpu.vector_load %arg8[%get3A_538, %get3A_539] {strides = array<i32>} : memref<8x128xi32, #tpu.memory_space<vmem>>, vector<16xi32>,
      tpu.vector_store_idx %arg16[%get3A_540], %broadcast_in_dim3A_1 {add = true} : memref<10016xf32, #tpu.memory_space<vmem>>[vector<16xi32>], vector<16xf32>,
      %dma_start3A_541 = arith.constant 7 : i32
      %dma_start3A_542 = arith.constant 0 : i32
      %dma_start3A_543 = tpu.memref_slice %arg8[%dma_start3A_541, %dma_start3A_542] : memref<8x128xi32, #tpu.memory_space<vmem>> -> memref<1x128xi32, #tpu.memory_space<vmem>>
      %dma_start3A_544 = tpu.memref_squeeze %dma_start3A_543 : memref<1x128xi32, #tpu.memory_space<vmem>> -> memref<128xi32, #tpu.memory_space<vmem>>
      %dma_start3A_545 = arith.constant 0 : i32
      %dma_start3A_546 = arith.constant 0 : i32
      %dma_start3A_547 = tpu.memref_slice %arg11[%dma_start3A_545, %dma_start3A_546] : memref<10016x128xf32, #tpu.memory_space<vmem_shared>> -> memref<10016x128xf32, #tpu.memory_space<vmem_shared>>
      tpu.enqueue_indirect_dma source(%arg10 : memref<128x128xf32, #tpu.memory_space<vmem>>) target(%dma_start3A_547 : memref<10016x128xf32, #tpu.memory_space<vmem_shared>>) offsets(%dma_start3A_544 : memref<128xi32, #tpu.memory_space<vmem>>) semaphore(%arg15 : memref<!tpu.dma_semaphore, #tpu.memory_space<semaphore_mem>>) {add = true}
      %dma_wait3A_548 = arith.constant 6 : i32
      %dma_wait3A_549 = arith.constant 0 : i32
      %dma_wait3A_550 = tpu.memref_slice %arg8[%dma_wait3A_548, %dma_wait3A_549] : memref<8x128xi32, #tpu.memory_space<vmem>> -> memref<1x128xi32, #tpu.memory_space<vmem>>
      %dma_wait3A_551 = tpu.memref_squeeze %dma_wait3A_550 : memref<1x128xi32, #tpu.memory_space<vmem>> -> memref<128xi32, #tpu.memory_space<vmem>>
      %dma_wait3A_552 = arith.constant 0 : i32
      %dma_wait3A_553 = arith.constant 0 : i32
      %dma_wait3A_554 = tpu.memref_slice %arg11[%dma_wait3A_552, %dma_wait3A_553] : memref<10016x128xf32, #tpu.memory_space<vmem_shared>> -> memref<10016x128xf32, #tpu.memory_space<vmem_shared>>
      tpu.wait_indirect_dma semaphore(%arg14 : memref<!tpu.dma_semaphore, #tpu.memory_space<semaphore_mem>>) src(%arg9 : memref<128x128xf32, #tpu.memory_space<vmem>>) dst(%dma_wait3A_554 : memref<10016x128xf32, #tpu.memory_space<vmem_shared>>)
      %dma_wait3A_555 = arith.constant 7 : i32
      %dma_wait3A_556 = arith.constant 0 : i32
      %dma_wait3A_557 = tpu.memref_slice %arg8[%dma_wait3A_555, %dma_wait3A_556] : memref<8x128xi32, #tpu.memory_space<vmem>> -> memref<1x128xi32, #tpu.memory_space<vmem>>
      %dma_wait3A_558 = tpu.memref_squeeze %dma_wait3A_557 : memref<1x128xi32, #tpu.memory_space<vmem>> -> memref<128xi32, #tpu.memory_space<vmem>>
      %dma_wait3A_559 = arith.constant 0 : i32
      %dma_wait3A_560 = arith.constant 0 : i32
      %dma_wait3A_561 = tpu.memref_slice %arg11[%dma_wait3A_559, %dma_wait3A_560] : memref<10016x128xf32, #tpu.memory_space<vmem_shared>> -> memref<10016x128xf32, #tpu.memory_space<vmem_shared>>
      tpu.wait_indirect_dma semaphore(%arg15 : memref<!tpu.dma_semaphore, #tpu.memory_space<semaphore_mem>>) src(%arg10 : memref<128x128xf32, #tpu.memory_space<vmem>>) dst(%dma_wait3A_561 : memref<10016x128xf32, #tpu.memory_space<vmem_shared>>)
      %scan3A_562 = arith.constant 0 : i32
      scf.yield %scan3A_562 : i32
    }
    %scan3A_37 = arith.constant 10 : i32
    %barrier3A_38 = arith.constant 0 : index
    tpu.barrier barrier_id(%barrier3A_38)
    %mul3A_39 = arith.constant 625 : i32
    %mul3A_40 = arith.muli %arg1, %mul3A_39 : i32
    %add3A_41 = arith.constant 0 : i32
    %add3A_42 = arith.addi %mul3A_40, %add3A_41 : i32
    "tpu.region"() ({
      %run_scoped3A = tpu.sem_alloc : memref<!tpu.dma_semaphore, #tpu.memory_space<semaphore_mem>>
      %dma_start3A = arith.constant 0 : i32
      %dma_start3A_78 = arith.constant 0 : i32
      %dma_start3A_79 = tpu.memref_slice %arg9[%dma_start3A, %dma_start3A_78] : memref<128x128xf32, #tpu.memory_space<vmem>> -> memref<125x128xf32, #tpu.memory_space<vmem>>
      %dma_start3A_80 = arith.constant 0 : i32
      %dma_start3A_81 = tpu.memref_slice %arg11[%add3A_42, %dma_start3A_80] : memref<10016x128xf32, #tpu.memory_space<vmem_shared>> -> memref<125x128xf32, #tpu.memory_space<vmem_shared>>
      %dma_start3A_82 = arith.constant 0 : i32
      %dma_start3A_83 = arith.constant 0 : i32
      %dma_start3A_84 = tpu.memref_slice %arg9[%dma_start3A_82, %dma_start3A_83] : memref<128x128xf32, #tpu.memory_space<vmem>> -> memref<125x128xf32, #tpu.memory_space<vmem>>
      %dma_start3A_85 = arith.constant 0 : i32
      %dma_start3A_86 = tpu.memref_slice %arg11[%add3A_42, %dma_start3A_85] : memref<10016x128xf32, #tpu.memory_space<vmem_shared>> -> memref<125x128xf32, #tpu.memory_space<vmem_shared>>
      tpu.enqueue_dma source(%dma_start3A_86 : memref<125x128xf32, #tpu.memory_space<vmem_shared>>) target(%dma_start3A_84 : memref<125x128xf32, #tpu.memory_space<vmem>>) target_semaphore(%run_scoped3A : memref<!tpu.dma_semaphore, #tpu.memory_space<semaphore_mem>>)
      %dma_wait3A = arith.constant 0 : i32
      %dma_wait3A_87 = arith.constant 0 : i32
      %dma_wait3A_88 = tpu.memref_slice %arg9[%dma_wait3A, %dma_wait3A_87] : memref<128x128xf32, #tpu.memory_space<vmem>> -> memref<125x128xf32, #tpu.memory_space<vmem>>
      %dma_wait3A_89 = arith.constant 0 : i32
      %dma_wait3A_90 = tpu.memref_slice %arg11[%add3A_42, %dma_wait3A_89] : memref<10016x128xf32, #tpu.memory_space<vmem_shared>> -> memref<125x128xf32, #tpu.memory_space<vmem_shared>>
      %dma_wait3A_91 = arith.constant 0 : i32
      %dma_wait3A_92 = arith.constant 0 : i32
      %dma_wait3A_93 = tpu.memref_slice %arg9[%dma_wait3A_91, %dma_wait3A_92] : memref<128x128xf32, #tpu.memory_space<vmem>> -> memref<125x128xf32, #tpu.memory_space<vmem>>
      %dma_wait3A_94 = arith.constant 0 : i32
      %dma_wait3A_95 = tpu.memref_slice %arg11[%add3A_42, %dma_wait3A_94] : memref<10016x128xf32, #tpu.memory_space<vmem_shared>> -> memref<125x128xf32, #tpu.memory_space<vmem_shared>>
      tpu.wait_dma2 semaphore(%run_scoped3A : memref<!tpu.dma_semaphore, #tpu.memory_space<semaphore_mem>>) src(%dma_wait3A_95 : memref<125x128xf32, #tpu.memory_space<vmem_shared>>) dst(%dma_wait3A_93 : memref<125x128xf32, #tpu.memory_space<vmem>>)
      tpu.yield
    }) : () -> ()
    %mul3A_43 = arith.constant 10000 : i32
    %mul3A_44 = arith.muli %arg0, %mul3A_43 : i32
    %add3A_45 = arith.addi %mul3A_44, %mul3A_40 : i32
    %add3A_46 = arith.constant 0 : i32
    %add3A_47 = arith.addi %add3A_45, %add3A_46 : i32
    "tpu.region"() ({
      %run_scoped3A = tpu.sem_alloc : memref<!tpu.dma_semaphore, #tpu.memory_space<semaphore_mem>>
      %dma_start3A = arith.constant 0 : i32
      %dma_start3A_78 = arith.constant 0 : i32
      %dma_start3A_79 = tpu.memref_slice %arg9[%dma_start3A, %dma_start3A_78] : memref<128x128xf32, #tpu.memory_space<vmem>> -> memref<125x128xf32, #tpu.memory_space<vmem>>
      %dma_start3A_80 = arith.constant 0 : i32
      %dma_start3A_81 = tpu.memref_slice %arg5[%add3A_47, %dma_start3A_80] : memref<20000x128xf32, #tpu.memory_space<hbm>> -> memref<125x128xf32, #tpu.memory_space<hbm>>
      %dma_start3A_82 = arith.constant 0 : i32
      %dma_start3A_83 = tpu.memref_slice %arg5[%add3A_47, %dma_start3A_82] : memref<20000x128xf32, #tpu.memory_space<hbm>> -> memref<125x128xf32, #tpu.memory_space<hbm>>
      %dma_start3A_84 = arith.constant 0 : i32
      %dma_start3A_85 = arith.constant 0 : i32
      %dma_start3A_86 = tpu.memref_slice %arg9[%dma_start3A_84, %dma_start3A_85] : memref<128x128xf32, #tpu.memory_space<vmem>> -> memref<125x128xf32, #tpu.memory_space<vmem>>
      tpu.enqueue_dma source(%dma_start3A_86 : memref<125x128xf32, #tpu.memory_space<vmem>>) target(%dma_start3A_83 : memref<125x128xf32, #tpu.memory_space<hbm>>) target_semaphore(%run_scoped3A : memref<!tpu.dma_semaphore, #tpu.memory_space<semaphore_mem>>)
      %dma_wait3A = arith.constant 0 : i32
      %dma_wait3A_87 = arith.constant 0 : i32
      %dma_wait3A_88 = tpu.memref_slice %arg9[%dma_wait3A, %dma_wait3A_87] : memref<128x128xf32, #tpu.memory_space<vmem>> -> memref<125x128xf32, #tpu.memory_space<vmem>>
      %dma_wait3A_89 = arith.constant 0 : i32
      %dma_wait3A_90 = tpu.memref_slice %arg5[%add3A_47, %dma_wait3A_89] : memref<20000x128xf32, #tpu.memory_space<hbm>> -> memref<125x128xf32, #tpu.memory_space<hbm>>
      %dma_wait3A_91 = arith.constant 0 : i32
      %dma_wait3A_92 = tpu.memref_slice %arg5[%add3A_47, %dma_wait3A_91] : memref<20000x128xf32, #tpu.memory_space<hbm>> -> memref<125x128xf32, #tpu.memory_space<hbm>>
      %dma_wait3A_93 = arith.constant 0 : i32
      %dma_wait3A_94 = arith.constant 0 : i32
      %dma_wait3A_95 = tpu.memref_slice %arg9[%dma_wait3A_93, %dma_wait3A_94] : memref<128x128xf32, #tpu.memory_space<vmem>> -> memref<125x128xf32, #tpu.memory_space<vmem>>
      tpu.wait_dma2 semaphore(%run_scoped3A : memref<!tpu.dma_semaphore, #tpu.memory_space<semaphore_mem>>) src(%dma_wait3A_95 : memref<125x128xf32, #tpu.memory_space<vmem>>) dst(%dma_wait3A_92 : memref<125x128xf32, #tpu.memory_space<hbm>>)
      tpu.yield
    }) : () -> ()
    %add3A_48 = arith.constant 125 : i32
    %add3A_49 = arith.addi %mul3A_40, %add3A_48 : i32
    "tpu.region"() ({
      %run_scoped3A = tpu.sem_alloc : memref<!tpu.dma_semaphore, #tpu.memory_space<semaphore_mem>>
      %dma_start3A = arith.constant 0 : i32
      %dma_start3A_78 = arith.constant 0 : i32
      %dma_start3A_79 = tpu.memref_slice %arg9[%dma_start3A, %dma_start3A_78] : memref<128x128xf32, #tpu.memory_space<vmem>> -> memref<125x128xf32, #tpu.memory_space<vmem>>
      %dma_start3A_80 = arith.constant 0 : i32
      %dma_start3A_81 = tpu.memref_slice %arg11[%add3A_49, %dma_start3A_80] : memref<10016x128xf32, #tpu.memory_space<vmem_shared>> -> memref<125x128xf32, #tpu.memory_space<vmem_shared>>
      %dma_start3A_82 = arith.constant 0 : i32
      %dma_start3A_83 = arith.constant 0 : i32
      %dma_start3A_84 = tpu.memref_slice %arg9[%dma_start3A_82, %dma_start3A_83] : memref<128x128xf32, #tpu.memory_space<vmem>> -> memref<125x128xf32, #tpu.memory_space<vmem>>
      %dma_start3A_85 = arith.constant 0 : i32
      %dma_start3A_86 = tpu.memref_slice %arg11[%add3A_49, %dma_start3A_85] : memref<10016x128xf32, #tpu.memory_space<vmem_shared>> -> memref<125x128xf32, #tpu.memory_space<vmem_shared>>
      tpu.enqueue_dma source(%dma_start3A_86 : memref<125x128xf32, #tpu.memory_space<vmem_shared>>) target(%dma_start3A_84 : memref<125x128xf32, #tpu.memory_space<vmem>>) target_semaphore(%run_scoped3A : memref<!tpu.dma_semaphore, #tpu.memory_space<semaphore_mem>>)
      %dma_wait3A = arith.constant 0 : i32
      %dma_wait3A_87 = arith.constant 0 : i32
      %dma_wait3A_88 = tpu.memref_slice %arg9[%dma_wait3A, %dma_wait3A_87] : memref<128x128xf32, #tpu.memory_space<vmem>> -> memref<125x128xf32, #tpu.memory_space<vmem>>
      %dma_wait3A_89 = arith.constant 0 : i32
      %dma_wait3A_90 = tpu.memref_slice %arg11[%add3A_49, %dma_wait3A_89] : memref<10016x128xf32, #tpu.memory_space<vmem_shared>> -> memref<125x128xf32, #tpu.memory_space<vmem_shared>>
      %dma_wait3A_91 = arith.constant 0 : i32
      %dma_wait3A_92 = arith.constant 0 : i32
      %dma_wait3A_93 = tpu.memref_slice %arg9[%dma_wait3A_91, %dma_wait3A_92] : memref<128x128xf32, #tpu.memory_space<vmem>> -> memref<125x128xf32, #tpu.memory_space<vmem>>
      %dma_wait3A_94 = arith.constant 0 : i32
      %dma_wait3A_95 = tpu.memref_slice %arg11[%add3A_49, %dma_wait3A_94] : memref<10016x128xf32, #tpu.memory_space<vmem_shared>> -> memref<125x128xf32, #tpu.memory_space<vmem_shared>>
      tpu.wait_dma2 semaphore(%run_scoped3A : memref<!tpu.dma_semaphore, #tpu.memory_space<semaphore_mem>>) src(%dma_wait3A_95 : memref<125x128xf32, #tpu.memory_space<vmem_shared>>) dst(%dma_wait3A_93 : memref<125x128xf32, #tpu.memory_space<vmem>>)
      tpu.yield
    }) : () -> ()
    %mul3A_50 = arith.constant 10000 : i32
    %mul3A_51 = arith.muli %arg0, %mul3A_50 : i32
    %add3A_52 = arith.addi %mul3A_51, %mul3A_40 : i32
    %add3A_53 = arith.constant 125 : i32
    %add3A_54 = arith.addi %add3A_52, %add3A_53 : i32
    "tpu.region"() ({
      %run_scoped3A = tpu.sem_alloc : memref<!tpu.dma_semaphore, #tpu.memory_space<semaphore_mem>>
      %dma_start3A = arith.constant 0 : i32
      %dma_start3A_78 = arith.constant 0 : i32
      %dma_start3A_79 = tpu.memref_slice %arg9[%dma_start3A, %dma_start3A_78] : memref<128x128xf32, #tpu.memory_space<vmem>> -> memref<125x128xf32, #tpu.memory_space<vmem>>
      %dma_start3A_80 = arith.constant 0 : i32
      %dma_start3A_81 = tpu.memref_slice %arg5[%add3A_54, %dma_start3A_80] : memref<20000x128xf32, #tpu.memory_space<hbm>> -> memref<125x128xf32, #tpu.memory_space<hbm>>
      %dma_start3A_82 = arith.constant 0 : i32
      %dma_start3A_83 = tpu.memref_slice %arg5[%add3A_54, %dma_start3A_82] : memref<20000x128xf32, #tpu.memory_space<hbm>> -> memref<125x128xf32, #tpu.memory_space<hbm>>
      %dma_start3A_84 = arith.constant 0 : i32
      %dma_start3A_85 = arith.constant 0 : i32
      %dma_start3A_86 = tpu.memref_slice %arg9[%dma_start3A_84, %dma_start3A_85] : memref<128x128xf32, #tpu.memory_space<vmem>> -> memref<125x128xf32, #tpu.memory_space<vmem>>
      tpu.enqueue_dma source(%dma_start3A_86 : memref<125x128xf32, #tpu.memory_space<vmem>>) target(%dma_start3A_83 : memref<125x128xf32, #tpu.memory_space<hbm>>) target_semaphore(%run_scoped3A : memref<!tpu.dma_semaphore, #tpu.memory_space<semaphore_mem>>)
      %dma_wait3A = arith.constant 0 : i32
      %dma_wait3A_87 = arith.constant 0 : i32
      %dma_wait3A_88 = tpu.memref_slice %arg9[%dma_wait3A, %dma_wait3A_87] : memref<128x128xf32, #tpu.memory_space<vmem>> -> memref<125x128xf32, #tpu.memory_space<vmem>>
      %dma_wait3A_89 = arith.constant 0 : i32
      %dma_wait3A_90 = tpu.memref_slice %arg5[%add3A_54, %dma_wait3A_89] : memref<20000x128xf32, #tpu.memory_space<hbm>> -> memref<125x128xf32, #tpu.memory_space<hbm>>
      %dma_wait3A_91 = arith.constant 0 : i32
      %dma_wait3A_92 = tpu.memref_slice %arg5[%add3A_54, %dma_wait3A_91] : memref<20000x128xf32, #tpu.memory_space<hbm>> -> memref<125x128xf32, #tpu.memory_space<hbm>>
      %dma_wait3A_93 = arith.constant 0 : i32
      %dma_wait3A_94 = arith.constant 0 : i32
      %dma_wait3A_95 = tpu.memref_slice %arg9[%dma_wait3A_93, %dma_wait3A_94] : memref<128x128xf32, #tpu.memory_space<vmem>> -> memref<125x128xf32, #tpu.memory_space<vmem>>
      tpu.wait_dma2 semaphore(%run_scoped3A : memref<!tpu.dma_semaphore, #tpu.memory_space<semaphore_mem>>) src(%dma_wait3A_95 : memref<125x128xf32, #tpu.memory_space<vmem>>) dst(%dma_wait3A_92 : memref<125x128xf32, #tpu.memory_space<hbm>>)
      tpu.yield
    }) : () -> ()
    %add3A_55 = arith.constant 250 : i32
    %add3A_56 = arith.addi %mul3A_40, %add3A_55 : i32
    "tpu.region"() ({
      %run_scoped3A = tpu.sem_alloc : memref<!tpu.dma_semaphore, #tpu.memory_space<semaphore_mem>>
      %dma_start3A = arith.constant 0 : i32
      %dma_start3A_78 = arith.constant 0 : i32
      %dma_start3A_79 = tpu.memref_slice %arg9[%dma_start3A, %dma_start3A_78] : memref<128x128xf32, #tpu.memory_space<vmem>> -> memref<125x128xf32, #tpu.memory_space<vmem>>
      %dma_start3A_80 = arith.constant 0 : i32
      %dma_start3A_81 = tpu.memref_slice %arg11[%add3A_56, %dma_start3A_80] : memref<10016x128xf32, #tpu.memory_space<vmem_shared>> -> memref<125x128xf32, #tpu.memory_space<vmem_shared>>
      %dma_start3A_82 = arith.constant 0 : i32
      %dma_start3A_83 = arith.constant 0 : i32
      %dma_start3A_84 = tpu.memref_slice %arg9[%dma_start3A_82, %dma_start3A_83] : memref<128x128xf32, #tpu.memory_space<vmem>> -> memref<125x128xf32, #tpu.memory_space<vmem>>
      %dma_start3A_85 = arith.constant 0 : i32
      %dma_start3A_86 = tpu.memref_slice %arg11[%add3A_56, %dma_start3A_85] : memref<10016x128xf32, #tpu.memory_space<vmem_shared>> -> memref<125x128xf32, #tpu.memory_space<vmem_shared>>
      tpu.enqueue_dma source(%dma_start3A_86 : memref<125x128xf32, #tpu.memory_space<vmem_shared>>) target(%dma_start3A_84 : memref<125x128xf32, #tpu.memory_space<vmem>>) target_semaphore(%run_scoped3A : memref<!tpu.dma_semaphore, #tpu.memory_space<semaphore_mem>>)
      %dma_wait3A = arith.constant 0 : i32
      %dma_wait3A_87 = arith.constant 0 : i32
      %dma_wait3A_88 = tpu.memref_slice %arg9[%dma_wait3A, %dma_wait3A_87] : memref<128x128xf32, #tpu.memory_space<vmem>> -> memref<125x128xf32, #tpu.memory_space<vmem>>
      %dma_wait3A_89 = arith.constant 0 : i32
      %dma_wait3A_90 = tpu.memref_slice %arg11[%add3A_56, %dma_wait3A_89] : memref<10016x128xf32, #tpu.memory_space<vmem_shared>> -> memref<125x128xf32, #tpu.memory_space<vmem_shared>>
      %dma_wait3A_91 = arith.constant 0 : i32
      %dma_wait3A_92 = arith.constant 0 : i32
      %dma_wait3A_93 = tpu.memref_slice %arg9[%dma_wait3A_91, %dma_wait3A_92] : memref<128x128xf32, #tpu.memory_space<vmem>> -> memref<125x128xf32, #tpu.memory_space<vmem>>
      %dma_wait3A_94 = arith.constant 0 : i32
      %dma_wait3A_95 = tpu.memref_slice %arg11[%add3A_56, %dma_wait3A_94] : memref<10016x128xf32, #tpu.memory_space<vmem_shared>> -> memref<125x128xf32, #tpu.memory_space<vmem_shared>>
      tpu.wait_dma2 semaphore(%run_scoped3A : memref<!tpu.dma_semaphore, #tpu.memory_space<semaphore_mem>>) src(%dma_wait3A_95 : memref<125x128xf32, #tpu.memory_space<vmem_shared>>) dst(%dma_wait3A_93 : memref<125x128xf32, #tpu.memory_space<vmem>>)
      tpu.yield
    }) : () -> ()
    %mul3A_57 = arith.constant 10000 : i32
    %mul3A_58 = arith.muli %arg0, %mul3A_57 : i32
    %add3A_59 = arith.addi %mul3A_58, %mul3A_40 : i32
    %add3A_60 = arith.constant 250 : i32
    %add3A_61 = arith.addi %add3A_59, %add3A_60 : i32
    "tpu.region"() ({
      %run_scoped3A = tpu.sem_alloc : memref<!tpu.dma_semaphore, #tpu.memory_space<semaphore_mem>>
      %dma_start3A = arith.constant 0 : i32
      %dma_start3A_78 = arith.constant 0 : i32
      %dma_start3A_79 = tpu.memref_slice %arg9[%dma_start3A, %dma_start3A_78] : memref<128x128xf32, #tpu.memory_space<vmem>> -> memref<125x128xf32, #tpu.memory_space<vmem>>
      %dma_start3A_80 = arith.constant 0 : i32
      %dma_start3A_81 = tpu.memref_slice %arg5[%add3A_61, %dma_start3A_80] : memref<20000x128xf32, #tpu.memory_space<hbm>> -> memref<125x128xf32, #tpu.memory_space<hbm>>
      %dma_start3A_82 = arith.constant 0 : i32
      %dma_start3A_83 = tpu.memref_slice %arg5[%add3A_61, %dma_start3A_82] : memref<20000x128xf32, #tpu.memory_space<hbm>> -> memref<125x128xf32, #tpu.memory_space<hbm>>
      %dma_start3A_84 = arith.constant 0 : i32
      %dma_start3A_85 = arith.constant 0 : i32
      %dma_start3A_86 = tpu.memref_slice %arg9[%dma_start3A_84, %dma_start3A_85] : memref<128x128xf32, #tpu.memory_space<vmem>> -> memref<125x128xf32, #tpu.memory_space<vmem>>
      tpu.enqueue_dma source(%dma_start3A_86 : memref<125x128xf32, #tpu.memory_space<vmem>>) target(%dma_start3A_83 : memref<125x128xf32, #tpu.memory_space<hbm>>) target_semaphore(%run_scoped3A : memref<!tpu.dma_semaphore, #tpu.memory_space<semaphore_mem>>)
      %dma_wait3A = arith.constant 0 : i32
      %dma_wait3A_87 = arith.constant 0 : i32
      %dma_wait3A_88 = tpu.memref_slice %arg9[%dma_wait3A, %dma_wait3A_87] : memref<128x128xf32, #tpu.memory_space<vmem>> -> memref<125x128xf32, #tpu.memory_space<vmem>>
      %dma_wait3A_89 = arith.constant 0 : i32
      %dma_wait3A_90 = tpu.memref_slice %arg5[%add3A_61, %dma_wait3A_89] : memref<20000x128xf32, #tpu.memory_space<hbm>> -> memref<125x128xf32, #tpu.memory_space<hbm>>
      %dma_wait3A_91 = arith.constant 0 : i32
      %dma_wait3A_92 = tpu.memref_slice %arg5[%add3A_61, %dma_wait3A_91] : memref<20000x128xf32, #tpu.memory_space<hbm>> -> memref<125x128xf32, #tpu.memory_space<hbm>>
      %dma_wait3A_93 = arith.constant 0 : i32
      %dma_wait3A_94 = arith.constant 0 : i32
      %dma_wait3A_95 = tpu.memref_slice %arg9[%dma_wait3A_93, %dma_wait3A_94] : memref<128x128xf32, #tpu.memory_space<vmem>> -> memref<125x128xf32, #tpu.memory_space<vmem>>
      tpu.wait_dma2 semaphore(%run_scoped3A : memref<!tpu.dma_semaphore, #tpu.memory_space<semaphore_mem>>) src(%dma_wait3A_95 : memref<125x128xf32, #tpu.memory_space<vmem>>) dst(%dma_wait3A_92 : memref<125x128xf32, #tpu.memory_space<hbm>>)
      tpu.yield
    }) : () -> ()
    %add3A_62 = arith.constant 375 : i32
    %add3A_63 = arith.addi %mul3A_40, %add3A_62 : i32
    "tpu.region"() ({
      %run_scoped3A = tpu.sem_alloc : memref<!tpu.dma_semaphore, #tpu.memory_space<semaphore_mem>>
      %dma_start3A = arith.constant 0 : i32
      %dma_start3A_78 = arith.constant 0 : i32
      %dma_start3A_79 = tpu.memref_slice %arg9[%dma_start3A, %dma_start3A_78] : memref<128x128xf32, #tpu.memory_space<vmem>> -> memref<125x128xf32, #tpu.memory_space<vmem>>
      %dma_start3A_80 = arith.constant 0 : i32
      %dma_start3A_81 = tpu.memref_slice %arg11[%add3A_63, %dma_start3A_80] : memref<10016x128xf32, #tpu.memory_space<vmem_shared>> -> memref<125x128xf32, #tpu.memory_space<vmem_shared>>
      %dma_start3A_82 = arith.constant 0 : i32
      %dma_start3A_83 = arith.constant 0 : i32
      %dma_start3A_84 = tpu.memref_slice %arg9[%dma_start3A_82, %dma_start3A_83] : memref<128x128xf32, #tpu.memory_space<vmem>> -> memref<125x128xf32, #tpu.memory_space<vmem>>
      %dma_start3A_85 = arith.constant 0 : i32
      %dma_start3A_86 = tpu.memref_slice %arg11[%add3A_63, %dma_start3A_85] : memref<10016x128xf32, #tpu.memory_space<vmem_shared>> -> memref<125x128xf32, #tpu.memory_space<vmem_shared>>
      tpu.enqueue_dma source(%dma_start3A_86 : memref<125x128xf32, #tpu.memory_space<vmem_shared>>) target(%dma_start3A_84 : memref<125x128xf32, #tpu.memory_space<vmem>>) target_semaphore(%run_scoped3A : memref<!tpu.dma_semaphore, #tpu.memory_space<semaphore_mem>>)
      %dma_wait3A = arith.constant 0 : i32
      %dma_wait3A_87 = arith.constant 0 : i32
      %dma_wait3A_88 = tpu.memref_slice %arg9[%dma_wait3A, %dma_wait3A_87] : memref<128x128xf32, #tpu.memory_space<vmem>> -> memref<125x128xf32, #tpu.memory_space<vmem>>
      %dma_wait3A_89 = arith.constant 0 : i32
      %dma_wait3A_90 = tpu.memref_slice %arg11[%add3A_63, %dma_wait3A_89] : memref<10016x128xf32, #tpu.memory_space<vmem_shared>> -> memref<125x128xf32, #tpu.memory_space<vmem_shared>>
      %dma_wait3A_91 = arith.constant 0 : i32
      %dma_wait3A_92 = arith.constant 0 : i32
      %dma_wait3A_93 = tpu.memref_slice %arg9[%dma_wait3A_91, %dma_wait3A_92] : memref<128x128xf32, #tpu.memory_space<vmem>> -> memref<125x128xf32, #tpu.memory_space<vmem>>
      %dma_wait3A_94 = arith.constant 0 : i32
      %dma_wait3A_95 = tpu.memref_slice %arg11[%add3A_63, %dma_wait3A_94] : memref<10016x128xf32, #tpu.memory_space<vmem_shared>> -> memref<125x128xf32, #tpu.memory_space<vmem_shared>>
      tpu.wait_dma2 semaphore(%run_scoped3A : memref<!tpu.dma_semaphore, #tpu.memory_space<semaphore_mem>>) src(%dma_wait3A_95 : memref<125x128xf32, #tpu.memory_space<vmem_shared>>) dst(%dma_wait3A_93 : memref<125x128xf32, #tpu.memory_space<vmem>>)
      tpu.yield
    }) : () -> ()
    %mul3A_64 = arith.constant 10000 : i32
    %mul3A_65 = arith.muli %arg0, %mul3A_64 : i32
    %add3A_66 = arith.addi %mul3A_65, %mul3A_40 : i32
    %add3A_67 = arith.constant 375 : i32
    %add3A_68 = arith.addi %add3A_66, %add3A_67 : i32
    "tpu.region"() ({
      %run_scoped3A = tpu.sem_alloc : memref<!tpu.dma_semaphore, #tpu.memory_space<semaphore_mem>>
      %dma_start3A = arith.constant 0 : i32
      %dma_start3A_78 = arith.constant 0 : i32
      %dma_start3A_79 = tpu.memref_slice %arg9[%dma_start3A, %dma_start3A_78] : memref<128x128xf32, #tpu.memory_space<vmem>> -> memref<125x128xf32, #tpu.memory_space<vmem>>
      %dma_start3A_80 = arith.constant 0 : i32
      %dma_start3A_81 = tpu.memref_slice %arg5[%add3A_68, %dma_start3A_80] : memref<20000x128xf32, #tpu.memory_space<hbm>> -> memref<125x128xf32, #tpu.memory_space<hbm>>
      %dma_start3A_82 = arith.constant 0 : i32
      %dma_start3A_83 = tpu.memref_slice %arg5[%add3A_68, %dma_start3A_82] : memref<20000x128xf32, #tpu.memory_space<hbm>> -> memref<125x128xf32, #tpu.memory_space<hbm>>
      %dma_start3A_84 = arith.constant 0 : i32
      %dma_start3A_85 = arith.constant 0 : i32
      %dma_start3A_86 = tpu.memref_slice %arg9[%dma_start3A_84, %dma_start3A_85] : memref<128x128xf32, #tpu.memory_space<vmem>> -> memref<125x128xf32, #tpu.memory_space<vmem>>
      tpu.enqueue_dma source(%dma_start3A_86 : memref<125x128xf32, #tpu.memory_space<vmem>>) target(%dma_start3A_83 : memref<125x128xf32, #tpu.memory_space<hbm>>) target_semaphore(%run_scoped3A : memref<!tpu.dma_semaphore, #tpu.memory_space<semaphore_mem>>)
      %dma_wait3A = arith.constant 0 : i32
      %dma_wait3A_87 = arith.constant 0 : i32
      %dma_wait3A_88 = tpu.memref_slice %arg9[%dma_wait3A, %dma_wait3A_87] : memref<128x128xf32, #tpu.memory_space<vmem>> -> memref<125x128xf32, #tpu.memory_space<vmem>>
      %dma_wait3A_89 = arith.constant 0 : i32
      %dma_wait3A_90 = tpu.memref_slice %arg5[%add3A_68, %dma_wait3A_89] : memref<20000x128xf32, #tpu.memory_space<hbm>> -> memref<125x128xf32, #tpu.memory_space<hbm>>
      %dma_wait3A_91 = arith.constant 0 : i32
      %dma_wait3A_92 = tpu.memref_slice %arg5[%add3A_68, %dma_wait3A_91] : memref<20000x128xf32, #tpu.memory_space<hbm>> -> memref<125x128xf32, #tpu.memory_space<hbm>>
      %dma_wait3A_93 = arith.constant 0 : i32
      %dma_wait3A_94 = arith.constant 0 : i32
      %dma_wait3A_95 = tpu.memref_slice %arg9[%dma_wait3A_93, %dma_wait3A_94] : memref<128x128xf32, #tpu.memory_space<vmem>> -> memref<125x128xf32, #tpu.memory_space<vmem>>
      tpu.wait_dma2 semaphore(%run_scoped3A : memref<!tpu.dma_semaphore, #tpu.memory_space<semaphore_mem>>) src(%dma_wait3A_95 : memref<125x128xf32, #tpu.memory_space<vmem>>) dst(%dma_wait3A_92 : memref<125x128xf32, #tpu.memory_space<hbm>>)
      tpu.yield
    }) : () -> ()
    %add3A_69 = arith.constant 500 : i32
    %add3A_70 = arith.addi %mul3A_40, %add3A_69 : i32
    "tpu.region"() ({
      %run_scoped3A = tpu.sem_alloc : memref<!tpu.dma_semaphore, #tpu.memory_space<semaphore_mem>>
      %dma_start3A = arith.constant 0 : i32
      %dma_start3A_78 = arith.constant 0 : i32
      %dma_start3A_79 = tpu.memref_slice %arg9[%dma_start3A, %dma_start3A_78] : memref<128x128xf32, #tpu.memory_space<vmem>> -> memref<125x128xf32, #tpu.memory_space<vmem>>
      %dma_start3A_80 = arith.constant 0 : i32
      %dma_start3A_81 = tpu.memref_slice %arg11[%add3A_70, %dma_start3A_80] : memref<10016x128xf32, #tpu.memory_space<vmem_shared>> -> memref<125x128xf32, #tpu.memory_space<vmem_shared>>
      %dma_start3A_82 = arith.constant 0 : i32
      %dma_start3A_83 = arith.constant 0 : i32
      %dma_start3A_84 = tpu.memref_slice %arg9[%dma_start3A_82, %dma_start3A_83] : memref<128x128xf32, #tpu.memory_space<vmem>> -> memref<125x128xf32, #tpu.memory_space<vmem>>
      %dma_start3A_85 = arith.constant 0 : i32
      %dma_start3A_86 = tpu.memref_slice %arg11[%add3A_70, %dma_start3A_85] : memref<10016x128xf32, #tpu.memory_space<vmem_shared>> -> memref<125x128xf32, #tpu.memory_space<vmem_shared>>
      tpu.enqueue_dma source(%dma_start3A_86 : memref<125x128xf32, #tpu.memory_space<vmem_shared>>) target(%dma_start3A_84 : memref<125x128xf32, #tpu.memory_space<vmem>>) target_semaphore(%run_scoped3A : memref<!tpu.dma_semaphore, #tpu.memory_space<semaphore_mem>>)
      %dma_wait3A = arith.constant 0 : i32
      %dma_wait3A_87 = arith.constant 0 : i32
      %dma_wait3A_88 = tpu.memref_slice %arg9[%dma_wait3A, %dma_wait3A_87] : memref<128x128xf32, #tpu.memory_space<vmem>> -> memref<125x128xf32, #tpu.memory_space<vmem>>
      %dma_wait3A_89 = arith.constant 0 : i32
      %dma_wait3A_90 = tpu.memref_slice %arg11[%add3A_70, %dma_wait3A_89] : memref<10016x128xf32, #tpu.memory_space<vmem_shared>> -> memref<125x128xf32, #tpu.memory_space<vmem_shared>>
      %dma_wait3A_91 = arith.constant 0 : i32
      %dma_wait3A_92 = arith.constant 0 : i32
      %dma_wait3A_93 = tpu.memref_slice %arg9[%dma_wait3A_91, %dma_wait3A_92] : memref<128x128xf32, #tpu.memory_space<vmem>> -> memref<125x128xf32, #tpu.memory_space<vmem>>
      %dma_wait3A_94 = arith.constant 0 : i32
      %dma_wait3A_95 = tpu.memref_slice %arg11[%add3A_70, %dma_wait3A_94] : memref<10016x128xf32, #tpu.memory_space<vmem_shared>> -> memref<125x128xf32, #tpu.memory_space<vmem_shared>>
      tpu.wait_dma2 semaphore(%run_scoped3A : memref<!tpu.dma_semaphore, #tpu.memory_space<semaphore_mem>>) src(%dma_wait3A_95 : memref<125x128xf32, #tpu.memory_space<vmem_shared>>) dst(%dma_wait3A_93 : memref<125x128xf32, #tpu.memory_space<vmem>>)
      tpu.yield
    }) : () -> ()
    %mul3A_71 = arith.constant 10000 : i32
    %mul3A_72 = arith.muli %arg0, %mul3A_71 : i32
    %add3A_73 = arith.addi %mul3A_72, %mul3A_40 : i32
    %add3A_74 = arith.constant 500 : i32
    %add3A_75 = arith.addi %add3A_73, %add3A_74 : i32
    "tpu.region"() ({
      %run_scoped3A = tpu.sem_alloc : memref<!tpu.dma_semaphore, #tpu.memory_space<semaphore_mem>>
      %dma_start3A = arith.constant 0 : i32
      %dma_start3A_78 = arith.constant 0 : i32
      %dma_start3A_79 = tpu.memref_slice %arg9[%dma_start3A, %dma_start3A_78] : memref<128x128xf32, #tpu.memory_space<vmem>> -> memref<125x128xf32, #tpu.memory_space<vmem>>
      %dma_start3A_80 = arith.constant 0 : i32
      %dma_start3A_81 = tpu.memref_slice %arg5[%add3A_75, %dma_start3A_80] : memref<20000x128xf32, #tpu.memory_space<hbm>> -> memref<125x128xf32, #tpu.memory_space<hbm>>
      %dma_start3A_82 = arith.constant 0 : i32
      %dma_start3A_83 = tpu.memref_slice %arg5[%add3A_75, %dma_start3A_82] : memref<20000x128xf32, #tpu.memory_space<hbm>> -> memref<125x128xf32, #tpu.memory_space<hbm>>
      %dma_start3A_84 = arith.constant 0 : i32
      %dma_start3A_85 = arith.constant 0 : i32
      %dma_start3A_86 = tpu.memref_slice %arg9[%dma_start3A_84, %dma_start3A_85] : memref<128x128xf32, #tpu.memory_space<vmem>> -> memref<125x128xf32, #tpu.memory_space<vmem>>
      tpu.enqueue_dma source(%dma_start3A_86 : memref<125x128xf32, #tpu.memory_space<vmem>>) target(%dma_start3A_83 : memref<125x128xf32, #tpu.memory_space<hbm>>) target_semaphore(%run_scoped3A : memref<!tpu.dma_semaphore, #tpu.memory_space<semaphore_mem>>)
      %dma_wait3A = arith.constant 0 : i32
      %dma_wait3A_87 = arith.constant 0 : i32
      %dma_wait3A_88 = tpu.memref_slice %arg9[%dma_wait3A, %dma_wait3A_87] : memref<128x128xf32, #tpu.memory_space<vmem>> -> memref<125x128xf32, #tpu.memory_space<vmem>>
      %dma_wait3A_89 = arith.constant 0 : i32
      %dma_wait3A_90 = tpu.memref_slice %arg5[%add3A_75, %dma_wait3A_89] : memref<20000x128xf32, #tpu.memory_space<hbm>> -> memref<125x128xf32, #tpu.memory_space<hbm>>
      %dma_wait3A_91 = arith.constant 0 : i32
      %dma_wait3A_92 = tpu.memref_slice %arg5[%add3A_75, %dma_wait3A_91] : memref<20000x128xf32, #tpu.memory_space<hbm>> -> memref<125x128xf32, #tpu.memory_space<hbm>>
      %dma_wait3A_93 = arith.constant 0 : i32
      %dma_wait3A_94 = arith.constant 0 : i32
      %dma_wait3A_95 = tpu.memref_slice %arg9[%dma_wait3A_93, %dma_wait3A_94] : memref<128x128xf32, #tpu.memory_space<vmem>> -> memref<125x128xf32, #tpu.memory_space<vmem>>
      tpu.wait_dma2 semaphore(%run_scoped3A : memref<!tpu.dma_semaphore, #tpu.memory_space<semaphore_mem>>) src(%dma_wait3A_95 : memref<125x128xf32, #tpu.memory_space<vmem>>) dst(%dma_wait3A_92 : memref<125x128xf32, #tpu.memory_space<hbm>>)
      tpu.yield
    }) : () -> ()
    %mul3A_76 = arith.constant 10016 : i32
    %mul3A_77 = arith.muli %add3A, %mul3A_76 : i32
    "tpu.region"() ({
      %run_scoped3A = tpu.sem_alloc : memref<!tpu.dma_semaphore, #tpu.memory_space<semaphore_mem>>
      %dma_start3A = tpu.memref_slice %arg6[%mul3A_77] : memref<320512xf32, #tpu.memory_space<hbm>> -> memref<10016xf32, #tpu.memory_space<hbm>>
      %dma_start3A_78 = tpu.memref_slice %arg6[%mul3A_77] : memref<320512xf32, #tpu.memory_space<hbm>> -> memref<10016xf32, #tpu.memory_space<hbm>>
      tpu.enqueue_dma source(%arg16 : memref<10016xf32, #tpu.memory_space<vmem>>) target(%dma_start3A_78 : memref<10016xf32, #tpu.memory_space<hbm>>) target_semaphore(%run_scoped3A : memref<!tpu.dma_semaphore, #tpu.memory_space<semaphore_mem>>)
      %dma_wait3A = tpu.memref_slice %arg6[%mul3A_77] : memref<320512xf32, #tpu.memory_space<hbm>> -> memref<10016xf32, #tpu.memory_space<hbm>>
      %dma_wait3A_79 = tpu.memref_slice %arg6[%mul3A_77] : memref<320512xf32, #tpu.memory_space<hbm>> -> memref<10016xf32, #tpu.memory_space<hbm>>
      tpu.wait_dma2 semaphore(%run_scoped3A : memref<!tpu.dma_semaphore, #tpu.memory_space<semaphore_mem>>) src(%arg16 : memref<10016xf32, #tpu.memory_space<vmem>>) dst(%dma_wait3A_79 : memref<10016xf32, #tpu.memory_space<hbm>>)
      tpu.yield
    }) : () -> ()
    return
  }
}

#map = affine_map<(d0, d1) -> (0, 0)>
module attributes {stable_mosaic.version = 14 : i64} {
  func.func @body(%arg0: i32, %arg1: i32, %arg2: memref<10000x64xf32, #tpu.memory_space<hbm>>, %arg3: memref<2560x128xi32, #tpu.memory_space<hbm>>, %arg4: memref<2560x128xi32, #tpu.memory_space<hbm>>, %arg5: memref<20000x64xf32, #tpu.memory_space<hbm>>, %arg6: memref<16x128xi32, #tpu.memory_space<vmem>>, %arg7: memref<16x128xi32, #tpu.memory_space<vmem>>, %arg8: memref<128x64xf32, #tpu.memory_space<vmem>>, %arg9: memref<128x64xf32, #tpu.memory_space<vmem>>, %arg10: memref<128x64xf32, #tpu.memory_space<vmem>>, %arg11: memref<128x64xf32, #tpu.memory_space<vmem>>, %arg12: memref<10016x64xf32, #tpu.memory_space<vmem_shared>>, %arg13: memref<!tpu.dma_semaphore, #tpu.memory_space<semaphore_mem>>, %arg14: memref<!tpu.dma_semaphore, #tpu.memory_space<semaphore_mem>>, %arg15: memref<!tpu.dma_semaphore, #tpu.memory_space<semaphore_mem>>, %arg16: memref<!tpu.dma_semaphore, #tpu.memory_space<semaphore_mem>>, %arg17: memref<!tpu.dma_semaphore, #tpu.memory_space<semaphore_mem>>, %arg18: memref<!tpu.dma_semaphore, #tpu.memory_space<semaphore_mem>>, %arg19: memref<!tpu.dma_semaphore, #tpu.memory_space<semaphore_mem>>, %arg20: memref<!tpu.dma_semaphore, #tpu.memory_space<semaphore_mem>>) attributes {dimension_semantics = [#tpu.dimension_semantics<core_parallel>, #tpu.dimension_semantics<subcore_parallel>], iteration_bounds = array<i64: 2, 16>, scalar_prefetch = 0 : i64, scratch_operands = 15 : i64, tpu.core_type = #tpu.core_type<sc_vector_subcore>, window_params = [{transform_indices = #map}, {transform_indices = #map}, {transform_indices = #map}, {transform_indices = #map}]} {
    %mul3A = arith.constant 16 : i32
    %mul3A_0 = arith.muli %arg0, %mul3A : i32
    %add3A = arith.addi %mul3A_0, %arg1 : i32
    %broadcast_in_dim3A = arith.constant 1.000000e+00 : f32
    %broadcast_in_dim3A_1 = vector.broadcast %broadcast_in_dim3A : f32 to vector<16xf32>
    %broadcast_in_dim3A_2 = arith.constant 0.000000e+00 : f32
    %broadcast_in_dim3A_3 = vector.broadcast %broadcast_in_dim3A_2 : f32 to vector<16xf32>
    %scan3A = arith.constant 0 : i32
    %scan3A_4 = arith.constant 0 : i32
    %scan3A_5 = arith.constant 128 : i32
    %scan3A_6 = arith.addi %scan3A_4, %scan3A_5 : i32
    %scan3A_7 = arith.constant 1 : i32
    %scan3A_8 = scf.for %scan3A_67 = %scan3A_4 to %scan3A_6 step %scan3A_7 iter_args(%scan3A_68 = %scan3A) -> (i32)  : i32 {
      %swap3A = arith.index_cast %scan3A_67 : i32 to index
      %swap3A_69 = arith.constant 0 : index
      %swap3A_70 = tpu.vector_load %arg8[%swap3A, %swap3A_69] {strides = array<i32>} : memref<128x64xf32, #tpu.memory_space<vmem>>, vector<16xf32>,
      tpu.vector_store %arg8[%swap3A, %swap3A_69], %broadcast_in_dim3A_3 {strides = array<i32>} : memref<128x64xf32, #tpu.memory_space<vmem>>, vector<16xf32>,
      %swap3A_71 = arith.index_cast %scan3A_67 : i32 to index
      %swap3A_72 = arith.constant 16 : index
      %swap3A_73 = tpu.vector_load %arg8[%swap3A_71, %swap3A_72] {strides = array<i32>} : memref<128x64xf32, #tpu.memory_space<vmem>>, vector<16xf32>,
      tpu.vector_store %arg8[%swap3A_71, %swap3A_72], %broadcast_in_dim3A_3 {strides = array<i32>} : memref<128x64xf32, #tpu.memory_space<vmem>>, vector<16xf32>,
      %swap3A_74 = arith.index_cast %scan3A_67 : i32 to index
      %swap3A_75 = arith.constant 32 : index
      %swap3A_76 = tpu.vector_load %arg8[%swap3A_74, %swap3A_75] {strides = array<i32>} : memref<128x64xf32, #tpu.memory_space<vmem>>, vector<16xf32>,
      tpu.vector_store %arg8[%swap3A_74, %swap3A_75], %broadcast_in_dim3A_3 {strides = array<i32>} : memref<128x64xf32, #tpu.memory_space<vmem>>, vector<16xf32>,
      %swap3A_77 = arith.index_cast %scan3A_67 : i32 to index
      %swap3A_78 = arith.constant 48 : index
      %swap3A_79 = tpu.vector_load %arg8[%swap3A_77, %swap3A_78] {strides = array<i32>} : memref<128x64xf32, #tpu.memory_space<vmem>>, vector<16xf32>,
      tpu.vector_store %arg8[%swap3A_77, %swap3A_78], %broadcast_in_dim3A_3 {strides = array<i32>} : memref<128x64xf32, #tpu.memory_space<vmem>>, vector<16xf32>,
      %scan3A_80 = arith.constant 0 : i32
      scf.yield %scan3A_80 : i32
    }
    %scan3A_9 = arith.constant 128 : i32
    %mul3A_10 = arith.constant 626 : i32
    %mul3A_11 = arith.muli %arg1, %mul3A_10 : i32
    %add3A_12 = arith.constant 0 : i32
    %add3A_13 = arith.addi %mul3A_11, %add3A_12 : i32
    "tpu.region"() ({
      %run_scoped3A = tpu.sem_alloc : memref<!tpu.dma_semaphore, #tpu.memory_space<semaphore_mem>>
      %dma_start3A = arith.constant 0 : i32
      %dma_start3A_67 = arith.constant 0 : i32
      %dma_start3A_68 = tpu.memref_slice %arg8[%dma_start3A, %dma_start3A_67] : memref<128x64xf32, #tpu.memory_space<vmem>> -> memref<128x64xf32, #tpu.memory_space<vmem>>
      %dma_start3A_69 = arith.constant 0 : i32
      %dma_start3A_70 = tpu.memref_slice %arg12[%add3A_13, %dma_start3A_69] : memref<10016x64xf32, #tpu.memory_space<vmem_shared>> -> memref<128x64xf32, #tpu.memory_space<vmem_shared>>
      %dma_start3A_71 = arith.constant 0 : i32
      %dma_start3A_72 = tpu.memref_slice %arg12[%add3A_13, %dma_start3A_71] : memref<10016x64xf32, #tpu.memory_space<vmem_shared>> -> memref<128x64xf32, #tpu.memory_space<vmem_shared>>
      %dma_start3A_73 = arith.constant 0 : i32
      %dma_start3A_74 = arith.constant 0 : i32
      %dma_start3A_75 = tpu.memref_slice %arg8[%dma_start3A_73, %dma_start3A_74] : memref<128x64xf32, #tpu.memory_space<vmem>> -> memref<128x64xf32, #tpu.memory_space<vmem>>
      tpu.enqueue_dma source(%dma_start3A_75 : memref<128x64xf32, #tpu.memory_space<vmem>>) target(%dma_start3A_72 : memref<128x64xf32, #tpu.memory_space<vmem_shared>>) target_semaphore(%run_scoped3A : memref<!tpu.dma_semaphore, #tpu.memory_space<semaphore_mem>>)
      %dma_wait3A = arith.constant 0 : i32
      %dma_wait3A_76 = arith.constant 0 : i32
      %dma_wait3A_77 = tpu.memref_slice %arg8[%dma_wait3A, %dma_wait3A_76] : memref<128x64xf32, #tpu.memory_space<vmem>> -> memref<128x64xf32, #tpu.memory_space<vmem>>
      %dma_wait3A_78 = arith.constant 0 : i32
      %dma_wait3A_79 = tpu.memref_slice %arg12[%add3A_13, %dma_wait3A_78] : memref<10016x64xf32, #tpu.memory_space<vmem_shared>> -> memref<128x64xf32, #tpu.memory_space<vmem_shared>>
      %dma_wait3A_80 = arith.constant 0 : i32
      %dma_wait3A_81 = tpu.memref_slice %arg12[%add3A_13, %dma_wait3A_80] : memref<10016x64xf32, #tpu.memory_space<vmem_shared>> -> memref<128x64xf32, #tpu.memory_space<vmem_shared>>
      %dma_wait3A_82 = arith.constant 0 : i32
      %dma_wait3A_83 = arith.constant 0 : i32
      %dma_wait3A_84 = tpu.memref_slice %arg8[%dma_wait3A_82, %dma_wait3A_83] : memref<128x64xf32, #tpu.memory_space<vmem>> -> memref<128x64xf32, #tpu.memory_space<vmem>>
      tpu.wait_dma2 semaphore(%run_scoped3A : memref<!tpu.dma_semaphore, #tpu.memory_space<semaphore_mem>>) src(%dma_wait3A_84 : memref<128x64xf32, #tpu.memory_space<vmem>>) dst(%dma_wait3A_81 : memref<128x64xf32, #tpu.memory_space<vmem_shared>>)
      tpu.yield
    }) : () -> ()
    %add3A_14 = arith.constant 128 : i32
    %add3A_15 = arith.addi %mul3A_11, %add3A_14 : i32
    "tpu.region"() ({
      %run_scoped3A = tpu.sem_alloc : memref<!tpu.dma_semaphore, #tpu.memory_space<semaphore_mem>>
      %dma_start3A = arith.constant 0 : i32
      %dma_start3A_67 = arith.constant 0 : i32
      %dma_start3A_68 = tpu.memref_slice %arg8[%dma_start3A, %dma_start3A_67] : memref<128x64xf32, #tpu.memory_space<vmem>> -> memref<128x64xf32, #tpu.memory_space<vmem>>
      %dma_start3A_69 = arith.constant 0 : i32
      %dma_start3A_70 = tpu.memref_slice %arg12[%add3A_15, %dma_start3A_69] : memref<10016x64xf32, #tpu.memory_space<vmem_shared>> -> memref<128x64xf32, #tpu.memory_space<vmem_shared>>
      %dma_start3A_71 = arith.constant 0 : i32
      %dma_start3A_72 = tpu.memref_slice %arg12[%add3A_15, %dma_start3A_71] : memref<10016x64xf32, #tpu.memory_space<vmem_shared>> -> memref<128x64xf32, #tpu.memory_space<vmem_shared>>
      %dma_start3A_73 = arith.constant 0 : i32
      %dma_start3A_74 = arith.constant 0 : i32
      %dma_start3A_75 = tpu.memref_slice %arg8[%dma_start3A_73, %dma_start3A_74] : memref<128x64xf32, #tpu.memory_space<vmem>> -> memref<128x64xf32, #tpu.memory_space<vmem>>
      tpu.enqueue_dma source(%dma_start3A_75 : memref<128x64xf32, #tpu.memory_space<vmem>>) target(%dma_start3A_72 : memref<128x64xf32, #tpu.memory_space<vmem_shared>>) target_semaphore(%run_scoped3A : memref<!tpu.dma_semaphore, #tpu.memory_space<semaphore_mem>>)
      %dma_wait3A = arith.constant 0 : i32
      %dma_wait3A_76 = arith.constant 0 : i32
      %dma_wait3A_77 = tpu.memref_slice %arg8[%dma_wait3A, %dma_wait3A_76] : memref<128x64xf32, #tpu.memory_space<vmem>> -> memref<128x64xf32, #tpu.memory_space<vmem>>
      %dma_wait3A_78 = arith.constant 0 : i32
      %dma_wait3A_79 = tpu.memref_slice %arg12[%add3A_15, %dma_wait3A_78] : memref<10016x64xf32, #tpu.memory_space<vmem_shared>> -> memref<128x64xf32, #tpu.memory_space<vmem_shared>>
      %dma_wait3A_80 = arith.constant 0 : i32
      %dma_wait3A_81 = tpu.memref_slice %arg12[%add3A_15, %dma_wait3A_80] : memref<10016x64xf32, #tpu.memory_space<vmem_shared>> -> memref<128x64xf32, #tpu.memory_space<vmem_shared>>
      %dma_wait3A_82 = arith.constant 0 : i32
      %dma_wait3A_83 = arith.constant 0 : i32
      %dma_wait3A_84 = tpu.memref_slice %arg8[%dma_wait3A_82, %dma_wait3A_83] : memref<128x64xf32, #tpu.memory_space<vmem>> -> memref<128x64xf32, #tpu.memory_space<vmem>>
      tpu.wait_dma2 semaphore(%run_scoped3A : memref<!tpu.dma_semaphore, #tpu.memory_space<semaphore_mem>>) src(%dma_wait3A_84 : memref<128x64xf32, #tpu.memory_space<vmem>>) dst(%dma_wait3A_81 : memref<128x64xf32, #tpu.memory_space<vmem_shared>>)
      tpu.yield
    }) : () -> ()
    %add3A_16 = arith.constant 256 : i32
    %add3A_17 = arith.addi %mul3A_11, %add3A_16 : i32
    "tpu.region"() ({
      %run_scoped3A = tpu.sem_alloc : memref<!tpu.dma_semaphore, #tpu.memory_space<semaphore_mem>>
      %dma_start3A = arith.constant 0 : i32
      %dma_start3A_67 = arith.constant 0 : i32
      %dma_start3A_68 = tpu.memref_slice %arg8[%dma_start3A, %dma_start3A_67] : memref<128x64xf32, #tpu.memory_space<vmem>> -> memref<128x64xf32, #tpu.memory_space<vmem>>
      %dma_start3A_69 = arith.constant 0 : i32
      %dma_start3A_70 = tpu.memref_slice %arg12[%add3A_17, %dma_start3A_69] : memref<10016x64xf32, #tpu.memory_space<vmem_shared>> -> memref<128x64xf32, #tpu.memory_space<vmem_shared>>
      %dma_start3A_71 = arith.constant 0 : i32
      %dma_start3A_72 = tpu.memref_slice %arg12[%add3A_17, %dma_start3A_71] : memref<10016x64xf32, #tpu.memory_space<vmem_shared>> -> memref<128x64xf32, #tpu.memory_space<vmem_shared>>
      %dma_start3A_73 = arith.constant 0 : i32
      %dma_start3A_74 = arith.constant 0 : i32
      %dma_start3A_75 = tpu.memref_slice %arg8[%dma_start3A_73, %dma_start3A_74] : memref<128x64xf32, #tpu.memory_space<vmem>> -> memref<128x64xf32, #tpu.memory_space<vmem>>
      tpu.enqueue_dma source(%dma_start3A_75 : memref<128x64xf32, #tpu.memory_space<vmem>>) target(%dma_start3A_72 : memref<128x64xf32, #tpu.memory_space<vmem_shared>>) target_semaphore(%run_scoped3A : memref<!tpu.dma_semaphore, #tpu.memory_space<semaphore_mem>>)
      %dma_wait3A = arith.constant 0 : i32
      %dma_wait3A_76 = arith.constant 0 : i32
      %dma_wait3A_77 = tpu.memref_slice %arg8[%dma_wait3A, %dma_wait3A_76] : memref<128x64xf32, #tpu.memory_space<vmem>> -> memref<128x64xf32, #tpu.memory_space<vmem>>
      %dma_wait3A_78 = arith.constant 0 : i32
      %dma_wait3A_79 = tpu.memref_slice %arg12[%add3A_17, %dma_wait3A_78] : memref<10016x64xf32, #tpu.memory_space<vmem_shared>> -> memref<128x64xf32, #tpu.memory_space<vmem_shared>>
      %dma_wait3A_80 = arith.constant 0 : i32
      %dma_wait3A_81 = tpu.memref_slice %arg12[%add3A_17, %dma_wait3A_80] : memref<10016x64xf32, #tpu.memory_space<vmem_shared>> -> memref<128x64xf32, #tpu.memory_space<vmem_shared>>
      %dma_wait3A_82 = arith.constant 0 : i32
      %dma_wait3A_83 = arith.constant 0 : i32
      %dma_wait3A_84 = tpu.memref_slice %arg8[%dma_wait3A_82, %dma_wait3A_83] : memref<128x64xf32, #tpu.memory_space<vmem>> -> memref<128x64xf32, #tpu.memory_space<vmem>>
      tpu.wait_dma2 semaphore(%run_scoped3A : memref<!tpu.dma_semaphore, #tpu.memory_space<semaphore_mem>>) src(%dma_wait3A_84 : memref<128x64xf32, #tpu.memory_space<vmem>>) dst(%dma_wait3A_81 : memref<128x64xf32, #tpu.memory_space<vmem_shared>>)
      tpu.yield
    }) : () -> ()
    %add3A_18 = arith.constant 384 : i32
    %add3A_19 = arith.addi %mul3A_11, %add3A_18 : i32
    "tpu.region"() ({
      %run_scoped3A = tpu.sem_alloc : memref<!tpu.dma_semaphore, #tpu.memory_space<semaphore_mem>>
      %dma_start3A = arith.constant 0 : i32
      %dma_start3A_67 = arith.constant 0 : i32
      %dma_start3A_68 = tpu.memref_slice %arg8[%dma_start3A, %dma_start3A_67] : memref<128x64xf32, #tpu.memory_space<vmem>> -> memref<128x64xf32, #tpu.memory_space<vmem>>
      %dma_start3A_69 = arith.constant 0 : i32
      %dma_start3A_70 = tpu.memref_slice %arg12[%add3A_19, %dma_start3A_69] : memref<10016x64xf32, #tpu.memory_space<vmem_shared>> -> memref<128x64xf32, #tpu.memory_space<vmem_shared>>
      %dma_start3A_71 = arith.constant 0 : i32
      %dma_start3A_72 = tpu.memref_slice %arg12[%add3A_19, %dma_start3A_71] : memref<10016x64xf32, #tpu.memory_space<vmem_shared>> -> memref<128x64xf32, #tpu.memory_space<vmem_shared>>
      %dma_start3A_73 = arith.constant 0 : i32
      %dma_start3A_74 = arith.constant 0 : i32
      %dma_start3A_75 = tpu.memref_slice %arg8[%dma_start3A_73, %dma_start3A_74] : memref<128x64xf32, #tpu.memory_space<vmem>> -> memref<128x64xf32, #tpu.memory_space<vmem>>
      tpu.enqueue_dma source(%dma_start3A_75 : memref<128x64xf32, #tpu.memory_space<vmem>>) target(%dma_start3A_72 : memref<128x64xf32, #tpu.memory_space<vmem_shared>>) target_semaphore(%run_scoped3A : memref<!tpu.dma_semaphore, #tpu.memory_space<semaphore_mem>>)
      %dma_wait3A = arith.constant 0 : i32
      %dma_wait3A_76 = arith.constant 0 : i32
      %dma_wait3A_77 = tpu.memref_slice %arg8[%dma_wait3A, %dma_wait3A_76] : memref<128x64xf32, #tpu.memory_space<vmem>> -> memref<128x64xf32, #tpu.memory_space<vmem>>
      %dma_wait3A_78 = arith.constant 0 : i32
      %dma_wait3A_79 = tpu.memref_slice %arg12[%add3A_19, %dma_wait3A_78] : memref<10016x64xf32, #tpu.memory_space<vmem_shared>> -> memref<128x64xf32, #tpu.memory_space<vmem_shared>>
      %dma_wait3A_80 = arith.constant 0 : i32
      %dma_wait3A_81 = tpu.memref_slice %arg12[%add3A_19, %dma_wait3A_80] : memref<10016x64xf32, #tpu.memory_space<vmem_shared>> -> memref<128x64xf32, #tpu.memory_space<vmem_shared>>
      %dma_wait3A_82 = arith.constant 0 : i32
      %dma_wait3A_83 = arith.constant 0 : i32
      %dma_wait3A_84 = tpu.memref_slice %arg8[%dma_wait3A_82, %dma_wait3A_83] : memref<128x64xf32, #tpu.memory_space<vmem>> -> memref<128x64xf32, #tpu.memory_space<vmem>>
      tpu.wait_dma2 semaphore(%run_scoped3A : memref<!tpu.dma_semaphore, #tpu.memory_space<semaphore_mem>>) src(%dma_wait3A_84 : memref<128x64xf32, #tpu.memory_space<vmem>>) dst(%dma_wait3A_81 : memref<128x64xf32, #tpu.memory_space<vmem_shared>>)
      tpu.yield
    }) : () -> ()
    %add3A_20 = arith.constant 512 : i32
    %add3A_21 = arith.addi %mul3A_11, %add3A_20 : i32
    "tpu.region"() ({
      %run_scoped3A = tpu.sem_alloc : memref<!tpu.dma_semaphore, #tpu.memory_space<semaphore_mem>>
      %dma_start3A = arith.constant 0 : i32
      %dma_start3A_67 = arith.constant 0 : i32
      %dma_start3A_68 = tpu.memref_slice %arg8[%dma_start3A, %dma_start3A_67] : memref<128x64xf32, #tpu.memory_space<vmem>> -> memref<114x64xf32, #tpu.memory_space<vmem>>
      %dma_start3A_69 = arith.constant 0 : i32
      %dma_start3A_70 = tpu.memref_slice %arg12[%add3A_21, %dma_start3A_69] : memref<10016x64xf32, #tpu.memory_space<vmem_shared>> -> memref<114x64xf32, #tpu.memory_space<vmem_shared>>
      %dma_start3A_71 = arith.constant 0 : i32
      %dma_start3A_72 = tpu.memref_slice %arg12[%add3A_21, %dma_start3A_71] : memref<10016x64xf32, #tpu.memory_space<vmem_shared>> -> memref<114x64xf32, #tpu.memory_space<vmem_shared>>
      %dma_start3A_73 = arith.constant 0 : i32
      %dma_start3A_74 = arith.constant 0 : i32
      %dma_start3A_75 = tpu.memref_slice %arg8[%dma_start3A_73, %dma_start3A_74] : memref<128x64xf32, #tpu.memory_space<vmem>> -> memref<114x64xf32, #tpu.memory_space<vmem>>
      tpu.enqueue_dma source(%dma_start3A_75 : memref<114x64xf32, #tpu.memory_space<vmem>>) target(%dma_start3A_72 : memref<114x64xf32, #tpu.memory_space<vmem_shared>>) target_semaphore(%run_scoped3A : memref<!tpu.dma_semaphore, #tpu.memory_space<semaphore_mem>>)
      %dma_wait3A = arith.constant 0 : i32
      %dma_wait3A_76 = arith.constant 0 : i32
      %dma_wait3A_77 = tpu.memref_slice %arg8[%dma_wait3A, %dma_wait3A_76] : memref<128x64xf32, #tpu.memory_space<vmem>> -> memref<114x64xf32, #tpu.memory_space<vmem>>
      %dma_wait3A_78 = arith.constant 0 : i32
      %dma_wait3A_79 = tpu.memref_slice %arg12[%add3A_21, %dma_wait3A_78] : memref<10016x64xf32, #tpu.memory_space<vmem_shared>> -> memref<114x64xf32, #tpu.memory_space<vmem_shared>>
      %dma_wait3A_80 = arith.constant 0 : i32
      %dma_wait3A_81 = tpu.memref_slice %arg12[%add3A_21, %dma_wait3A_80] : memref<10016x64xf32, #tpu.memory_space<vmem_shared>> -> memref<114x64xf32, #tpu.memory_space<vmem_shared>>
      %dma_wait3A_82 = arith.constant 0 : i32
      %dma_wait3A_83 = arith.constant 0 : i32
      %dma_wait3A_84 = tpu.memref_slice %arg8[%dma_wait3A_82, %dma_wait3A_83] : memref<128x64xf32, #tpu.memory_space<vmem>> -> memref<114x64xf32, #tpu.memory_space<vmem>>
      tpu.wait_dma2 semaphore(%run_scoped3A : memref<!tpu.dma_semaphore, #tpu.memory_space<semaphore_mem>>) src(%dma_wait3A_84 : memref<114x64xf32, #tpu.memory_space<vmem>>) dst(%dma_wait3A_81 : memref<114x64xf32, #tpu.memory_space<vmem_shared>>)
      tpu.yield
    }) : () -> ()
    %barrier3A = arith.constant 0 : index
    tpu.barrier barrier_id(%barrier3A)
    %scan3A_22 = arith.constant 0 : i32
    %scan3A_23 = arith.constant 0 : i32
    %scan3A_24 = arith.constant 5 : i32
    %scan3A_25 = arith.addi %scan3A_23, %scan3A_24 : i32
    %scan3A_26 = arith.constant 1 : i32
    %scan3A_27 = scf.for %scan3A_67 = %scan3A_23 to %scan3A_25 step %scan3A_26 iter_args(%scan3A_68 = %scan3A_22) -> (i32)  : i32 {
      %mul3A_69 = arith.constant 80 : i32
      %mul3A_70 = arith.muli %add3A, %mul3A_69 : i32
      %mul3A_71 = arith.constant 16 : i32
      %mul3A_72 = arith.muli %scan3A_67, %mul3A_71 : i32
      %add3A_73 = arith.addi %mul3A_70, %mul3A_72 : i32
      "tpu.region"() ({
        %run_scoped3A = tpu.sem_alloc : memref<!tpu.dma_semaphore, #tpu.memory_space<semaphore_mem>>
        %dma_start3A_521 = arith.constant 0 : i32
        %dma_start3A_522 = tpu.memref_slice %arg3[%add3A_73, %dma_start3A_521] : memref<2560x128xi32, #tpu.memory_space<hbm>> -> memref<16x128xi32, #tpu.memory_space<hbm>>
        %dma_start3A_523 = arith.constant 0 : i32
        %dma_start3A_524 = tpu.memref_slice %arg3[%add3A_73, %dma_start3A_523] : memref<2560x128xi32, #tpu.memory_space<hbm>> -> memref<16x128xi32, #tpu.memory_space<hbm>>
        tpu.enqueue_dma source(%dma_start3A_524 : memref<16x128xi32, #tpu.memory_space<hbm>>) target(%arg6 : memref<16x128xi32, #tpu.memory_space<vmem>>) target_semaphore(%run_scoped3A : memref<!tpu.dma_semaphore, #tpu.memory_space<semaphore_mem>>)
        %dma_wait3A_525 = arith.constant 0 : i32
        %dma_wait3A_526 = tpu.memref_slice %arg3[%add3A_73, %dma_wait3A_525] : memref<2560x128xi32, #tpu.memory_space<hbm>> -> memref<16x128xi32, #tpu.memory_space<hbm>>
        %dma_wait3A_527 = arith.constant 0 : i32
        %dma_wait3A_528 = tpu.memref_slice %arg3[%add3A_73, %dma_wait3A_527] : memref<2560x128xi32, #tpu.memory_space<hbm>> -> memref<16x128xi32, #tpu.memory_space<hbm>>
        tpu.wait_dma2 semaphore(%run_scoped3A : memref<!tpu.dma_semaphore, #tpu.memory_space<semaphore_mem>>) src(%dma_wait3A_528 : memref<16x128xi32, #tpu.memory_space<hbm>>) dst(%arg6 : memref<16x128xi32, #tpu.memory_space<vmem>>)
        tpu.yield
      }) : () -> ()
      "tpu.region"() ({
        %run_scoped3A = tpu.sem_alloc : memref<!tpu.dma_semaphore, #tpu.memory_space<semaphore_mem>>
        %dma_start3A_521 = arith.constant 0 : i32
        %dma_start3A_522 = tpu.memref_slice %arg4[%add3A_73, %dma_start3A_521] : memref<2560x128xi32, #tpu.memory_space<hbm>> -> memref<16x128xi32, #tpu.memory_space<hbm>>
        %dma_start3A_523 = arith.constant 0 : i32
        %dma_start3A_524 = tpu.memref_slice %arg4[%add3A_73, %dma_start3A_523] : memref<2560x128xi32, #tpu.memory_space<hbm>> -> memref<16x128xi32, #tpu.memory_space<hbm>>
        tpu.enqueue_dma source(%dma_start3A_524 : memref<16x128xi32, #tpu.memory_space<hbm>>) target(%arg7 : memref<16x128xi32, #tpu.memory_space<vmem>>) target_semaphore(%run_scoped3A : memref<!tpu.dma_semaphore, #tpu.memory_space<semaphore_mem>>)
        %dma_wait3A_525 = arith.constant 0 : i32
        %dma_wait3A_526 = tpu.memref_slice %arg4[%add3A_73, %dma_wait3A_525] : memref<2560x128xi32, #tpu.memory_space<hbm>> -> memref<16x128xi32, #tpu.memory_space<hbm>>
        %dma_wait3A_527 = arith.constant 0 : i32
        %dma_wait3A_528 = tpu.memref_slice %arg4[%add3A_73, %dma_wait3A_527] : memref<2560x128xi32, #tpu.memory_space<hbm>> -> memref<16x128xi32, #tpu.memory_space<hbm>>
        tpu.wait_dma2 semaphore(%run_scoped3A : memref<!tpu.dma_semaphore, #tpu.memory_space<semaphore_mem>>) src(%dma_wait3A_528 : memref<16x128xi32, #tpu.memory_space<hbm>>) dst(%arg7 : memref<16x128xi32, #tpu.memory_space<vmem>>)
        tpu.yield
      }) : () -> ()
      %dma_start3A = arith.constant 0 : i32
      %dma_start3A_74 = arith.constant 0 : i32
      %dma_start3A_75 = tpu.memref_slice %arg6[%dma_start3A, %dma_start3A_74] : memref<16x128xi32, #tpu.memory_space<vmem>> -> memref<1x128xi32, #tpu.memory_space<vmem>>
      %dma_start3A_76 = tpu.memref_squeeze %dma_start3A_75 : memref<1x128xi32, #tpu.memory_space<vmem>> -> memref<128xi32, #tpu.memory_space<vmem>>
      %dma_start3A_77 = arith.constant 0 : i32
      %dma_start3A_78 = arith.constant 0 : i32
      %dma_start3A_79 = tpu.memref_slice %arg2[%dma_start3A_77, %dma_start3A_78] : memref<10000x64xf32, #tpu.memory_space<hbm>> -> memref<10000x64xf32, #tpu.memory_space<hbm>>
      tpu.enqueue_indirect_dma source(%dma_start3A_79 : memref<10000x64xf32, #tpu.memory_space<hbm>>) target(%arg8 : memref<128x64xf32, #tpu.memory_space<vmem>>) offsets(%dma_start3A_76 : memref<128xi32, #tpu.memory_space<vmem>>) semaphore(%arg13 : memref<!tpu.dma_semaphore, #tpu.memory_space<semaphore_mem>>)
      %dma_start3A_80 = arith.constant 1 : i32
      %dma_start3A_81 = arith.constant 0 : i32
      %dma_start3A_82 = tpu.memref_slice %arg6[%dma_start3A_80, %dma_start3A_81] : memref<16x128xi32, #tpu.memory_space<vmem>> -> memref<1x128xi32, #tpu.memory_space<vmem>>
      %dma_start3A_83 = tpu.memref_squeeze %dma_start3A_82 : memref<1x128xi32, #tpu.memory_space<vmem>> -> memref<128xi32, #tpu.memory_space<vmem>>
      %dma_start3A_84 = arith.constant 0 : i32
      %dma_start3A_85 = arith.constant 0 : i32
      %dma_start3A_86 = tpu.memref_slice %arg2[%dma_start3A_84, %dma_start3A_85] : memref<10000x64xf32, #tpu.memory_space<hbm>> -> memref<10000x64xf32, #tpu.memory_space<hbm>>
      tpu.enqueue_indirect_dma source(%dma_start3A_86 : memref<10000x64xf32, #tpu.memory_space<hbm>>) target(%arg9 : memref<128x64xf32, #tpu.memory_space<vmem>>) offsets(%dma_start3A_83 : memref<128xi32, #tpu.memory_space<vmem>>) semaphore(%arg14 : memref<!tpu.dma_semaphore, #tpu.memory_space<semaphore_mem>>)
      %dma_start3A_87 = arith.constant 2 : i32
      %dma_start3A_88 = arith.constant 0 : i32
      %dma_start3A_89 = tpu.memref_slice %arg6[%dma_start3A_87, %dma_start3A_88] : memref<16x128xi32, #tpu.memory_space<vmem>> -> memref<1x128xi32, #tpu.memory_space<vmem>>
      %dma_start3A_90 = tpu.memref_squeeze %dma_start3A_89 : memref<1x128xi32, #tpu.memory_space<vmem>> -> memref<128xi32, #tpu.memory_space<vmem>>
      %dma_start3A_91 = arith.constant 0 : i32
      %dma_start3A_92 = arith.constant 0 : i32
      %dma_start3A_93 = tpu.memref_slice %arg2[%dma_start3A_91, %dma_start3A_92] : memref<10000x64xf32, #tpu.memory_space<hbm>> -> memref<10000x64xf32, #tpu.memory_space<hbm>>
      tpu.enqueue_indirect_dma source(%dma_start3A_93 : memref<10000x64xf32, #tpu.memory_space<hbm>>) target(%arg10 : memref<128x64xf32, #tpu.memory_space<vmem>>) offsets(%dma_start3A_90 : memref<128xi32, #tpu.memory_space<vmem>>) semaphore(%arg15 : memref<!tpu.dma_semaphore, #tpu.memory_space<semaphore_mem>>)
      %dma_start3A_94 = arith.constant 3 : i32
      %dma_start3A_95 = arith.constant 0 : i32
      %dma_start3A_96 = tpu.memref_slice %arg6[%dma_start3A_94, %dma_start3A_95] : memref<16x128xi32, #tpu.memory_space<vmem>> -> memref<1x128xi32, #tpu.memory_space<vmem>>
      %dma_start3A_97 = tpu.memref_squeeze %dma_start3A_96 : memref<1x128xi32, #tpu.memory_space<vmem>> -> memref<128xi32, #tpu.memory_space<vmem>>
      %dma_start3A_98 = arith.constant 0 : i32
      %dma_start3A_99 = arith.constant 0 : i32
      %dma_start3A_100 = tpu.memref_slice %arg2[%dma_start3A_98, %dma_start3A_99] : memref<10000x64xf32, #tpu.memory_space<hbm>> -> memref<10000x64xf32, #tpu.memory_space<hbm>>
      tpu.enqueue_indirect_dma source(%dma_start3A_100 : memref<10000x64xf32, #tpu.memory_space<hbm>>) target(%arg11 : memref<128x64xf32, #tpu.memory_space<vmem>>) offsets(%dma_start3A_97 : memref<128xi32, #tpu.memory_space<vmem>>) semaphore(%arg16 : memref<!tpu.dma_semaphore, #tpu.memory_space<semaphore_mem>>)
      %dma_wait3A = arith.constant 0 : i32
      %dma_wait3A_101 = arith.constant 0 : i32
      %dma_wait3A_102 = tpu.memref_slice %arg6[%dma_wait3A, %dma_wait3A_101] : memref<16x128xi32, #tpu.memory_space<vmem>> -> memref<1x128xi32, #tpu.memory_space<vmem>>
      %dma_wait3A_103 = tpu.memref_squeeze %dma_wait3A_102 : memref<1x128xi32, #tpu.memory_space<vmem>> -> memref<128xi32, #tpu.memory_space<vmem>>
      %dma_wait3A_104 = arith.constant 0 : i32
      %dma_wait3A_105 = arith.constant 0 : i32
      %dma_wait3A_106 = tpu.memref_slice %arg2[%dma_wait3A_104, %dma_wait3A_105] : memref<10000x64xf32, #tpu.memory_space<hbm>> -> memref<10000x64xf32, #tpu.memory_space<hbm>>
      tpu.wait_indirect_dma semaphore(%arg13 : memref<!tpu.dma_semaphore, #tpu.memory_space<semaphore_mem>>) src(%dma_wait3A_106 : memref<10000x64xf32, #tpu.memory_space<hbm>>) dst(%arg8 : memref<128x64xf32, #tpu.memory_space<vmem>>)
      %dma_start3A_107 = arith.constant 0 : i32
      %dma_start3A_108 = arith.constant 0 : i32
      %dma_start3A_109 = tpu.memref_slice %arg7[%dma_start3A_107, %dma_start3A_108] : memref<16x128xi32, #tpu.memory_space<vmem>> -> memref<1x128xi32, #tpu.memory_space<vmem>>
      %dma_start3A_110 = tpu.memref_squeeze %dma_start3A_109 : memref<1x128xi32, #tpu.memory_space<vmem>> -> memref<128xi32, #tpu.memory_space<vmem>>
      %dma_start3A_111 = arith.constant 0 : i32
      %dma_start3A_112 = arith.constant 0 : i32
      %dma_start3A_113 = tpu.memref_slice %arg12[%dma_start3A_111, %dma_start3A_112] : memref<10016x64xf32, #tpu.memory_space<vmem_shared>> -> memref<10016x64xf32, #tpu.memory_space<vmem_shared>>
      tpu.enqueue_indirect_dma source(%arg8 : memref<128x64xf32, #tpu.memory_space<vmem>>) target(%dma_start3A_113 : memref<10016x64xf32, #tpu.memory_space<vmem_shared>>) offsets(%dma_start3A_110 : memref<128xi32, #tpu.memory_space<vmem>>) semaphore(%arg17 : memref<!tpu.dma_semaphore, #tpu.memory_space<semaphore_mem>>) {add = true}
      %dma_wait3A_114 = arith.constant 0 : i32
      %dma_wait3A_115 = arith.constant 0 : i32
      %dma_wait3A_116 = tpu.memref_slice %arg7[%dma_wait3A_114, %dma_wait3A_115] : memref<16x128xi32, #tpu.memory_space<vmem>> -> memref<1x128xi32, #tpu.memory_space<vmem>>
      %dma_wait3A_117 = tpu.memref_squeeze %dma_wait3A_116 : memref<1x128xi32, #tpu.memory_space<vmem>> -> memref<128xi32, #tpu.memory_space<vmem>>
      %dma_wait3A_118 = arith.constant 0 : i32
      %dma_wait3A_119 = arith.constant 0 : i32
      %dma_wait3A_120 = tpu.memref_slice %arg12[%dma_wait3A_118, %dma_wait3A_119] : memref<10016x64xf32, #tpu.memory_space<vmem_shared>> -> memref<10016x64xf32, #tpu.memory_space<vmem_shared>>
      tpu.wait_indirect_dma semaphore(%arg17 : memref<!tpu.dma_semaphore, #tpu.memory_space<semaphore_mem>>) src(%arg8 : memref<128x64xf32, #tpu.memory_space<vmem>>) dst(%dma_wait3A_120 : memref<10016x64xf32, #tpu.memory_space<vmem_shared>>)
      %dma_start3A_121 = arith.constant 4 : i32
      %dma_start3A_122 = arith.constant 0 : i32
      %dma_start3A_123 = tpu.memref_slice %arg6[%dma_start3A_121, %dma_start3A_122] : memref<16x128xi32, #tpu.memory_space<vmem>> -> memref<1x128xi32, #tpu.memory_space<vmem>>
      %dma_start3A_124 = tpu.memref_squeeze %dma_start3A_123 : memref<1x128xi32, #tpu.memory_space<vmem>> -> memref<128xi32, #tpu.memory_space<vmem>>
      %dma_start3A_125 = arith.constant 0 : i32
      %dma_start3A_126 = arith.constant 0 : i32
      %dma_start3A_127 = tpu.memref_slice %arg2[%dma_start3A_125, %dma_start3A_126] : memref<10000x64xf32, #tpu.memory_space<hbm>> -> memref<10000x64xf32, #tpu.memory_space<hbm>>
      tpu.enqueue_indirect_dma source(%dma_start3A_127 : memref<10000x64xf32, #tpu.memory_space<hbm>>) target(%arg8 : memref<128x64xf32, #tpu.memory_space<vmem>>) offsets(%dma_start3A_124 : memref<128xi32, #tpu.memory_space<vmem>>) semaphore(%arg13 : memref<!tpu.dma_semaphore, #tpu.memory_space<semaphore_mem>>)
      %dma_wait3A_128 = arith.constant 1 : i32
      %dma_wait3A_129 = arith.constant 0 : i32
      %dma_wait3A_130 = tpu.memref_slice %arg6[%dma_wait3A_128, %dma_wait3A_129] : memref<16x128xi32, #tpu.memory_space<vmem>> -> memref<1x128xi32, #tpu.memory_space<vmem>>
      %dma_wait3A_131 = tpu.memref_squeeze %dma_wait3A_130 : memref<1x128xi32, #tpu.memory_space<vmem>> -> memref<128xi32, #tpu.memory_space<vmem>>
      %dma_wait3A_132 = arith.constant 0 : i32
      %dma_wait3A_133 = arith.constant 0 : i32
      %dma_wait3A_134 = tpu.memref_slice %arg2[%dma_wait3A_132, %dma_wait3A_133] : memref<10000x64xf32, #tpu.memory_space<hbm>> -> memref<10000x64xf32, #tpu.memory_space<hbm>>
      tpu.wait_indirect_dma semaphore(%arg14 : memref<!tpu.dma_semaphore, #tpu.memory_space<semaphore_mem>>) src(%dma_wait3A_134 : memref<10000x64xf32, #tpu.memory_space<hbm>>) dst(%arg9 : memref<128x64xf32, #tpu.memory_space<vmem>>)
      %dma_start3A_135 = arith.constant 1 : i32
      %dma_start3A_136 = arith.constant 0 : i32
      %dma_start3A_137 = tpu.memref_slice %arg7[%dma_start3A_135, %dma_start3A_136] : memref<16x128xi32, #tpu.memory_space<vmem>> -> memref<1x128xi32, #tpu.memory_space<vmem>>
      %dma_start3A_138 = tpu.memref_squeeze %dma_start3A_137 : memref<1x128xi32, #tpu.memory_space<vmem>> -> memref<128xi32, #tpu.memory_space<vmem>>
      %dma_start3A_139 = arith.constant 0 : i32
      %dma_start3A_140 = arith.constant 0 : i32
      %dma_start3A_141 = tpu.memref_slice %arg12[%dma_start3A_139, %dma_start3A_140] : memref<10016x64xf32, #tpu.memory_space<vmem_shared>> -> memref<10016x64xf32, #tpu.memory_space<vmem_shared>>
      tpu.enqueue_indirect_dma source(%arg9 : memref<128x64xf32, #tpu.memory_space<vmem>>) target(%dma_start3A_141 : memref<10016x64xf32, #tpu.memory_space<vmem_shared>>) offsets(%dma_start3A_138 : memref<128xi32, #tpu.memory_space<vmem>>) semaphore(%arg18 : memref<!tpu.dma_semaphore, #tpu.memory_space<semaphore_mem>>) {add = true}
      %dma_wait3A_142 = arith.constant 1 : i32
      %dma_wait3A_143 = arith.constant 0 : i32
      %dma_wait3A_144 = tpu.memref_slice %arg7[%dma_wait3A_142, %dma_wait3A_143] : memref<16x128xi32, #tpu.memory_space<vmem>> -> memref<1x128xi32, #tpu.memory_space<vmem>>
      %dma_wait3A_145 = tpu.memref_squeeze %dma_wait3A_144 : memref<1x128xi32, #tpu.memory_space<vmem>> -> memref<128xi32, #tpu.memory_space<vmem>>
      %dma_wait3A_146 = arith.constant 0 : i32
      %dma_wait3A_147 = arith.constant 0 : i32
      %dma_wait3A_148 = tpu.memref_slice %arg12[%dma_wait3A_146, %dma_wait3A_147] : memref<10016x64xf32, #tpu.memory_space<vmem_shared>> -> memref<10016x64xf32, #tpu.memory_space<vmem_shared>>
      tpu.wait_indirect_dma semaphore(%arg18 : memref<!tpu.dma_semaphore, #tpu.memory_space<semaphore_mem>>) src(%arg9 : memref<128x64xf32, #tpu.memory_space<vmem>>) dst(%dma_wait3A_148 : memref<10016x64xf32, #tpu.memory_space<vmem_shared>>)
      %dma_start3A_149 = arith.constant 5 : i32
      %dma_start3A_150 = arith.constant 0 : i32
      %dma_start3A_151 = tpu.memref_slice %arg6[%dma_start3A_149, %dma_start3A_150] : memref<16x128xi32, #tpu.memory_space<vmem>> -> memref<1x128xi32, #tpu.memory_space<vmem>>
      %dma_start3A_152 = tpu.memref_squeeze %dma_start3A_151 : memref<1x128xi32, #tpu.memory_space<vmem>> -> memref<128xi32, #tpu.memory_space<vmem>>
      %dma_start3A_153 = arith.constant 0 : i32
      %dma_start3A_154 = arith.constant 0 : i32
      %dma_start3A_155 = tpu.memref_slice %arg2[%dma_start3A_153, %dma_start3A_154] : memref<10000x64xf32, #tpu.memory_space<hbm>> -> memref<10000x64xf32, #tpu.memory_space<hbm>>
      tpu.enqueue_indirect_dma source(%dma_start3A_155 : memref<10000x64xf32, #tpu.memory_space<hbm>>) target(%arg9 : memref<128x64xf32, #tpu.memory_space<vmem>>) offsets(%dma_start3A_152 : memref<128xi32, #tpu.memory_space<vmem>>) semaphore(%arg14 : memref<!tpu.dma_semaphore, #tpu.memory_space<semaphore_mem>>)
      %dma_wait3A_156 = arith.constant 2 : i32
      %dma_wait3A_157 = arith.constant 0 : i32
      %dma_wait3A_158 = tpu.memref_slice %arg6[%dma_wait3A_156, %dma_wait3A_157] : memref<16x128xi32, #tpu.memory_space<vmem>> -> memref<1x128xi32, #tpu.memory_space<vmem>>
      %dma_wait3A_159 = tpu.memref_squeeze %dma_wait3A_158 : memref<1x128xi32, #tpu.memory_space<vmem>> -> memref<128xi32, #tpu.memory_space<vmem>>
      %dma_wait3A_160 = arith.constant 0 : i32
      %dma_wait3A_161 = arith.constant 0 : i32
      %dma_wait3A_162 = tpu.memref_slice %arg2[%dma_wait3A_160, %dma_wait3A_161] : memref<10000x64xf32, #tpu.memory_space<hbm>> -> memref<10000x64xf32, #tpu.memory_space<hbm>>
      tpu.wait_indirect_dma semaphore(%arg15 : memref<!tpu.dma_semaphore, #tpu.memory_space<semaphore_mem>>) src(%dma_wait3A_162 : memref<10000x64xf32, #tpu.memory_space<hbm>>) dst(%arg10 : memref<128x64xf32, #tpu.memory_space<vmem>>)
      %dma_start3A_163 = arith.constant 2 : i32
      %dma_start3A_164 = arith.constant 0 : i32
      %dma_start3A_165 = tpu.memref_slice %arg7[%dma_start3A_163, %dma_start3A_164] : memref<16x128xi32, #tpu.memory_space<vmem>> -> memref<1x128xi32, #tpu.memory_space<vmem>>
      %dma_start3A_166 = tpu.memref_squeeze %dma_start3A_165 : memref<1x128xi32, #tpu.memory_space<vmem>> -> memref<128xi32, #tpu.memory_space<vmem>>
      %dma_start3A_167 = arith.constant 0 : i32
      %dma_start3A_168 = arith.constant 0 : i32
      %dma_start3A_169 = tpu.memref_slice %arg12[%dma_start3A_167, %dma_start3A_168] : memref<10016x64xf32, #tpu.memory_space<vmem_shared>> -> memref<10016x64xf32, #tpu.memory_space<vmem_shared>>
      tpu.enqueue_indirect_dma source(%arg10 : memref<128x64xf32, #tpu.memory_space<vmem>>) target(%dma_start3A_169 : memref<10016x64xf32, #tpu.memory_space<vmem_shared>>) offsets(%dma_start3A_166 : memref<128xi32, #tpu.memory_space<vmem>>) semaphore(%arg19 : memref<!tpu.dma_semaphore, #tpu.memory_space<semaphore_mem>>) {add = true}
      %dma_wait3A_170 = arith.constant 2 : i32
      %dma_wait3A_171 = arith.constant 0 : i32
      %dma_wait3A_172 = tpu.memref_slice %arg7[%dma_wait3A_170, %dma_wait3A_171] : memref<16x128xi32, #tpu.memory_space<vmem>> -> memref<1x128xi32, #tpu.memory_space<vmem>>
      %dma_wait3A_173 = tpu.memref_squeeze %dma_wait3A_172 : memref<1x128xi32, #tpu.memory_space<vmem>> -> memref<128xi32, #tpu.memory_space<vmem>>
      %dma_wait3A_174 = arith.constant 0 : i32
      %dma_wait3A_175 = arith.constant 0 : i32
      %dma_wait3A_176 = tpu.memref_slice %arg12[%dma_wait3A_174, %dma_wait3A_175] : memref<10016x64xf32, #tpu.memory_space<vmem_shared>> -> memref<10016x64xf32, #tpu.memory_space<vmem_shared>>
      tpu.wait_indirect_dma semaphore(%arg19 : memref<!tpu.dma_semaphore, #tpu.memory_space<semaphore_mem>>) src(%arg10 : memref<128x64xf32, #tpu.memory_space<vmem>>) dst(%dma_wait3A_176 : memref<10016x64xf32, #tpu.memory_space<vmem_shared>>)
      %dma_start3A_177 = arith.constant 6 : i32
      %dma_start3A_178 = arith.constant 0 : i32
      %dma_start3A_179 = tpu.memref_slice %arg6[%dma_start3A_177, %dma_start3A_178] : memref<16x128xi32, #tpu.memory_space<vmem>> -> memref<1x128xi32, #tpu.memory_space<vmem>>
      %dma_start3A_180 = tpu.memref_squeeze %dma_start3A_179 : memref<1x128xi32, #tpu.memory_space<vmem>> -> memref<128xi32, #tpu.memory_space<vmem>>
      %dma_start3A_181 = arith.constant 0 : i32
      %dma_start3A_182 = arith.constant 0 : i32
      %dma_start3A_183 = tpu.memref_slice %arg2[%dma_start3A_181, %dma_start3A_182] : memref<10000x64xf32, #tpu.memory_space<hbm>> -> memref<10000x64xf32, #tpu.memory_space<hbm>>
      tpu.enqueue_indirect_dma source(%dma_start3A_183 : memref<10000x64xf32, #tpu.memory_space<hbm>>) target(%arg10 : memref<128x64xf32, #tpu.memory_space<vmem>>) offsets(%dma_start3A_180 : memref<128xi32, #tpu.memory_space<vmem>>) semaphore(%arg15 : memref<!tpu.dma_semaphore, #tpu.memory_space<semaphore_mem>>)
      %dma_wait3A_184 = arith.constant 3 : i32
      %dma_wait3A_185 = arith.constant 0 : i32
      %dma_wait3A_186 = tpu.memref_slice %arg6[%dma_wait3A_184, %dma_wait3A_185] : memref<16x128xi32, #tpu.memory_space<vmem>> -> memref<1x128xi32, #tpu.memory_space<vmem>>
      %dma_wait3A_187 = tpu.memref_squeeze %dma_wait3A_186 : memref<1x128xi32, #tpu.memory_space<vmem>> -> memref<128xi32, #tpu.memory_space<vmem>>
      %dma_wait3A_188 = arith.constant 0 : i32
      %dma_wait3A_189 = arith.constant 0 : i32
      %dma_wait3A_190 = tpu.memref_slice %arg2[%dma_wait3A_188, %dma_wait3A_189] : memref<10000x64xf32, #tpu.memory_space<hbm>> -> memref<10000x64xf32, #tpu.memory_space<hbm>>
      tpu.wait_indirect_dma semaphore(%arg16 : memref<!tpu.dma_semaphore, #tpu.memory_space<semaphore_mem>>) src(%dma_wait3A_190 : memref<10000x64xf32, #tpu.memory_space<hbm>>) dst(%arg11 : memref<128x64xf32, #tpu.memory_space<vmem>>)
      %dma_start3A_191 = arith.constant 3 : i32
      %dma_start3A_192 = arith.constant 0 : i32
      %dma_start3A_193 = tpu.memref_slice %arg7[%dma_start3A_191, %dma_start3A_192] : memref<16x128xi32, #tpu.memory_space<vmem>> -> memref<1x128xi32, #tpu.memory_space<vmem>>
      %dma_start3A_194 = tpu.memref_squeeze %dma_start3A_193 : memref<1x128xi32, #tpu.memory_space<vmem>> -> memref<128xi32, #tpu.memory_space<vmem>>
      %dma_start3A_195 = arith.constant 0 : i32
      %dma_start3A_196 = arith.constant 0 : i32
      %dma_start3A_197 = tpu.memref_slice %arg12[%dma_start3A_195, %dma_start3A_196] : memref<10016x64xf32, #tpu.memory_space<vmem_shared>> -> memref<10016x64xf32, #tpu.memory_space<vmem_shared>>
      tpu.enqueue_indirect_dma source(%arg11 : memref<128x64xf32, #tpu.memory_space<vmem>>) target(%dma_start3A_197 : memref<10016x64xf32, #tpu.memory_space<vmem_shared>>) offsets(%dma_start3A_194 : memref<128xi32, #tpu.memory_space<vmem>>) semaphore(%arg20 : memref<!tpu.dma_semaphore, #tpu.memory_space<semaphore_mem>>) {add = true}
      %dma_wait3A_198 = arith.constant 3 : i32
      %dma_wait3A_199 = arith.constant 0 : i32
      %dma_wait3A_200 = tpu.memref_slice %arg7[%dma_wait3A_198, %dma_wait3A_199] : memref<16x128xi32, #tpu.memory_space<vmem>> -> memref<1x128xi32, #tpu.memory_space<vmem>>
      %dma_wait3A_201 = tpu.memref_squeeze %dma_wait3A_200 : memref<1x128xi32, #tpu.memory_space<vmem>> -> memref<128xi32, #tpu.memory_space<vmem>>
      %dma_wait3A_202 = arith.constant 0 : i32
      %dma_wait3A_203 = arith.constant 0 : i32
      %dma_wait3A_204 = tpu.memref_slice %arg12[%dma_wait3A_202, %dma_wait3A_203] : memref<10016x64xf32, #tpu.memory_space<vmem_shared>> -> memref<10016x64xf32, #tpu.memory_space<vmem_shared>>
      tpu.wait_indirect_dma semaphore(%arg20 : memref<!tpu.dma_semaphore, #tpu.memory_space<semaphore_mem>>) src(%arg11 : memref<128x64xf32, #tpu.memory_space<vmem>>) dst(%dma_wait3A_204 : memref<10016x64xf32, #tpu.memory_space<vmem_shared>>)
      %dma_start3A_205 = arith.constant 7 : i32
      %dma_start3A_206 = arith.constant 0 : i32
      %dma_start3A_207 = tpu.memref_slice %arg6[%dma_start3A_205, %dma_start3A_206] : memref<16x128xi32, #tpu.memory_space<vmem>> -> memref<1x128xi32, #tpu.memory_space<vmem>>
      %dma_start3A_208 = tpu.memref_squeeze %dma_start3A_207 : memref<1x128xi32, #tpu.memory_space<vmem>> -> memref<128xi32, #tpu.memory_space<vmem>>
      %dma_start3A_209 = arith.constant 0 : i32
      %dma_start3A_210 = arith.constant 0 : i32
      %dma_start3A_211 = tpu.memref_slice %arg2[%dma_start3A_209, %dma_start3A_210] : memref<10000x64xf32, #tpu.memory_space<hbm>> -> memref<10000x64xf32, #tpu.memory_space<hbm>>
      tpu.enqueue_indirect_dma source(%dma_start3A_211 : memref<10000x64xf32, #tpu.memory_space<hbm>>) target(%arg11 : memref<128x64xf32, #tpu.memory_space<vmem>>) offsets(%dma_start3A_208 : memref<128xi32, #tpu.memory_space<vmem>>) semaphore(%arg16 : memref<!tpu.dma_semaphore, #tpu.memory_space<semaphore_mem>>)
      %dma_wait3A_212 = arith.constant 4 : i32
      %dma_wait3A_213 = arith.constant 0 : i32
      %dma_wait3A_214 = tpu.memref_slice %arg6[%dma_wait3A_212, %dma_wait3A_213] : memref<16x128xi32, #tpu.memory_space<vmem>> -> memref<1x128xi32, #tpu.memory_space<vmem>>
      %dma_wait3A_215 = tpu.memref_squeeze %dma_wait3A_214 : memref<1x128xi32, #tpu.memory_space<vmem>> -> memref<128xi32, #tpu.memory_space<vmem>>
      %dma_wait3A_216 = arith.constant 0 : i32
      %dma_wait3A_217 = arith.constant 0 : i32
      %dma_wait3A_218 = tpu.memref_slice %arg2[%dma_wait3A_216, %dma_wait3A_217] : memref<10000x64xf32, #tpu.memory_space<hbm>> -> memref<10000x64xf32, #tpu.memory_space<hbm>>
      tpu.wait_indirect_dma semaphore(%arg13 : memref<!tpu.dma_semaphore, #tpu.memory_space<semaphore_mem>>) src(%dma_wait3A_218 : memref<10000x64xf32, #tpu.memory_space<hbm>>) dst(%arg8 : memref<128x64xf32, #tpu.memory_space<vmem>>)
      %dma_start3A_219 = arith.constant 4 : i32
      %dma_start3A_220 = arith.constant 0 : i32
      %dma_start3A_221 = tpu.memref_slice %arg7[%dma_start3A_219, %dma_start3A_220] : memref<16x128xi32, #tpu.memory_space<vmem>> -> memref<1x128xi32, #tpu.memory_space<vmem>>
      %dma_start3A_222 = tpu.memref_squeeze %dma_start3A_221 : memref<1x128xi32, #tpu.memory_space<vmem>> -> memref<128xi32, #tpu.memory_space<vmem>>
      %dma_start3A_223 = arith.constant 0 : i32
      %dma_start3A_224 = arith.constant 0 : i32
      %dma_start3A_225 = tpu.memref_slice %arg12[%dma_start3A_223, %dma_start3A_224] : memref<10016x64xf32, #tpu.memory_space<vmem_shared>> -> memref<10016x64xf32, #tpu.memory_space<vmem_shared>>
      tpu.enqueue_indirect_dma source(%arg8 : memref<128x64xf32, #tpu.memory_space<vmem>>) target(%dma_start3A_225 : memref<10016x64xf32, #tpu.memory_space<vmem_shared>>) offsets(%dma_start3A_222 : memref<128xi32, #tpu.memory_space<vmem>>) semaphore(%arg17 : memref<!tpu.dma_semaphore, #tpu.memory_space<semaphore_mem>>) {add = true}
      %dma_wait3A_226 = arith.constant 4 : i32
      %dma_wait3A_227 = arith.constant 0 : i32
      %dma_wait3A_228 = tpu.memref_slice %arg7[%dma_wait3A_226, %dma_wait3A_227] : memref<16x128xi32, #tpu.memory_space<vmem>> -> memref<1x128xi32, #tpu.memory_space<vmem>>
      %dma_wait3A_229 = tpu.memref_squeeze %dma_wait3A_228 : memref<1x128xi32, #tpu.memory_space<vmem>> -> memref<128xi32, #tpu.memory_space<vmem>>
      %dma_wait3A_230 = arith.constant 0 : i32
      %dma_wait3A_231 = arith.constant 0 : i32
      %dma_wait3A_232 = tpu.memref_slice %arg12[%dma_wait3A_230, %dma_wait3A_231] : memref<10016x64xf32, #tpu.memory_space<vmem_shared>> -> memref<10016x64xf32, #tpu.memory_space<vmem_shared>>
      tpu.wait_indirect_dma semaphore(%arg17 : memref<!tpu.dma_semaphore, #tpu.memory_space<semaphore_mem>>) src(%arg8 : memref<128x64xf32, #tpu.memory_space<vmem>>) dst(%dma_wait3A_232 : memref<10016x64xf32, #tpu.memory_space<vmem_shared>>)
      %dma_start3A_233 = arith.constant 8 : i32
      %dma_start3A_234 = arith.constant 0 : i32
      %dma_start3A_235 = tpu.memref_slice %arg6[%dma_start3A_233, %dma_start3A_234] : memref<16x128xi32, #tpu.memory_space<vmem>> -> memref<1x128xi32, #tpu.memory_space<vmem>>
      %dma_start3A_236 = tpu.memref_squeeze %dma_start3A_235 : memref<1x128xi32, #tpu.memory_space<vmem>> -> memref<128xi32, #tpu.memory_space<vmem>>
      %dma_start3A_237 = arith.constant 0 : i32
      %dma_start3A_238 = arith.constant 0 : i32
      %dma_start3A_239 = tpu.memref_slice %arg2[%dma_start3A_237, %dma_start3A_238] : memref<10000x64xf32, #tpu.memory_space<hbm>> -> memref<10000x64xf32, #tpu.memory_space<hbm>>
      tpu.enqueue_indirect_dma source(%dma_start3A_239 : memref<10000x64xf32, #tpu.memory_space<hbm>>) target(%arg8 : memref<128x64xf32, #tpu.memory_space<vmem>>) offsets(%dma_start3A_236 : memref<128xi32, #tpu.memory_space<vmem>>) semaphore(%arg13 : memref<!tpu.dma_semaphore, #tpu.memory_space<semaphore_mem>>)
      %dma_wait3A_240 = arith.constant 5 : i32
      %dma_wait3A_241 = arith.constant 0 : i32
      %dma_wait3A_242 = tpu.memref_slice %arg6[%dma_wait3A_240, %dma_wait3A_241] : memref<16x128xi32, #tpu.memory_space<vmem>> -> memref<1x128xi32, #tpu.memory_space<vmem>>
      %dma_wait3A_243 = tpu.memref_squeeze %dma_wait3A_242 : memref<1x128xi32, #tpu.memory_space<vmem>> -> memref<128xi32, #tpu.memory_space<vmem>>
      %dma_wait3A_244 = arith.constant 0 : i32
      %dma_wait3A_245 = arith.constant 0 : i32
      %dma_wait3A_246 = tpu.memref_slice %arg2[%dma_wait3A_244, %dma_wait3A_245] : memref<10000x64xf32, #tpu.memory_space<hbm>> -> memref<10000x64xf32, #tpu.memory_space<hbm>>
      tpu.wait_indirect_dma semaphore(%arg14 : memref<!tpu.dma_semaphore, #tpu.memory_space<semaphore_mem>>) src(%dma_wait3A_246 : memref<10000x64xf32, #tpu.memory_space<hbm>>) dst(%arg9 : memref<128x64xf32, #tpu.memory_space<vmem>>)
      %dma_start3A_247 = arith.constant 5 : i32
      %dma_start3A_248 = arith.constant 0 : i32
      %dma_start3A_249 = tpu.memref_slice %arg7[%dma_start3A_247, %dma_start3A_248] : memref<16x128xi32, #tpu.memory_space<vmem>> -> memref<1x128xi32, #tpu.memory_space<vmem>>
      %dma_start3A_250 = tpu.memref_squeeze %dma_start3A_249 : memref<1x128xi32, #tpu.memory_space<vmem>> -> memref<128xi32, #tpu.memory_space<vmem>>
      %dma_start3A_251 = arith.constant 0 : i32
      %dma_start3A_252 = arith.constant 0 : i32
      %dma_start3A_253 = tpu.memref_slice %arg12[%dma_start3A_251, %dma_start3A_252] : memref<10016x64xf32, #tpu.memory_space<vmem_shared>> -> memref<10016x64xf32, #tpu.memory_space<vmem_shared>>
      tpu.enqueue_indirect_dma source(%arg9 : memref<128x64xf32, #tpu.memory_space<vmem>>) target(%dma_start3A_253 : memref<10016x64xf32, #tpu.memory_space<vmem_shared>>) offsets(%dma_start3A_250 : memref<128xi32, #tpu.memory_space<vmem>>) semaphore(%arg18 : memref<!tpu.dma_semaphore, #tpu.memory_space<semaphore_mem>>) {add = true}
      %dma_wait3A_254 = arith.constant 5 : i32
      %dma_wait3A_255 = arith.constant 0 : i32
      %dma_wait3A_256 = tpu.memref_slice %arg7[%dma_wait3A_254, %dma_wait3A_255] : memref<16x128xi32, #tpu.memory_space<vmem>> -> memref<1x128xi32, #tpu.memory_space<vmem>>
      %dma_wait3A_257 = tpu.memref_squeeze %dma_wait3A_256 : memref<1x128xi32, #tpu.memory_space<vmem>> -> memref<128xi32, #tpu.memory_space<vmem>>
      %dma_wait3A_258 = arith.constant 0 : i32
      %dma_wait3A_259 = arith.constant 0 : i32
      %dma_wait3A_260 = tpu.memref_slice %arg12[%dma_wait3A_258, %dma_wait3A_259] : memref<10016x64xf32, #tpu.memory_space<vmem_shared>> -> memref<10016x64xf32, #tpu.memory_space<vmem_shared>>
      tpu.wait_indirect_dma semaphore(%arg18 : memref<!tpu.dma_semaphore, #tpu.memory_space<semaphore_mem>>) src(%arg9 : memref<128x64xf32, #tpu.memory_space<vmem>>) dst(%dma_wait3A_260 : memref<10016x64xf32, #tpu.memory_space<vmem_shared>>)
      %dma_start3A_261 = arith.constant 9 : i32
      %dma_start3A_262 = arith.constant 0 : i32
      %dma_start3A_263 = tpu.memref_slice %arg6[%dma_start3A_261, %dma_start3A_262] : memref<16x128xi32, #tpu.memory_space<vmem>> -> memref<1x128xi32, #tpu.memory_space<vmem>>
      %dma_start3A_264 = tpu.memref_squeeze %dma_start3A_263 : memref<1x128xi32, #tpu.memory_space<vmem>> -> memref<128xi32, #tpu.memory_space<vmem>>
      %dma_start3A_265 = arith.constant 0 : i32
      %dma_start3A_266 = arith.constant 0 : i32
      %dma_start3A_267 = tpu.memref_slice %arg2[%dma_start3A_265, %dma_start3A_266] : memref<10000x64xf32, #tpu.memory_space<hbm>> -> memref<10000x64xf32, #tpu.memory_space<hbm>>
      tpu.enqueue_indirect_dma source(%dma_start3A_267 : memref<10000x64xf32, #tpu.memory_space<hbm>>) target(%arg9 : memref<128x64xf32, #tpu.memory_space<vmem>>) offsets(%dma_start3A_264 : memref<128xi32, #tpu.memory_space<vmem>>) semaphore(%arg14 : memref<!tpu.dma_semaphore, #tpu.memory_space<semaphore_mem>>)
      %dma_wait3A_268 = arith.constant 6 : i32
      %dma_wait3A_269 = arith.constant 0 : i32
      %dma_wait3A_270 = tpu.memref_slice %arg6[%dma_wait3A_268, %dma_wait3A_269] : memref<16x128xi32, #tpu.memory_space<vmem>> -> memref<1x128xi32, #tpu.memory_space<vmem>>
      %dma_wait3A_271 = tpu.memref_squeeze %dma_wait3A_270 : memref<1x128xi32, #tpu.memory_space<vmem>> -> memref<128xi32, #tpu.memory_space<vmem>>
      %dma_wait3A_272 = arith.constant 0 : i32
      %dma_wait3A_273 = arith.constant 0 : i32
      %dma_wait3A_274 = tpu.memref_slice %arg2[%dma_wait3A_272, %dma_wait3A_273] : memref<10000x64xf32, #tpu.memory_space<hbm>> -> memref<10000x64xf32, #tpu.memory_space<hbm>>
      tpu.wait_indirect_dma semaphore(%arg15 : memref<!tpu.dma_semaphore, #tpu.memory_space<semaphore_mem>>) src(%dma_wait3A_274 : memref<10000x64xf32, #tpu.memory_space<hbm>>) dst(%arg10 : memref<128x64xf32, #tpu.memory_space<vmem>>)
      %dma_start3A_275 = arith.constant 6 : i32
      %dma_start3A_276 = arith.constant 0 : i32
      %dma_start3A_277 = tpu.memref_slice %arg7[%dma_start3A_275, %dma_start3A_276] : memref<16x128xi32, #tpu.memory_space<vmem>> -> memref<1x128xi32, #tpu.memory_space<vmem>>
      %dma_start3A_278 = tpu.memref_squeeze %dma_start3A_277 : memref<1x128xi32, #tpu.memory_space<vmem>> -> memref<128xi32, #tpu.memory_space<vmem>>
      %dma_start3A_279 = arith.constant 0 : i32
      %dma_start3A_280 = arith.constant 0 : i32
      %dma_start3A_281 = tpu.memref_slice %arg12[%dma_start3A_279, %dma_start3A_280] : memref<10016x64xf32, #tpu.memory_space<vmem_shared>> -> memref<10016x64xf32, #tpu.memory_space<vmem_shared>>
      tpu.enqueue_indirect_dma source(%arg10 : memref<128x64xf32, #tpu.memory_space<vmem>>) target(%dma_start3A_281 : memref<10016x64xf32, #tpu.memory_space<vmem_shared>>) offsets(%dma_start3A_278 : memref<128xi32, #tpu.memory_space<vmem>>) semaphore(%arg19 : memref<!tpu.dma_semaphore, #tpu.memory_space<semaphore_mem>>) {add = true}
      %dma_wait3A_282 = arith.constant 6 : i32
      %dma_wait3A_283 = arith.constant 0 : i32
      %dma_wait3A_284 = tpu.memref_slice %arg7[%dma_wait3A_282, %dma_wait3A_283] : memref<16x128xi32, #tpu.memory_space<vmem>> -> memref<1x128xi32, #tpu.memory_space<vmem>>
      %dma_wait3A_285 = tpu.memref_squeeze %dma_wait3A_284 : memref<1x128xi32, #tpu.memory_space<vmem>> -> memref<128xi32, #tpu.memory_space<vmem>>
      %dma_wait3A_286 = arith.constant 0 : i32
      %dma_wait3A_287 = arith.constant 0 : i32
      %dma_wait3A_288 = tpu.memref_slice %arg12[%dma_wait3A_286, %dma_wait3A_287] : memref<10016x64xf32, #tpu.memory_space<vmem_shared>> -> memref<10016x64xf32, #tpu.memory_space<vmem_shared>>
      tpu.wait_indirect_dma semaphore(%arg19 : memref<!tpu.dma_semaphore, #tpu.memory_space<semaphore_mem>>) src(%arg10 : memref<128x64xf32, #tpu.memory_space<vmem>>) dst(%dma_wait3A_288 : memref<10016x64xf32, #tpu.memory_space<vmem_shared>>)
      %dma_start3A_289 = arith.constant 10 : i32
      %dma_start3A_290 = arith.constant 0 : i32
      %dma_start3A_291 = tpu.memref_slice %arg6[%dma_start3A_289, %dma_start3A_290] : memref<16x128xi32, #tpu.memory_space<vmem>> -> memref<1x128xi32, #tpu.memory_space<vmem>>
      %dma_start3A_292 = tpu.memref_squeeze %dma_start3A_291 : memref<1x128xi32, #tpu.memory_space<vmem>> -> memref<128xi32, #tpu.memory_space<vmem>>
      %dma_start3A_293 = arith.constant 0 : i32
      %dma_start3A_294 = arith.constant 0 : i32
      %dma_start3A_295 = tpu.memref_slice %arg2[%dma_start3A_293, %dma_start3A_294] : memref<10000x64xf32, #tpu.memory_space<hbm>> -> memref<10000x64xf32, #tpu.memory_space<hbm>>
      tpu.enqueue_indirect_dma source(%dma_start3A_295 : memref<10000x64xf32, #tpu.memory_space<hbm>>) target(%arg10 : memref<128x64xf32, #tpu.memory_space<vmem>>) offsets(%dma_start3A_292 : memref<128xi32, #tpu.memory_space<vmem>>) semaphore(%arg15 : memref<!tpu.dma_semaphore, #tpu.memory_space<semaphore_mem>>)
      %dma_wait3A_296 = arith.constant 7 : i32
      %dma_wait3A_297 = arith.constant 0 : i32
      %dma_wait3A_298 = tpu.memref_slice %arg6[%dma_wait3A_296, %dma_wait3A_297] : memref<16x128xi32, #tpu.memory_space<vmem>> -> memref<1x128xi32, #tpu.memory_space<vmem>>
      %dma_wait3A_299 = tpu.memref_squeeze %dma_wait3A_298 : memref<1x128xi32, #tpu.memory_space<vmem>> -> memref<128xi32, #tpu.memory_space<vmem>>
      %dma_wait3A_300 = arith.constant 0 : i32
      %dma_wait3A_301 = arith.constant 0 : i32
      %dma_wait3A_302 = tpu.memref_slice %arg2[%dma_wait3A_300, %dma_wait3A_301] : memref<10000x64xf32, #tpu.memory_space<hbm>> -> memref<10000x64xf32, #tpu.memory_space<hbm>>
      tpu.wait_indirect_dma semaphore(%arg16 : memref<!tpu.dma_semaphore, #tpu.memory_space<semaphore_mem>>) src(%dma_wait3A_302 : memref<10000x64xf32, #tpu.memory_space<hbm>>) dst(%arg11 : memref<128x64xf32, #tpu.memory_space<vmem>>)
      %dma_start3A_303 = arith.constant 7 : i32
      %dma_start3A_304 = arith.constant 0 : i32
      %dma_start3A_305 = tpu.memref_slice %arg7[%dma_start3A_303, %dma_start3A_304] : memref<16x128xi32, #tpu.memory_space<vmem>> -> memref<1x128xi32, #tpu.memory_space<vmem>>
      %dma_start3A_306 = tpu.memref_squeeze %dma_start3A_305 : memref<1x128xi32, #tpu.memory_space<vmem>> -> memref<128xi32, #tpu.memory_space<vmem>>
      %dma_start3A_307 = arith.constant 0 : i32
      %dma_start3A_308 = arith.constant 0 : i32
      %dma_start3A_309 = tpu.memref_slice %arg12[%dma_start3A_307, %dma_start3A_308] : memref<10016x64xf32, #tpu.memory_space<vmem_shared>> -> memref<10016x64xf32, #tpu.memory_space<vmem_shared>>
      tpu.enqueue_indirect_dma source(%arg11 : memref<128x64xf32, #tpu.memory_space<vmem>>) target(%dma_start3A_309 : memref<10016x64xf32, #tpu.memory_space<vmem_shared>>) offsets(%dma_start3A_306 : memref<128xi32, #tpu.memory_space<vmem>>) semaphore(%arg20 : memref<!tpu.dma_semaphore, #tpu.memory_space<semaphore_mem>>) {add = true}
      %dma_wait3A_310 = arith.constant 7 : i32
      %dma_wait3A_311 = arith.constant 0 : i32
      %dma_wait3A_312 = tpu.memref_slice %arg7[%dma_wait3A_310, %dma_wait3A_311] : memref<16x128xi32, #tpu.memory_space<vmem>> -> memref<1x128xi32, #tpu.memory_space<vmem>>
      %dma_wait3A_313 = tpu.memref_squeeze %dma_wait3A_312 : memref<1x128xi32, #tpu.memory_space<vmem>> -> memref<128xi32, #tpu.memory_space<vmem>>
      %dma_wait3A_314 = arith.constant 0 : i32
      %dma_wait3A_315 = arith.constant 0 : i32
      %dma_wait3A_316 = tpu.memref_slice %arg12[%dma_wait3A_314, %dma_wait3A_315] : memref<10016x64xf32, #tpu.memory_space<vmem_shared>> -> memref<10016x64xf32, #tpu.memory_space<vmem_shared>>
      tpu.wait_indirect_dma semaphore(%arg20 : memref<!tpu.dma_semaphore, #tpu.memory_space<semaphore_mem>>) src(%arg11 : memref<128x64xf32, #tpu.memory_space<vmem>>) dst(%dma_wait3A_316 : memref<10016x64xf32, #tpu.memory_space<vmem_shared>>)
      %dma_start3A_317 = arith.constant 11 : i32
      %dma_start3A_318 = arith.constant 0 : i32
      %dma_start3A_319 = tpu.memref_slice %arg6[%dma_start3A_317, %dma_start3A_318] : memref<16x128xi32, #tpu.memory_space<vmem>> -> memref<1x128xi32, #tpu.memory_space<vmem>>
      %dma_start3A_320 = tpu.memref_squeeze %dma_start3A_319 : memref<1x128xi32, #tpu.memory_space<vmem>> -> memref<128xi32, #tpu.memory_space<vmem>>
      %dma_start3A_321 = arith.constant 0 : i32
      %dma_start3A_322 = arith.constant 0 : i32
      %dma_start3A_323 = tpu.memref_slice %arg2[%dma_start3A_321, %dma_start3A_322] : memref<10000x64xf32, #tpu.memory_space<hbm>> -> memref<10000x64xf32, #tpu.memory_space<hbm>>
      tpu.enqueue_indirect_dma source(%dma_start3A_323 : memref<10000x64xf32, #tpu.memory_space<hbm>>) target(%arg11 : memref<128x64xf32, #tpu.memory_space<vmem>>) offsets(%dma_start3A_320 : memref<128xi32, #tpu.memory_space<vmem>>) semaphore(%arg16 : memref<!tpu.dma_semaphore, #tpu.memory_space<semaphore_mem>>)
      %dma_wait3A_324 = arith.constant 8 : i32
      %dma_wait3A_325 = arith.constant 0 : i32
      %dma_wait3A_326 = tpu.memref_slice %arg6[%dma_wait3A_324, %dma_wait3A_325] : memref<16x128xi32, #tpu.memory_space<vmem>> -> memref<1x128xi32, #tpu.memory_space<vmem>>
      %dma_wait3A_327 = tpu.memref_squeeze %dma_wait3A_326 : memref<1x128xi32, #tpu.memory_space<vmem>> -> memref<128xi32, #tpu.memory_space<vmem>>
      %dma_wait3A_328 = arith.constant 0 : i32
      %dma_wait3A_329 = arith.constant 0 : i32
      %dma_wait3A_330 = tpu.memref_slice %arg2[%dma_wait3A_328, %dma_wait3A_329] : memref<10000x64xf32, #tpu.memory_space<hbm>> -> memref<10000x64xf32, #tpu.memory_space<hbm>>
      tpu.wait_indirect_dma semaphore(%arg13 : memref<!tpu.dma_semaphore, #tpu.memory_space<semaphore_mem>>) src(%dma_wait3A_330 : memref<10000x64xf32, #tpu.memory_space<hbm>>) dst(%arg8 : memref<128x64xf32, #tpu.memory_space<vmem>>)
      %dma_start3A_331 = arith.constant 8 : i32
      %dma_start3A_332 = arith.constant 0 : i32
      %dma_start3A_333 = tpu.memref_slice %arg7[%dma_start3A_331, %dma_start3A_332] : memref<16x128xi32, #tpu.memory_space<vmem>> -> memref<1x128xi32, #tpu.memory_space<vmem>>
      %dma_start3A_334 = tpu.memref_squeeze %dma_start3A_333 : memref<1x128xi32, #tpu.memory_space<vmem>> -> memref<128xi32, #tpu.memory_space<vmem>>
      %dma_start3A_335 = arith.constant 0 : i32
      %dma_start3A_336 = arith.constant 0 : i32
      %dma_start3A_337 = tpu.memref_slice %arg12[%dma_start3A_335, %dma_start3A_336] : memref<10016x64xf32, #tpu.memory_space<vmem_shared>> -> memref<10016x64xf32, #tpu.memory_space<vmem_shared>>
      tpu.enqueue_indirect_dma source(%arg8 : memref<128x64xf32, #tpu.memory_space<vmem>>) target(%dma_start3A_337 : memref<10016x64xf32, #tpu.memory_space<vmem_shared>>) offsets(%dma_start3A_334 : memref<128xi32, #tpu.memory_space<vmem>>) semaphore(%arg17 : memref<!tpu.dma_semaphore, #tpu.memory_space<semaphore_mem>>) {add = true}
      %dma_wait3A_338 = arith.constant 8 : i32
      %dma_wait3A_339 = arith.constant 0 : i32
      %dma_wait3A_340 = tpu.memref_slice %arg7[%dma_wait3A_338, %dma_wait3A_339] : memref<16x128xi32, #tpu.memory_space<vmem>> -> memref<1x128xi32, #tpu.memory_space<vmem>>
      %dma_wait3A_341 = tpu.memref_squeeze %dma_wait3A_340 : memref<1x128xi32, #tpu.memory_space<vmem>> -> memref<128xi32, #tpu.memory_space<vmem>>
      %dma_wait3A_342 = arith.constant 0 : i32
      %dma_wait3A_343 = arith.constant 0 : i32
      %dma_wait3A_344 = tpu.memref_slice %arg12[%dma_wait3A_342, %dma_wait3A_343] : memref<10016x64xf32, #tpu.memory_space<vmem_shared>> -> memref<10016x64xf32, #tpu.memory_space<vmem_shared>>
      tpu.wait_indirect_dma semaphore(%arg17 : memref<!tpu.dma_semaphore, #tpu.memory_space<semaphore_mem>>) src(%arg8 : memref<128x64xf32, #tpu.memory_space<vmem>>) dst(%dma_wait3A_344 : memref<10016x64xf32, #tpu.memory_space<vmem_shared>>)
      %dma_start3A_345 = arith.constant 12 : i32
      %dma_start3A_346 = arith.constant 0 : i32
      %dma_start3A_347 = tpu.memref_slice %arg6[%dma_start3A_345, %dma_start3A_346] : memref<16x128xi32, #tpu.memory_space<vmem>> -> memref<1x128xi32, #tpu.memory_space<vmem>>
      %dma_start3A_348 = tpu.memref_squeeze %dma_start3A_347 : memref<1x128xi32, #tpu.memory_space<vmem>> -> memref<128xi32, #tpu.memory_space<vmem>>
      %dma_start3A_349 = arith.constant 0 : i32
      %dma_start3A_350 = arith.constant 0 : i32
      %dma_start3A_351 = tpu.memref_slice %arg2[%dma_start3A_349, %dma_start3A_350] : memref<10000x64xf32, #tpu.memory_space<hbm>> -> memref<10000x64xf32, #tpu.memory_space<hbm>>
      tpu.enqueue_indirect_dma source(%dma_start3A_351 : memref<10000x64xf32, #tpu.memory_space<hbm>>) target(%arg8 : memref<128x64xf32, #tpu.memory_space<vmem>>) offsets(%dma_start3A_348 : memref<128xi32, #tpu.memory_space<vmem>>) semaphore(%arg13 : memref<!tpu.dma_semaphore, #tpu.memory_space<semaphore_mem>>)
      %dma_wait3A_352 = arith.constant 9 : i32
      %dma_wait3A_353 = arith.constant 0 : i32
      %dma_wait3A_354 = tpu.memref_slice %arg6[%dma_wait3A_352, %dma_wait3A_353] : memref<16x128xi32, #tpu.memory_space<vmem>> -> memref<1x128xi32, #tpu.memory_space<vmem>>
      %dma_wait3A_355 = tpu.memref_squeeze %dma_wait3A_354 : memref<1x128xi32, #tpu.memory_space<vmem>> -> memref<128xi32, #tpu.memory_space<vmem>>
      %dma_wait3A_356 = arith.constant 0 : i32
      %dma_wait3A_357 = arith.constant 0 : i32
      %dma_wait3A_358 = tpu.memref_slice %arg2[%dma_wait3A_356, %dma_wait3A_357] : memref<10000x64xf32, #tpu.memory_space<hbm>> -> memref<10000x64xf32, #tpu.memory_space<hbm>>
      tpu.wait_indirect_dma semaphore(%arg14 : memref<!tpu.dma_semaphore, #tpu.memory_space<semaphore_mem>>) src(%dma_wait3A_358 : memref<10000x64xf32, #tpu.memory_space<hbm>>) dst(%arg9 : memref<128x64xf32, #tpu.memory_space<vmem>>)
      %dma_start3A_359 = arith.constant 9 : i32
      %dma_start3A_360 = arith.constant 0 : i32
      %dma_start3A_361 = tpu.memref_slice %arg7[%dma_start3A_359, %dma_start3A_360] : memref<16x128xi32, #tpu.memory_space<vmem>> -> memref<1x128xi32, #tpu.memory_space<vmem>>
      %dma_start3A_362 = tpu.memref_squeeze %dma_start3A_361 : memref<1x128xi32, #tpu.memory_space<vmem>> -> memref<128xi32, #tpu.memory_space<vmem>>
      %dma_start3A_363 = arith.constant 0 : i32
      %dma_start3A_364 = arith.constant 0 : i32
      %dma_start3A_365 = tpu.memref_slice %arg12[%dma_start3A_363, %dma_start3A_364] : memref<10016x64xf32, #tpu.memory_space<vmem_shared>> -> memref<10016x64xf32, #tpu.memory_space<vmem_shared>>
      tpu.enqueue_indirect_dma source(%arg9 : memref<128x64xf32, #tpu.memory_space<vmem>>) target(%dma_start3A_365 : memref<10016x64xf32, #tpu.memory_space<vmem_shared>>) offsets(%dma_start3A_362 : memref<128xi32, #tpu.memory_space<vmem>>) semaphore(%arg18 : memref<!tpu.dma_semaphore, #tpu.memory_space<semaphore_mem>>) {add = true}
      %dma_wait3A_366 = arith.constant 9 : i32
      %dma_wait3A_367 = arith.constant 0 : i32
      %dma_wait3A_368 = tpu.memref_slice %arg7[%dma_wait3A_366, %dma_wait3A_367] : memref<16x128xi32, #tpu.memory_space<vmem>> -> memref<1x128xi32, #tpu.memory_space<vmem>>
      %dma_wait3A_369 = tpu.memref_squeeze %dma_wait3A_368 : memref<1x128xi32, #tpu.memory_space<vmem>> -> memref<128xi32, #tpu.memory_space<vmem>>
      %dma_wait3A_370 = arith.constant 0 : i32
      %dma_wait3A_371 = arith.constant 0 : i32
      %dma_wait3A_372 = tpu.memref_slice %arg12[%dma_wait3A_370, %dma_wait3A_371] : memref<10016x64xf32, #tpu.memory_space<vmem_shared>> -> memref<10016x64xf32, #tpu.memory_space<vmem_shared>>
      tpu.wait_indirect_dma semaphore(%arg18 : memref<!tpu.dma_semaphore, #tpu.memory_space<semaphore_mem>>) src(%arg9 : memref<128x64xf32, #tpu.memory_space<vmem>>) dst(%dma_wait3A_372 : memref<10016x64xf32, #tpu.memory_space<vmem_shared>>)
      %dma_start3A_373 = arith.constant 13 : i32
      %dma_start3A_374 = arith.constant 0 : i32
      %dma_start3A_375 = tpu.memref_slice %arg6[%dma_start3A_373, %dma_start3A_374] : memref<16x128xi32, #tpu.memory_space<vmem>> -> memref<1x128xi32, #tpu.memory_space<vmem>>
      %dma_start3A_376 = tpu.memref_squeeze %dma_start3A_375 : memref<1x128xi32, #tpu.memory_space<vmem>> -> memref<128xi32, #tpu.memory_space<vmem>>
      %dma_start3A_377 = arith.constant 0 : i32
      %dma_start3A_378 = arith.constant 0 : i32
      %dma_start3A_379 = tpu.memref_slice %arg2[%dma_start3A_377, %dma_start3A_378] : memref<10000x64xf32, #tpu.memory_space<hbm>> -> memref<10000x64xf32, #tpu.memory_space<hbm>>
      tpu.enqueue_indirect_dma source(%dma_start3A_379 : memref<10000x64xf32, #tpu.memory_space<hbm>>) target(%arg9 : memref<128x64xf32, #tpu.memory_space<vmem>>) offsets(%dma_start3A_376 : memref<128xi32, #tpu.memory_space<vmem>>) semaphore(%arg14 : memref<!tpu.dma_semaphore, #tpu.memory_space<semaphore_mem>>)
      %dma_wait3A_380 = arith.constant 10 : i32
      %dma_wait3A_381 = arith.constant 0 : i32
      %dma_wait3A_382 = tpu.memref_slice %arg6[%dma_wait3A_380, %dma_wait3A_381] : memref<16x128xi32, #tpu.memory_space<vmem>> -> memref<1x128xi32, #tpu.memory_space<vmem>>
      %dma_wait3A_383 = tpu.memref_squeeze %dma_wait3A_382 : memref<1x128xi32, #tpu.memory_space<vmem>> -> memref<128xi32, #tpu.memory_space<vmem>>
      %dma_wait3A_384 = arith.constant 0 : i32
      %dma_wait3A_385 = arith.constant 0 : i32
      %dma_wait3A_386 = tpu.memref_slice %arg2[%dma_wait3A_384, %dma_wait3A_385] : memref<10000x64xf32, #tpu.memory_space<hbm>> -> memref<10000x64xf32, #tpu.memory_space<hbm>>
      tpu.wait_indirect_dma semaphore(%arg15 : memref<!tpu.dma_semaphore, #tpu.memory_space<semaphore_mem>>) src(%dma_wait3A_386 : memref<10000x64xf32, #tpu.memory_space<hbm>>) dst(%arg10 : memref<128x64xf32, #tpu.memory_space<vmem>>)
      %dma_start3A_387 = arith.constant 10 : i32
      %dma_start3A_388 = arith.constant 0 : i32
      %dma_start3A_389 = tpu.memref_slice %arg7[%dma_start3A_387, %dma_start3A_388] : memref<16x128xi32, #tpu.memory_space<vmem>> -> memref<1x128xi32, #tpu.memory_space<vmem>>
      %dma_start3A_390 = tpu.memref_squeeze %dma_start3A_389 : memref<1x128xi32, #tpu.memory_space<vmem>> -> memref<128xi32, #tpu.memory_space<vmem>>
      %dma_start3A_391 = arith.constant 0 : i32
      %dma_start3A_392 = arith.constant 0 : i32
      %dma_start3A_393 = tpu.memref_slice %arg12[%dma_start3A_391, %dma_start3A_392] : memref<10016x64xf32, #tpu.memory_space<vmem_shared>> -> memref<10016x64xf32, #tpu.memory_space<vmem_shared>>
      tpu.enqueue_indirect_dma source(%arg10 : memref<128x64xf32, #tpu.memory_space<vmem>>) target(%dma_start3A_393 : memref<10016x64xf32, #tpu.memory_space<vmem_shared>>) offsets(%dma_start3A_390 : memref<128xi32, #tpu.memory_space<vmem>>) semaphore(%arg19 : memref<!tpu.dma_semaphore, #tpu.memory_space<semaphore_mem>>) {add = true}
      %dma_wait3A_394 = arith.constant 10 : i32
      %dma_wait3A_395 = arith.constant 0 : i32
      %dma_wait3A_396 = tpu.memref_slice %arg7[%dma_wait3A_394, %dma_wait3A_395] : memref<16x128xi32, #tpu.memory_space<vmem>> -> memref<1x128xi32, #tpu.memory_space<vmem>>
      %dma_wait3A_397 = tpu.memref_squeeze %dma_wait3A_396 : memref<1x128xi32, #tpu.memory_space<vmem>> -> memref<128xi32, #tpu.memory_space<vmem>>
      %dma_wait3A_398 = arith.constant 0 : i32
      %dma_wait3A_399 = arith.constant 0 : i32
      %dma_wait3A_400 = tpu.memref_slice %arg12[%dma_wait3A_398, %dma_wait3A_399] : memref<10016x64xf32, #tpu.memory_space<vmem_shared>> -> memref<10016x64xf32, #tpu.memory_space<vmem_shared>>
      tpu.wait_indirect_dma semaphore(%arg19 : memref<!tpu.dma_semaphore, #tpu.memory_space<semaphore_mem>>) src(%arg10 : memref<128x64xf32, #tpu.memory_space<vmem>>) dst(%dma_wait3A_400 : memref<10016x64xf32, #tpu.memory_space<vmem_shared>>)
      %dma_start3A_401 = arith.constant 14 : i32
      %dma_start3A_402 = arith.constant 0 : i32
      %dma_start3A_403 = tpu.memref_slice %arg6[%dma_start3A_401, %dma_start3A_402] : memref<16x128xi32, #tpu.memory_space<vmem>> -> memref<1x128xi32, #tpu.memory_space<vmem>>
      %dma_start3A_404 = tpu.memref_squeeze %dma_start3A_403 : memref<1x128xi32, #tpu.memory_space<vmem>> -> memref<128xi32, #tpu.memory_space<vmem>>
      %dma_start3A_405 = arith.constant 0 : i32
      %dma_start3A_406 = arith.constant 0 : i32
      %dma_start3A_407 = tpu.memref_slice %arg2[%dma_start3A_405, %dma_start3A_406] : memref<10000x64xf32, #tpu.memory_space<hbm>> -> memref<10000x64xf32, #tpu.memory_space<hbm>>
      tpu.enqueue_indirect_dma source(%dma_start3A_407 : memref<10000x64xf32, #tpu.memory_space<hbm>>) target(%arg10 : memref<128x64xf32, #tpu.memory_space<vmem>>) offsets(%dma_start3A_404 : memref<128xi32, #tpu.memory_space<vmem>>) semaphore(%arg15 : memref<!tpu.dma_semaphore, #tpu.memory_space<semaphore_mem>>)
      %dma_wait3A_408 = arith.constant 11 : i32
      %dma_wait3A_409 = arith.constant 0 : i32
      %dma_wait3A_410 = tpu.memref_slice %arg6[%dma_wait3A_408, %dma_wait3A_409] : memref<16x128xi32, #tpu.memory_space<vmem>> -> memref<1x128xi32, #tpu.memory_space<vmem>>
      %dma_wait3A_411 = tpu.memref_squeeze %dma_wait3A_410 : memref<1x128xi32, #tpu.memory_space<vmem>> -> memref<128xi32, #tpu.memory_space<vmem>>
      %dma_wait3A_412 = arith.constant 0 : i32
      %dma_wait3A_413 = arith.constant 0 : i32
      %dma_wait3A_414 = tpu.memref_slice %arg2[%dma_wait3A_412, %dma_wait3A_413] : memref<10000x64xf32, #tpu.memory_space<hbm>> -> memref<10000x64xf32, #tpu.memory_space<hbm>>
      tpu.wait_indirect_dma semaphore(%arg16 : memref<!tpu.dma_semaphore, #tpu.memory_space<semaphore_mem>>) src(%dma_wait3A_414 : memref<10000x64xf32, #tpu.memory_space<hbm>>) dst(%arg11 : memref<128x64xf32, #tpu.memory_space<vmem>>)
      %dma_start3A_415 = arith.constant 11 : i32
      %dma_start3A_416 = arith.constant 0 : i32
      %dma_start3A_417 = tpu.memref_slice %arg7[%dma_start3A_415, %dma_start3A_416] : memref<16x128xi32, #tpu.memory_space<vmem>> -> memref<1x128xi32, #tpu.memory_space<vmem>>
      %dma_start3A_418 = tpu.memref_squeeze %dma_start3A_417 : memref<1x128xi32, #tpu.memory_space<vmem>> -> memref<128xi32, #tpu.memory_space<vmem>>
      %dma_start3A_419 = arith.constant 0 : i32
      %dma_start3A_420 = arith.constant 0 : i32
      %dma_start3A_421 = tpu.memref_slice %arg12[%dma_start3A_419, %dma_start3A_420] : memref<10016x64xf32, #tpu.memory_space<vmem_shared>> -> memref<10016x64xf32, #tpu.memory_space<vmem_shared>>
      tpu.enqueue_indirect_dma source(%arg11 : memref<128x64xf32, #tpu.memory_space<vmem>>) target(%dma_start3A_421 : memref<10016x64xf32, #tpu.memory_space<vmem_shared>>) offsets(%dma_start3A_418 : memref<128xi32, #tpu.memory_space<vmem>>) semaphore(%arg20 : memref<!tpu.dma_semaphore, #tpu.memory_space<semaphore_mem>>) {add = true}
      %dma_wait3A_422 = arith.constant 11 : i32
      %dma_wait3A_423 = arith.constant 0 : i32
      %dma_wait3A_424 = tpu.memref_slice %arg7[%dma_wait3A_422, %dma_wait3A_423] : memref<16x128xi32, #tpu.memory_space<vmem>> -> memref<1x128xi32, #tpu.memory_space<vmem>>
      %dma_wait3A_425 = tpu.memref_squeeze %dma_wait3A_424 : memref<1x128xi32, #tpu.memory_space<vmem>> -> memref<128xi32, #tpu.memory_space<vmem>>
      %dma_wait3A_426 = arith.constant 0 : i32
      %dma_wait3A_427 = arith.constant 0 : i32
      %dma_wait3A_428 = tpu.memref_slice %arg12[%dma_wait3A_426, %dma_wait3A_427] : memref<10016x64xf32, #tpu.memory_space<vmem_shared>> -> memref<10016x64xf32, #tpu.memory_space<vmem_shared>>
      tpu.wait_indirect_dma semaphore(%arg20 : memref<!tpu.dma_semaphore, #tpu.memory_space<semaphore_mem>>) src(%arg11 : memref<128x64xf32, #tpu.memory_space<vmem>>) dst(%dma_wait3A_428 : memref<10016x64xf32, #tpu.memory_space<vmem_shared>>)
      %dma_start3A_429 = arith.constant 15 : i32
      %dma_start3A_430 = arith.constant 0 : i32
      %dma_start3A_431 = tpu.memref_slice %arg6[%dma_start3A_429, %dma_start3A_430] : memref<16x128xi32, #tpu.memory_space<vmem>> -> memref<1x128xi32, #tpu.memory_space<vmem>>
      %dma_start3A_432 = tpu.memref_squeeze %dma_start3A_431 : memref<1x128xi32, #tpu.memory_space<vmem>> -> memref<128xi32, #tpu.memory_space<vmem>>
      %dma_start3A_433 = arith.constant 0 : i32
      %dma_start3A_434 = arith.constant 0 : i32
      %dma_start3A_435 = tpu.memref_slice %arg2[%dma_start3A_433, %dma_start3A_434] : memref<10000x64xf32, #tpu.memory_space<hbm>> -> memref<10000x64xf32, #tpu.memory_space<hbm>>
      tpu.enqueue_indirect_dma source(%dma_start3A_435 : memref<10000x64xf32, #tpu.memory_space<hbm>>) target(%arg11 : memref<128x64xf32, #tpu.memory_space<vmem>>) offsets(%dma_start3A_432 : memref<128xi32, #tpu.memory_space<vmem>>) semaphore(%arg16 : memref<!tpu.dma_semaphore, #tpu.memory_space<semaphore_mem>>)
      %dma_wait3A_436 = arith.constant 12 : i32
      %dma_wait3A_437 = arith.constant 0 : i32
      %dma_wait3A_438 = tpu.memref_slice %arg6[%dma_wait3A_436, %dma_wait3A_437] : memref<16x128xi32, #tpu.memory_space<vmem>> -> memref<1x128xi32, #tpu.memory_space<vmem>>
      %dma_wait3A_439 = tpu.memref_squeeze %dma_wait3A_438 : memref<1x128xi32, #tpu.memory_space<vmem>> -> memref<128xi32, #tpu.memory_space<vmem>>
      %dma_wait3A_440 = arith.constant 0 : i32
      %dma_wait3A_441 = arith.constant 0 : i32
      %dma_wait3A_442 = tpu.memref_slice %arg2[%dma_wait3A_440, %dma_wait3A_441] : memref<10000x64xf32, #tpu.memory_space<hbm>> -> memref<10000x64xf32, #tpu.memory_space<hbm>>
      tpu.wait_indirect_dma semaphore(%arg13 : memref<!tpu.dma_semaphore, #tpu.memory_space<semaphore_mem>>) src(%dma_wait3A_442 : memref<10000x64xf32, #tpu.memory_space<hbm>>) dst(%arg8 : memref<128x64xf32, #tpu.memory_space<vmem>>)
      %dma_start3A_443 = arith.constant 12 : i32
      %dma_start3A_444 = arith.constant 0 : i32
      %dma_start3A_445 = tpu.memref_slice %arg7[%dma_start3A_443, %dma_start3A_444] : memref<16x128xi32, #tpu.memory_space<vmem>> -> memref<1x128xi32, #tpu.memory_space<vmem>>
      %dma_start3A_446 = tpu.memref_squeeze %dma_start3A_445 : memref<1x128xi32, #tpu.memory_space<vmem>> -> memref<128xi32, #tpu.memory_space<vmem>>
      %dma_start3A_447 = arith.constant 0 : i32
      %dma_start3A_448 = arith.constant 0 : i32
      %dma_start3A_449 = tpu.memref_slice %arg12[%dma_start3A_447, %dma_start3A_448] : memref<10016x64xf32, #tpu.memory_space<vmem_shared>> -> memref<10016x64xf32, #tpu.memory_space<vmem_shared>>
      tpu.enqueue_indirect_dma source(%arg8 : memref<128x64xf32, #tpu.memory_space<vmem>>) target(%dma_start3A_449 : memref<10016x64xf32, #tpu.memory_space<vmem_shared>>) offsets(%dma_start3A_446 : memref<128xi32, #tpu.memory_space<vmem>>) semaphore(%arg17 : memref<!tpu.dma_semaphore, #tpu.memory_space<semaphore_mem>>) {add = true}
      %dma_wait3A_450 = arith.constant 13 : i32
      %dma_wait3A_451 = arith.constant 0 : i32
      %dma_wait3A_452 = tpu.memref_slice %arg6[%dma_wait3A_450, %dma_wait3A_451] : memref<16x128xi32, #tpu.memory_space<vmem>> -> memref<1x128xi32, #tpu.memory_space<vmem>>
      %dma_wait3A_453 = tpu.memref_squeeze %dma_wait3A_452 : memref<1x128xi32, #tpu.memory_space<vmem>> -> memref<128xi32, #tpu.memory_space<vmem>>
      %dma_wait3A_454 = arith.constant 0 : i32
      %dma_wait3A_455 = arith.constant 0 : i32
      %dma_wait3A_456 = tpu.memref_slice %arg2[%dma_wait3A_454, %dma_wait3A_455] : memref<10000x64xf32, #tpu.memory_space<hbm>> -> memref<10000x64xf32, #tpu.memory_space<hbm>>
      tpu.wait_indirect_dma semaphore(%arg14 : memref<!tpu.dma_semaphore, #tpu.memory_space<semaphore_mem>>) src(%dma_wait3A_456 : memref<10000x64xf32, #tpu.memory_space<hbm>>) dst(%arg9 : memref<128x64xf32, #tpu.memory_space<vmem>>)
      %dma_start3A_457 = arith.constant 13 : i32
      %dma_start3A_458 = arith.constant 0 : i32
      %dma_start3A_459 = tpu.memref_slice %arg7[%dma_start3A_457, %dma_start3A_458] : memref<16x128xi32, #tpu.memory_space<vmem>> -> memref<1x128xi32, #tpu.memory_space<vmem>>
      %dma_start3A_460 = tpu.memref_squeeze %dma_start3A_459 : memref<1x128xi32, #tpu.memory_space<vmem>> -> memref<128xi32, #tpu.memory_space<vmem>>
      %dma_start3A_461 = arith.constant 0 : i32
      %dma_start3A_462 = arith.constant 0 : i32
      %dma_start3A_463 = tpu.memref_slice %arg12[%dma_start3A_461, %dma_start3A_462] : memref<10016x64xf32, #tpu.memory_space<vmem_shared>> -> memref<10016x64xf32, #tpu.memory_space<vmem_shared>>
      tpu.enqueue_indirect_dma source(%arg9 : memref<128x64xf32, #tpu.memory_space<vmem>>) target(%dma_start3A_463 : memref<10016x64xf32, #tpu.memory_space<vmem_shared>>) offsets(%dma_start3A_460 : memref<128xi32, #tpu.memory_space<vmem>>) semaphore(%arg18 : memref<!tpu.dma_semaphore, #tpu.memory_space<semaphore_mem>>) {add = true}
      %dma_wait3A_464 = arith.constant 14 : i32
      %dma_wait3A_465 = arith.constant 0 : i32
      %dma_wait3A_466 = tpu.memref_slice %arg6[%dma_wait3A_464, %dma_wait3A_465] : memref<16x128xi32, #tpu.memory_space<vmem>> -> memref<1x128xi32, #tpu.memory_space<vmem>>
      %dma_wait3A_467 = tpu.memref_squeeze %dma_wait3A_466 : memref<1x128xi32, #tpu.memory_space<vmem>> -> memref<128xi32, #tpu.memory_space<vmem>>
      %dma_wait3A_468 = arith.constant 0 : i32
      %dma_wait3A_469 = arith.constant 0 : i32
      %dma_wait3A_470 = tpu.memref_slice %arg2[%dma_wait3A_468, %dma_wait3A_469] : memref<10000x64xf32, #tpu.memory_space<hbm>> -> memref<10000x64xf32, #tpu.memory_space<hbm>>
      tpu.wait_indirect_dma semaphore(%arg15 : memref<!tpu.dma_semaphore, #tpu.memory_space<semaphore_mem>>) src(%dma_wait3A_470 : memref<10000x64xf32, #tpu.memory_space<hbm>>) dst(%arg10 : memref<128x64xf32, #tpu.memory_space<vmem>>)
      %dma_start3A_471 = arith.constant 14 : i32
      %dma_start3A_472 = arith.constant 0 : i32
      %dma_start3A_473 = tpu.memref_slice %arg7[%dma_start3A_471, %dma_start3A_472] : memref<16x128xi32, #tpu.memory_space<vmem>> -> memref<1x128xi32, #tpu.memory_space<vmem>>
      %dma_start3A_474 = tpu.memref_squeeze %dma_start3A_473 : memref<1x128xi32, #tpu.memory_space<vmem>> -> memref<128xi32, #tpu.memory_space<vmem>>
      %dma_start3A_475 = arith.constant 0 : i32
      %dma_start3A_476 = arith.constant 0 : i32
      %dma_start3A_477 = tpu.memref_slice %arg12[%dma_start3A_475, %dma_start3A_476] : memref<10016x64xf32, #tpu.memory_space<vmem_shared>> -> memref<10016x64xf32, #tpu.memory_space<vmem_shared>>
      tpu.enqueue_indirect_dma source(%arg10 : memref<128x64xf32, #tpu.memory_space<vmem>>) target(%dma_start3A_477 : memref<10016x64xf32, #tpu.memory_space<vmem_shared>>) offsets(%dma_start3A_474 : memref<128xi32, #tpu.memory_space<vmem>>) semaphore(%arg19 : memref<!tpu.dma_semaphore, #tpu.memory_space<semaphore_mem>>) {add = true}
      %dma_wait3A_478 = arith.constant 15 : i32
      %dma_wait3A_479 = arith.constant 0 : i32
      %dma_wait3A_480 = tpu.memref_slice %arg6[%dma_wait3A_478, %dma_wait3A_479] : memref<16x128xi32, #tpu.memory_space<vmem>> -> memref<1x128xi32, #tpu.memory_space<vmem>>
      %dma_wait3A_481 = tpu.memref_squeeze %dma_wait3A_480 : memref<1x128xi32, #tpu.memory_space<vmem>> -> memref<128xi32, #tpu.memory_space<vmem>>
      %dma_wait3A_482 = arith.constant 0 : i32
      %dma_wait3A_483 = arith.constant 0 : i32
      %dma_wait3A_484 = tpu.memref_slice %arg2[%dma_wait3A_482, %dma_wait3A_483] : memref<10000x64xf32, #tpu.memory_space<hbm>> -> memref<10000x64xf32, #tpu.memory_space<hbm>>
      tpu.wait_indirect_dma semaphore(%arg16 : memref<!tpu.dma_semaphore, #tpu.memory_space<semaphore_mem>>) src(%dma_wait3A_484 : memref<10000x64xf32, #tpu.memory_space<hbm>>) dst(%arg11 : memref<128x64xf32, #tpu.memory_space<vmem>>)
      %dma_start3A_485 = arith.constant 15 : i32
      %dma_start3A_486 = arith.constant 0 : i32
      %dma_start3A_487 = tpu.memref_slice %arg7[%dma_start3A_485, %dma_start3A_486] : memref<16x128xi32, #tpu.memory_space<vmem>> -> memref<1x128xi32, #tpu.memory_space<vmem>>
      %dma_start3A_488 = tpu.memref_squeeze %dma_start3A_487 : memref<1x128xi32, #tpu.memory_space<vmem>> -> memref<128xi32, #tpu.memory_space<vmem>>
      %dma_start3A_489 = arith.constant 0 : i32
      %dma_start3A_490 = arith.constant 0 : i32
      %dma_start3A_491 = tpu.memref_slice %arg12[%dma_start3A_489, %dma_start3A_490] : memref<10016x64xf32, #tpu.memory_space<vmem_shared>> -> memref<10016x64xf32, #tpu.memory_space<vmem_shared>>
      tpu.enqueue_indirect_dma source(%arg11 : memref<128x64xf32, #tpu.memory_space<vmem>>) target(%dma_start3A_491 : memref<10016x64xf32, #tpu.memory_space<vmem_shared>>) offsets(%dma_start3A_488 : memref<128xi32, #tpu.memory_space<vmem>>) semaphore(%arg20 : memref<!tpu.dma_semaphore, #tpu.memory_space<semaphore_mem>>) {add = true}
      %dma_wait3A_492 = arith.constant 12 : i32
      %dma_wait3A_493 = arith.constant 0 : i32
      %dma_wait3A_494 = tpu.memref_slice %arg7[%dma_wait3A_492, %dma_wait3A_493] : memref<16x128xi32, #tpu.memory_space<vmem>> -> memref<1x128xi32, #tpu.memory_space<vmem>>
      %dma_wait3A_495 = tpu.memref_squeeze %dma_wait3A_494 : memref<1x128xi32, #tpu.memory_space<vmem>> -> memref<128xi32, #tpu.memory_space<vmem>>
      %dma_wait3A_496 = arith.constant 0 : i32
      %dma_wait3A_497 = arith.constant 0 : i32
      %dma_wait3A_498 = tpu.memref_slice %arg12[%dma_wait3A_496, %dma_wait3A_497] : memref<10016x64xf32, #tpu.memory_space<vmem_shared>> -> memref<10016x64xf32, #tpu.memory_space<vmem_shared>>
      tpu.wait_indirect_dma semaphore(%arg17 : memref<!tpu.dma_semaphore, #tpu.memory_space<semaphore_mem>>) src(%arg8 : memref<128x64xf32, #tpu.memory_space<vmem>>) dst(%dma_wait3A_498 : memref<10016x64xf32, #tpu.memory_space<vmem_shared>>)
      %dma_wait3A_499 = arith.constant 13 : i32
      %dma_wait3A_500 = arith.constant 0 : i32
      %dma_wait3A_501 = tpu.memref_slice %arg7[%dma_wait3A_499, %dma_wait3A_500] : memref<16x128xi32, #tpu.memory_space<vmem>> -> memref<1x128xi32, #tpu.memory_space<vmem>>
      %dma_wait3A_502 = tpu.memref_squeeze %dma_wait3A_501 : memref<1x128xi32, #tpu.memory_space<vmem>> -> memref<128xi32, #tpu.memory_space<vmem>>
      %dma_wait3A_503 = arith.constant 0 : i32
      %dma_wait3A_504 = arith.constant 0 : i32
      %dma_wait3A_505 = tpu.memref_slice %arg12[%dma_wait3A_503, %dma_wait3A_504] : memref<10016x64xf32, #tpu.memory_space<vmem_shared>> -> memref<10016x64xf32, #tpu.memory_space<vmem_shared>>
      tpu.wait_indirect_dma semaphore(%arg18 : memref<!tpu.dma_semaphore, #tpu.memory_space<semaphore_mem>>) src(%arg9 : memref<128x64xf32, #tpu.memory_space<vmem>>) dst(%dma_wait3A_505 : memref<10016x64xf32, #tpu.memory_space<vmem_shared>>)
      %dma_wait3A_506 = arith.constant 14 : i32
      %dma_wait3A_507 = arith.constant 0 : i32
      %dma_wait3A_508 = tpu.memref_slice %arg7[%dma_wait3A_506, %dma_wait3A_507] : memref<16x128xi32, #tpu.memory_space<vmem>> -> memref<1x128xi32, #tpu.memory_space<vmem>>
      %dma_wait3A_509 = tpu.memref_squeeze %dma_wait3A_508 : memref<1x128xi32, #tpu.memory_space<vmem>> -> memref<128xi32, #tpu.memory_space<vmem>>
      %dma_wait3A_510 = arith.constant 0 : i32
      %dma_wait3A_511 = arith.constant 0 : i32
      %dma_wait3A_512 = tpu.memref_slice %arg12[%dma_wait3A_510, %dma_wait3A_511] : memref<10016x64xf32, #tpu.memory_space<vmem_shared>> -> memref<10016x64xf32, #tpu.memory_space<vmem_shared>>
      tpu.wait_indirect_dma semaphore(%arg19 : memref<!tpu.dma_semaphore, #tpu.memory_space<semaphore_mem>>) src(%arg10 : memref<128x64xf32, #tpu.memory_space<vmem>>) dst(%dma_wait3A_512 : memref<10016x64xf32, #tpu.memory_space<vmem_shared>>)
      %dma_wait3A_513 = arith.constant 15 : i32
      %dma_wait3A_514 = arith.constant 0 : i32
      %dma_wait3A_515 = tpu.memref_slice %arg7[%dma_wait3A_513, %dma_wait3A_514] : memref<16x128xi32, #tpu.memory_space<vmem>> -> memref<1x128xi32, #tpu.memory_space<vmem>>
      %dma_wait3A_516 = tpu.memref_squeeze %dma_wait3A_515 : memref<1x128xi32, #tpu.memory_space<vmem>> -> memref<128xi32, #tpu.memory_space<vmem>>
      %dma_wait3A_517 = arith.constant 0 : i32
      %dma_wait3A_518 = arith.constant 0 : i32
      %dma_wait3A_519 = tpu.memref_slice %arg12[%dma_wait3A_517, %dma_wait3A_518] : memref<10016x64xf32, #tpu.memory_space<vmem_shared>> -> memref<10016x64xf32, #tpu.memory_space<vmem_shared>>
      tpu.wait_indirect_dma semaphore(%arg20 : memref<!tpu.dma_semaphore, #tpu.memory_space<semaphore_mem>>) src(%arg11 : memref<128x64xf32, #tpu.memory_space<vmem>>) dst(%dma_wait3A_519 : memref<10016x64xf32, #tpu.memory_space<vmem_shared>>)
      %scan3A_520 = arith.constant 0 : i32
      scf.yield %scan3A_520 : i32
    }
    %scan3A_28 = arith.constant 5 : i32
    %barrier3A_29 = arith.constant 0 : index
    tpu.barrier barrier_id(%barrier3A_29)
    %mul3A_30 = arith.constant 625 : i32
    %mul3A_31 = arith.muli %arg1, %mul3A_30 : i32
    %add3A_32 = arith.constant 0 : i32
    %add3A_33 = arith.addi %mul3A_31, %add3A_32 : i32
    "tpu.region"() ({
      %run_scoped3A = tpu.sem_alloc : memref<!tpu.dma_semaphore, #tpu.memory_space<semaphore_mem>>
      %dma_start3A = arith.constant 0 : i32
      %dma_start3A_67 = arith.constant 0 : i32
      %dma_start3A_68 = tpu.memref_slice %arg8[%dma_start3A, %dma_start3A_67] : memref<128x64xf32, #tpu.memory_space<vmem>> -> memref<125x64xf32, #tpu.memory_space<vmem>>
      %dma_start3A_69 = arith.constant 0 : i32
      %dma_start3A_70 = tpu.memref_slice %arg12[%add3A_33, %dma_start3A_69] : memref<10016x64xf32, #tpu.memory_space<vmem_shared>> -> memref<125x64xf32, #tpu.memory_space<vmem_shared>>
      %dma_start3A_71 = arith.constant 0 : i32
      %dma_start3A_72 = arith.constant 0 : i32
      %dma_start3A_73 = tpu.memref_slice %arg8[%dma_start3A_71, %dma_start3A_72] : memref<128x64xf32, #tpu.memory_space<vmem>> -> memref<125x64xf32, #tpu.memory_space<vmem>>
      %dma_start3A_74 = arith.constant 0 : i32
      %dma_start3A_75 = tpu.memref_slice %arg12[%add3A_33, %dma_start3A_74] : memref<10016x64xf32, #tpu.memory_space<vmem_shared>> -> memref<125x64xf32, #tpu.memory_space<vmem_shared>>
      tpu.enqueue_dma source(%dma_start3A_75 : memref<125x64xf32, #tpu.memory_space<vmem_shared>>) target(%dma_start3A_73 : memref<125x64xf32, #tpu.memory_space<vmem>>) target_semaphore(%run_scoped3A : memref<!tpu.dma_semaphore, #tpu.memory_space<semaphore_mem>>)
      %dma_wait3A = arith.constant 0 : i32
      %dma_wait3A_76 = arith.constant 0 : i32
      %dma_wait3A_77 = tpu.memref_slice %arg8[%dma_wait3A, %dma_wait3A_76] : memref<128x64xf32, #tpu.memory_space<vmem>> -> memref<125x64xf32, #tpu.memory_space<vmem>>
      %dma_wait3A_78 = arith.constant 0 : i32
      %dma_wait3A_79 = tpu.memref_slice %arg12[%add3A_33, %dma_wait3A_78] : memref<10016x64xf32, #tpu.memory_space<vmem_shared>> -> memref<125x64xf32, #tpu.memory_space<vmem_shared>>
      %dma_wait3A_80 = arith.constant 0 : i32
      %dma_wait3A_81 = arith.constant 0 : i32
      %dma_wait3A_82 = tpu.memref_slice %arg8[%dma_wait3A_80, %dma_wait3A_81] : memref<128x64xf32, #tpu.memory_space<vmem>> -> memref<125x64xf32, #tpu.memory_space<vmem>>
      %dma_wait3A_83 = arith.constant 0 : i32
      %dma_wait3A_84 = tpu.memref_slice %arg12[%add3A_33, %dma_wait3A_83] : memref<10016x64xf32, #tpu.memory_space<vmem_shared>> -> memref<125x64xf32, #tpu.memory_space<vmem_shared>>
      tpu.wait_dma2 semaphore(%run_scoped3A : memref<!tpu.dma_semaphore, #tpu.memory_space<semaphore_mem>>) src(%dma_wait3A_84 : memref<125x64xf32, #tpu.memory_space<vmem_shared>>) dst(%dma_wait3A_82 : memref<125x64xf32, #tpu.memory_space<vmem>>)
      tpu.yield
    }) : () -> ()
    %mul3A_34 = arith.constant 10000 : i32
    %mul3A_35 = arith.muli %arg0, %mul3A_34 : i32
    %add3A_36 = arith.addi %mul3A_35, %mul3A_31 : i32
    %add3A_37 = arith.constant 0 : i32
    %add3A_38 = arith.addi %add3A_36, %add3A_37 : i32
    "tpu.region"() ({
      %run_scoped3A = tpu.sem_alloc : memref<!tpu.dma_semaphore, #tpu.memory_space<semaphore_mem>>
      %dma_start3A = arith.constant 0 : i32
      %dma_start3A_67 = arith.constant 0 : i32
      %dma_start3A_68 = tpu.memref_slice %arg8[%dma_start3A, %dma_start3A_67] : memref<128x64xf32, #tpu.memory_space<vmem>> -> memref<125x64xf32, #tpu.memory_space<vmem>>
      %dma_start3A_69 = arith.constant 0 : i32
      %dma_start3A_70 = tpu.memref_slice %arg5[%add3A_38, %dma_start3A_69] : memref<20000x64xf32, #tpu.memory_space<hbm>> -> memref<125x64xf32, #tpu.memory_space<hbm>>
      %dma_start3A_71 = arith.constant 0 : i32
      %dma_start3A_72 = tpu.memref_slice %arg5[%add3A_38, %dma_start3A_71] : memref<20000x64xf32, #tpu.memory_space<hbm>> -> memref<125x64xf32, #tpu.memory_space<hbm>>
      %dma_start3A_73 = arith.constant 0 : i32
      %dma_start3A_74 = arith.constant 0 : i32
      %dma_start3A_75 = tpu.memref_slice %arg8[%dma_start3A_73, %dma_start3A_74] : memref<128x64xf32, #tpu.memory_space<vmem>> -> memref<125x64xf32, #tpu.memory_space<vmem>>
      tpu.enqueue_dma source(%dma_start3A_75 : memref<125x64xf32, #tpu.memory_space<vmem>>) target(%dma_start3A_72 : memref<125x64xf32, #tpu.memory_space<hbm>>) target_semaphore(%run_scoped3A : memref<!tpu.dma_semaphore, #tpu.memory_space<semaphore_mem>>)
      %dma_wait3A = arith.constant 0 : i32
      %dma_wait3A_76 = arith.constant 0 : i32
      %dma_wait3A_77 = tpu.memref_slice %arg8[%dma_wait3A, %dma_wait3A_76] : memref<128x64xf32, #tpu.memory_space<vmem>> -> memref<125x64xf32, #tpu.memory_space<vmem>>
      %dma_wait3A_78 = arith.constant 0 : i32
      %dma_wait3A_79 = tpu.memref_slice %arg5[%add3A_38, %dma_wait3A_78] : memref<20000x64xf32, #tpu.memory_space<hbm>> -> memref<125x64xf32, #tpu.memory_space<hbm>>
      %dma_wait3A_80 = arith.constant 0 : i32
      %dma_wait3A_81 = tpu.memref_slice %arg5[%add3A_38, %dma_wait3A_80] : memref<20000x64xf32, #tpu.memory_space<hbm>> -> memref<125x64xf32, #tpu.memory_space<hbm>>
      %dma_wait3A_82 = arith.constant 0 : i32
      %dma_wait3A_83 = arith.constant 0 : i32
      %dma_wait3A_84 = tpu.memref_slice %arg8[%dma_wait3A_82, %dma_wait3A_83] : memref<128x64xf32, #tpu.memory_space<vmem>> -> memref<125x64xf32, #tpu.memory_space<vmem>>
      tpu.wait_dma2 semaphore(%run_scoped3A : memref<!tpu.dma_semaphore, #tpu.memory_space<semaphore_mem>>) src(%dma_wait3A_84 : memref<125x64xf32, #tpu.memory_space<vmem>>) dst(%dma_wait3A_81 : memref<125x64xf32, #tpu.memory_space<hbm>>)
      tpu.yield
    }) : () -> ()
    %add3A_39 = arith.constant 125 : i32
    %add3A_40 = arith.addi %mul3A_31, %add3A_39 : i32
    "tpu.region"() ({
      %run_scoped3A = tpu.sem_alloc : memref<!tpu.dma_semaphore, #tpu.memory_space<semaphore_mem>>
      %dma_start3A = arith.constant 0 : i32
      %dma_start3A_67 = arith.constant 0 : i32
      %dma_start3A_68 = tpu.memref_slice %arg8[%dma_start3A, %dma_start3A_67] : memref<128x64xf32, #tpu.memory_space<vmem>> -> memref<125x64xf32, #tpu.memory_space<vmem>>
      %dma_start3A_69 = arith.constant 0 : i32
      %dma_start3A_70 = tpu.memref_slice %arg12[%add3A_40, %dma_start3A_69] : memref<10016x64xf32, #tpu.memory_space<vmem_shared>> -> memref<125x64xf32, #tpu.memory_space<vmem_shared>>
      %dma_start3A_71 = arith.constant 0 : i32
      %dma_start3A_72 = arith.constant 0 : i32
      %dma_start3A_73 = tpu.memref_slice %arg8[%dma_start3A_71, %dma_start3A_72] : memref<128x64xf32, #tpu.memory_space<vmem>> -> memref<125x64xf32, #tpu.memory_space<vmem>>
      %dma_start3A_74 = arith.constant 0 : i32
      %dma_start3A_75 = tpu.memref_slice %arg12[%add3A_40, %dma_start3A_74] : memref<10016x64xf32, #tpu.memory_space<vmem_shared>> -> memref<125x64xf32, #tpu.memory_space<vmem_shared>>
      tpu.enqueue_dma source(%dma_start3A_75 : memref<125x64xf32, #tpu.memory_space<vmem_shared>>) target(%dma_start3A_73 : memref<125x64xf32, #tpu.memory_space<vmem>>) target_semaphore(%run_scoped3A : memref<!tpu.dma_semaphore, #tpu.memory_space<semaphore_mem>>)
      %dma_wait3A = arith.constant 0 : i32
      %dma_wait3A_76 = arith.constant 0 : i32
      %dma_wait3A_77 = tpu.memref_slice %arg8[%dma_wait3A, %dma_wait3A_76] : memref<128x64xf32, #tpu.memory_space<vmem>> -> memref<125x64xf32, #tpu.memory_space<vmem>>
      %dma_wait3A_78 = arith.constant 0 : i32
      %dma_wait3A_79 = tpu.memref_slice %arg12[%add3A_40, %dma_wait3A_78] : memref<10016x64xf32, #tpu.memory_space<vmem_shared>> -> memref<125x64xf32, #tpu.memory_space<vmem_shared>>
      %dma_wait3A_80 = arith.constant 0 : i32
      %dma_wait3A_81 = arith.constant 0 : i32
      %dma_wait3A_82 = tpu.memref_slice %arg8[%dma_wait3A_80, %dma_wait3A_81] : memref<128x64xf32, #tpu.memory_space<vmem>> -> memref<125x64xf32, #tpu.memory_space<vmem>>
      %dma_wait3A_83 = arith.constant 0 : i32
      %dma_wait3A_84 = tpu.memref_slice %arg12[%add3A_40, %dma_wait3A_83] : memref<10016x64xf32, #tpu.memory_space<vmem_shared>> -> memref<125x64xf32, #tpu.memory_space<vmem_shared>>
      tpu.wait_dma2 semaphore(%run_scoped3A : memref<!tpu.dma_semaphore, #tpu.memory_space<semaphore_mem>>) src(%dma_wait3A_84 : memref<125x64xf32, #tpu.memory_space<vmem_shared>>) dst(%dma_wait3A_82 : memref<125x64xf32, #tpu.memory_space<vmem>>)
      tpu.yield
    }) : () -> ()
    %mul3A_41 = arith.constant 10000 : i32
    %mul3A_42 = arith.muli %arg0, %mul3A_41 : i32
    %add3A_43 = arith.addi %mul3A_42, %mul3A_31 : i32
    %add3A_44 = arith.constant 125 : i32
    %add3A_45 = arith.addi %add3A_43, %add3A_44 : i32
    "tpu.region"() ({
      %run_scoped3A = tpu.sem_alloc : memref<!tpu.dma_semaphore, #tpu.memory_space<semaphore_mem>>
      %dma_start3A = arith.constant 0 : i32
      %dma_start3A_67 = arith.constant 0 : i32
      %dma_start3A_68 = tpu.memref_slice %arg8[%dma_start3A, %dma_start3A_67] : memref<128x64xf32, #tpu.memory_space<vmem>> -> memref<125x64xf32, #tpu.memory_space<vmem>>
      %dma_start3A_69 = arith.constant 0 : i32
      %dma_start3A_70 = tpu.memref_slice %arg5[%add3A_45, %dma_start3A_69] : memref<20000x64xf32, #tpu.memory_space<hbm>> -> memref<125x64xf32, #tpu.memory_space<hbm>>
      %dma_start3A_71 = arith.constant 0 : i32
      %dma_start3A_72 = tpu.memref_slice %arg5[%add3A_45, %dma_start3A_71] : memref<20000x64xf32, #tpu.memory_space<hbm>> -> memref<125x64xf32, #tpu.memory_space<hbm>>
      %dma_start3A_73 = arith.constant 0 : i32
      %dma_start3A_74 = arith.constant 0 : i32
      %dma_start3A_75 = tpu.memref_slice %arg8[%dma_start3A_73, %dma_start3A_74] : memref<128x64xf32, #tpu.memory_space<vmem>> -> memref<125x64xf32, #tpu.memory_space<vmem>>
      tpu.enqueue_dma source(%dma_start3A_75 : memref<125x64xf32, #tpu.memory_space<vmem>>) target(%dma_start3A_72 : memref<125x64xf32, #tpu.memory_space<hbm>>) target_semaphore(%run_scoped3A : memref<!tpu.dma_semaphore, #tpu.memory_space<semaphore_mem>>)
      %dma_wait3A = arith.constant 0 : i32
      %dma_wait3A_76 = arith.constant 0 : i32
      %dma_wait3A_77 = tpu.memref_slice %arg8[%dma_wait3A, %dma_wait3A_76] : memref<128x64xf32, #tpu.memory_space<vmem>> -> memref<125x64xf32, #tpu.memory_space<vmem>>
      %dma_wait3A_78 = arith.constant 0 : i32
      %dma_wait3A_79 = tpu.memref_slice %arg5[%add3A_45, %dma_wait3A_78] : memref<20000x64xf32, #tpu.memory_space<hbm>> -> memref<125x64xf32, #tpu.memory_space<hbm>>
      %dma_wait3A_80 = arith.constant 0 : i32
      %dma_wait3A_81 = tpu.memref_slice %arg5[%add3A_45, %dma_wait3A_80] : memref<20000x64xf32, #tpu.memory_space<hbm>> -> memref<125x64xf32, #tpu.memory_space<hbm>>
      %dma_wait3A_82 = arith.constant 0 : i32
      %dma_wait3A_83 = arith.constant 0 : i32
      %dma_wait3A_84 = tpu.memref_slice %arg8[%dma_wait3A_82, %dma_wait3A_83] : memref<128x64xf32, #tpu.memory_space<vmem>> -> memref<125x64xf32, #tpu.memory_space<vmem>>
      tpu.wait_dma2 semaphore(%run_scoped3A : memref<!tpu.dma_semaphore, #tpu.memory_space<semaphore_mem>>) src(%dma_wait3A_84 : memref<125x64xf32, #tpu.memory_space<vmem>>) dst(%dma_wait3A_81 : memref<125x64xf32, #tpu.memory_space<hbm>>)
      tpu.yield
    }) : () -> ()
    %add3A_46 = arith.constant 250 : i32
    %add3A_47 = arith.addi %mul3A_31, %add3A_46 : i32
    "tpu.region"() ({
      %run_scoped3A = tpu.sem_alloc : memref<!tpu.dma_semaphore, #tpu.memory_space<semaphore_mem>>
      %dma_start3A = arith.constant 0 : i32
      %dma_start3A_67 = arith.constant 0 : i32
      %dma_start3A_68 = tpu.memref_slice %arg8[%dma_start3A, %dma_start3A_67] : memref<128x64xf32, #tpu.memory_space<vmem>> -> memref<125x64xf32, #tpu.memory_space<vmem>>
      %dma_start3A_69 = arith.constant 0 : i32
      %dma_start3A_70 = tpu.memref_slice %arg12[%add3A_47, %dma_start3A_69] : memref<10016x64xf32, #tpu.memory_space<vmem_shared>> -> memref<125x64xf32, #tpu.memory_space<vmem_shared>>
      %dma_start3A_71 = arith.constant 0 : i32
      %dma_start3A_72 = arith.constant 0 : i32
      %dma_start3A_73 = tpu.memref_slice %arg8[%dma_start3A_71, %dma_start3A_72] : memref<128x64xf32, #tpu.memory_space<vmem>> -> memref<125x64xf32, #tpu.memory_space<vmem>>
      %dma_start3A_74 = arith.constant 0 : i32
      %dma_start3A_75 = tpu.memref_slice %arg12[%add3A_47, %dma_start3A_74] : memref<10016x64xf32, #tpu.memory_space<vmem_shared>> -> memref<125x64xf32, #tpu.memory_space<vmem_shared>>
      tpu.enqueue_dma source(%dma_start3A_75 : memref<125x64xf32, #tpu.memory_space<vmem_shared>>) target(%dma_start3A_73 : memref<125x64xf32, #tpu.memory_space<vmem>>) target_semaphore(%run_scoped3A : memref<!tpu.dma_semaphore, #tpu.memory_space<semaphore_mem>>)
      %dma_wait3A = arith.constant 0 : i32
      %dma_wait3A_76 = arith.constant 0 : i32
      %dma_wait3A_77 = tpu.memref_slice %arg8[%dma_wait3A, %dma_wait3A_76] : memref<128x64xf32, #tpu.memory_space<vmem>> -> memref<125x64xf32, #tpu.memory_space<vmem>>
      %dma_wait3A_78 = arith.constant 0 : i32
      %dma_wait3A_79 = tpu.memref_slice %arg12[%add3A_47, %dma_wait3A_78] : memref<10016x64xf32, #tpu.memory_space<vmem_shared>> -> memref<125x64xf32, #tpu.memory_space<vmem_shared>>
      %dma_wait3A_80 = arith.constant 0 : i32
      %dma_wait3A_81 = arith.constant 0 : i32
      %dma_wait3A_82 = tpu.memref_slice %arg8[%dma_wait3A_80, %dma_wait3A_81] : memref<128x64xf32, #tpu.memory_space<vmem>> -> memref<125x64xf32, #tpu.memory_space<vmem>>
      %dma_wait3A_83 = arith.constant 0 : i32
      %dma_wait3A_84 = tpu.memref_slice %arg12[%add3A_47, %dma_wait3A_83] : memref<10016x64xf32, #tpu.memory_space<vmem_shared>> -> memref<125x64xf32, #tpu.memory_space<vmem_shared>>
      tpu.wait_dma2 semaphore(%run_scoped3A : memref<!tpu.dma_semaphore, #tpu.memory_space<semaphore_mem>>) src(%dma_wait3A_84 : memref<125x64xf32, #tpu.memory_space<vmem_shared>>) dst(%dma_wait3A_82 : memref<125x64xf32, #tpu.memory_space<vmem>>)
      tpu.yield
    }) : () -> ()
    %mul3A_48 = arith.constant 10000 : i32
    %mul3A_49 = arith.muli %arg0, %mul3A_48 : i32
    %add3A_50 = arith.addi %mul3A_49, %mul3A_31 : i32
    %add3A_51 = arith.constant 250 : i32
    %add3A_52 = arith.addi %add3A_50, %add3A_51 : i32
    "tpu.region"() ({
      %run_scoped3A = tpu.sem_alloc : memref<!tpu.dma_semaphore, #tpu.memory_space<semaphore_mem>>
      %dma_start3A = arith.constant 0 : i32
      %dma_start3A_67 = arith.constant 0 : i32
      %dma_start3A_68 = tpu.memref_slice %arg8[%dma_start3A, %dma_start3A_67] : memref<128x64xf32, #tpu.memory_space<vmem>> -> memref<125x64xf32, #tpu.memory_space<vmem>>
      %dma_start3A_69 = arith.constant 0 : i32
      %dma_start3A_70 = tpu.memref_slice %arg5[%add3A_52, %dma_start3A_69] : memref<20000x64xf32, #tpu.memory_space<hbm>> -> memref<125x64xf32, #tpu.memory_space<hbm>>
      %dma_start3A_71 = arith.constant 0 : i32
      %dma_start3A_72 = tpu.memref_slice %arg5[%add3A_52, %dma_start3A_71] : memref<20000x64xf32, #tpu.memory_space<hbm>> -> memref<125x64xf32, #tpu.memory_space<hbm>>
      %dma_start3A_73 = arith.constant 0 : i32
      %dma_start3A_74 = arith.constant 0 : i32
      %dma_start3A_75 = tpu.memref_slice %arg8[%dma_start3A_73, %dma_start3A_74] : memref<128x64xf32, #tpu.memory_space<vmem>> -> memref<125x64xf32, #tpu.memory_space<vmem>>
      tpu.enqueue_dma source(%dma_start3A_75 : memref<125x64xf32, #tpu.memory_space<vmem>>) target(%dma_start3A_72 : memref<125x64xf32, #tpu.memory_space<hbm>>) target_semaphore(%run_scoped3A : memref<!tpu.dma_semaphore, #tpu.memory_space<semaphore_mem>>)
      %dma_wait3A = arith.constant 0 : i32
      %dma_wait3A_76 = arith.constant 0 : i32
      %dma_wait3A_77 = tpu.memref_slice %arg8[%dma_wait3A, %dma_wait3A_76] : memref<128x64xf32, #tpu.memory_space<vmem>> -> memref<125x64xf32, #tpu.memory_space<vmem>>
      %dma_wait3A_78 = arith.constant 0 : i32
      %dma_wait3A_79 = tpu.memref_slice %arg5[%add3A_52, %dma_wait3A_78] : memref<20000x64xf32, #tpu.memory_space<hbm>> -> memref<125x64xf32, #tpu.memory_space<hbm>>
      %dma_wait3A_80 = arith.constant 0 : i32
      %dma_wait3A_81 = tpu.memref_slice %arg5[%add3A_52, %dma_wait3A_80] : memref<20000x64xf32, #tpu.memory_space<hbm>> -> memref<125x64xf32, #tpu.memory_space<hbm>>
      %dma_wait3A_82 = arith.constant 0 : i32
      %dma_wait3A_83 = arith.constant 0 : i32
      %dma_wait3A_84 = tpu.memref_slice %arg8[%dma_wait3A_82, %dma_wait3A_83] : memref<128x64xf32, #tpu.memory_space<vmem>> -> memref<125x64xf32, #tpu.memory_space<vmem>>
      tpu.wait_dma2 semaphore(%run_scoped3A : memref<!tpu.dma_semaphore, #tpu.memory_space<semaphore_mem>>) src(%dma_wait3A_84 : memref<125x64xf32, #tpu.memory_space<vmem>>) dst(%dma_wait3A_81 : memref<125x64xf32, #tpu.memory_space<hbm>>)
      tpu.yield
    }) : () -> ()
    %add3A_53 = arith.constant 375 : i32
    %add3A_54 = arith.addi %mul3A_31, %add3A_53 : i32
    "tpu.region"() ({
      %run_scoped3A = tpu.sem_alloc : memref<!tpu.dma_semaphore, #tpu.memory_space<semaphore_mem>>
      %dma_start3A = arith.constant 0 : i32
      %dma_start3A_67 = arith.constant 0 : i32
      %dma_start3A_68 = tpu.memref_slice %arg8[%dma_start3A, %dma_start3A_67] : memref<128x64xf32, #tpu.memory_space<vmem>> -> memref<125x64xf32, #tpu.memory_space<vmem>>
      %dma_start3A_69 = arith.constant 0 : i32
      %dma_start3A_70 = tpu.memref_slice %arg12[%add3A_54, %dma_start3A_69] : memref<10016x64xf32, #tpu.memory_space<vmem_shared>> -> memref<125x64xf32, #tpu.memory_space<vmem_shared>>
      %dma_start3A_71 = arith.constant 0 : i32
      %dma_start3A_72 = arith.constant 0 : i32
      %dma_start3A_73 = tpu.memref_slice %arg8[%dma_start3A_71, %dma_start3A_72] : memref<128x64xf32, #tpu.memory_space<vmem>> -> memref<125x64xf32, #tpu.memory_space<vmem>>
      %dma_start3A_74 = arith.constant 0 : i32
      %dma_start3A_75 = tpu.memref_slice %arg12[%add3A_54, %dma_start3A_74] : memref<10016x64xf32, #tpu.memory_space<vmem_shared>> -> memref<125x64xf32, #tpu.memory_space<vmem_shared>>
      tpu.enqueue_dma source(%dma_start3A_75 : memref<125x64xf32, #tpu.memory_space<vmem_shared>>) target(%dma_start3A_73 : memref<125x64xf32, #tpu.memory_space<vmem>>) target_semaphore(%run_scoped3A : memref<!tpu.dma_semaphore, #tpu.memory_space<semaphore_mem>>)
      %dma_wait3A = arith.constant 0 : i32
      %dma_wait3A_76 = arith.constant 0 : i32
      %dma_wait3A_77 = tpu.memref_slice %arg8[%dma_wait3A, %dma_wait3A_76] : memref<128x64xf32, #tpu.memory_space<vmem>> -> memref<125x64xf32, #tpu.memory_space<vmem>>
      %dma_wait3A_78 = arith.constant 0 : i32
      %dma_wait3A_79 = tpu.memref_slice %arg12[%add3A_54, %dma_wait3A_78] : memref<10016x64xf32, #tpu.memory_space<vmem_shared>> -> memref<125x64xf32, #tpu.memory_space<vmem_shared>>
      %dma_wait3A_80 = arith.constant 0 : i32
      %dma_wait3A_81 = arith.constant 0 : i32
      %dma_wait3A_82 = tpu.memref_slice %arg8[%dma_wait3A_80, %dma_wait3A_81] : memref<128x64xf32, #tpu.memory_space<vmem>> -> memref<125x64xf32, #tpu.memory_space<vmem>>
      %dma_wait3A_83 = arith.constant 0 : i32
      %dma_wait3A_84 = tpu.memref_slice %arg12[%add3A_54, %dma_wait3A_83] : memref<10016x64xf32, #tpu.memory_space<vmem_shared>> -> memref<125x64xf32, #tpu.memory_space<vmem_shared>>
      tpu.wait_dma2 semaphore(%run_scoped3A : memref<!tpu.dma_semaphore, #tpu.memory_space<semaphore_mem>>) src(%dma_wait3A_84 : memref<125x64xf32, #tpu.memory_space<vmem_shared>>) dst(%dma_wait3A_82 : memref<125x64xf32, #tpu.memory_space<vmem>>)
      tpu.yield
    }) : () -> ()
    %mul3A_55 = arith.constant 10000 : i32
    %mul3A_56 = arith.muli %arg0, %mul3A_55 : i32
    %add3A_57 = arith.addi %mul3A_56, %mul3A_31 : i32
    %add3A_58 = arith.constant 375 : i32
    %add3A_59 = arith.addi %add3A_57, %add3A_58 : i32
    "tpu.region"() ({
      %run_scoped3A = tpu.sem_alloc : memref<!tpu.dma_semaphore, #tpu.memory_space<semaphore_mem>>
      %dma_start3A = arith.constant 0 : i32
      %dma_start3A_67 = arith.constant 0 : i32
      %dma_start3A_68 = tpu.memref_slice %arg8[%dma_start3A, %dma_start3A_67] : memref<128x64xf32, #tpu.memory_space<vmem>> -> memref<125x64xf32, #tpu.memory_space<vmem>>
      %dma_start3A_69 = arith.constant 0 : i32
      %dma_start3A_70 = tpu.memref_slice %arg5[%add3A_59, %dma_start3A_69] : memref<20000x64xf32, #tpu.memory_space<hbm>> -> memref<125x64xf32, #tpu.memory_space<hbm>>
      %dma_start3A_71 = arith.constant 0 : i32
      %dma_start3A_72 = tpu.memref_slice %arg5[%add3A_59, %dma_start3A_71] : memref<20000x64xf32, #tpu.memory_space<hbm>> -> memref<125x64xf32, #tpu.memory_space<hbm>>
      %dma_start3A_73 = arith.constant 0 : i32
      %dma_start3A_74 = arith.constant 0 : i32
      %dma_start3A_75 = tpu.memref_slice %arg8[%dma_start3A_73, %dma_start3A_74] : memref<128x64xf32, #tpu.memory_space<vmem>> -> memref<125x64xf32, #tpu.memory_space<vmem>>
      tpu.enqueue_dma source(%dma_start3A_75 : memref<125x64xf32, #tpu.memory_space<vmem>>) target(%dma_start3A_72 : memref<125x64xf32, #tpu.memory_space<hbm>>) target_semaphore(%run_scoped3A : memref<!tpu.dma_semaphore, #tpu.memory_space<semaphore_mem>>)
      %dma_wait3A = arith.constant 0 : i32
      %dma_wait3A_76 = arith.constant 0 : i32
      %dma_wait3A_77 = tpu.memref_slice %arg8[%dma_wait3A, %dma_wait3A_76] : memref<128x64xf32, #tpu.memory_space<vmem>> -> memref<125x64xf32, #tpu.memory_space<vmem>>
      %dma_wait3A_78 = arith.constant 0 : i32
      %dma_wait3A_79 = tpu.memref_slice %arg5[%add3A_59, %dma_wait3A_78] : memref<20000x64xf32, #tpu.memory_space<hbm>> -> memref<125x64xf32, #tpu.memory_space<hbm>>
      %dma_wait3A_80 = arith.constant 0 : i32
      %dma_wait3A_81 = tpu.memref_slice %arg5[%add3A_59, %dma_wait3A_80] : memref<20000x64xf32, #tpu.memory_space<hbm>> -> memref<125x64xf32, #tpu.memory_space<hbm>>
      %dma_wait3A_82 = arith.constant 0 : i32
      %dma_wait3A_83 = arith.constant 0 : i32
      %dma_wait3A_84 = tpu.memref_slice %arg8[%dma_wait3A_82, %dma_wait3A_83] : memref<128x64xf32, #tpu.memory_space<vmem>> -> memref<125x64xf32, #tpu.memory_space<vmem>>
      tpu.wait_dma2 semaphore(%run_scoped3A : memref<!tpu.dma_semaphore, #tpu.memory_space<semaphore_mem>>) src(%dma_wait3A_84 : memref<125x64xf32, #tpu.memory_space<vmem>>) dst(%dma_wait3A_81 : memref<125x64xf32, #tpu.memory_space<hbm>>)
      tpu.yield
    }) : () -> ()
    %add3A_60 = arith.constant 500 : i32
    %add3A_61 = arith.addi %mul3A_31, %add3A_60 : i32
    "tpu.region"() ({
      %run_scoped3A = tpu.sem_alloc : memref<!tpu.dma_semaphore, #tpu.memory_space<semaphore_mem>>
      %dma_start3A = arith.constant 0 : i32
      %dma_start3A_67 = arith.constant 0 : i32
      %dma_start3A_68 = tpu.memref_slice %arg8[%dma_start3A, %dma_start3A_67] : memref<128x64xf32, #tpu.memory_space<vmem>> -> memref<125x64xf32, #tpu.memory_space<vmem>>
      %dma_start3A_69 = arith.constant 0 : i32
      %dma_start3A_70 = tpu.memref_slice %arg12[%add3A_61, %dma_start3A_69] : memref<10016x64xf32, #tpu.memory_space<vmem_shared>> -> memref<125x64xf32, #tpu.memory_space<vmem_shared>>
      %dma_start3A_71 = arith.constant 0 : i32
      %dma_start3A_72 = arith.constant 0 : i32
      %dma_start3A_73 = tpu.memref_slice %arg8[%dma_start3A_71, %dma_start3A_72] : memref<128x64xf32, #tpu.memory_space<vmem>> -> memref<125x64xf32, #tpu.memory_space<vmem>>
      %dma_start3A_74 = arith.constant 0 : i32
      %dma_start3A_75 = tpu.memref_slice %arg12[%add3A_61, %dma_start3A_74] : memref<10016x64xf32, #tpu.memory_space<vmem_shared>> -> memref<125x64xf32, #tpu.memory_space<vmem_shared>>
      tpu.enqueue_dma source(%dma_start3A_75 : memref<125x64xf32, #tpu.memory_space<vmem_shared>>) target(%dma_start3A_73 : memref<125x64xf32, #tpu.memory_space<vmem>>) target_semaphore(%run_scoped3A : memref<!tpu.dma_semaphore, #tpu.memory_space<semaphore_mem>>)
      %dma_wait3A = arith.constant 0 : i32
      %dma_wait3A_76 = arith.constant 0 : i32
      %dma_wait3A_77 = tpu.memref_slice %arg8[%dma_wait3A, %dma_wait3A_76] : memref<128x64xf32, #tpu.memory_space<vmem>> -> memref<125x64xf32, #tpu.memory_space<vmem>>
      %dma_wait3A_78 = arith.constant 0 : i32
      %dma_wait3A_79 = tpu.memref_slice %arg12[%add3A_61, %dma_wait3A_78] : memref<10016x64xf32, #tpu.memory_space<vmem_shared>> -> memref<125x64xf32, #tpu.memory_space<vmem_shared>>
      %dma_wait3A_80 = arith.constant 0 : i32
      %dma_wait3A_81 = arith.constant 0 : i32
      %dma_wait3A_82 = tpu.memref_slice %arg8[%dma_wait3A_80, %dma_wait3A_81] : memref<128x64xf32, #tpu.memory_space<vmem>> -> memref<125x64xf32, #tpu.memory_space<vmem>>
      %dma_wait3A_83 = arith.constant 0 : i32
      %dma_wait3A_84 = tpu.memref_slice %arg12[%add3A_61, %dma_wait3A_83] : memref<10016x64xf32, #tpu.memory_space<vmem_shared>> -> memref<125x64xf32, #tpu.memory_space<vmem_shared>>
      tpu.wait_dma2 semaphore(%run_scoped3A : memref<!tpu.dma_semaphore, #tpu.memory_space<semaphore_mem>>) src(%dma_wait3A_84 : memref<125x64xf32, #tpu.memory_space<vmem_shared>>) dst(%dma_wait3A_82 : memref<125x64xf32, #tpu.memory_space<vmem>>)
      tpu.yield
    }) : () -> ()
    %mul3A_62 = arith.constant 10000 : i32
    %mul3A_63 = arith.muli %arg0, %mul3A_62 : i32
    %add3A_64 = arith.addi %mul3A_63, %mul3A_31 : i32
    %add3A_65 = arith.constant 500 : i32
    %add3A_66 = arith.addi %add3A_64, %add3A_65 : i32
    "tpu.region"() ({
      %run_scoped3A = tpu.sem_alloc : memref<!tpu.dma_semaphore, #tpu.memory_space<semaphore_mem>>
      %dma_start3A = arith.constant 0 : i32
      %dma_start3A_67 = arith.constant 0 : i32
      %dma_start3A_68 = tpu.memref_slice %arg8[%dma_start3A, %dma_start3A_67] : memref<128x64xf32, #tpu.memory_space<vmem>> -> memref<125x64xf32, #tpu.memory_space<vmem>>
      %dma_start3A_69 = arith.constant 0 : i32
      %dma_start3A_70 = tpu.memref_slice %arg5[%add3A_66, %dma_start3A_69] : memref<20000x64xf32, #tpu.memory_space<hbm>> -> memref<125x64xf32, #tpu.memory_space<hbm>>
      %dma_start3A_71 = arith.constant 0 : i32
      %dma_start3A_72 = tpu.memref_slice %arg5[%add3A_66, %dma_start3A_71] : memref<20000x64xf32, #tpu.memory_space<hbm>> -> memref<125x64xf32, #tpu.memory_space<hbm>>
      %dma_start3A_73 = arith.constant 0 : i32
      %dma_start3A_74 = arith.constant 0 : i32
      %dma_start3A_75 = tpu.memref_slice %arg8[%dma_start3A_73, %dma_start3A_74] : memref<128x64xf32, #tpu.memory_space<vmem>> -> memref<125x64xf32, #tpu.memory_space<vmem>>
      tpu.enqueue_dma source(%dma_start3A_75 : memref<125x64xf32, #tpu.memory_space<vmem>>) target(%dma_start3A_72 : memref<125x64xf32, #tpu.memory_space<hbm>>) target_semaphore(%run_scoped3A : memref<!tpu.dma_semaphore, #tpu.memory_space<semaphore_mem>>)
      %dma_wait3A = arith.constant 0 : i32
      %dma_wait3A_76 = arith.constant 0 : i32
      %dma_wait3A_77 = tpu.memref_slice %arg8[%dma_wait3A, %dma_wait3A_76] : memref<128x64xf32, #tpu.memory_space<vmem>> -> memref<125x64xf32, #tpu.memory_space<vmem>>
      %dma_wait3A_78 = arith.constant 0 : i32
      %dma_wait3A_79 = tpu.memref_slice %arg5[%add3A_66, %dma_wait3A_78] : memref<20000x64xf32, #tpu.memory_space<hbm>> -> memref<125x64xf32, #tpu.memory_space<hbm>>
      %dma_wait3A_80 = arith.constant 0 : i32
      %dma_wait3A_81 = tpu.memref_slice %arg5[%add3A_66, %dma_wait3A_80] : memref<20000x64xf32, #tpu.memory_space<hbm>> -> memref<125x64xf32, #tpu.memory_space<hbm>>
      %dma_wait3A_82 = arith.constant 0 : i32
      %dma_wait3A_83 = arith.constant 0 : i32
      %dma_wait3A_84 = tpu.memref_slice %arg8[%dma_wait3A_82, %dma_wait3A_83] : memref<128x64xf32, #tpu.memory_space<vmem>> -> memref<125x64xf32, #tpu.memory_space<vmem>>
      tpu.wait_dma2 semaphore(%run_scoped3A : memref<!tpu.dma_semaphore, #tpu.memory_space<semaphore_mem>>) src(%dma_wait3A_84 : memref<125x64xf32, #tpu.memory_space<vmem>>) dst(%dma_wait3A_81 : memref<125x64xf32, #tpu.memory_space<hbm>>)
      tpu.yield
    }) : () -> ()
    return
  }
}

module attributes {stable_mosaic.version = 14 : i64} {
  func.func @_pre_body(%arg0: i32, %arg1: memref<1000x128xf32, #tpu.memory_space<vmem>>, %arg2: memref<128x128xf32, #tpu.memory_space<vmem>>, %arg3: memref<128x128xf32, #tpu.memory_space<vmem>>, %arg4: memref<1x128xf32, #tpu.memory_space<vmem>>, %arg5: memref<1000x128xf32, #tpu.memory_space<vmem>>, %arg6: memref<1000x128xf32, #tpu.memory_space<vmem>>) attributes {dimension_semantics = [#tpu.dimension_semantics<arbitrary>], iteration_bounds = array<i64: 10>, scalar_prefetch = 0 : i64, scratch_operands = 0 : i64, tpu.core_type = #tpu.core_type<tc>, window_params = [{transform_indices = @transform_0, window_bounds = array<i64: 1000, 128>}, {pipeline_mode = #tpu.pipeline_mode<synchronous>, transform_indices = @transform_1, window_bounds = array<i64: 128, 128>}, {pipeline_mode = #tpu.pipeline_mode<synchronous>, transform_indices = @transform_2, window_bounds = array<i64: 128, 128>}, {pipeline_mode = #tpu.pipeline_mode<synchronous>, transform_indices = @transform_3, window_bounds = array<i64: 1, 128>}, {transform_indices = @transform_4, window_bounds = array<i64: 1000, 128>}, {transform_indices = @transform_5, window_bounds = array<i64: 1000, 128>}]} {
    %get3A = arith.constant 0 : index
    %get3A_0 = arith.constant 0 : index
    %get3A_1 = vector.load %arg1[%get3A, %get3A_0] : memref<1000x128xf32, #tpu.memory_space<vmem>>, vector<1000x128xf32>
    %get3A_2 = arith.constant 0 : index
    %get3A_3 = arith.constant 0 : index
    %get3A_4 = vector.load %arg2[%get3A_2, %get3A_3] : memref<128x128xf32, #tpu.memory_space<vmem>>, vector<128x128xf32>
    %dot_general3A = arith.constant dense<0.000000e+00> : vector<1000x128xf32>
    %dot_general3A_5 = tpu.matmul %get3A_1, %get3A_4, %dot_general3A {dimension_numbers = #tpu.dot_dimension_numbers<[1], [0], [0], [1], [0, 0, 1, 1], [], []>, transpose_lhs_hint = false} : vector<1000x128xf32>, vector<128x128xf32>, vector<1000x128xf32> -> vector<1000x128xf32>
    %swap3A = arith.constant 0 : index
    %swap3A_6 = arith.constant 0 : index
    %swap3A_7 = vector.load %arg5[%swap3A, %swap3A_6] : memref<1000x128xf32, #tpu.memory_space<vmem>>, vector<1000x128xf32>
    tpu.vector_store %arg5[%swap3A, %swap3A_6], %dot_general3A_5 {strides = array<i32>} : memref<1000x128xf32, #tpu.memory_space<vmem>>, vector<1000x128xf32>,
    %get3A_8 = arith.constant 0 : index
    %get3A_9 = arith.constant 0 : index
    %get3A_10 = vector.load %arg3[%get3A_8, %get3A_9] : memref<128x128xf32, #tpu.memory_space<vmem>>, vector<128x128xf32>
    %dot_general3A_11 = arith.constant dense<0.000000e+00> : vector<1000x128xf32>
    %dot_general3A_12 = tpu.matmul %get3A_1, %get3A_10, %dot_general3A_11 {dimension_numbers = #tpu.dot_dimension_numbers<[1], [0], [0], [1], [0, 0, 1, 1], [], []>, transpose_lhs_hint = false} : vector<1000x128xf32>, vector<128x128xf32>, vector<1000x128xf32> -> vector<1000x128xf32>
    %get3A_13 = arith.constant 0 : index
    %get3A_14 = arith.constant 0 : index
    %get3A_15 = vector.load %arg4[%get3A_13, %get3A_14] : memref<1x128xf32, #tpu.memory_space<vmem>>, vector<1x128xf32>
    %add3A = vector.broadcast %get3A_15 : vector<1x128xf32> to vector<1000x128xf32>
    %add3A_16 = arith.addf %dot_general3A_12, %add3A : vector<1000x128xf32>
    %swap3A_17 = arith.constant 0 : index
    %swap3A_18 = arith.constant 0 : index
    %swap3A_19 = vector.load %arg6[%swap3A_17, %swap3A_18] : memref<1000x128xf32, #tpu.memory_space<vmem>>, vector<1000x128xf32>
    tpu.vector_store %arg6[%swap3A_17, %swap3A_18], %add3A_16 {strides = array<i32>} : memref<1000x128xf32, #tpu.memory_space<vmem>>, vector<1000x128xf32>,
    return
  }
  func.func @transform_0(%arg0: i32) -> (i32, i32) {
    %c0_i32 = arith.constant 0 : i32
    %c0_i32_0 = arith.constant 0 : i32
    return %arg0, %c0_i32 : i32, i32
  }
  func.func @transform_1(%arg0: i32) -> (i32, i32) {
    %c0_i32 = arith.constant 0 : i32
    %c0_i32_0 = arith.constant 0 : i32
    %c0_i32_1 = arith.constant 0 : i32
    return %c0_i32, %c0_i32_0 : i32, i32
  }
  func.func @transform_2(%arg0: i32) -> (i32, i32) {
    %c0_i32 = arith.constant 0 : i32
    %c0_i32_0 = arith.constant 0 : i32
    %c0_i32_1 = arith.constant 0 : i32
    return %c0_i32, %c0_i32_0 : i32, i32
  }
  func.func @transform_3(%arg0: i32) -> (i32, i32) {
    %c0_i32 = arith.constant 0 : i32
    %c0_i32_0 = arith.constant 0 : i32
    %c0_i32_1 = arith.constant 0 : i32
    return %c0_i32, %c0_i32_0 : i32, i32
  }
  func.func @transform_4(%arg0: i32) -> (i32, i32) {
    %c0_i32 = arith.constant 0 : i32
    %c0_i32_0 = arith.constant 0 : i32
    return %arg0, %c0_i32 : i32, i32
  }
  func.func @transform_5(%arg0: i32) -> (i32, i32) {
    %c0_i32 = arith.constant 0 : i32
    %c0_i32_0 = arith.constant 0 : i32
    return %arg0, %c0_i32 : i32, i32
  }
}

module attributes {stable_mosaic.version = 14 : i64} {
  func.func @_mid_body(%arg0: i32, %arg1: memref<1000x128xf32, #tpu.memory_space<vmem>>, %arg2: memref<1000x128xf32, #tpu.memory_space<vmem>>, %arg3: memref<1000x32xf32, #tpu.memory_space<vmem>>, %arg4: memref<1000x128xf32, #tpu.memory_space<vmem>>, %arg5: memref<128x64xf32, #tpu.memory_space<vmem>>, %arg6: memref<128x64xf32, #tpu.memory_space<vmem>>, %arg7: memref<1x64xf32, #tpu.memory_space<vmem>>, %arg8: memref<1000x64xf32, #tpu.memory_space<vmem>>, %arg9: memref<1000x64xf32, #tpu.memory_space<vmem>>) attributes {dimension_semantics = [#tpu.dimension_semantics<arbitrary>], iteration_bounds = array<i64: 10>, scalar_prefetch = 0 : i64, scratch_operands = 0 : i64, tpu.core_type = #tpu.core_type<tc>, window_params = [{transform_indices = @transform_0, window_bounds = array<i64: 1000, 128>}, {transform_indices = @transform_1, window_bounds = array<i64: 1000, 128>}, {transform_indices = @transform_2, window_bounds = array<i64: 1000, 32>}, {transform_indices = @transform_3, window_bounds = array<i64: 1000, 128>}, {pipeline_mode = #tpu.pipeline_mode<synchronous>, transform_indices = @transform_4, window_bounds = array<i64: 128, 64>}, {pipeline_mode = #tpu.pipeline_mode<synchronous>, transform_indices = @transform_5, window_bounds = array<i64: 128, 64>}, {pipeline_mode = #tpu.pipeline_mode<synchronous>, transform_indices = @transform_6, window_bounds = array<i64: 1, 64>}, {transform_indices = @transform_7, window_bounds = array<i64: 1000, 64>}, {transform_indices = @transform_8, window_bounds = array<i64: 1000, 64>}]} {
    %get3A = arith.constant 0 : index
    %get3A_0 = arith.constant 0 : index
    %get3A_1 = vector.load %arg1[%get3A, %get3A_0] : memref<1000x128xf32, #tpu.memory_space<vmem>>, vector<1000x128xf32>
    %get3A_2 = arith.constant 0 : index
    %get3A_3 = arith.constant 0 : index
    %get3A_4 = vector.load %arg2[%get3A_2, %get3A_3] : memref<1000x128xf32, #tpu.memory_space<vmem>>, vector<1000x128xf32>
    %add3A = arith.addf %get3A_1, %get3A_4 : vector<1000x128xf32>
    %get3A_5 = arith.constant 0 : index
    %get3A_6 = arith.constant 0 : index
    %get3A_7 = vector.load %arg3[%get3A_5, %get3A_6] : memref<1000x32xf32, #tpu.memory_space<vmem>>, vector<1000x32xf32>
    %reduce_sum3A = arith.constant dense<0.000000e+00> : vector<1000xf32>
    %reduce_sum3A_8 = vector.multi_reduction <add>, %get3A_7, %reduce_sum3A [1] : vector<1000x32xf32> to vector<1000xf32>
    %broadcast_in_dim3A = vector.shape_cast %reduce_sum3A_8 : vector<1000xf32> to vector<1000x1xf32>
    %max3A = arith.constant 1.000000e+00 : f32
    %max3A_9 = vector.broadcast %max3A : f32 to vector<1000x1xf32>
    %max3A_10 = arith.maximumf %broadcast_in_dim3A, %max3A_9 : vector<1000x1xf32>
    %div3A = arith.constant 1.000000e+00 : f32
    %div3A_11 = vector.broadcast %div3A : f32 to vector<1000x1xf32>
    %div3A_12 = arith.divf %div3A_11, %max3A_10 : vector<1000x1xf32>
    %mul3A = vector.broadcast %div3A_12 : vector<1000x1xf32> to vector<1000x128xf32>
    %mul3A_13 = arith.mulf %add3A, %mul3A : vector<1000x128xf32>
    %get3A_14 = arith.constant 0 : index
    %get3A_15 = arith.constant 0 : index
    %get3A_16 = vector.load %arg4[%get3A_14, %get3A_15] : memref<1000x128xf32, #tpu.memory_space<vmem>>, vector<1000x128xf32>
    %add3A_17 = arith.addf %mul3A_13, %get3A_16 : vector<1000x128xf32>
    %max3A_18 = arith.constant 0.000000e+00 : f32
    %max3A_19 = vector.broadcast %max3A_18 : f32 to vector<1000x128xf32>
    %max3A_20 = arith.maximumf %add3A_17, %max3A_19 : vector<1000x128xf32>
    %get3A_21 = arith.constant 0 : index
    %get3A_22 = arith.constant 0 : index
    %get3A_23 = vector.load %arg5[%get3A_21, %get3A_22] : memref<128x64xf32, #tpu.memory_space<vmem>>, vector<128x64xf32>
    %dot_general3A = arith.constant dense<0.000000e+00> : vector<1000x64xf32>
    %dot_general3A_24 = tpu.matmul %max3A_20, %get3A_23, %dot_general3A {dimension_numbers = #tpu.dot_dimension_numbers<[1], [0], [0], [1], [0, 0, 1, 1], [], []>, transpose_lhs_hint = false} : vector<1000x128xf32>, vector<128x64xf32>, vector<1000x64xf32> -> vector<1000x64xf32>
    %swap3A = arith.constant 0 : index
    %swap3A_25 = arith.constant 0 : index
    %swap3A_26 = vector.load %arg8[%swap3A, %swap3A_25] : memref<1000x64xf32, #tpu.memory_space<vmem>>, vector<1000x64xf32>
    tpu.vector_store %arg8[%swap3A, %swap3A_25], %dot_general3A_24 {strides = array<i32>} : memref<1000x64xf32, #tpu.memory_space<vmem>>, vector<1000x64xf32>,
    %get3A_27 = arith.constant 0 : index
    %get3A_28 = arith.constant 0 : index
    %get3A_29 = vector.load %arg6[%get3A_27, %get3A_28] : memref<128x64xf32, #tpu.memory_space<vmem>>, vector<128x64xf32>
    %dot_general3A_30 = arith.constant dense<0.000000e+00> : vector<1000x64xf32>
    %dot_general3A_31 = tpu.matmul %max3A_20, %get3A_29, %dot_general3A_30 {dimension_numbers = #tpu.dot_dimension_numbers<[1], [0], [0], [1], [0, 0, 1, 1], [], []>, transpose_lhs_hint = false} : vector<1000x128xf32>, vector<128x64xf32>, vector<1000x64xf32> -> vector<1000x64xf32>
    %get3A_32 = arith.constant 0 : index
    %get3A_33 = arith.constant 0 : index
    %get3A_34 = vector.load %arg7[%get3A_32, %get3A_33] : memref<1x64xf32, #tpu.memory_space<vmem>>, vector<1x64xf32>
    %add3A_35 = vector.broadcast %get3A_34 : vector<1x64xf32> to vector<1000x64xf32>
    %add3A_36 = arith.addf %dot_general3A_31, %add3A_35 : vector<1000x64xf32>
    %swap3A_37 = arith.constant 0 : index
    %swap3A_38 = arith.constant 0 : index
    %swap3A_39 = vector.load %arg9[%swap3A_37, %swap3A_38] : memref<1000x64xf32, #tpu.memory_space<vmem>>, vector<1000x64xf32>
    tpu.vector_store %arg9[%swap3A_37, %swap3A_38], %add3A_36 {strides = array<i32>} : memref<1000x64xf32, #tpu.memory_space<vmem>>, vector<1000x64xf32>,
    return
  }
  func.func @transform_0(%arg0: i32) -> (i32, i32) {
    %c0_i32 = arith.constant 0 : i32
    %c0_i32_0 = arith.constant 0 : i32
    return %arg0, %c0_i32 : i32, i32
  }
  func.func @transform_1(%arg0: i32) -> (i32, i32) {
    %add3A = arith.constant 10 : i32
    %add3A_0 = arith.addi %arg0, %add3A : i32
    %c0_i32 = arith.constant 0 : i32
    %c0_i32_1 = arith.constant 0 : i32
    return %add3A_0, %c0_i32 : i32, i32
  }
  func.func @transform_2(%arg0: i32) -> (i32, i32) {
    %c0_i32 = arith.constant 0 : i32
    %c0_i32_0 = arith.constant 0 : i32
    return %arg0, %c0_i32 : i32, i32
  }
  func.func @transform_3(%arg0: i32) -> (i32, i32) {
    %c0_i32 = arith.constant 0 : i32
    %c0_i32_0 = arith.constant 0 : i32
    return %arg0, %c0_i32 : i32, i32
  }
  func.func @transform_4(%arg0: i32) -> (i32, i32) {
    %c0_i32 = arith.constant 0 : i32
    %c0_i32_0 = arith.constant 0 : i32
    %c0_i32_1 = arith.constant 0 : i32
    return %c0_i32, %c0_i32_0 : i32, i32
  }
  func.func @transform_5(%arg0: i32) -> (i32, i32) {
    %c0_i32 = arith.constant 0 : i32
    %c0_i32_0 = arith.constant 0 : i32
    %c0_i32_1 = arith.constant 0 : i32
    return %c0_i32, %c0_i32_0 : i32, i32
  }
  func.func @transform_6(%arg0: i32) -> (i32, i32) {
    %c0_i32 = arith.constant 0 : i32
    %c0_i32_0 = arith.constant 0 : i32
    %c0_i32_1 = arith.constant 0 : i32
    return %c0_i32, %c0_i32_0 : i32, i32
  }
  func.func @transform_7(%arg0: i32) -> (i32, i32) {
    %c0_i32 = arith.constant 0 : i32
    %c0_i32_0 = arith.constant 0 : i32
    return %arg0, %c0_i32 : i32, i32
  }
  func.func @transform_8(%arg0: i32) -> (i32, i32) {
    %c0_i32 = arith.constant 0 : i32
    %c0_i32_0 = arith.constant 0 : i32
    return %arg0, %c0_i32 : i32, i32
  }
}

module attributes {stable_mosaic.version = 14 : i64} {
  func.func @_post_body(%arg0: i32, %arg1: memref<1000x64xf32, #tpu.memory_space<vmem>>, %arg2: memref<1000x64xf32, #tpu.memory_space<vmem>>, %arg3: memref<1000x32xf32, #tpu.memory_space<vmem>>, %arg4: memref<1000x64xf32, #tpu.memory_space<vmem>>, %arg5: memref<64x128xf32, #tpu.memory_space<vmem>>, %arg6: memref<1x128xf32, #tpu.memory_space<vmem>>, %arg7: memref<1000x2xf32, #tpu.memory_space<vmem>>) attributes {dimension_semantics = [#tpu.dimension_semantics<arbitrary>], iteration_bounds = array<i64: 10>, scalar_prefetch = 0 : i64, scratch_operands = 0 : i64, tpu.core_type = #tpu.core_type<tc>, window_params = [{transform_indices = @transform_0, window_bounds = array<i64: 1000, 64>}, {transform_indices = @transform_1, window_bounds = array<i64: 1000, 64>}, {transform_indices = @transform_2, window_bounds = array<i64: 1000, 32>}, {transform_indices = @transform_3, window_bounds = array<i64: 1000, 64>}, {pipeline_mode = #tpu.pipeline_mode<synchronous>, transform_indices = @transform_4, window_bounds = array<i64: 64, 128>}, {pipeline_mode = #tpu.pipeline_mode<synchronous>, transform_indices = @transform_5, window_bounds = array<i64: 1, 128>}, {transform_indices = @transform_6, window_bounds = array<i64: 1000, 2>}]} {
    %get3A = arith.constant 0 : index
    %get3A_0 = arith.constant 0 : index
    %get3A_1 = vector.load %arg1[%get3A, %get3A_0] : memref<1000x64xf32, #tpu.memory_space<vmem>>, vector<1000x64xf32>
    %get3A_2 = arith.constant 0 : index
    %get3A_3 = arith.constant 0 : index
    %get3A_4 = vector.load %arg2[%get3A_2, %get3A_3] : memref<1000x64xf32, #tpu.memory_space<vmem>>, vector<1000x64xf32>
    %add3A = arith.addf %get3A_1, %get3A_4 : vector<1000x64xf32>
    %get3A_5 = arith.constant 0 : index
    %get3A_6 = arith.constant 0 : index
    %get3A_7 = vector.load %arg3[%get3A_5, %get3A_6] : memref<1000x32xf32, #tpu.memory_space<vmem>>, vector<1000x32xf32>
    %reduce_sum3A = arith.constant dense<0.000000e+00> : vector<1000xf32>
    %reduce_sum3A_8 = vector.multi_reduction <add>, %get3A_7, %reduce_sum3A [1] : vector<1000x32xf32> to vector<1000xf32>
    %broadcast_in_dim3A = vector.shape_cast %reduce_sum3A_8 : vector<1000xf32> to vector<1000x1xf32>
    %max3A = arith.constant 1.000000e+00 : f32
    %max3A_9 = vector.broadcast %max3A : f32 to vector<1000x1xf32>
    %max3A_10 = arith.maximumf %broadcast_in_dim3A, %max3A_9 : vector<1000x1xf32>
    %div3A = arith.constant 1.000000e+00 : f32
    %div3A_11 = vector.broadcast %div3A : f32 to vector<1000x1xf32>
    %div3A_12 = arith.divf %div3A_11, %max3A_10 : vector<1000x1xf32>
    %mul3A = vector.broadcast %div3A_12 : vector<1000x1xf32> to vector<1000x64xf32>
    %mul3A_13 = arith.mulf %add3A, %mul3A : vector<1000x64xf32>
    %get3A_14 = arith.constant 0 : index
    %get3A_15 = arith.constant 0 : index
    %get3A_16 = vector.load %arg4[%get3A_14, %get3A_15] : memref<1000x64xf32, #tpu.memory_space<vmem>>, vector<1000x64xf32>
    %add3A_17 = arith.addf %mul3A_13, %get3A_16 : vector<1000x64xf32>
    %max3A_18 = arith.constant 0.000000e+00 : f32
    %max3A_19 = vector.broadcast %max3A_18 : f32 to vector<1000x64xf32>
    %max3A_20 = arith.maximumf %add3A_17, %max3A_19 : vector<1000x64xf32>
    %get3A_21 = arith.constant 0 : index
    %get3A_22 = arith.constant 0 : index
    %get3A_23 = vector.load %arg5[%get3A_21, %get3A_22] : memref<64x128xf32, #tpu.memory_space<vmem>>, vector<64x128xf32>
    %dot_general3A = arith.constant dense<0.000000e+00> : vector<1000x128xf32>
    %dot_general3A_24 = tpu.matmul %max3A_20, %get3A_23, %dot_general3A {dimension_numbers = #tpu.dot_dimension_numbers<[1], [0], [0], [1], [0, 0, 1, 1], [], []>, transpose_lhs_hint = false} : vector<1000x64xf32>, vector<64x128xf32>, vector<1000x128xf32> -> vector<1000x128xf32>
    %get3A_25 = arith.constant 0 : index
    %get3A_26 = arith.constant 0 : index
    %get3A_27 = vector.load %arg6[%get3A_25, %get3A_26] : memref<1x128xf32, #tpu.memory_space<vmem>>, vector<1x128xf32>
    %add3A_28 = vector.broadcast %get3A_27 : vector<1x128xf32> to vector<1000x128xf32>
    %add3A_29 = arith.addf %dot_general3A_24, %add3A_28 : vector<1000x128xf32>
    %slice3A = vector.extract_strided_slice %add3A_29 {offsets = [0, 0], sizes = [1000, 1], strides = [1, 1]} : vector<1000x128xf32> to vector<1000x1xf32>
    %slice3A_30 = vector.extract_strided_slice %add3A_29 {offsets = [0, 1], sizes = [1000, 1], strides = [1, 1]} : vector<1000x128xf32> to vector<1000x1xf32>
    %max3A_31 = arith.maximumf %slice3A, %slice3A_30 : vector<1000x1xf32>
    %sub3A = arith.subf %slice3A, %max3A_31 : vector<1000x1xf32>
    %exp3A = math.exp %sub3A : vector<1000x1xf32>
    %sub3A_32 = arith.subf %slice3A_30, %max3A_31 : vector<1000x1xf32>
    %exp3A_33 = math.exp %sub3A_32 : vector<1000x1xf32>
    %add3A_34 = arith.addf %exp3A, %exp3A_33 : vector<1000x1xf32>
    %log3A = math.log %add3A_34 : vector<1000x1xf32>
    %add3A_35 = arith.addf %max3A_31, %log3A : vector<1000x1xf32>
    %sub3A_36 = arith.subf %slice3A, %add3A_35 : vector<1000x1xf32>
    %sub3A_37 = arith.subf %slice3A_30, %add3A_35 : vector<1000x1xf32>
    %concatenate3A = tpu.concatenate %sub3A_36, %sub3A_37 in 1 : vector<1000x1xf32>, vector<1000x1xf32> -> vector<1000x2xf32>
    %swap3A = arith.constant 0 : index
    %swap3A_38 = arith.constant 0 : index
    %swap3A_39 = vector.load %arg7[%swap3A, %swap3A_38] : memref<1000x2xf32, #tpu.memory_space<vmem>>, vector<1000x2xf32>
    tpu.vector_store %arg7[%swap3A, %swap3A_38], %concatenate3A {strides = array<i32>} : memref<1000x2xf32, #tpu.memory_space<vmem>>, vector<1000x2xf32>,
    return
  }
  func.func @transform_0(%arg0: i32) -> (i32, i32) {
    %c0_i32 = arith.constant 0 : i32
    %c0_i32_0 = arith.constant 0 : i32
    return %arg0, %c0_i32 : i32, i32
  }
  func.func @transform_1(%arg0: i32) -> (i32, i32) {
    %add3A = arith.constant 10 : i32
    %add3A_0 = arith.addi %arg0, %add3A : i32
    %c0_i32 = arith.constant 0 : i32
    %c0_i32_1 = arith.constant 0 : i32
    return %add3A_0, %c0_i32 : i32, i32
  }
  func.func @transform_2(%arg0: i32) -> (i32, i32) {
    %c0_i32 = arith.constant 0 : i32
    %c0_i32_0 = arith.constant 0 : i32
    return %arg0, %c0_i32 : i32, i32
  }
  func.func @transform_3(%arg0: i32) -> (i32, i32) {
    %c0_i32 = arith.constant 0 : i32
    %c0_i32_0 = arith.constant 0 : i32
    return %arg0, %c0_i32 : i32, i32
  }
  func.func @transform_4(%arg0: i32) -> (i32, i32) {
    %c0_i32 = arith.constant 0 : i32
    %c0_i32_0 = arith.constant 0 : i32
    %c0_i32_1 = arith.constant 0 : i32
    return %c0_i32, %c0_i32_0 : i32, i32
  }
  func.func @transform_5(%arg0: i32) -> (i32, i32) {
    %c0_i32 = arith.constant 0 : i32
    %c0_i32_0 = arith.constant 0 : i32
    %c0_i32_1 = arith.constant 0 : i32
    return %c0_i32, %c0_i32_0 : i32, i32
  }
  func.func @transform_6(%arg0: i32) -> (i32, i32) {
    %c0_i32 = arith.constant 0 : i32
    %c0_i32_0 = arith.constant 0 : i32
    return %arg0, %c0_i32 : i32, i32
  }
}

</mosaic_0001>

<sc_bundles>
// kernel: kernel.10.cloned.1.call-start
scs
__scs_entry_jumppad:
0x0: {  	(pc) =	sbr.rel $0x88, $3  }
0x1: {  	(tag) =	ssettag $0x0;
	lr =	simm.s32 $0x1  }
0x2: {  	[smem:$0x3F97] =	sst lr;
	_ =	strace $0xD0000000  }
0x3: {  	_ = 	snop  }
0x4: {  	_ = 	snop  }
0x5: {  	_ = 	snop  }
0x6: {  	_ = 	snop  }
0x7: {  	_ = 	snop  }
__scs_overlays_trampoline_lowered:
0x8: {  	[smem:$0x3FA6] =	sst s0  }
0x9: {  	[smem:$0x3FA7] =	sst s1  }
0xa: {  	[smem:$0x3FA8] =	sst s2  }
0xb: {  	[smem:$0x3FA9] =	sst s3  }
0xc: {  	[smem:$0x3FAA] =	sst s4  }
0xd: {  	[smem:$0x3FAB] =	sst s5  }
0xe: {  	[smem:$0x3FAC] =	sst s6  }
0xf: {  	[smem:$0x3FAD] =	sst s7  }
0x10: {  	[smem:$0x3FAE] =	sst s8  }
0x11: {  	[smem:$0x3FAF] =	sst s9;
	s0 =	simm.s32 @!p0 $0x0  }
0x12: {  	s1 =	sld [smem:$0x3F95];
	s0 =	simm.s32 @p0 $0x1  }
0x13: {  	[smem:$0x3FB0] =	sst s0;
	s0 =	simm.s32 @!p1 $0x0  }
0x14: {  	s2 =	sld [smem:$0x3F94];
	s0 =	simm.s32 @p1 $0x1  }
0x15: {  	[smem:$0x3FB1] =	sst s0;
	s0 =	simm.s32 @!p2 $0x0  }
0x16: {  	s3 =	sld [smem:$0x3FDB];
	s0 =	simm.s32 @p2 $0x1  }
0x17: {  	s4 =	simm.s32 $0x1BF5;
	[smem:$0x3FB3] =	sst s0  }
0x18: {  	s0 =	sld [smem:$0x3F96];
	_ =	swait.ge [sflag:s4], $0x0  }
0x19: {  	s7 =	sld [smem:$0x3F97]  }
0x1a: {  	s8 =	sadd.s32 $0xFFFFE003, lr  }
0x1b: {  	s9 =	sadd.s32 $0xFFFFFEF7, lr;
	s5 =	simm.s32 $0xFFFFFFFF;
	p2 =	slt.u32 s8, $0xFFFFF086  }
0x1c: {  	p1 =	slt.u32 s9, $0xF7A;
	s5 =	simm.s32 @!p2 $0x0  }
0x1d: {  	s5 =	simm.s32 @p1 $0x1;
	p0 =	seq.s32 s7, s2  }
0x1e: {  	s7 =	smul.u32 @!p0 $0xF7A, s2;
	p2 =	seq.s32 @!p0 s5, $0x0  }
0x1f: {  	s9 =	smul.u32 $0xF7A, s1;
	s8 =	simm.s32 @!p0 $0x1BF5;
	p2 =	por !p2, p0  }
0x20: {  	[sflag:s8] =	ssyncset.s32 @!p0 $0xFFFFF086;
	s6 =	sadd.s32 @!p0 s3, s7;
	s7 =	simm.s32 @!p0 $0x108  }
0x21: {  	s3 =	sadd.s32 s3, s9;
	s6 =	sadd.s32 @!p0 $0x88, s6;
	s7 =	simm.s32 @p2 $0x1082  }
0x22: {  	[simem:s7], [sflag:s8] =	dma.local @!p0 [hbm:s6], $0xF7A  }
0x23: {  	s9 =	sor.u32 $0xD0000000, s2;
	s6 =	simm.s32 $0x108;
	_ =	swait.ge @!p0 [sflag:s8], $0x0  }
0x24: {  	s3 =	sadd.s32 $0x88, s3;
	s6 =	simm.s32 @!p1 $0x1082;
	[sflag:s4] =	ssyncset.s32 $0xFFFFF086  }
0x25: {  	[simem:s6], [sflag:s4] =	dma.local [hbm:s3], $0xF7A  }
0x26: {  	[smem:$0x3F97] =	sst s1;
	(tag) =	ssettag s2;
	_ =	strace s9  }
0x27: {  	s1 =	sld [smem:$0x3FA7]  }
0x28: {  	s2 =	sld [smem:$0x3FA8]  }
0x29: {  	s4 =	sld [smem:$0x3FAA]  }
0x2a: {  	p0 =	seq.s32 s5, $0x0;
	s5 =	sld [smem:$0x3FAB]  }
0x2b: {  	s6 =	sld [smem:$0x3FAC]  }
0x2c: {  	s7 =	sld [smem:$0x3FAD]  }
0x2d: {  	s3 =	simm.s32 $0x108;
	s8 =	sld [smem:$0x3FAE]  }
0x2e: {  	s3 =	simm.s32 @!p0 $0x1082;
	s9 =	sld [smem:$0x3FAF]  }
0x2f: {  	lr =	sadd.s32 s0, s3;
	s0 =	sld [smem:$0x3FA6]  }
0x30: {  	s3 =	sld [smem:$0x3FA9]  }
0x31: {  	[smem:$0x3FB2] =	sst s10  }
0x32: {  	s10 =	sld [smem:$0x3FB0];
	_ =	sdelay $0x3  }
0x33: {  	p0 =	seq.s32 s10, $0x1;
	s10 =	sld [smem:$0x3FB2];
	_ =	sdelay $0x3  }
0x34: {  	[smem:$0x3FB2] =	sst s10  }
0x35: {  	s10 =	sld [smem:$0x3FB1];
	_ =	sdelay $0x3  }
0x36: {  	p1 =	seq.s32 s10, $0x1;
	s10 =	sld [smem:$0x3FB2];
	_ =	sdelay $0x3  }
0x37: {  	[smem:$0x3FB2] =	sst s10  }
0x38: {  	s10 =	sld [smem:$0x3FB3]  }
0x39: {  	_ = 	snop;
	(pc) =	sbr.ind lr, $3  }
0x3a: {  	_ = 	snop  }
0x3b: {  	_ = 	snop  }
0x3c: {  	p2 =	seq.s32 s10, $0x1;
	s10 =	sld [smem:$0x3FB2]  }
0x3d: {  	_ =	shalt  }
0x3e: {  	_ =	shalt  }
0x3f: {  	_ =	shalt  }
0x40: {  	_ =	shalt  }
0x41: {  	_ =	shalt  }
0x42: {  	_ =	shalt  }
0x43: {  	_ =	shalt  }
0x44: {  	_ =	shalt  }
0x45: {  	_ =	shalt  }
0x46: {  	_ =	shalt  }
0x47: {  	_ =	shalt  }
0x48: {  	_ =	shalt  }
0x49: {  	_ =	shalt  }
0x4a: {  	_ =	shalt  }
0x4b: {  	_ =	shalt  }
0x4c: {  	_ =	shalt  }
0x4d: {  	_ =	shalt  }
0x4e: {  	_ =	shalt  }
0x4f: {  	_ =	shalt  }
0x50: {  	_ =	shalt  }
0x51: {  	_ =	shalt  }
0x52: {  	_ =	shalt  }
0x53: {  	_ =	shalt  }
0x54: {  	_ =	shalt  }
0x55: {  	_ =	shalt  }
0x56: {  	_ =	shalt  }
0x57: {  	_ =	shalt  }
0x58: {  	_ =	shalt  }
0x59: {  	_ =	shalt  }
0x5a: {  	_ =	shalt  }
0x5b: {  	_ =	shalt  }
0x5c: {  	_ =	shalt  }
0x5d: {  	_ =	shalt  }
0x5e: {  	_ =	shalt  }
0x5f: {  	_ =	shalt  }
0x60: {  	_ =	shalt  }
0x61: {  	_ =	shalt  }
0x62: {  	_ =	shalt  }
0x63: {  	_ =	shalt  }
0x64: {  	_ =	shalt  }
0x65: {  	_ =	shalt  }
0x66: {  	_ =	shalt  }
0x67: {  	_ =	shalt  }
0x68: {  	_ =	shalt  }
0x69: {  	_ =	shalt  }
0x6a: {  	_ =	shalt  }
0x6b: {  	_ =	shalt  }
0x6c: {  	_ =	shalt  }
0x6d: {  	_ =	shalt  }
0x6e: {  	_ =	shalt  }
0x6f: {  	_ =	shalt  }
0x70: {  	_ =	shalt  }
0x71: {  	_ =	shalt  }
0x72: {  	_ =	shalt  }
0x73: {  	_ =	shalt  }
0x74: {  	_ =	shalt  }
0x75: {  	_ =	shalt  }
0x76: {  	_ =	shalt  }
0x77: {  	_ =	shalt  }
0x78: {  	_ =	shalt  }
0x79: {  	_ =	shalt  }
0x7a: {  	_ =	shalt  }
0x7b: {  	_ =	shalt  }
0x7c: {  	_ =	shalt  }
0x7d: {  	_ =	shalt  }
0x7e: {  	_ =	shalt  }
0x7f: {  	_ =	shalt  }
0x80: {  	_ =	shalt  }
0x81: {  	_ =	shalt  }
0x82: {  	_ =	shalt  }
0x83: {  	_ =	shalt  }
0x84: {  	_ =	shalt  }
0x85: {  	_ =	shalt  }
0x86: {  	_ =	shalt  }
0x87: {  	_ =	shalt  }
.Lfunc_end0:
.L_simem_size_0:
called_computation.1_lowered:
.L_overlay_start_0:
0x88: {  	s2 =	sld [smem:$0x3FD9]  }
0x89: {  	s3 =	sld [smem:$0x3FFE];
	_ =	sdelay $0x1  }
0x8a: {  	s1 =	srdreg.scid  }
0x8b: {  	s0 =	sand.u32 $0x1, s1  }
0x8c: {  	s16 =	sshll.u32 s0, $0xA;
	s2 =	sadd.s32 s3, s2  }
0x8d: {  	s2 =	sadd.s32 s2, s16  }
0x8e: {  	[smem:$0x3FBE] =	sst s2  }
0x8f: {  	_ = 	snop  }
0x90: {  	(tm) =	ssettm $0x1  }
0x91: {  	s17 =	sld [smem:$0x3FFB];
	_ =	sdelay $0x3  }
0x92: {  	_ =	strace s17  }
0x93: {  	s2 =	sld [smem:$0x3FFC];
	_ =	sdelay $0x3  }
0x94: {  	_ =	strace s2  }
0x95: {  	s2 =	sld [smem:$0x3FFD];
	_ =	sdelay $0x3  }
0x96: {  	_ =	strace s2  }
0x97: {  	_ =	strace $0x8FFFFFFF  }
0x98: {  	s18 =	sld [smem:$0x3FDB];
	_ =	sdelay $0x1  }
0x99: {  	s19 =	simm.s32 $_scs_section_size  }
0x9a: {  	s4 =	simm.s32 $_size__tile_overlayer_lowered;
	s5 =	simm.s32 $_tile_overlayer_lowered  }
0x9b: {  	s22 =	simm.s32 $0x1BFF;
	s21 =	sshll.u32 s5, $0x1;
	s2 =	sadd.s32 s19, s18  }
0x9c: {  	s6 =	simm.s32 $0x0;
	s20 =	sshll.u32 s4, $0x1;
	s4 =	sadd.s32 s21, s2  }
0x9d: {  	[timem:s6], [sflag:s22] =	dma.local [hbm:s4], s20  }
0x9e: {  	_ =	swait.ge [sflag:s22], s20  }
0x9f: {  	s3 =	ssub.s32 $0x0, s20;
	[sflag:s22] =	ssyncset.done $0x0  }
0xa0: {  	[sflag:s22] =	ssyncadd.s32 s3;
	_ =	sdelay $0x1  }
0xa1: {  	s23 =	simm.s32 $0x1B8B  }
0xa2: {  	_ =	swait.ge [sflag:s23], $0x1  }
0xa3: {  	[sflag:s23] =	ssyncset.done $0x0  }
0xa4: {  	s25 =	simm.s32 $0x1B8E;
	s24 =	sld [smem:$0x3FFE];
	[sflag:s23] =	ssyncadd.s32 $0xFFFFFFFF  }
0xa5: {  	s26 =	simm.s32 $execute0_lowered;
	[smem:$0x3FD2] =	sst s25  }
0xa6: {  	s4 =	sshll.u32 s26, $0x1;
	_ =	strace $0x80000049;
	[dreg:$0x1] =	wrdreg $0xFFFFFFFF  }
0xa7: {  	s28 =	simm.s32 $_size_execute0_lowered;
	s2 =	sadd.s32 s2, s4;
	[dreg:$0x0] =	wrdreg $0x0  }
0xa8: {  	s4 =	sshll.u32 s28, $0x1;
	[dreg:$0x2] =	wrdreg s2  }
0xa9: {  	[dreg:$0x3] =	wrdreg s4  }
0xaa: {  	[dreg:$0x4] =	wrdreg $0xC0  }
0xab: {  	_ =	task [dreg:s6], $0x5FFFF  }
0xac: {  	[dreg:$0x1] =	wrdreg $0xFFFFFFFF  }
0xad: {  	[dreg:$0x0] =	wrdreg $0x60  }
0xae: {  	[dreg:$0x2] =	wrdreg s24  }
0xaf: {  	[dreg:$0x3] =	wrdreg $0x90000  }
0xb0: {  	[dreg:$0x4] =	wrdreg $0x9  }
0xb1: {  	_ =	task.clear_ibuf [dreg:s6], $0x5FFFF;
	_ =	strace $0x90000049  }
0xb2: {  	s29 =	simm.s32 $0x9;
	_ =	strace $0x8000004B  }
0xb3: {  	_ =	swait.ge [sflag:s29], $0x1  }
0xb4: {  	[sflag:s29] =	ssyncadd.s32 $0xFFFFFFFF  }
0xb5: {  	_ =	strace $0x9000004B  }
0xb6: {  	_ =	sfence  }
0xb7: {  	s30 =	sld [smem:$0x0];
	_ =	sdelay $0x2  }
0xb8: {  	s31 =	sshll.u32 s1, $0xD;
	s1 =	sshrl.u32 s1, $0x2  }
0xb9: {  	s3 =	sand.u32 $0x4000, s31;
	s1 =	sadd.s32 s1, s30  }
0xba: {  	s0 =	sor.u32 s3, s0;
	s1 =	sshll.u32 s1, $0x11  }
0xbb: {  	s0 =	sor.u32 s1, s0  }
0xbc: {  	s0 =	sadd.s32 $0x8F2B, s0  }
0xbd: {  	[sflag:s0] =	ssyncadd.remote.s32 $0x1  }
0xbe: {  	_ =	sfence.sel $0xFFFF  }
0xbf: {  	[dreg:$0x0] =	wrdreg $0xFFFFFFFF;
	(pc) =	sbr.abs _section_cstart, $3  }
0xc0: {  	[dreg:$0x1] =	wrdreg $0xFFFFFFFF  }
0xc1: {  	_ =	task.clear_ibuf [dreg:s6], $0x2FFFF;
	_ =	strace $0x9FFFFFFF  }
0xc2: {  	(tm) =	ssettm $0x7FFFFFFF  }
0xc3: {  	_ =	shalt  }
tec
execute0_lowered:
.L_overlay_start_1:
0x0: {  	(tag) =	ssettag $0x1  }
0x1: {  	s1 =	rddreg [dreg:$0x0]  }
0x2: {  	s0 =	srdreg.scid;
	s2 =	rddreg [dreg:$0x1];
	s3 =	simm.s32 $0x0  }
0x3: {  	s9 =	stileid.u32;
	s15 =	simm.s32 $0x100;
	[smem:$0x7FF] =	sst s3  }
0x4: {  	s17 =	simm.s32 $0x180;
	_ =	strace $0x8000004A;
	[dreg:$0x5] =	wrdreg s15  }
0x5: {  	s19 =	simm.s32 $0x200;
	s21 =	simm.s32 $0x880;
	[dreg:$0x6] =	wrdreg s17  }
0x6: {  	s23 =	simm.s32 $0x280;
	s24 =	simm.s32 $0x900;
	[dreg:$0x7] =	wrdreg s19  }
0x7: {  	s25 =	simm.s32 $0x300;
	s26 =	simm.s32 $0x980;
	[dreg:$0x8] =	wrdreg s21  }
0x8: {  	s11 =	simm.s32 $0xA00;
	s5 =	smul.u32 $0x2800, s9;
	[dreg:$0x9] =	wrdreg s23  }
0x9: {  	s28 =	simm.s32 $0x7000;
	s6 =	smul.u32 $0x271, s9;
	[dreg:$0xa] =	wrdreg s24  }
0xa: {  	s29 =	simm.s32 $0x1;
	s8 =	smul.u32 $0x27200, s9;
	[dreg:$0xb] =	wrdreg s25  }
0xb: {  	s22 =	smul.u32 $0x27100, s9;
	s9 =	simm.s32 $0x380;
	[dreg:$0xc] =	wrdreg s26  }
0xc: {  	s30 =	simm.s32 $0x5;
	s31 =	simm.s32 $0x2;
	[dreg:$0xd] =	wrdreg s9  }
0xd: {  	s0 =	sand.u32 $0x1, s0;
	[dreg:$0xe] =	wrdreg s11;
	s15 =	simm.s32 $0xA80  }
0xe: {  	s4 =	smul.u32 $0x28000, s0;
	s17 =	simm.s32 $0x480;
	[dreg:$0x10] =	wrdreg s15  }
0xf: {  	s7 =	smul.u32 $0x2710, s0;
	s19 =	simm.s32 $0xB00;
	[dreg:$0x11] =	wrdreg s17  }
0x10: {  	s0 =	ssub.s32 $0x2, s0;
	s21 =	simm.s32 $0x500;
	[dreg:$0x12] =	wrdreg s19  }
0x11: {  	s23 =	simm.s32 $0x580;
	s24 =	simm.s32 $0xC00;
	[dreg:$0x13] =	wrdreg s21  }
0x12: {  	s25 =	simm.s32 $0x600;
	s26 =	simm.s32 $0xC80;
	[dreg:$0x15] =	wrdreg s23  }
0x13: {  	s9 =	simm.s32 $0x680;
	s11 =	simm.s32 $0xD00;
	[dreg:$0x16] =	wrdreg s24  }
0x14: {  	s12 =	sshrl.u32 s0, $0x1;
	s14 =	sshrl.u32 s8, $0x2;
	[dreg:$0x17] =	wrdreg s25  }
0x15: {  	s21 =	simm.s32 $0x1000;
	[dreg:$0x18] =	wrdreg s26;
	s5 =	sadd.s32 s5, s4  }
0x16: {  	s4 =	sadd.s32 $0x15800, s1;
	s6 =	sadd.s32 s6, s7;
	s7 =	sadd.s32 s14, s2  }
0x17: {  	s0 =	ssub.s32 s0, s12;
	s16 =	sadd.s32 $0x2000, s7;
	[dreg:$0x19] =	wrdreg s7  }
0x18: {  	s5 =	sshrl.u32 s5, $0x3;
	s18 =	sadd.s32 $0x4000, s7;
	[dreg:$0x1a] =	wrdreg s16  }
0x19: {  	s6 =	sshll.u32 s6, $0x3;
	s20 =	sadd.s32 $0x6000, s7;
	[dreg:$0x1b] =	wrdreg s18  }
0x1a: {  	s7 =	sadd.s32 $0x8000, s7;
	s0 =	smax.u32 s0, $0x1;
	[dreg:$0x1c] =	wrdreg s20  }
0x1b: {  	s5 =	sadd.s32 s5, s1;
	s1 =	sadd.s32 s6, s1;
	[dreg:$0x1d] =	wrdreg s7  }
0x1c: {  	s6 =	sshrl.u32 s22, $0x2;
	s22 =	simm.s32 $0xB80;
	[smem:$0x7FD] =	sst s0  }
0x1d: {  	s23 =	simm.s32 $0x800;
	s13 =	sadd.s32 $0xB800, s5;
	[dreg:$0x14] =	wrdreg s22  }
0x1e: {  	s24 =	simm.s32 $0x80;
	s5 =	sadd.s32 $0x1800, s5;
	[dreg:$0x3] =	wrdreg s13  }
0x1f: {  	s25 =	simm.s32 $0x3000;
	s8 =	sadd.s32 $0x29200, s1;
	[dreg:$0x4] =	wrdreg s5  }
0x20: {  	s26 =	simm.s32 $0x5000;
	s12 =	sadd.s32 $0x295E8, s1;
	[dreg:$0x1f] =	wrdreg s8  }
0x21: {  	s15 =	simm.s32 $0xE00;
	s16 =	sadd.s32 $0x299D0, s1;
	[smem:$0x7F6] =	sst s12  }
0x22: {  	s17 =	simm.s32 $0xF00;
	s20 =	sadd.s32 $0x29DB8, s1;
	[smem:$0x7F8] =	sst s16  }
0x23: {  	s0 =	simm.s32 $0x3;
	s6 =	sadd.s32 s6, s2;
	[smem:$0x7FA] =	sst s20  }
0x24: {  	s7 =	simm.s32 $0x4;
	s1 =	sadd.s32 $0x2A1A0, s1;
	[dreg:$0x1e] =	wrdreg s6  }
0x25: {  	s22 =	simm.s32 $0x9;
	s10 =	sadd.s32 $0x1F40, s6;
	[smem:$0x7FC] =	sst s1  }
0x26: {  	s13 =	simm.s32 $0x400;
	s14 =	sadd.s32 $0x3E80, s6;
	[smem:$0x7F5] =	sst s10  }
0x27: {  	s18 =	sadd.s32 $0x5DC0, s6;
	s6 =	sadd.s32 $0x7D00, s6;
	[smem:$0x7F7] =	sst s14  }
0x28: {  	s1 =	simm.s32 $0x6;
	s8 =	simm.s32 $0x8;
	[dreg:$0xf] =	wrdreg s13  }
0x29: {  	s12 =	simm.s32 $0x700;
	s16 =	simm.s32 $0xE80;
	[smem:$0x7F9] =	sst s18  }
0x2a: {  	[smem:$0x7FB] =	sst s6;
	s6 =	simm.s32 $0x7;
	s13 =	simm.s32 $0xD80  }
0x2b: {  	v0 =	vimm.f32 $0.0e+00;
	s14 =	simm.s32 $0x780;
	s18 =	simm.s32 $0xF80;
	s10 =	simm.s32 $0x0  }
.LBB2_1:
0x2c: {  	[smem:$0x7F4] =	sst s10;
	s20 =	simm.s32 $0x100;
	s5 =	simm.s32 $0x0  }
.LBB2_2:
0x2d: {  	p0 =	sne.s32 s20, $0x7F00;
	[tilespmem:s5+$0x1030] =	vst v0;
	s10 =	smov.u32 s20;
	s20 =	sadd.s32 $0x100, s20  }
.Ltmp0:
0x2e: {  	[tilespmem:s5+$0x1020] =	vst v0;
	(pc) =	sbr.rel @p0 .LBB2_2-.Ltmp0, $3  }
0x2f: {  	[tilespmem:s5+$0x1000] =	vst v0  }
0x30: {  	[tilespmem:s5+$0x1010] =	vst v0;
	_ =	sdelay $0x1  }
0x31: {  	s5 =	sshra.s32 s10, $0x2  }
0x32: {  	[tilespmem:s5+$0x1030] =	vst v0  }
0x33: {  	[tilespmem:s5+$0x1020] =	vst v0  }
0x34: {  	[tilespmem:s5+$0x1000] =	vst v0  }
0x35: {  	[tilespmem:s5+$0x1010] =	vst v0;
	s19 =	rddreg [dreg:$0x19]  }
0x36: {  	[spmem:s19] =	stream.linear.scatter [tilespmem:s21], [sflag:$0x9], $0x2000, $0x38;
	[tilespmem:$0x12C80] =	vst v63  }
0x37: {  	_ =	swait.ge [sflag:s22], $0x2000  }
0x38: {  	[sflag:s22] =	ssyncset.done $0x0  }
0x39: {  	s20 =	rddreg [dreg:$0x1a];
	[sflag:s22] =	ssyncadd.s32 $0xFFFFE000  }
0x3a: {  	[spmem:s20] =	stream.linear.scatter [tilespmem:s21], [sflag:$0x9], $0x2000, $0x38;
	[tilespmem:$0x12C80] =	vst v63  }
0x3b: {  	_ =	swait.ge [sflag:s22], $0x2000  }
0x3c: {  	[sflag:s22] =	ssyncset.done $0x0  }
0x3d: {  	s10 =	rddreg [dreg:$0x1b];
	[sflag:s22] =	ssyncadd.s32 $0xFFFFE000  }
0x3e: {  	[spmem:s10] =	stream.linear.scatter [tilespmem:s21], [sflag:$0x9], $0x2000, $0x38;
	[tilespmem:$0x12C80] =	vst v63  }
0x3f: {  	_ =	swait.ge [sflag:s22], $0x2000  }
0x40: {  	[sflag:s22] =	ssyncset.done $0x0  }
0x41: {  	s19 =	rddreg [dreg:$0x1c];
	[sflag:s22] =	ssyncadd.s32 $0xFFFFE000  }
0x42: {  	[spmem:s19] =	stream.linear.scatter [tilespmem:s21], [sflag:$0x9], $0x2000, $0x38;
	[tilespmem:$0x12C80] =	vst v63  }
0x43: {  	_ =	swait.ge [sflag:s22], $0x2000  }
0x44: {  	[sflag:s22] =	ssyncset.done $0x0  }
0x45: {  	s20 =	rddreg [dreg:$0x1d];
	[sflag:s22] =	ssyncadd.s32 $0xFFFFE000  }
0x46: {  	[spmem:s20] =	stream.linear.scatter [tilespmem:s21], [sflag:$0x9], $0x1C80, $0x38;
	[tilespmem:$0x12C80] =	vst v63  }
0x47: {  	_ =	swait.ge [sflag:s22], $0x1C80  }
0x48: {  	[sflag:s22] =	ssyncset.done $0x0  }
0x49: {  	[sflag:s22] =	ssyncadd.s32 $0xFFFFE380  }
0x4a: {  	[bflag:$0x0] =	sbarrier.arrive $0xFFFF  }
0x4b: {  	s10 =	rddreg [dreg:$0x4]  }
0x4c: {  	s5 =	sadd.s32 $0x0, s10  }
0x4d: {  	[tilespmem:s3], [sflag:$0x9] =	stream.linear.gather [hbm4b:s5+s3], $0x800, $0x38;
	[tilespmem:$0x12C80] =	vst v63  }
0x4e: {  	_ =	swait.ge [sflag:s22], $0x800  }
0x4f: {  	s19 =	rddreg [dreg:$0x3];
	[sflag:s22] =	ssyncset.done $0x0  }
0x50: {  	[sflag:s22] =	ssyncadd.s32 $0xFFFFF800;
	s5 =	sadd.s32 $0x0, s19  }
0x51: {  	[tilespmem:s23], [sflag:$0x9] =	stream.linear.gather [hbm4b:s5+s3], $0x800, $0x38;
	[tilespmem:$0x12C80] =	vst v63  }
0x52: {  	_ =	swait.ge [sflag:s22], $0x800  }
0x53: {  	[sflag:s22] =	ssyncset.done $0x0  }
0x54: {  	[sflag:s22] =	ssyncadd.s32 $0xFFFFF800  }
0x55: {  	[tilespmem:s21], [sflag:$0x1] =	stream.indirect.gather [hbm4b:s4+s24], $0x40, s3, s24, $0xb8;
	[tilespmem:$0x12C80] =	vst v63  }
0x56: {  	_ = 	snop  }
0x57: {  	[tilespmem:s25], [sflag:$0x2] =	stream.indirect.gather [hbm4b:s4+s24], $0x40, s24, s24, $0xb8;
	[tilespmem:$0x12C80] =	vst v63  }
0x58: {  	s20 =	rddreg [dreg:$0x5]  }
0x59: {  	[tilespmem:s26], [sflag:$0x3] =	stream.indirect.gather [hbm4b:s4+s24], $0x40, s20, s24, $0xb8;
	[tilespmem:$0x12C80] =	vst v63  }
0x5a: {  	s10 =	rddreg [dreg:$0x6]  }
0x5b: {  	[tilespmem:s28], [sflag:$0x4] =	stream.indirect.gather [hbm4b:s4+s24], $0x40, s10, s24, $0xb8;
	[tilespmem:$0x12C80] =	vst v63  }
0x5c: {  	_ =	swait.ge [sflag:s29], $0x2000  }
0x5d: {  	[sflag:s29] =	ssyncset.done $0x0  }
0x5e: {  	[sflag:s29] =	ssyncadd.s32 $0xFFFFE000  }
0x5f: {  	[spmem:s2] =	stream.indirect.scatter.add.f32 [tilespmem:s21], [sflag:$0x5], $0x40, s23, s24, $0xb8;
	[tilespmem:$0x12C80] =	vst v63  }
0x60: {  	_ =	swait.ge [sflag:s30], $0x2000  }
0x61: {  	[sflag:s30] =	ssyncset.done $0x0  }
0x62: {  	s10 =	rddreg [dreg:$0x7];
	[sflag:s30] =	ssyncadd.s32 $0xFFFFE000  }
0x63: {  	[tilespmem:s21], [sflag:$0x1] =	stream.indirect.gather [hbm4b:s4+s24], $0x40, s10, s24, $0xb8;
	[tilespmem:$0x12C80] =	vst v63  }
0x64: {  	_ =	swait.ge [sflag:s31], $0x2000  }
0x65: {  	[sflag:s31] =	ssyncset.done $0x0  }
0x66: {  	s19 =	rddreg [dreg:$0x8];
	[sflag:s31] =	ssyncadd.s32 $0xFFFFE000  }
0x67: {  	[spmem:s2] =	stream.indirect.scatter.add.f32 [tilespmem:s25], [sflag:$0x6], $0x40, s19, s24, $0xb8;
	[tilespmem:$0x12C80] =	vst v63  }
0x68: {  	_ =	swait.ge [sflag:s1], $0x2000  }
0x69: {  	[sflag:s1] =	ssyncset.done $0x0  }
0x6a: {  	s20 =	rddreg [dreg:$0x9];
	[sflag:s1] =	ssyncadd.s32 $0xFFFFE000  }
0x6b: {  	[tilespmem:s25], [sflag:$0x2] =	stream.indirect.gather [hbm4b:s4+s24], $0x40, s20, s24, $0xb8;
	[tilespmem:$0x12C80] =	vst v63  }
0x6c: {  	_ =	swait.ge [sflag:s0], $0x2000  }
0x6d: {  	[sflag:s0] =	ssyncset.done $0x0  }
0x6e: {  	s10 =	rddreg [dreg:$0xa];
	[sflag:s0] =	ssyncadd.s32 $0xFFFFE000  }
0x6f: {  	[spmem:s2] =	stream.indirect.scatter.add.f32 [tilespmem:s26], [sflag:$0x7], $0x40, s10, s24, $0xb8;
	[tilespmem:$0x12C80] =	vst v63  }
0x70: {  	_ =	swait.ge [sflag:s6], $0x2000  }
0x71: {  	[sflag:s6] =	ssyncset.done $0x0  }
0x72: {  	s19 =	rddreg [dreg:$0xb];
	[sflag:s6] =	ssyncadd.s32 $0xFFFFE000  }
0x73: {  	[tilespmem:s26], [sflag:$0x3] =	stream.indirect.gather [hbm4b:s4+s24], $0x40, s19, s24, $0xb8;
	[tilespmem:$0x12C80] =	vst v63  }
0x74: {  	_ =	swait.ge [sflag:s7], $0x2000  }
0x75: {  	[sflag:s7] =	ssyncset.done $0x0  }
0x76: {  	s20 =	rddreg [dreg:$0xc];
	[sflag:s7] =	ssyncadd.s32 $0xFFFFE000  }
0x77: {  	[spmem:s2] =	stream.indirect.scatter.add.f32 [tilespmem:s28], [sflag:$0x8], $0x40, s20, s24, $0xb8;
	[tilespmem:$0x12C80] =	vst v63  }
0x78: {  	_ =	swait.ge [sflag:s8], $0x2000  }
0x79: {  	[sflag:s8] =	ssyncset.done $0x0  }
0x7a: {  	s10 =	rddreg [dreg:$0xd];
	[sflag:s8] =	ssyncadd.s32 $0xFFFFE000  }
0x7b: {  	[tilespmem:s28], [sflag:$0x4] =	stream.indirect.gather [hbm4b:s4+s24], $0x40, s10, s24, $0xb8;
	[tilespmem:$0x12C80] =	vst v63  }
0x7c: {  	_ =	swait.ge [sflag:s29], $0x2000  }
0x7d: {  	[sflag:s29] =	ssyncset.done $0x0  }
0x7e: {  	s19 =	rddreg [dreg:$0xe];
	[sflag:s29] =	ssyncadd.s32 $0xFFFFE000  }
0x7f: {  	[spmem:s2] =	stream.indirect.scatter.add.f32 [tilespmem:s21], [sflag:$0x5], $0x40, s19, s24, $0xb8;
	[tilespmem:$0x12C80] =	vst v63  }
0x80: {  	_ =	swait.ge [sflag:s30], $0x2000  }
0x81: {  	[sflag:s30] =	ssyncset.done $0x0  }
0x82: {  	s20 =	rddreg [dreg:$0xf];
	[sflag:s30] =	ssyncadd.s32 $0xFFFFE000  }
0x83: {  	[tilespmem:s21], [sflag:$0x1] =	stream.indirect.gather [hbm4b:s4+s24], $0x40, s20, s24, $0xb8;
	[tilespmem:$0x12C80] =	vst v63  }
0x84: {  	_ =	swait.ge [sflag:s31], $0x2000  }
0x85: {  	[sflag:s31] =	ssyncset.done $0x0  }
0x86: {  	s10 =	rddreg [dreg:$0x10];
	[sflag:s31] =	ssyncadd.s32 $0xFFFFE000  }
0x87: {  	[spmem:s2] =	stream.indirect.scatter.add.f32 [tilespmem:s25], [sflag:$0x6], $0x40, s10, s24, $0xb8;
	[tilespmem:$0x12C80] =	vst v63  }
0x88: {  	_ =	swait.ge [sflag:s1], $0x2000  }
0x89: {  	[sflag:s1] =	ssyncset.done $0x0  }
0x8a: {  	s19 =	rddreg [dreg:$0x11];
	[sflag:s1] =	ssyncadd.s32 $0xFFFFE000  }
0x8b: {  	[tilespmem:s25], [sflag:$0x2] =	stream.indirect.gather [hbm4b:s4+s24], $0x40, s19, s24, $0xb8;
	[tilespmem:$0x12C80] =	vst v63  }
0x8c: {  	_ =	swait.ge [sflag:s0], $0x2000  }
0x8d: {  	[sflag:s0] =	ssyncset.done $0x0  }
0x8e: {  	s20 =	rddreg [dreg:$0x12];
	[sflag:s0] =	ssyncadd.s32 $0xFFFFE000  }
0x8f: {  	[spmem:s2] =	stream.indirect.scatter.add.f32 [tilespmem:s26], [sflag:$0x7], $0x40, s20, s24, $0xb8;
	[tilespmem:$0x12C80] =	vst v63  }
0x90: {  	_ =	swait.ge [sflag:s6], $0x2000  }
0x91: {  	[sflag:s6] =	ssyncset.done $0x0  }
0x92: {  	s10 =	rddreg [dreg:$0x13];
	[sflag:s6] =	ssyncadd.s32 $0xFFFFE000  }
0x93: {  	[tilespmem:s26], [sflag:$0x3] =	stream.indirect.gather [hbm4b:s4+s24], $0x40, s10, s24, $0xb8;
	[tilespmem:$0x12C80] =	vst v63  }
0x94: {  	_ =	swait.ge [sflag:s7], $0x2000  }
0x95: {  	[sflag:s7] =	ssyncset.done $0x0  }
0x96: {  	s19 =	rddreg [dreg:$0x14];
	[sflag:s7] =	ssyncadd.s32 $0xFFFFE000  }
0x97: {  	[spmem:s2] =	stream.indirect.scatter.add.f32 [tilespmem:s28], [sflag:$0x8], $0x40, s19, s24, $0xb8;
	[tilespmem:$0x12C80] =	vst v63  }
0x98: {  	_ =	swait.ge [sflag:s8], $0x2000  }
0x99: {  	[sflag:s8] =	ssyncset.done $0x0  }
0x9a: {  	s20 =	rddreg [dreg:$0x15];
	[sflag:s8] =	ssyncadd.s32 $0xFFFFE000  }
0x9b: {  	[tilespmem:s28], [sflag:$0x4] =	stream.indirect.gather [hbm4b:s4+s24], $0x40, s20, s24, $0xb8;
	[tilespmem:$0x12C80] =	vst v63  }
0x9c: {  	_ =	swait.ge [sflag:s29], $0x2000  }
0x9d: {  	[sflag:s29] =	ssyncset.done $0x0  }
0x9e: {  	s10 =	rddreg [dreg:$0x16];
	[sflag:s29] =	ssyncadd.s32 $0xFFFFE000  }
0x9f: {  	[spmem:s2] =	stream.indirect.scatter.add.f32 [tilespmem:s21], [sflag:$0x5], $0x40, s10, s24, $0xb8;
	[tilespmem:$0x12C80] =	vst v63  }
0xa0: {  	_ =	swait.ge [sflag:s30], $0x2000  }
0xa1: {  	[sflag:s30] =	ssyncset.done $0x0  }
0xa2: {  	s19 =	rddreg [dreg:$0x17];
	[sflag:s30] =	ssyncadd.s32 $0xFFFFE000  }
0xa3: {  	[tilespmem:s21], [sflag:$0x1] =	stream.indirect.gather [hbm4b:s4+s24], $0x40, s19, s24, $0xb8;
	[tilespmem:$0x12C80] =	vst v63  }
0xa4: {  	_ =	swait.ge [sflag:s31], $0x2000  }
0xa5: {  	[sflag:s31] =	ssyncset.done $0x0  }
0xa6: {  	s20 =	rddreg [dreg:$0x18];
	[sflag:s31] =	ssyncadd.s32 $0xFFFFE000  }
0xa7: {  	[spmem:s2] =	stream.indirect.scatter.add.f32 [tilespmem:s25], [sflag:$0x6], $0x40, s20, s24, $0xb8;
	[tilespmem:$0x12C80] =	vst v63  }
0xa8: {  	_ =	swait.ge [sflag:s1], $0x2000  }
0xa9: {  	[sflag:s1] =	ssyncset.done $0x0  }
0xaa: {  	[sflag:s1] =	ssyncadd.s32 $0xFFFFE000  }
0xab: {  	[tilespmem:s25], [sflag:$0x2] =	stream.indirect.gather [hbm4b:s4+s24], $0x40, s9, s24, $0xb8;
	[tilespmem:$0x12C80] =	vst v63  }
0xac: {  	_ =	swait.ge [sflag:s0], $0x2000  }
0xad: {  	[sflag:s0] =	ssyncset.done $0x0  }
0xae: {  	[sflag:s0] =	ssyncadd.s32 $0xFFFFE000  }
0xaf: {  	[spmem:s2] =	stream.indirect.scatter.add.f32 [tilespmem:s26], [sflag:$0x7], $0x40, s11, s24, $0xb8;
	[tilespmem:$0x12C80] =	vst v63  }
0xb0: {  	_ =	swait.ge [sflag:s6], $0x2000  }
0xb1: {  	[sflag:s6] =	ssyncset.done $0x0  }
0xb2: {  	[sflag:s6] =	ssyncadd.s32 $0xFFFFE000  }
0xb3: {  	[tilespmem:s26], [sflag:$0x3] =	stream.indirect.gather [hbm4b:s4+s24], $0x40, s12, s24, $0xb8;
	[tilespmem:$0x12C80] =	vst v63  }
0xb4: {  	_ =	swait.ge [sflag:s7], $0x2000  }
0xb5: {  	[sflag:s7] =	ssyncset.done $0x0  }
0xb6: {  	[sflag:s7] =	ssyncadd.s32 $0xFFFFE000  }
0xb7: {  	[spmem:s2] =	stream.indirect.scatter.add.f32 [tilespmem:s28], [sflag:$0x8], $0x40, s13, s24, $0xb8;
	[tilespmem:$0x12C80] =	vst v63  }
0xb8: {  	_ =	swait.ge [sflag:s8], $0x2000  }
0xb9: {  	[sflag:s8] =	ssyncset.done $0x0  }
0xba: {  	[sflag:s8] =	ssyncadd.s32 $0xFFFFE000  }
0xbb: {  	[tilespmem:s28], [sflag:$0x4] =	stream.indirect.gather [hbm4b:s4+s24], $0x40, s14, s24, $0xb8;
	[tilespmem:$0x12C80] =	vst v63  }
0xbc: {  	_ =	swait.ge [sflag:s29], $0x2000  }
0xbd: {  	[sflag:s29] =	ssyncset.done $0x0  }
0xbe: {  	[sflag:s29] =	ssyncadd.s32 $0xFFFFE000  }
0xbf: {  	[spmem:s2] =	stream.indirect.scatter.add.f32 [tilespmem:s21], [sflag:$0x5], $0x40, s15, s24, $0xb8;
	[tilespmem:$0x12C80] =	vst v63  }
0xc0: {  	_ =	swait.ge [sflag:s31], $0x2000  }
0xc1: {  	[sflag:s31] =	ssyncset.done $0x0  }
0xc2: {  	[sflag:s31] =	ssyncadd.s32 $0xFFFFE000  }
0xc3: {  	[spmem:s2] =	stream.indirect.scatter.add.f32 [tilespmem:s25], [sflag:$0x6], $0x40, s16, s24, $0xb8;
	[tilespmem:$0x12C80] =	vst v63  }
0xc4: {  	_ =	swait.ge [sflag:s0], $0x2000  }
0xc5: {  	[sflag:s0] =	ssyncset.done $0x0  }
0xc6: {  	[sflag:s0] =	ssyncadd.s32 $0xFFFFE000  }
0xc7: {  	[spmem:s2] =	stream.indirect.scatter.add.f32 [tilespmem:s26], [sflag:$0x7], $0x40, s17, s24, $0xb8;
	[tilespmem:$0x12C80] =	vst v63  }
0xc8: {  	_ =	swait.ge [sflag:s7], $0x2000  }
0xc9: {  	[sflag:s7] =	ssyncset.done $0x0  }
0xca: {  	[sflag:s7] =	ssyncadd.s32 $0xFFFFE000  }
0xcb: {  	[spmem:s2] =	stream.indirect.scatter.add.f32 [tilespmem:s28], [sflag:$0x8], $0x40, s18, s24, $0xb8;
	[tilespmem:$0x12C80] =	vst v63  }
0xcc: {  	_ =	swait.ge [sflag:s30], $0x2000  }
0xcd: {  	[sflag:s30] =	ssyncset.done $0x0  }
0xce: {  	[sflag:s30] =	ssyncadd.s32 $0xFFFFE000  }
0xcf: {  	_ =	swait.ge [sflag:s1], $0x2000  }
0xd0: {  	[sflag:s1] =	ssyncset.done $0x0  }
0xd1: {  	[sflag:s1] =	ssyncadd.s32 $0xFFFFE000  }
0xd2: {  	_ =	swait.ge [sflag:s6], $0x2000  }
0xd3: {  	[sflag:s6] =	ssyncset.done $0x0  }
0xd4: {  	[sflag:s6] =	ssyncadd.s32 $0xFFFFE000  }
0xd5: {  	s5 =	simm.s32 $0x200;
	_ =	swait.ge [sflag:s8], $0x2000  }
0xd6: {  	s20 =	simm.s32 $0x100;
	s10 =	rddreg [dreg:$0x4];
	[sflag:s8] =	ssyncset.done $0x0  }
.LBB2_4:
0xd7: {  	[sflag:s8] =	ssyncadd.s32 $0xFFFFE000;
	s10 =	sadd.s32 s20, s10  }
0xd8: {  	[tilespmem:s3], [sflag:$0x9] =	stream.linear.gather [hbm4b:s10+s3], $0x800, $0x38;
	[tilespmem:$0x12C80] =	vst v63  }
0xd9: {  	_ =	swait.ge [sflag:s22], $0x800  }
0xda: {  	s10 =	rddreg [dreg:$0x3];
	[sflag:s22] =	ssyncset.done $0x0  }
0xdb: {  	[sflag:s22] =	ssyncadd.s32 $0xFFFFF800;
	s10 =	sadd.s32 s20, s10  }
0xdc: {  	[tilespmem:s23], [sflag:$0x9] =	stream.linear.gather [hbm4b:s10+s3], $0x800, $0x38;
	[tilespmem:$0x12C80] =	vst v63  }
0xdd: {  	_ =	swait.ge [sflag:s22], $0x800  }
0xde: {  	[sflag:s22] =	ssyncset.done $0x0  }
0xdf: {  	[sflag:s22] =	ssyncadd.s32 $0xFFFFF800  }
0xe0: {  	[tilespmem:s21], [sflag:$0x1] =	stream.indirect.gather [hbm4b:s4+s24], $0x40, s3, s24, $0xb8;
	[tilespmem:$0x12C80] =	vst v63  }
0xe1: {  	_ = 	snop  }
0xe2: {  	[tilespmem:s25], [sflag:$0x2] =	stream.indirect.gather [hbm4b:s4+s24], $0x40, s24, s24, $0xb8;
	[tilespmem:$0x12C80] =	vst v63  }
0xe3: {  	s19 =	smov.u32 s5;
	s10 =	rddreg [dreg:$0x5]  }
0xe4: {  	[tilespmem:s26], [sflag:$0x3] =	stream.indirect.gather [hbm4b:s4+s24], $0x40, s10, s24, $0xb8;
	[tilespmem:$0x12C80] =	vst v63  }
0xe5: {  	s20 =	smov.u32 s19;
	s19 =	rddreg [dreg:$0x6]  }
0xe6: {  	[tilespmem:s28], [sflag:$0x4] =	stream.indirect.gather [hbm4b:s4+s24], $0x40, s19, s24, $0xb8;
	[tilespmem:$0x12C80] =	vst v63  }
0xe7: {  	_ =	swait.ge [sflag:s29], $0x2000  }
0xe8: {  	[sflag:s29] =	ssyncset.done $0x0  }
0xe9: {  	[sflag:s29] =	ssyncadd.s32 $0xFFFFE000  }
0xea: {  	[spmem:s2] =	stream.indirect.scatter.add.f32 [tilespmem:s21], [sflag:$0x5], $0x40, s23, s24, $0xb8;
	[tilespmem:$0x12C80] =	vst v63  }
0xeb: {  	_ =	swait.ge [sflag:s30], $0x2000  }
0xec: {  	[sflag:s30] =	ssyncset.done $0x0  }
0xed: {  	s19 =	rddreg [dreg:$0x7];
	[sflag:s30] =	ssyncadd.s32 $0xFFFFE000  }
0xee: {  	[tilespmem:s21], [sflag:$0x1] =	stream.indirect.gather [hbm4b:s4+s24], $0x40, s19, s24, $0xb8;
	[tilespmem:$0x12C80] =	vst v63  }
0xef: {  	_ =	swait.ge [sflag:s31], $0x2000  }
0xf0: {  	[sflag:s31] =	ssyncset.done $0x0  }
0xf1: {  	s19 =	rddreg [dreg:$0x8];
	[sflag:s31] =	ssyncadd.s32 $0xFFFFE000  }
0xf2: {  	[spmem:s2] =	stream.indirect.scatter.add.f32 [tilespmem:s25], [sflag:$0x6], $0x40, s19, s24, $0xb8;
	[tilespmem:$0x12C80] =	vst v63  }
0xf3: {  	_ =	swait.ge [sflag:s1], $0x2000  }
0xf4: {  	[sflag:s1] =	ssyncset.done $0x0  }
0xf5: {  	s19 =	rddreg [dreg:$0x9];
	[sflag:s1] =	ssyncadd.s32 $0xFFFFE000  }
0xf6: {  	[tilespmem:s25], [sflag:$0x2] =	stream.indirect.gather [hbm4b:s4+s24], $0x40, s19, s24, $0xb8;
	[tilespmem:$0x12C80] =	vst v63  }
0xf7: {  	_ =	swait.ge [sflag:s0], $0x2000  }
0xf8: {  	[sflag:s0] =	ssyncset.done $0x0  }
0xf9: {  	s19 =	rddreg [dreg:$0xa];
	[sflag:s0] =	ssyncadd.s32 $0xFFFFE000  }
0xfa: {  	[spmem:s2] =	stream.indirect.scatter.add.f32 [tilespmem:s26], [sflag:$0x7], $0x40, s19, s24, $0xb8;
	[tilespmem:$0x12C80] =	vst v63  }
0xfb: {  	_ =	swait.ge [sflag:s6], $0x2000  }
0xfc: {  	[sflag:s6] =	ssyncset.done $0x0  }
0xfd: {  	s19 =	rddreg [dreg:$0xb];
	[sflag:s6] =	ssyncadd.s32 $0xFFFFE000  }
0xfe: {  	[tilespmem:s26], [sflag:$0x3] =	stream.indirect.gather [hbm4b:s4+s24], $0x40, s19, s24, $0xb8;
	[tilespmem:$0x12C80] =	vst v63  }
0xff: {  	_ =	swait.ge [sflag:s7], $0x2000  }
0x100: {  	[sflag:s7] =	ssyncset.done $0x0  }
0x101: {  	s19 =	rddreg [dreg:$0xc];
	[sflag:s7] =	ssyncadd.s32 $0xFFFFE000  }
0x102: {  	[spmem:s2] =	stream.indirect.scatter.add.f32 [tilespmem:s28], [sflag:$0x8], $0x40, s19, s24, $0xb8;
	[tilespmem:$0x12C80] =	vst v63  }
0x103: {  	_ =	swait.ge [sflag:s8], $0x2000  }
0x104: {  	[sflag:s8] =	ssyncset.done $0x0  }
0x105: {  	s19 =	rddreg [dreg:$0xd];
	[sflag:s8] =	ssyncadd.s32 $0xFFFFE000  }
0x106: {  	[tilespmem:s28], [sflag:$0x4] =	stream.indirect.gather [hbm4b:s4+s24], $0x40, s19, s24, $0xb8;
	[tilespmem:$0x12C80] =	vst v63  }
0x107: {  	_ =	swait.ge [sflag:s29], $0x2000  }
0x108: {  	[sflag:s29] =	ssyncset.done $0x0  }
0x109: {  	s19 =	rddreg [dreg:$0xe];
	[sflag:s29] =	ssyncadd.s32 $0xFFFFE000  }
0x10a: {  	[spmem:s2] =	stream.indirect.scatter.add.f32 [tilespmem:s21], [sflag:$0x5], $0x40, s19, s24, $0xb8;
	[tilespmem:$0x12C80] =	vst v63  }
0x10b: {  	_ =	swait.ge [sflag:s30], $0x2000  }
0x10c: {  	[sflag:s30] =	ssyncset.done $0x0  }
0x10d: {  	s19 =	rddreg [dreg:$0xf];
	[sflag:s30] =	ssyncadd.s32 $0xFFFFE000  }
0x10e: {  	[tilespmem:s21], [sflag:$0x1] =	stream.indirect.gather [hbm4b:s4+s24], $0x40, s19, s24, $0xb8;
	[tilespmem:$0x12C80] =	vst v63  }
0x10f: {  	_ =	swait.ge [sflag:s31], $0x2000  }
0x110: {  	[sflag:s31] =	ssyncset.done $0x0  }
0x111: {  	s19 =	rddreg [dreg:$0x10];
	[sflag:s31] =	ssyncadd.s32 $0xFFFFE000  }
0x112: {  	[spmem:s2] =	stream.indirect.scatter.add.f32 [tilespmem:s25], [sflag:$0x6], $0x40, s19, s24, $0xb8;
	[tilespmem:$0x12C80] =	vst v63  }
0x113: {  	_ =	swait.ge [sflag:s1], $0x2000  }
0x114: {  	[sflag:s1] =	ssyncset.done $0x0  }
0x115: {  	s19 =	rddreg [dreg:$0x11];
	[sflag:s1] =	ssyncadd.s32 $0xFFFFE000  }
0x116: {  	[tilespmem:s25], [sflag:$0x2] =	stream.indirect.gather [hbm4b:s4+s24], $0x40, s19, s24, $0xb8;
	[tilespmem:$0x12C80] =	vst v63  }
0x117: {  	_ =	swait.ge [sflag:s0], $0x2000  }
0x118: {  	[sflag:s0] =	ssyncset.done $0x0  }
0x119: {  	s19 =	rddreg [dreg:$0x12];
	[sflag:s0] =	ssyncadd.s32 $0xFFFFE000  }
0x11a: {  	[spmem:s2] =	stream.indirect.scatter.add.f32 [tilespmem:s26], [sflag:$0x7], $0x40, s19, s24, $0xb8;
	[tilespmem:$0x12C80] =	vst v63  }
0x11b: {  	_ =	swait.ge [sflag:s6], $0x2000  }
0x11c: {  	[sflag:s6] =	ssyncset.done $0x0  }
0x11d: {  	s19 =	rddreg [dreg:$0x13];
	[sflag:s6] =	ssyncadd.s32 $0xFFFFE000  }
0x11e: {  	[tilespmem:s26], [sflag:$0x3] =	stream.indirect.gather [hbm4b:s4+s24], $0x40, s19, s24, $0xb8;
	[tilespmem:$0x12C80] =	vst v63  }
0x11f: {  	_ =	swait.ge [sflag:s7], $0x2000  }
0x120: {  	[sflag:s7] =	ssyncset.done $0x0  }
0x121: {  	s19 =	rddreg [dreg:$0x14];
	[sflag:s7] =	ssyncadd.s32 $0xFFFFE000  }
0x122: {  	[spmem:s2] =	stream.indirect.scatter.add.f32 [tilespmem:s28], [sflag:$0x8], $0x40, s19, s24, $0xb8;
	[tilespmem:$0x12C80] =	vst v63  }
0x123: {  	_ =	swait.ge [sflag:s8], $0x2000  }
0x124: {  	[sflag:s8] =	ssyncset.done $0x0  }
0x125: {  	s19 =	rddreg [dreg:$0x15];
	[sflag:s8] =	ssyncadd.s32 $0xFFFFE000  }
0x126: {  	[tilespmem:s28], [sflag:$0x4] =	stream.indirect.gather [hbm4b:s4+s24], $0x40, s19, s24, $0xb8;
	[tilespmem:$0x12C80] =	vst v63  }
0x127: {  	_ =	swait.ge [sflag:s29], $0x2000  }
0x128: {  	[sflag:s29] =	ssyncset.done $0x0  }
0x129: {  	s19 =	rddreg [dreg:$0x16];
	[sflag:s29] =	ssyncadd.s32 $0xFFFFE000  }
0x12a: {  	[spmem:s2] =	stream.indirect.scatter.add.f32 [tilespmem:s21], [sflag:$0x5], $0x40, s19, s24, $0xb8;
	[tilespmem:$0x12C80] =	vst v63  }
0x12b: {  	_ =	swait.ge [sflag:s30], $0x2000  }
0x12c: {  	[sflag:s30] =	ssyncset.done $0x0  }
0x12d: {  	s19 =	rddreg [dreg:$0x17];
	[sflag:s30] =	ssyncadd.s32 $0xFFFFE000  }
0x12e: {  	[tilespmem:s21], [sflag:$0x1] =	stream.indirect.gather [hbm4b:s4+s24], $0x40, s19, s24, $0xb8;
	[tilespmem:$0x12C80] =	vst v63  }
0x12f: {  	_ =	swait.ge [sflag:s31], $0x2000  }
0x130: {  	[sflag:s31] =	ssyncset.done $0x0  }
0x131: {  	s19 =	rddreg [dreg:$0x18];
	[sflag:s31] =	ssyncadd.s32 $0xFFFFE000  }
0x132: {  	[spmem:s2] =	stream.indirect.scatter.add.f32 [tilespmem:s25], [sflag:$0x6], $0x40, s19, s24, $0xb8;
	[tilespmem:$0x12C80] =	vst v63  }
0x133: {  	_ =	swait.ge [sflag:s1], $0x2000  }
0x134: {  	[sflag:s1] =	ssyncset.done $0x0  }
0x135: {  	[sflag:s1] =	ssyncadd.s32 $0xFFFFE000  }
0x136: {  	[tilespmem:s25], [sflag:$0x2] =	stream.indirect.gather [hbm4b:s4+s24], $0x40, s9, s24, $0xb8;
	[tilespmem:$0x12C80] =	vst v63  }
0x137: {  	_ =	swait.ge [sflag:s0], $0x2000  }
0x138: {  	[sflag:s0] =	ssyncset.done $0x0  }
0x139: {  	[sflag:s0] =	ssyncadd.s32 $0xFFFFE000  }
0x13a: {  	[spmem:s2] =	stream.indirect.scatter.add.f32 [tilespmem:s26], [sflag:$0x7], $0x40, s11, s24, $0xb8;
	[tilespmem:$0x12C80] =	vst v63  }
0x13b: {  	_ =	swait.ge [sflag:s6], $0x2000  }
0x13c: {  	[sflag:s6] =	ssyncset.done $0x0  }
0x13d: {  	[sflag:s6] =	ssyncadd.s32 $0xFFFFE000  }
0x13e: {  	[tilespmem:s26], [sflag:$0x3] =	stream.indirect.gather [hbm4b:s4+s24], $0x40, s12, s24, $0xb8;
	[tilespmem:$0x12C80] =	vst v63  }
0x13f: {  	_ =	swait.ge [sflag:s7], $0x2000  }
0x140: {  	[sflag:s7] =	ssyncset.done $0x0  }
0x141: {  	[sflag:s7] =	ssyncadd.s32 $0xFFFFE000  }
0x142: {  	[spmem:s2] =	stream.indirect.scatter.add.f32 [tilespmem:s28], [sflag:$0x8], $0x40, s13, s24, $0xb8;
	[tilespmem:$0x12C80] =	vst v63  }
0x143: {  	_ =	swait.ge [sflag:s8], $0x2000  }
0x144: {  	[sflag:s8] =	ssyncset.done $0x0  }
0x145: {  	[sflag:s8] =	ssyncadd.s32 $0xFFFFE000  }
0x146: {  	[tilespmem:s28], [sflag:$0x4] =	stream.indirect.gather [hbm4b:s4+s24], $0x40, s14, s24, $0xb8;
	[tilespmem:$0x12C80] =	vst v63  }
0x147: {  	_ =	swait.ge [sflag:s29], $0x2000  }
0x148: {  	[sflag:s29] =	ssyncset.done $0x0  }
0x149: {  	[sflag:s29] =	ssyncadd.s32 $0xFFFFE000  }
0x14a: {  	[spmem:s2] =	stream.indirect.scatter.add.f32 [tilespmem:s21], [sflag:$0x5], $0x40, s15, s24, $0xb8;
	[tilespmem:$0x12C80] =	vst v63  }
0x14b: {  	_ =	swait.ge [sflag:s31], $0x2000  }
0x14c: {  	[sflag:s31] =	ssyncset.done $0x0  }
0x14d: {  	[sflag:s31] =	ssyncadd.s32 $0xFFFFE000  }
0x14e: {  	[spmem:s2] =	stream.indirect.scatter.add.f32 [tilespmem:s25], [sflag:$0x6], $0x40, s16, s24, $0xb8;
	[tilespmem:$0x12C80] =	vst v63  }
0x14f: {  	_ =	swait.ge [sflag:s0], $0x2000  }
0x150: {  	[sflag:s0] =	ssyncset.done $0x0  }
0x151: {  	[sflag:s0] =	ssyncadd.s32 $0xFFFFE000  }
0x152: {  	[spmem:s2] =	stream.indirect.scatter.add.f32 [tilespmem:s26], [sflag:$0x7], $0x40, s17, s24, $0xb8;
	[tilespmem:$0x12C80] =	vst v63  }
0x153: {  	_ =	swait.ge [sflag:s7], $0x2000  }
0x154: {  	[sflag:s7] =	ssyncset.done $0x0  }
0x155: {  	[sflag:s7] =	ssyncadd.s32 $0xFFFFE000  }
0x156: {  	[spmem:s2] =	stream.indirect.scatter.add.f32 [tilespmem:s28], [sflag:$0x8], $0x40, s18, s24, $0xb8;
	[tilespmem:$0x12C80] =	vst v63  }
0x157: {  	_ =	swait.ge [sflag:s30], $0x2000  }
0x158: {  	[sflag:s30] =	ssyncset.done $0x0  }
0x159: {  	[sflag:s30] =	ssyncadd.s32 $0xFFFFE000  }
0x15a: {  	_ =	swait.ge [sflag:s1], $0x2000  }
0x15b: {  	[sflag:s1] =	ssyncset.done $0x0  }
0x15c: {  	p0 =	sne.s32 s5, $0x400;
	[sflag:s1] =	ssyncadd.s32 $0xFFFFE000  }
.Ltmp1:
0x15d: {  	_ =	swait.ge [sflag:s6], $0x2000;
	(pc) =	sbr.rel @p0 .LBB2_4-.Ltmp1, $4  }
0x15e: {  	[sflag:s6] =	ssyncset.done $0x0  }
0x15f: {  	[sflag:s6] =	ssyncadd.s32 $0xFFFFE000  }
0x160: {  	_ =	swait.ge [sflag:s8], $0x2000  }
0x161: {  	s5 =	sadd.s32 $0x100, s5;
	s10 =	rddreg [dreg:$0x4];
	[sflag:s8] =	ssyncset.done $0x0  }
0x162: {  	[sflag:s8] =	ssyncadd.s32 $0xFFFFE000;
	s5 =	sadd.s32 s20, s10  }
0x163: {  	[tilespmem:s3], [sflag:$0x9] =	stream.linear.gather [hbm4b:s5+s3], $0x800, $0x38;
	[tilespmem:$0x12C80] =	vst v63  }
0x164: {  	_ =	swait.ge [sflag:s22], $0x800  }
0x165: {  	s10 =	rddreg [dreg:$0x3];
	[sflag:s22] =	ssyncset.done $0x0  }
0x166: {  	[sflag:s22] =	ssyncadd.s32 $0xFFFFF800;
	s5 =	sadd.s32 s20, s10  }
0x167: {  	[tilespmem:s23], [sflag:$0x9] =	stream.linear.gather [hbm4b:s5+s3], $0x800, $0x38;
	[tilespmem:$0x12C80] =	vst v63  }
0x168: {  	_ =	swait.ge [sflag:s22], $0x800  }
0x169: {  	[sflag:s22] =	ssyncset.done $0x0  }
0x16a: {  	[sflag:s22] =	ssyncadd.s32 $0xFFFFF800  }
0x16b: {  	[tilespmem:s21], [sflag:$0x1] =	stream.indirect.gather [hbm4b:s4+s24], $0x40, s3, s24, $0xb8;
	[tilespmem:$0x12C80] =	vst v63  }
0x16c: {  	_ = 	snop  }
0x16d: {  	[tilespmem:s25], [sflag:$0x2] =	stream.indirect.gather [hbm4b:s4+s24], $0x40, s24, s24, $0xb8;
	[tilespmem:$0x12C80] =	vst v63  }
0x16e: {  	s19 =	rddreg [dreg:$0x5]  }
0x16f: {  	[tilespmem:s26], [sflag:$0x3] =	stream.indirect.gather [hbm4b:s4+s24], $0x40, s19, s24, $0xb8;
	[tilespmem:$0x12C80] =	vst v63  }
0x170: {  	s20 =	rddreg [dreg:$0x6]  }
0x171: {  	[tilespmem:s28], [sflag:$0x4] =	stream.indirect.gather [hbm4b:s4+s24], $0x40, s20, s24, $0xb8;
	[tilespmem:$0x12C80] =	vst v63  }
0x172: {  	_ =	swait.ge [sflag:s29], $0x2000  }
0x173: {  	[sflag:s29] =	ssyncset.done $0x0  }
0x174: {  	[sflag:s29] =	ssyncadd.s32 $0xFFFFE000  }
0x175: {  	[spmem:s2] =	stream.indirect.scatter.add.f32 [tilespmem:s21], [sflag:$0x5], $0x40, s23, s24, $0xb8;
	[tilespmem:$0x12C80] =	vst v63  }
0x176: {  	_ =	swait.ge [sflag:s30], $0x2000  }
0x177: {  	[sflag:s30] =	ssyncset.done $0x0  }
0x178: {  	s10 =	rddreg [dreg:$0x7];
	[sflag:s30] =	ssyncadd.s32 $0xFFFFE000  }
0x179: {  	[tilespmem:s21], [sflag:$0x1] =	stream.indirect.gather [hbm4b:s4+s24], $0x40, s10, s24, $0xb8;
	[tilespmem:$0x12C80] =	vst v63  }
0x17a: {  	_ =	swait.ge [sflag:s31], $0x2000  }
0x17b: {  	[sflag:s31] =	ssyncset.done $0x0  }
0x17c: {  	s19 =	rddreg [dreg:$0x8];
	[sflag:s31] =	ssyncadd.s32 $0xFFFFE000  }
0x17d: {  	[spmem:s2] =	stream.indirect.scatter.add.f32 [tilespmem:s25], [sflag:$0x6], $0x40, s19, s24, $0xb8;
	[tilespmem:$0x12C80] =	vst v63  }
0x17e: {  	_ =	swait.ge [sflag:s1], $0x2000  }
0x17f: {  	[sflag:s1] =	ssyncset.done $0x0  }
0x180: {  	s20 =	rddreg [dreg:$0x9];
	[sflag:s1] =	ssyncadd.s32 $0xFFFFE000  }
0x181: {  	[tilespmem:s25], [sflag:$0x2] =	stream.indirect.gather [hbm4b:s4+s24], $0x40, s20, s24, $0xb8;
	[tilespmem:$0x12C80] =	vst v63  }
0x182: {  	_ =	swait.ge [sflag:s0], $0x2000  }
0x183: {  	[sflag:s0] =	ssyncset.done $0x0  }
0x184: {  	s10 =	rddreg [dreg:$0xa];
	[sflag:s0] =	ssyncadd.s32 $0xFFFFE000  }
0x185: {  	[spmem:s2] =	stream.indirect.scatter.add.f32 [tilespmem:s26], [sflag:$0x7], $0x40, s10, s24, $0xb8;
	[tilespmem:$0x12C80] =	vst v63  }
0x186: {  	_ =	swait.ge [sflag:s6], $0x2000  }
0x187: {  	[sflag:s6] =	ssyncset.done $0x0  }
0x188: {  	s19 =	rddreg [dreg:$0xb];
	[sflag:s6] =	ssyncadd.s32 $0xFFFFE000  }
0x189: {  	[tilespmem:s26], [sflag:$0x3] =	stream.indirect.gather [hbm4b:s4+s24], $0x40, s19, s24, $0xb8;
	[tilespmem:$0x12C80] =	vst v63  }
0x18a: {  	_ =	swait.ge [sflag:s7], $0x2000  }
0x18b: {  	[sflag:s7] =	ssyncset.done $0x0  }
0x18c: {  	s20 =	rddreg [dreg:$0xc];
	[sflag:s7] =	ssyncadd.s32 $0xFFFFE000  }
0x18d: {  	[spmem:s2] =	stream.indirect.scatter.add.f32 [tilespmem:s28], [sflag:$0x8], $0x40, s20, s24, $0xb8;
	[tilespmem:$0x12C80] =	vst v63  }
0x18e: {  	_ =	swait.ge [sflag:s8], $0x2000  }
0x18f: {  	[sflag:s8] =	ssyncset.done $0x0  }
0x190: {  	s10 =	rddreg [dreg:$0xd];
	[sflag:s8] =	ssyncadd.s32 $0xFFFFE000  }
0x191: {  	[tilespmem:s28], [sflag:$0x4] =	stream.indirect.gather [hbm4b:s4+s24], $0x40, s10, s24, $0xb8;
	[tilespmem:$0x12C80] =	vst v63  }
0x192: {  	_ =	swait.ge [sflag:s29], $0x2000  }
0x193: {  	[sflag:s29] =	ssyncset.done $0x0  }
0x194: {  	s19 =	rddreg [dreg:$0xe];
	[sflag:s29] =	ssyncadd.s32 $0xFFFFE000  }
0x195: {  	[spmem:s2] =	stream.indirect.scatter.add.f32 [tilespmem:s21], [sflag:$0x5], $0x40, s19, s24, $0xb8;
	[tilespmem:$0x12C80] =	vst v63  }
0x196: {  	_ =	swait.ge [sflag:s30], $0x2000  }
0x197: {  	[sflag:s30] =	ssyncset.done $0x0  }
0x198: {  	s20 =	rddreg [dreg:$0xf];
	[sflag:s30] =	ssyncadd.s32 $0xFFFFE000  }
0x199: {  	[tilespmem:s21], [sflag:$0x1] =	stream.indirect.gather [hbm4b:s4+s24], $0x40, s20, s24, $0xb8;
	[tilespmem:$0x12C80] =	vst v63  }
0x19a: {  	_ =	swait.ge [sflag:s31], $0x2000  }
0x19b: {  	[sflag:s31] =	ssyncset.done $0x0  }
0x19c: {  	s10 =	rddreg [dreg:$0x10];
	[sflag:s31] =	ssyncadd.s32 $0xFFFFE000  }
0x19d: {  	[spmem:s2] =	stream.indirect.scatter.add.f32 [tilespmem:s25], [sflag:$0x6], $0x40, s10, s24, $0xb8;
	[tilespmem:$0x12C80] =	vst v63  }
0x19e: {  	_ =	swait.ge [sflag:s1], $0x2000  }
0x19f: {  	[sflag:s1] =	ssyncset.done $0x0  }
0x1a0: {  	s19 =	rddreg [dreg:$0x11];
	[sflag:s1] =	ssyncadd.s32 $0xFFFFE000  }
0x1a1: {  	[tilespmem:s25], [sflag:$0x2] =	stream.indirect.gather [hbm4b:s4+s24], $0x40, s19, s24, $0xb8;
	[tilespmem:$0x12C80] =	vst v63  }
0x1a2: {  	_ =	swait.ge [sflag:s0], $0x2000  }
0x1a3: {  	[sflag:s0] =	ssyncset.done $0x0  }
0x1a4: {  	s20 =	rddreg [dreg:$0x12];
	[sflag:s0] =	ssyncadd.s32 $0xFFFFE000  }
0x1a5: {  	[spmem:s2] =	stream.indirect.scatter.add.f32 [tilespmem:s26], [sflag:$0x7], $0x40, s20, s24, $0xb8;
	[tilespmem:$0x12C80] =	vst v63  }
0x1a6: {  	_ =	swait.ge [sflag:s6], $0x2000  }
0x1a7: {  	[sflag:s6] =	ssyncset.done $0x0  }
0x1a8: {  	s10 =	rddreg [dreg:$0x13];
	[sflag:s6] =	ssyncadd.s32 $0xFFFFE000  }
0x1a9: {  	[tilespmem:s26], [sflag:$0x3] =	stream.indirect.gather [hbm4b:s4+s24], $0x40, s10, s24, $0xb8;
	[tilespmem:$0x12C80] =	vst v63  }
0x1aa: {  	_ =	swait.ge [sflag:s7], $0x2000  }
0x1ab: {  	[sflag:s7] =	ssyncset.done $0x0  }
0x1ac: {  	s19 =	rddreg [dreg:$0x14];
	[sflag:s7] =	ssyncadd.s32 $0xFFFFE000  }
0x1ad: {  	[spmem:s2] =	stream.indirect.scatter.add.f32 [tilespmem:s28], [sflag:$0x8], $0x40, s19, s24, $0xb8;
	[tilespmem:$0x12C80] =	vst v63  }
0x1ae: {  	_ =	swait.ge [sflag:s8], $0x2000  }
0x1af: {  	[sflag:s8] =	ssyncset.done $0x0  }
0x1b0: {  	s20 =	rddreg [dreg:$0x15];
	[sflag:s8] =	ssyncadd.s32 $0xFFFFE000  }
0x1b1: {  	[tilespmem:s28], [sflag:$0x4] =	stream.indirect.gather [hbm4b:s4+s24], $0x40, s20, s24, $0xb8;
	[tilespmem:$0x12C80] =	vst v63  }
0x1b2: {  	_ =	swait.ge [sflag:s29], $0x2000  }
0x1b3: {  	[sflag:s29] =	ssyncset.done $0x0  }
0x1b4: {  	s10 =	rddreg [dreg:$0x16];
	[sflag:s29] =	ssyncadd.s32 $0xFFFFE000  }
0x1b5: {  	[spmem:s2] =	stream.indirect.scatter.add.f32 [tilespmem:s21], [sflag:$0x5], $0x40, s10, s24, $0xb8;
	[tilespmem:$0x12C80] =	vst v63  }
0x1b6: {  	_ =	swait.ge [sflag:s30], $0x2000  }
0x1b7: {  	[sflag:s30] =	ssyncset.done $0x0  }
0x1b8: {  	s19 =	rddreg [dreg:$0x17];
	[sflag:s30] =	ssyncadd.s32 $0xFFFFE000  }
0x1b9: {  	[tilespmem:s21], [sflag:$0x1] =	stream.indirect.gather [hbm4b:s4+s24], $0x40, s19, s24, $0xb8;
	[tilespmem:$0x12C80] =	vst v63  }
0x1ba: {  	_ =	swait.ge [sflag:s31], $0x2000  }
0x1bb: {  	[sflag:s31] =	ssyncset.done $0x0  }
0x1bc: {  	s20 =	rddreg [dreg:$0x18];
	[sflag:s31] =	ssyncadd.s32 $0xFFFFE000  }
0x1bd: {  	[spmem:s2] =	stream.indirect.scatter.add.f32 [tilespmem:s25], [sflag:$0x6], $0x40, s20, s24, $0xb8;
	[tilespmem:$0x12C80] =	vst v63  }
0x1be: {  	_ =	swait.ge [sflag:s1], $0x2000  }
0x1bf: {  	[sflag:s1] =	ssyncset.done $0x0  }
0x1c0: {  	[sflag:s1] =	ssyncadd.s32 $0xFFFFE000  }
0x1c1: {  	[tilespmem:s25], [sflag:$0x2] =	stream.indirect.gather [hbm4b:s4+s24], $0x40, s9, s24, $0xb8;
	[tilespmem:$0x12C80] =	vst v63  }
0x1c2: {  	_ =	swait.ge [sflag:s0], $0x2000  }
0x1c3: {  	[sflag:s0] =	ssyncset.done $0x0  }
0x1c4: {  	[sflag:s0] =	ssyncadd.s32 $0xFFFFE000  }
0x1c5: {  	[spmem:s2] =	stream.indirect.scatter.add.f32 [tilespmem:s26], [sflag:$0x7], $0x40, s11, s24, $0xb8;
	[tilespmem:$0x12C80] =	vst v63  }
0x1c6: {  	_ =	swait.ge [sflag:s6], $0x2000  }
0x1c7: {  	[sflag:s6] =	ssyncset.done $0x0  }
0x1c8: {  	[sflag:s6] =	ssyncadd.s32 $0xFFFFE000  }
0x1c9: {  	[tilespmem:s26], [sflag:$0x3] =	stream.indirect.gather [hbm4b:s4+s24], $0x40, s12, s24, $0xb8;
	[tilespmem:$0x12C80] =	vst v63  }
0x1ca: {  	_ =	swait.ge [sflag:s7], $0x2000  }
0x1cb: {  	[sflag:s7] =	ssyncset.done $0x0  }
0x1cc: {  	[sflag:s7] =	ssyncadd.s32 $0xFFFFE000  }
0x1cd: {  	[spmem:s2] =	stream.indirect.scatter.add.f32 [tilespmem:s28], [sflag:$0x8], $0x40, s13, s24, $0xb8;
	[tilespmem:$0x12C80] =	vst v63  }
0x1ce: {  	_ =	swait.ge [sflag:s8], $0x2000  }
0x1cf: {  	[sflag:s8] =	ssyncset.done $0x0  }
0x1d0: {  	[sflag:s8] =	ssyncadd.s32 $0xFFFFE000  }
0x1d1: {  	[tilespmem:s28], [sflag:$0x4] =	stream.indirect.gather [hbm4b:s4+s24], $0x40, s14, s24, $0xb8;
	[tilespmem:$0x12C80] =	vst v63  }
0x1d2: {  	_ =	swait.ge [sflag:s29], $0x2000  }
0x1d3: {  	[sflag:s29] =	ssyncset.done $0x0  }
0x1d4: {  	[sflag:s29] =	ssyncadd.s32 $0xFFFFE000  }
0x1d5: {  	[spmem:s2] =	stream.indirect.scatter.add.f32 [tilespmem:s21], [sflag:$0x5], $0x40, s15, s24, $0xb8;
	[tilespmem:$0x12C80] =	vst v63  }
0x1d6: {  	_ =	swait.ge [sflag:s31], $0x2000  }
0x1d7: {  	[sflag:s31] =	ssyncset.done $0x0  }
0x1d8: {  	[sflag:s31] =	ssyncadd.s32 $0xFFFFE000  }
0x1d9: {  	[spmem:s2] =	stream.indirect.scatter.add.f32 [tilespmem:s25], [sflag:$0x6], $0x40, s16, s24, $0xb8;
	[tilespmem:$0x12C80] =	vst v63  }
0x1da: {  	_ =	swait.ge [sflag:s0], $0x2000  }
0x1db: {  	[sflag:s0] =	ssyncset.done $0x0  }
0x1dc: {  	[sflag:s0] =	ssyncadd.s32 $0xFFFFE000  }
0x1dd: {  	[spmem:s2] =	stream.indirect.scatter.add.f32 [tilespmem:s26], [sflag:$0x7], $0x40, s17, s24, $0xb8;
	[tilespmem:$0x12C80] =	vst v63  }
0x1de: {  	_ =	swait.ge [sflag:s7], $0x2000  }
0x1df: {  	[sflag:s7] =	ssyncset.done $0x0  }
0x1e0: {  	[sflag:s7] =	ssyncadd.s32 $0xFFFFE000  }
0x1e1: {  	[spmem:s2] =	stream.indirect.scatter.add.f32 [tilespmem:s28], [sflag:$0x8], $0x40, s18, s24, $0xb8;
	[tilespmem:$0x12C80] =	vst v63  }
0x1e2: {  	_ =	swait.ge [sflag:s30], $0x2000  }
0x1e3: {  	[sflag:s30] =	ssyncset.done $0x0  }
0x1e4: {  	[sflag:s30] =	ssyncadd.s32 $0xFFFFE000  }
0x1e5: {  	_ =	swait.ge [sflag:s1], $0x2000  }
0x1e6: {  	[sflag:s1] =	ssyncset.done $0x0  }
0x1e7: {  	[sflag:s1] =	ssyncadd.s32 $0xFFFFE000  }
0x1e8: {  	_ =	swait.ge [sflag:s6], $0x2000  }
0x1e9: {  	[sflag:s6] =	ssyncset.done $0x0  }
0x1ea: {  	[sflag:s6] =	ssyncadd.s32 $0xFFFFE000  }
0x1eb: {  	_ =	swait.ge [sflag:s8], $0x2000  }
0x1ec: {  	[sflag:s8] =	ssyncset.done $0x0  }
0x1ed: {  	[sflag:s8] =	ssyncadd.s32 $0xFFFFE000  }
0x1ee: {  	[bflag:$0x0] =	sbarrier.arrive $0xFFFF  }
0x1ef: {  	s10 =	rddreg [dreg:$0x1e]  }
0x1f0: {  	[tilespmem:s21], [sflag:$0x9] =	stream.linear.gather [spmem:s10], $0x1F40, $0x38;
	[tilespmem:$0x12C80] =	vst v63  }
0x1f1: {  	_ =	swait.ge [sflag:s22], $0x1F40  }
0x1f2: {  	[sflag:s22] =	ssyncset.done $0x0  }
0x1f3: {  	s19 =	rddreg [dreg:$0x1f];
	[sflag:s22] =	ssyncadd.s32 $0xFFFFE0C0  }
0x1f4: {  	[hbm4b:s19+s3] =	stream.linear.scatter [tilespmem:s21], [sflag:$0x9], $0x1F40, $0x38;
	[tilespmem:$0x12C80] =	vst v63  }
0x1f5: {  	_ =	swait.ge [sflag:s22], $0x1F40  }
0x1f6: {  	s20 =	sld [smem:$0x7F5]  }
0x1f7: {  	[sflag:s22] =	ssyncset.done $0x0  }
0x1f8: {  	[sflag:s22] =	ssyncadd.s32 $0xFFFFE0C0  }
0x1f9: {  	[tilespmem:s21], [sflag:$0x9] =	stream.linear.gather [spmem:s20], $0x1F40, $0x38;
	[tilespmem:$0x12C80] =	vst v63  }
0x1fa: {  	_ =	swait.ge [sflag:s22], $0x1F40  }
0x1fb: {  	s10 =	sld [smem:$0x7F6]  }
0x1fc: {  	[sflag:s22] =	ssyncset.done $0x0  }
0x1fd: {  	[sflag:s22] =	ssyncadd.s32 $0xFFFFE0C0  }
0x1fe: {  	[hbm4b:s10+s3] =	stream.linear.scatter [tilespmem:s21], [sflag:$0x9], $0x1F40, $0x38;
	[tilespmem:$0x12C80] =	vst v63  }
0x1ff: {  	_ =	swait.ge [sflag:s22], $0x1F40  }
0x200: {  	s19 =	sld [smem:$0x7F7]  }
0x201: {  	[sflag:s22] =	ssyncset.done $0x0  }
0x202: {  	[sflag:s22] =	ssyncadd.s32 $0xFFFFE0C0  }
0x203: {  	[tilespmem:s21], [sflag:$0x9] =	stream.linear.gather [spmem:s19], $0x1F40, $0x38;
	[tilespmem:$0x12C80] =	vst v63  }
0x204: {  	_ =	swait.ge [sflag:s22], $0x1F40  }
0x205: {  	s20 =	sld [smem:$0x7F8]  }
0x206: {  	[sflag:s22] =	ssyncset.done $0x0  }
0x207: {  	[sflag:s22] =	ssyncadd.s32 $0xFFFFE0C0  }
0x208: {  	[hbm4b:s20+s3] =	stream.linear.scatter [tilespmem:s21], [sflag:$0x9], $0x1F40, $0x38;
	[tilespmem:$0x12C80] =	vst v63  }
0x209: {  	_ =	swait.ge [sflag:s22], $0x1F40  }
0x20a: {  	s10 =	sld [smem:$0x7F9]  }
0x20b: {  	[sflag:s22] =	ssyncset.done $0x0  }
0x20c: {  	[sflag:s22] =	ssyncadd.s32 $0xFFFFE0C0  }
0x20d: {  	[tilespmem:s21], [sflag:$0x9] =	stream.linear.gather [spmem:s10], $0x1F40, $0x38;
	[tilespmem:$0x12C80] =	vst v63  }
0x20e: {  	_ =	swait.ge [sflag:s22], $0x1F40  }
0x20f: {  	s19 =	sld [smem:$0x7FA]  }
0x210: {  	[sflag:s22] =	ssyncset.done $0x0  }
0x211: {  	[sflag:s22] =	ssyncadd.s32 $0xFFFFE0C0  }
0x212: {  	[hbm4b:s19+s3] =	stream.linear.scatter [tilespmem:s21], [sflag:$0x9], $0x1F40, $0x38;
	[tilespmem:$0x12C80] =	vst v63  }
0x213: {  	_ =	swait.ge [sflag:s22], $0x1F40  }
0x214: {  	s20 =	sld [smem:$0x7FB]  }
0x215: {  	[sflag:s22] =	ssyncset.done $0x0  }
0x216: {  	[sflag:s22] =	ssyncadd.s32 $0xFFFFE0C0  }
0x217: {  	[tilespmem:s21], [sflag:$0x9] =	stream.linear.gather [spmem:s20], $0x1F40, $0x38;
	[tilespmem:$0x12C80] =	vst v63  }
0x218: {  	_ =	swait.ge [sflag:s22], $0x1F40  }
0x219: {  	s10 =	sld [smem:$0x7FC]  }
0x21a: {  	[sflag:s22] =	ssyncset.done $0x0  }
0x21b: {  	[sflag:s22] =	ssyncadd.s32 $0xFFFFE0C0  }
0x21c: {  	[hbm4b:s10+s3] =	stream.linear.scatter [tilespmem:s21], [sflag:$0x9], $0x1F40, $0x38;
	[tilespmem:$0x12C80] =	vst v63  }
0x21d: {  	_ =	swait.ge [sflag:s22], $0x1F40  }
0x21e: {  	s19 =	sld [smem:$0x7F4]  }
0x21f: {  	s20 =	sld [smem:$0x7FD];
	_ =	sdelay $0x1  }
0x220: {  	s10 =	sadd.s32 $0x1, s19  }
0x221: {  	p0 =	sne.s32 s10, s20  }
.Ltmp2:
0x222: {  	_ = 	snop;
	(pc) =	sbr.rel @p0 .LBB2_1-.Ltmp2, $3  }
0x223: {  	_ =	sdelay $0x1  }
0x224: {  	[sflag:s22] =	ssyncset.done $0x0  }
0x225: {  	[sflag:s22] =	ssyncadd.s32 $0xFFFFE0C0  }
0x226: {  	_ =	sfence.sel $0x180000  }
0x227: {  	[bflag:$0x0] =	sbarrier.arrive $0xFFFF  }
0x228: {  	_ =	strace $0x9000004A  }
0x229: {  	s0 =	stileid.u32;
	[bflag:$0x2] =	sbarrier.arrive $0xFFFF  }
0x22a: {  	p0 =	sne.s32 s0, $0x0;
	s0 =	rddreg [dreg:$0x2]  }
0x22b: {  	s0 =	sadd.s32 @!p0 $0x100000, s0  }
0x22c: {  	[sflag:s0] =	ssyncadd.tile.s32 @!p0 $0x1;
	_ =	shalt  }
.Lfunc_end2:
_tile_overlayer_lowered:
.L_overlay_start_2:
0x22d: {  	(tag) =	ssettag $0x2  }
0x22e: {  	s0 =	rddreg [dreg:$0x0];
	s2 =	stileid.u32  }
0x22f: {  	s1 =	rddreg [dreg:$0x1];
	p0 =	sne.s32 s2, $0x0  }
0x230: {  	s3 =	rddreg [dreg:$0x2];
	[bflag:$0x3] =	sbarrier.arrive $0xFFFF;
	s2 =	simm.s32 @!p0 $0x1C09  }
0x231: {  	[timem:s3], [sflag:s2] =	dma.local @!p0 [hbm:s0], s1  }
0x232: {  	s0 =	simm.s32 @!p0 $0x9  }
0x233: {  	_ =	swait.ge @!p0 [sflag:s0], s1  }
0x234: {  	s1 =	ssub.s32 @!p0 $0x0, s1;
	[sflag:s0] =	ssyncset.done @!p0 $0x0  }
0x235: {  	[sflag:s0] =	ssyncadd.s32 @!p0 s1  }
0x236: {  	[bflag:$0x3] =	sbarrier.arrive $0xFFFF  }
0x237: {  	_ =	shalt  }

// kernel: kernel.7.cloned.1.call-start
scs
__scs_entry_jumppad:
0x0: {  	(pc) =	sbr.rel $0x88, $3  }
0x1: {  	(tag) =	ssettag $0x0;
	lr =	simm.s32 $0x1  }
0x2: {  	[smem:$0x3F97] =	sst lr;
	_ =	strace $0xD0000000  }
0x3: {  	_ = 	snop  }
0x4: {  	_ = 	snop  }
0x5: {  	_ = 	snop  }
0x6: {  	_ = 	snop  }
0x7: {  	_ = 	snop  }
__scs_overlays_trampoline_lowered:
0x8: {  	[smem:$0x3FA6] =	sst s0  }
0x9: {  	[smem:$0x3FA7] =	sst s1  }
0xa: {  	[smem:$0x3FA8] =	sst s2  }
0xb: {  	[smem:$0x3FA9] =	sst s3  }
0xc: {  	[smem:$0x3FAA] =	sst s4  }
0xd: {  	[smem:$0x3FAB] =	sst s5  }
0xe: {  	[smem:$0x3FAC] =	sst s6  }
0xf: {  	[smem:$0x3FAD] =	sst s7  }
0x10: {  	[smem:$0x3FAE] =	sst s8  }
0x11: {  	[smem:$0x3FAF] =	sst s9;
	s0 =	simm.s32 @!p0 $0x0  }
0x12: {  	s1 =	sld [smem:$0x3F95];
	s0 =	simm.s32 @p0 $0x1  }
0x13: {  	[smem:$0x3FB0] =	sst s0;
	s0 =	simm.s32 @!p1 $0x0  }
0x14: {  	s2 =	sld [smem:$0x3F94];
	s0 =	simm.s32 @p1 $0x1  }
0x15: {  	[smem:$0x3FB1] =	sst s0;
	s0 =	simm.s32 @!p2 $0x0  }
0x16: {  	s3 =	sld [smem:$0x3FDB];
	s0 =	simm.s32 @p2 $0x1  }
0x17: {  	s4 =	simm.s32 $0x1BF5;
	[smem:$0x3FB3] =	sst s0  }
0x18: {  	s0 =	sld [smem:$0x3F96];
	_ =	swait.ge [sflag:s4], $0x0  }
0x19: {  	s7 =	sld [smem:$0x3F97]  }
0x1a: {  	s8 =	sadd.s32 $0xFFFFE003, lr  }
0x1b: {  	s9 =	sadd.s32 $0xFFFFFEF7, lr;
	s5 =	simm.s32 $0xFFFFFFFF;
	p2 =	slt.u32 s8, $0xFFFFF086  }
0x1c: {  	p1 =	slt.u32 s9, $0xF7A;
	s5 =	simm.s32 @!p2 $0x0  }
0x1d: {  	s5 =	simm.s32 @p1 $0x1;
	p0 =	seq.s32 s7, s2  }
0x1e: {  	s7 =	smul.u32 @!p0 $0xF7A, s2;
	p2 =	seq.s32 @!p0 s5, $0x0  }
0x1f: {  	s9 =	smul.u32 $0xF7A, s1;
	s8 =	simm.s32 @!p0 $0x1BF5;
	p2 =	por !p2, p0  }
0x20: {  	[sflag:s8] =	ssyncset.s32 @!p0 $0xFFFFF086;
	s6 =	sadd.s32 @!p0 s3, s7;
	s7 =	simm.s32 @!p0 $0x108  }
0x21: {  	s3 =	sadd.s32 s3, s9;
	s6 =	sadd.s32 @!p0 $0x88, s6;
	s7 =	simm.s32 @p2 $0x1082  }
0x22: {  	[simem:s7], [sflag:s8] =	dma.local @!p0 [hbm:s6], $0xF7A  }
0x23: {  	s9 =	sor.u32 $0xD0000000, s2;
	s6 =	simm.s32 $0x108;
	_ =	swait.ge @!p0 [sflag:s8], $0x0  }
0x24: {  	s3 =	sadd.s32 $0x88, s3;
	s6 =	simm.s32 @!p1 $0x1082;
	[sflag:s4] =	ssyncset.s32 $0xFFFFF086  }
0x25: {  	[simem:s6], [sflag:s4] =	dma.local [hbm:s3], $0xF7A  }
0x26: {  	[smem:$0x3F97] =	sst s1;
	(tag) =	ssettag s2;
	_ =	strace s9  }
0x27: {  	s1 =	sld [smem:$0x3FA7]  }
0x28: {  	s2 =	sld [smem:$0x3FA8]  }
0x29: {  	s4 =	sld [smem:$0x3FAA]  }
0x2a: {  	p0 =	seq.s32 s5, $0x0;
	s5 =	sld [smem:$0x3FAB]  }
0x2b: {  	s6 =	sld [smem:$0x3FAC]  }
0x2c: {  	s7 =	sld [smem:$0x3FAD]  }
0x2d: {  	s3 =	simm.s32 $0x108;
	s8 =	sld [smem:$0x3FAE]  }
0x2e: {  	s3 =	simm.s32 @!p0 $0x1082;
	s9 =	sld [smem:$0x3FAF]  }
0x2f: {  	lr =	sadd.s32 s0, s3;
	s0 =	sld [smem:$0x3FA6]  }
0x30: {  	s3 =	sld [smem:$0x3FA9]  }
0x31: {  	[smem:$0x3FB2] =	sst s10  }
0x32: {  	s10 =	sld [smem:$0x3FB0];
	_ =	sdelay $0x3  }
0x33: {  	p0 =	seq.s32 s10, $0x1;
	s10 =	sld [smem:$0x3FB2];
	_ =	sdelay $0x3  }
0x34: {  	[smem:$0x3FB2] =	sst s10  }
0x35: {  	s10 =	sld [smem:$0x3FB1];
	_ =	sdelay $0x3  }
0x36: {  	p1 =	seq.s32 s10, $0x1;
	s10 =	sld [smem:$0x3FB2];
	_ =	sdelay $0x3  }
0x37: {  	[smem:$0x3FB2] =	sst s10  }
0x38: {  	s10 =	sld [smem:$0x3FB3]  }
0x39: {  	_ = 	snop;
	(pc) =	sbr.ind lr, $3  }
0x3a: {  	_ = 	snop  }
0x3b: {  	_ = 	snop  }
0x3c: {  	p2 =	seq.s32 s10, $0x1;
	s10 =	sld [smem:$0x3FB2]  }
0x3d: {  	_ =	shalt  }
0x3e: {  	_ =	shalt  }
0x3f: {  	_ =	shalt  }
0x40: {  	_ =	shalt  }
0x41: {  	_ =	shalt  }
0x42: {  	_ =	shalt  }
0x43: {  	_ =	shalt  }
0x44: {  	_ =	shalt  }
0x45: {  	_ =	shalt  }
0x46: {  	_ =	shalt  }
0x47: {  	_ =	shalt  }
0x48: {  	_ =	shalt  }
0x49: {  	_ =	shalt  }
0x4a: {  	_ =	shalt  }
0x4b: {  	_ =	shalt  }
0x4c: {  	_ =	shalt  }
0x4d: {  	_ =	shalt  }
0x4e: {  	_ =	shalt  }
0x4f: {  	_ =	shalt  }
0x50: {  	_ =	shalt  }
0x51: {  	_ =	shalt  }
0x52: {  	_ =	shalt  }
0x53: {  	_ =	shalt  }
0x54: {  	_ =	shalt  }
0x55: {  	_ =	shalt  }
0x56: {  	_ =	shalt  }
0x57: {  	_ =	shalt  }
0x58: {  	_ =	shalt  }
0x59: {  	_ =	shalt  }
0x5a: {  	_ =	shalt  }
0x5b: {  	_ =	shalt  }
0x5c: {  	_ =	shalt  }
0x5d: {  	_ =	shalt  }
0x5e: {  	_ =	shalt  }
0x5f: {  	_ =	shalt  }
0x60: {  	_ =	shalt  }
0x61: {  	_ =	shalt  }
0x62: {  	_ =	shalt  }
0x63: {  	_ =	shalt  }
0x64: {  	_ =	shalt  }
0x65: {  	_ =	shalt  }
0x66: {  	_ =	shalt  }
0x67: {  	_ =	shalt  }
0x68: {  	_ =	shalt  }
0x69: {  	_ =	shalt  }
0x6a: {  	_ =	shalt  }
0x6b: {  	_ =	shalt  }
0x6c: {  	_ =	shalt  }
0x6d: {  	_ =	shalt  }
0x6e: {  	_ =	shalt  }
0x6f: {  	_ =	shalt  }
0x70: {  	_ =	shalt  }
0x71: {  	_ =	shalt  }
0x72: {  	_ =	shalt  }
0x73: {  	_ =	shalt  }
0x74: {  	_ =	shalt  }
0x75: {  	_ =	shalt  }
0x76: {  	_ =	shalt  }
0x77: {  	_ =	shalt  }
0x78: {  	_ =	shalt  }
0x79: {  	_ =	shalt  }
0x7a: {  	_ =	shalt  }
0x7b: {  	_ =	shalt  }
0x7c: {  	_ =	shalt  }
0x7d: {  	_ =	shalt  }
0x7e: {  	_ =	shalt  }
0x7f: {  	_ =	shalt  }
0x80: {  	_ =	shalt  }
0x81: {  	_ =	shalt  }
0x82: {  	_ =	shalt  }
0x83: {  	_ =	shalt  }
0x84: {  	_ =	shalt  }
0x85: {  	_ =	shalt  }
0x86: {  	_ =	shalt  }
0x87: {  	_ =	shalt  }
.Lfunc_end0:
.L_simem_size_0:
called_computation_lowered:
.L_overlay_start_0:
0x88: {  	s2 =	sld [smem:$0x3FD9]  }
0x89: {  	s3 =	sld [smem:$0x3FFE];
	_ =	sdelay $0x1  }
0x8a: {  	s1 =	srdreg.scid  }
0x8b: {  	s0 =	sand.u32 $0x1, s1  }
0x8c: {  	s16 =	sshll.u32 s0, $0xA;
	s2 =	sadd.s32 s3, s2  }
0x8d: {  	s2 =	sadd.s32 s2, s16  }
0x8e: {  	[smem:$0x3FBE] =	sst s2  }
0x8f: {  	_ = 	snop  }
0x90: {  	(tm) =	ssettm $0x1  }
0x91: {  	s17 =	sld [smem:$0x3FFB];
	_ =	sdelay $0x3  }
0x92: {  	_ =	strace s17  }
0x93: {  	s2 =	sld [smem:$0x3FFC];
	_ =	sdelay $0x3  }
0x94: {  	_ =	strace s2  }
0x95: {  	s2 =	sld [smem:$0x3FFD];
	_ =	sdelay $0x3  }
0x96: {  	_ =	strace s2  }
0x97: {  	_ =	strace $0x8FFFFFFF  }
0x98: {  	s18 =	sld [smem:$0x3FDB];
	_ =	sdelay $0x1  }
0x99: {  	s19 =	simm.s32 $_scs_section_size  }
0x9a: {  	s4 =	simm.s32 $_size__tile_overlayer_lowered;
	s5 =	simm.s32 $_tile_overlayer_lowered  }
0x9b: {  	s22 =	simm.s32 $0x1BFF;
	s21 =	sshll.u32 s5, $0x1;
	s2 =	sadd.s32 s19, s18  }
0x9c: {  	s6 =	simm.s32 $0x0;
	s20 =	sshll.u32 s4, $0x1;
	s4 =	sadd.s32 s21, s2  }
0x9d: {  	[timem:s6], [sflag:s22] =	dma.local [hbm:s4], s20  }
0x9e: {  	_ =	swait.ge [sflag:s22], s20  }
0x9f: {  	s3 =	ssub.s32 $0x0, s20;
	[sflag:s22] =	ssyncset.done $0x0  }
0xa0: {  	[sflag:s22] =	ssyncadd.s32 s3;
	_ =	sdelay $0x1  }
0xa1: {  	s23 =	simm.s32 $0x1B8B  }
0xa2: {  	_ =	swait.ge [sflag:s23], $0x1  }
0xa3: {  	[sflag:s23] =	ssyncset.done $0x0  }
0xa4: {  	s25 =	simm.s32 $0x1B8E;
	s24 =	sld [smem:$0x3FFE];
	[sflag:s23] =	ssyncadd.s32 $0xFFFFFFFF  }
0xa5: {  	s26 =	simm.s32 $execute0_lowered;
	[smem:$0x3FD2] =	sst s25  }
0xa6: {  	s4 =	sshll.u32 s26, $0x1;
	_ =	strace $0x80000046;
	[dreg:$0x1] =	wrdreg $0xFFFFFFFF  }
0xa7: {  	s28 =	simm.s32 $_size_execute0_lowered;
	s2 =	sadd.s32 s2, s4;
	[dreg:$0x0] =	wrdreg $0x0  }
0xa8: {  	s4 =	sshll.u32 s28, $0x1;
	[dreg:$0x2] =	wrdreg s2  }
0xa9: {  	[dreg:$0x3] =	wrdreg s4  }
0xaa: {  	[dreg:$0x4] =	wrdreg $0xC0  }
0xab: {  	_ =	task [dreg:s6], $0x5FFFF  }
0xac: {  	[dreg:$0x1] =	wrdreg $0xFFFFFFFF  }
0xad: {  	[dreg:$0x0] =	wrdreg $0x60  }
0xae: {  	[dreg:$0x2] =	wrdreg s24  }
0xaf: {  	[dreg:$0x3] =	wrdreg $0x88000  }
0xb0: {  	[dreg:$0x4] =	wrdreg $0x9  }
0xb1: {  	_ =	task.clear_ibuf [dreg:s6], $0x5FFFF;
	_ =	strace $0x90000046  }
0xb2: {  	s29 =	simm.s32 $0x9;
	_ =	strace $0x80000048  }
0xb3: {  	_ =	swait.ge [sflag:s29], $0x1  }
0xb4: {  	[sflag:s29] =	ssyncadd.s32 $0xFFFFFFFF  }
0xb5: {  	_ =	strace $0x90000048  }
0xb6: {  	_ =	sfence  }
0xb7: {  	s30 =	sld [smem:$0x0];
	_ =	sdelay $0x2  }
0xb8: {  	s31 =	sshll.u32 s1, $0xD;
	s1 =	sshrl.u32 s1, $0x2  }
0xb9: {  	s3 =	sand.u32 $0x4000, s31;
	s1 =	sadd.s32 s1, s30  }
0xba: {  	s0 =	sor.u32 s3, s0;
	s1 =	sshll.u32 s1, $0x11  }
0xbb: {  	s0 =	sor.u32 s1, s0  }
0xbc: {  	s0 =	sadd.s32 $0x8F2B, s0  }
0xbd: {  	[sflag:s0] =	ssyncadd.remote.s32 $0x1  }
0xbe: {  	_ =	sfence.sel $0xFFFF  }
0xbf: {  	[dreg:$0x0] =	wrdreg $0xFFFFFFFF;
	(pc) =	sbr.abs _section_cstart, $3  }
0xc0: {  	[dreg:$0x1] =	wrdreg $0xFFFFFFFF  }
0xc1: {  	_ =	task.clear_ibuf [dreg:s6], $0x2FFFF;
	_ =	strace $0x9FFFFFFF  }
0xc2: {  	(tm) =	ssettm $0x7FFFFFFF  }
0xc3: {  	_ =	shalt  }
tec
execute0_lowered:
.L_overlay_start_1:
0x0: {  	(tag) =	ssettag $0x1  }
0x1: {  	s0 =	srdreg.scid  }
0x2: {  	s1 =	rddreg [dreg:$0x0];
	s9 =	stileid.u32  }
0x3: {  	s2 =	rddreg [dreg:$0x1];
	s3 =	simm.s32 $0x0;
	s28 =	simm.s32 $0x4800  }
0x4: {  	s29 =	simm.s32 $0x1;
	s30 =	simm.s32 $0x1C100;
	s6 =	smul.u32 $0x2800, s9  }
0x5: {  	s31 =	simm.s32 $0x3;
	s0 =	sand.u32 $0x1, s0;
	s7 =	smul.u32 $0x271, s9  }
0x6: {  	[smem:$0x7FF] =	sst s3;
	s4 =	sadd.s32 $0x15800, s1;
	s5 =	smul.u32 $0x28000, s0  }
0x7: {  	s8 =	smul.u32 $0x2710, s0;
	s10 =	sshll.u32 s0, $0x4;
	s0 =	ssub.s32 $0x2, s0  }
0x8: {  	s11 =	smul.u32 $0x4E400, s9;
	_ =	strace $0x80000047;
	s12 =	sshrl.u32 s0, $0x1  }
0x9: {  	s5 =	sadd.s32 s6, s5;
	s8 =	sadd.s32 s7, s8;
	s7 =	sor.u32 s9, s10  }
0xa: {  	s9 =	smul.u32 $0x4E200, s9;
	s0 =	ssub.s32 s0, s12;
	s10 =	simm.s32 $0x500  }
0xb: {  	s12 =	simm.s32 $0x580;
	s5 =	sshrl.u32 s5, $0x3;
	s6 =	sshll.u32 s8, $0x4  }
0xc: {  	s7 =	smul.u32 $0x4E4, s7;
	s8 =	sshrl.u32 s11, $0x2;
	s0 =	smax.u32 s0, $0x1  }
0xd: {  	s11 =	simm.s32 $0x200;
	s5 =	sadd.s32 s5, s1;
	s6 =	sadd.s32 s6, s1  }
0xe: {  	s8 =	sadd.s32 s8, s2;
	s14 =	sshrl.u32 s9, $0x2;
	[dreg:$0x13] =	wrdreg s0  }
0xf: {  	s0 =	simm.s32 $0x2;
	s13 =	sadd.s32 $0x4000, s8;
	[dreg:$0x4] =	wrdreg s8  }
0x10: {  	s1 =	sadd.s32 s7, s1;
	s15 =	sadd.s32 $0x8000, s8;
	[dreg:$0x5] =	wrdreg s13  }
0x11: {  	s16 =	sadd.s32 $0xC000, s8;
	s9 =	sadd.s32 s14, s2;
	[dreg:$0x6] =	wrdreg s15  }
0x12: {  	s17 =	sadd.s32 $0x10000, s8;
	s18 =	sadd.s32 $0x46800, s6;
	[dreg:$0x7] =	wrdreg s16  }
0x13: {  	s20 =	sadd.s32 $0x46FD0, s6;
	s22 =	sadd.s32 $0x477A0, s6;
	[dreg:$0x8] =	wrdreg s17  }
0x14: {  	s24 =	sadd.s32 $0x47F70, s6;
	s6 =	sadd.s32 $0x48740, s6;
	[dreg:$0x9] =	wrdreg s18  }
0x15: {  	s26 =	sadd.s32 $0xB800, s5;
	s7 =	simm.s32 $0x4;
	[dreg:$0xb] =	wrdreg s20  }
0x16: {  	s8 =	simm.s32 $0x180;
	s14 =	simm.s32 $0x600;
	[dreg:$0xd] =	wrdreg s22  }
0x17: {  	s19 =	sadd.s32 $0x3E80, s9;
	s21 =	sadd.s32 $0x7D00, s9;
	[dreg:$0xf] =	wrdreg s24  }
0x18: {  	s23 =	sadd.s32 $0xBB80, s9;
	s25 =	sadd.s32 $0xFA00, s9;
	[dreg:$0x11] =	wrdreg s6  }
0x19: {  	s1 =	sadd.s32 $0x3CA00, s1;
	[dreg:$0x3] =	wrdreg s26;
	s22 =	sadd.s32 $0x1800, s5  }
0x1a: {  	s24 =	simm.s32 $0x5;
	s26 =	simm.s32 $0x80;
	[dreg:$0xa] =	wrdreg s19  }
0x1b: {  	s6 =	simm.s32 $0x480;
	s13 =	simm.s32 $0x280;
	[dreg:$0xc] =	wrdreg s21  }
0x1c: {  	s15 =	simm.s32 $0x300;
	s16 =	simm.s32 $0x680;
	[dreg:$0xe] =	wrdreg s23  }
0x1d: {  	s17 =	simm.s32 $0x380;
	s18 =	simm.s32 $0x700;
	[dreg:$0x10] =	wrdreg s25  }
0x1e: {  	s20 =	simm.s32 $0x0;
	[dreg:$0x12] =	wrdreg s1;
	s23 =	simm.s32 $0x800  }
0x1f: {  	v0 =	vimm.f32 $0.0e+00;
	v1 =	vimm.f32 $1.000000000e+00;
	s25 =	simm.s32 $0x400;
	s1 =	simm.s32 $0x100;
	s19 =	simm.s32 $0x780  }
.LBB2_1:
0x20: {  	s21 =	simm.s32 $0x0;
	s5 =	simm.s32 $0x200  }
.LBB2_2:
0x21: {  	p0 =	sne.s32 s5, $0xFE00;
	[tilespmem:s21+$0x870] =	vst v0  }
0x22: {  	[tilespmem:s21+$0x800] =	vst v0  }
0x23: {  	[tilespmem:s21+$0x810] =	vst v0  }
.Ltmp0:
0x24: {  	[tilespmem:s21+$0x820] =	vst v0;
	(pc) =	sbr.rel @p0 .LBB2_2-.Ltmp0, $4  }
0x25: {  	[tilespmem:s21+$0x830] =	vst v0  }
0x26: {  	[tilespmem:s21+$0x840] =	vst v0  }
0x27: {  	[tilespmem:s21+$0x850] =	vst v0  }
0x28: {  	[tilespmem:s21+$0x860] =	vst v0;
	s21 =	sshra.s32 s5, $0x2;
	s5 =	sadd.s32 $0x200, s5  }
0x29: {  	[tilespmem:s21+$0x870] =	vst v0  }
0x2a: {  	[tilespmem:s21+$0x800] =	vst v0  }
0x2b: {  	[tilespmem:s21+$0x810] =	vst v0  }
0x2c: {  	[tilespmem:s21+$0x820] =	vst v0  }
0x2d: {  	[tilespmem:s21+$0x830] =	vst v0  }
0x2e: {  	[tilespmem:s21+$0x840] =	vst v0  }
0x2f: {  	[tilespmem:s21+$0x850] =	vst v0  }
0x30: {  	[tilespmem:s21+$0x860] =	vst v0;
	s5 =	rddreg [dreg:$0x4]  }
0x31: {  	[spmem:s5] =	stream.linear.scatter [tilespmem:s23], [sflag:$0x5], $0x4000, $0x38;
	[tilespmem:$0x1E820] =	vst v63  }
0x32: {  	_ =	swait.ge [sflag:s24], $0x4000  }
0x33: {  	[sflag:s24] =	ssyncset.done $0x0  }
0x34: {  	s21 =	rddreg [dreg:$0x5];
	[sflag:s24] =	ssyncadd.s32 $0xFFFFC000  }
0x35: {  	[spmem:s21] =	stream.linear.scatter [tilespmem:s23], [sflag:$0x5], $0x4000, $0x38;
	[tilespmem:$0x1E820] =	vst v63  }
0x36: {  	_ =	swait.ge [sflag:s24], $0x4000  }
0x37: {  	[sflag:s24] =	ssyncset.done $0x0  }
0x38: {  	s21 =	rddreg [dreg:$0x6];
	[sflag:s24] =	ssyncadd.s32 $0xFFFFC000  }
0x39: {  	[spmem:s21] =	stream.linear.scatter [tilespmem:s23], [sflag:$0x5], $0x4000, $0x38;
	[tilespmem:$0x1E820] =	vst v63  }
0x3a: {  	_ =	swait.ge [sflag:s24], $0x4000  }
0x3b: {  	[sflag:s24] =	ssyncset.done $0x0  }
0x3c: {  	s21 =	rddreg [dreg:$0x7];
	[sflag:s24] =	ssyncadd.s32 $0xFFFFC000  }
0x3d: {  	[spmem:s21] =	stream.linear.scatter [tilespmem:s23], [sflag:$0x5], $0x4000, $0x38;
	[tilespmem:$0x1E820] =	vst v63  }
0x3e: {  	_ =	swait.ge [sflag:s24], $0x4000  }
0x3f: {  	[sflag:s24] =	ssyncset.done $0x0  }
0x40: {  	s21 =	rddreg [dreg:$0x8];
	[sflag:s24] =	ssyncadd.s32 $0xFFFFC000  }
0x41: {  	[spmem:s21] =	stream.linear.scatter [tilespmem:s23], [sflag:$0x5], $0x3900, $0x38;
	[tilespmem:$0x1E820] =	vst v63  }
0x42: {  	_ =	swait.ge [sflag:s24], $0x3900  }
0x43: {  	[sflag:s24] =	ssyncset.done $0x0  }
0x44: {  	s5 =	simm.s32 $0x40;
	s21 =	simm.s32 $0x0;
	[sflag:s24] =	ssyncadd.s32 $0xFFFFC700  }
.LBB2_4:
0x45: {  	p0 =	sne.s32 s5, $0x9C40;
	[tilespmem:s21+$0x1C100] =	vst v0;
	s21 =	smov.u32 s5;
	s5 =	sadd.s32 $0x40, s5  }
.Ltmp1:
0x46: {  	(pc) =	sbr.rel @p0 .LBB2_4-.Ltmp1, $2  }
0x47: {  	_ =	sdelay $0x2  }
0x48: {  	s21 =	sshra.s32 s21, $0x2  }
0x49: {  	[tilespmem:s21+$0x1C100] =	vst v0  }
0x4a: {  	s21 =	simm.s32 $0x0;
	[bflag:$0x0] =	sbarrier.arrive $0xFFFF  }
.LBB2_6:
0x4b: {  	s5 =	sadd.s32 s21, s22  }
0x4c: {  	[tilespmem:s3], [sflag:$0x5] =	stream.linear.gather [hbm4b:s5+s3], $0x400, $0x38;
	[tilespmem:$0x1E820] =	vst v63  }
0x4d: {  	_ =	swait.ge [sflag:s24], $0x400  }
0x4e: {  	s5 =	rddreg [dreg:$0x3];
	[sflag:s24] =	ssyncset.done $0x0  }
0x4f: {  	[sflag:s24] =	ssyncadd.s32 $0xFFFFFC00;
	s5 =	sadd.s32 s21, s5  }
0x50: {  	[tilespmem:s25], [sflag:$0x5] =	stream.linear.gather [hbm4b:s5+s3], $0x400, $0x38;
	[tilespmem:$0x1E820] =	vst v63  }
0x51: {  	_ =	swait.ge [sflag:s24], $0x400  }
0x52: {  	[sflag:s24] =	ssyncset.done $0x0  }
0x53: {  	[sflag:s24] =	ssyncadd.s32 $0xFFFFFC00  }
0x54: {  	[tilespmem:s23], [sflag:$0x1] =	stream.indirect.gather [hbm4b:s4+s26], $0x80, s3, s26, $0xb8;
	[tilespmem:$0x1E820] =	vst v63  }
0x55: {  	_ = 	snop  }
0x56: {  	[tilespmem:s28], [sflag:$0x2] =	stream.indirect.gather [hbm4b:s4+s26], $0x80, s26, s26, $0xb8;
	[tilespmem:$0x1E820] =	vst v63  }
0x57: {  	_ =	swait.ge [sflag:s29], $0x4000  }
0x58: {  	[sflag:s29] =	ssyncset.done $0x0  }
0x59: {  	[sflag:s29] =	ssyncadd.s32 $0xFFFFC000  }
0x5a: {  	v2 =	vld [tilespmem:$0x400];
	_ =	sdelay $0x7  }
0x5b: {  	[tilespmem:v2+s30+$0x0] =	vst.idx.add.f32.msk $0xffff, v1  }
0x5c: {  	v2 =	vld [tilespmem:$0x410];
	_ =	sdelay $0x7  }
0x5d: {  	[tilespmem:v2+s30+$0x0] =	vst.idx.add.f32.msk $0xffff, v1  }
0x5e: {  	v2 =	vld [tilespmem:$0x420];
	_ =	sdelay $0x7  }
0x5f: {  	[tilespmem:v2+s30+$0x0] =	vst.idx.add.f32.msk $0xffff, v1  }
0x60: {  	v2 =	vld [tilespmem:$0x430];
	_ =	sdelay $0x7  }
0x61: {  	[tilespmem:v2+s30+$0x0] =	vst.idx.add.f32.msk $0xffff, v1  }
0x62: {  	v2 =	vld [tilespmem:$0x440];
	_ =	sdelay $0x7  }
0x63: {  	[tilespmem:v2+s30+$0x0] =	vst.idx.add.f32.msk $0xffff, v1  }
0x64: {  	v2 =	vld [tilespmem:$0x450];
	_ =	sdelay $0x7  }
0x65: {  	[tilespmem:v2+s30+$0x0] =	vst.idx.add.f32.msk $0xffff, v1  }
0x66: {  	v2 =	vld [tilespmem:$0x460];
	_ =	sdelay $0x7  }
0x67: {  	[tilespmem:v2+s30+$0x0] =	vst.idx.add.f32.msk $0xffff, v1  }
0x68: {  	v2 =	vld [tilespmem:$0x470];
	_ =	sdelay $0x7  }
0x69: {  	[tilespmem:v2+s30+$0x0] =	vst.idx.add.f32.msk $0xffff, v1  }
0x6a: {  	[spmem:s2] =	stream.indirect.scatter.add.f32 [tilespmem:s23], [sflag:$0x3], $0x80, s25, s26, $0xb8;
	[tilespmem:$0x1E820] =	vst v63  }
0x6b: {  	_ =	swait.ge [sflag:s31], $0x4000  }
0x6c: {  	[sflag:s31] =	ssyncset.done $0x0  }
0x6d: {  	[sflag:s31] =	ssyncadd.s32 $0xFFFFC000  }
0x6e: {  	[tilespmem:s23], [sflag:$0x1] =	stream.indirect.gather [hbm4b:s4+s26], $0x80, s1, s26, $0xb8;
	[tilespmem:$0x1E820] =	vst v63  }
0x6f: {  	_ =	swait.ge [sflag:s0], $0x4000  }
0x70: {  	[sflag:s0] =	ssyncset.done $0x0  }
0x71: {  	[sflag:s0] =	ssyncadd.s32 $0xFFFFC000  }
0x72: {  	v2 =	vld [tilespmem:$0x480];
	_ =	sdelay $0x7  }
0x73: {  	[tilespmem:v2+s30+$0x0] =	vst.idx.add.f32.msk $0xffff, v1  }
0x74: {  	v2 =	vld [tilespmem:$0x490];
	_ =	sdelay $0x7  }
0x75: {  	[tilespmem:v2+s30+$0x0] =	vst.idx.add.f32.msk $0xffff, v1  }
0x76: {  	v2 =	vld [tilespmem:$0x4A0];
	_ =	sdelay $0x7  }
0x77: {  	[tilespmem:v2+s30+$0x0] =	vst.idx.add.f32.msk $0xffff, v1  }
0x78: {  	v2 =	vld [tilespmem:$0x4B0];
	_ =	sdelay $0x7  }
0x79: {  	[tilespmem:v2+s30+$0x0] =	vst.idx.add.f32.msk $0xffff, v1  }
0x7a: {  	v2 =	vld [tilespmem:$0x4C0];
	_ =	sdelay $0x7  }
0x7b: {  	[tilespmem:v2+s30+$0x0] =	vst.idx.add.f32.msk $0xffff, v1  }
0x7c: {  	v2 =	vld [tilespmem:$0x4D0];
	_ =	sdelay $0x7  }
0x7d: {  	[tilespmem:v2+s30+$0x0] =	vst.idx.add.f32.msk $0xffff, v1  }
0x7e: {  	v2 =	vld [tilespmem:$0x4E0];
	_ =	sdelay $0x7  }
0x7f: {  	[tilespmem:v2+s30+$0x0] =	vst.idx.add.f32.msk $0xffff, v1  }
0x80: {  	v2 =	vld [tilespmem:$0x4F0];
	_ =	sdelay $0x7  }
0x81: {  	[tilespmem:v2+s30+$0x0] =	vst.idx.add.f32.msk $0xffff, v1  }
0x82: {  	[spmem:s2] =	stream.indirect.scatter.add.f32 [tilespmem:s28], [sflag:$0x4], $0x80, s6, s26, $0xb8;
	[tilespmem:$0x1E820] =	vst v63  }
0x83: {  	_ =	swait.ge [sflag:s7], $0x4000  }
0x84: {  	[sflag:s7] =	ssyncset.done $0x0  }
0x85: {  	[sflag:s7] =	ssyncadd.s32 $0xFFFFC000  }
0x86: {  	[tilespmem:s28], [sflag:$0x2] =	stream.indirect.gather [hbm4b:s4+s26], $0x80, s8, s26, $0xb8;
	[tilespmem:$0x1E820] =	vst v63  }
0x87: {  	_ =	swait.ge [sflag:s29], $0x4000  }
0x88: {  	[sflag:s29] =	ssyncset.done $0x0  }
0x89: {  	[sflag:s29] =	ssyncadd.s32 $0xFFFFC000  }
0x8a: {  	v2 =	vld [tilespmem:$0x500];
	_ =	sdelay $0x7  }
0x8b: {  	[tilespmem:v2+s30+$0x0] =	vst.idx.add.f32.msk $0xffff, v1  }
0x8c: {  	v2 =	vld [tilespmem:$0x510];
	_ =	sdelay $0x7  }
0x8d: {  	[tilespmem:v2+s30+$0x0] =	vst.idx.add.f32.msk $0xffff, v1  }
0x8e: {  	v2 =	vld [tilespmem:$0x520];
	_ =	sdelay $0x7  }
0x8f: {  	[tilespmem:v2+s30+$0x0] =	vst.idx.add.f32.msk $0xffff, v1  }
0x90: {  	v2 =	vld [tilespmem:$0x530];
	_ =	sdelay $0x7  }
0x91: {  	[tilespmem:v2+s30+$0x0] =	vst.idx.add.f32.msk $0xffff, v1  }
0x92: {  	v2 =	vld [tilespmem:$0x540];
	_ =	sdelay $0x7  }
0x93: {  	[tilespmem:v2+s30+$0x0] =	vst.idx.add.f32.msk $0xffff, v1  }
0x94: {  	v2 =	vld [tilespmem:$0x550];
	_ =	sdelay $0x7  }
0x95: {  	[tilespmem:v2+s30+$0x0] =	vst.idx.add.f32.msk $0xffff, v1  }
0x96: {  	v2 =	vld [tilespmem:$0x560];
	_ =	sdelay $0x7  }
0x97: {  	[tilespmem:v2+s30+$0x0] =	vst.idx.add.f32.msk $0xffff, v1  }
0x98: {  	v2 =	vld [tilespmem:$0x570];
	_ =	sdelay $0x7  }
0x99: {  	[tilespmem:v2+s30+$0x0] =	vst.idx.add.f32.msk $0xffff, v1  }
0x9a: {  	[spmem:s2] =	stream.indirect.scatter.add.f32 [tilespmem:s23], [sflag:$0x3], $0x80, s10, s26, $0xb8;
	[tilespmem:$0x1E820] =	vst v63  }
0x9b: {  	_ =	swait.ge [sflag:s31], $0x4000  }
0x9c: {  	[sflag:s31] =	ssyncset.done $0x0  }
0x9d: {  	[sflag:s31] =	ssyncadd.s32 $0xFFFFC000  }
0x9e: {  	[tilespmem:s23], [sflag:$0x1] =	stream.indirect.gather [hbm4b:s4+s26], $0x80, s11, s26, $0xb8;
	[tilespmem:$0x1E820] =	vst v63  }
0x9f: {  	_ =	swait.ge [sflag:s0], $0x4000  }
0xa0: {  	[sflag:s0] =	ssyncset.done $0x0  }
0xa1: {  	[sflag:s0] =	ssyncadd.s32 $0xFFFFC000  }
0xa2: {  	v2 =	vld [tilespmem:$0x580];
	_ =	sdelay $0x7  }
0xa3: {  	[tilespmem:v2+s30+$0x0] =	vst.idx.add.f32.msk $0xffff, v1  }
0xa4: {  	v2 =	vld [tilespmem:$0x590];
	_ =	sdelay $0x7  }
0xa5: {  	[tilespmem:v2+s30+$0x0] =	vst.idx.add.f32.msk $0xffff, v1  }
0xa6: {  	v2 =	vld [tilespmem:$0x5A0];
	_ =	sdelay $0x7  }
0xa7: {  	[tilespmem:v2+s30+$0x0] =	vst.idx.add.f32.msk $0xffff, v1  }
0xa8: {  	v2 =	vld [tilespmem:$0x5B0];
	_ =	sdelay $0x7  }
0xa9: {  	[tilespmem:v2+s30+$0x0] =	vst.idx.add.f32.msk $0xffff, v1  }
0xaa: {  	v2 =	vld [tilespmem:$0x5C0];
	_ =	sdelay $0x7  }
0xab: {  	[tilespmem:v2+s30+$0x0] =	vst.idx.add.f32.msk $0xffff, v1  }
0xac: {  	v2 =	vld [tilespmem:$0x5D0];
	_ =	sdelay $0x7  }
0xad: {  	[tilespmem:v2+s30+$0x0] =	vst.idx.add.f32.msk $0xffff, v1  }
0xae: {  	v2 =	vld [tilespmem:$0x5E0];
	_ =	sdelay $0x7  }
0xaf: {  	[tilespmem:v2+s30+$0x0] =	vst.idx.add.f32.msk $0xffff, v1  }
0xb0: {  	v2 =	vld [tilespmem:$0x5F0];
	_ =	sdelay $0x7  }
0xb1: {  	[tilespmem:v2+s30+$0x0] =	vst.idx.add.f32.msk $0xffff, v1  }
0xb2: {  	[spmem:s2] =	stream.indirect.scatter.add.f32 [tilespmem:s28], [sflag:$0x4], $0x80, s12, s26, $0xb8;
	[tilespmem:$0x1E820] =	vst v63  }
0xb3: {  	_ =	swait.ge [sflag:s7], $0x4000  }
0xb4: {  	[sflag:s7] =	ssyncset.done $0x0  }
0xb5: {  	[sflag:s7] =	ssyncadd.s32 $0xFFFFC000  }
0xb6: {  	[tilespmem:s28], [sflag:$0x2] =	stream.indirect.gather [hbm4b:s4+s26], $0x80, s13, s26, $0xb8;
	[tilespmem:$0x1E820] =	vst v63  }
0xb7: {  	_ =	swait.ge [sflag:s29], $0x4000  }
0xb8: {  	[sflag:s29] =	ssyncset.done $0x0  }
0xb9: {  	[sflag:s29] =	ssyncadd.s32 $0xFFFFC000  }
0xba: {  	v2 =	vld [tilespmem:$0x600];
	_ =	sdelay $0x7  }
0xbb: {  	[tilespmem:v2+s30+$0x0] =	vst.idx.add.f32.msk $0xffff, v1  }
0xbc: {  	v2 =	vld [tilespmem:$0x610];
	_ =	sdelay $0x7  }
0xbd: {  	[tilespmem:v2+s30+$0x0] =	vst.idx.add.f32.msk $0xffff, v1  }
0xbe: {  	v2 =	vld [tilespmem:$0x620];
	_ =	sdelay $0x7  }
0xbf: {  	[tilespmem:v2+s30+$0x0] =	vst.idx.add.f32.msk $0xffff, v1  }
0xc0: {  	v2 =	vld [tilespmem:$0x630];
	_ =	sdelay $0x7  }
0xc1: {  	[tilespmem:v2+s30+$0x0] =	vst.idx.add.f32.msk $0xffff, v1  }
0xc2: {  	v2 =	vld [tilespmem:$0x640];
	_ =	sdelay $0x7  }
0xc3: {  	[tilespmem:v2+s30+$0x0] =	vst.idx.add.f32.msk $0xffff, v1  }
0xc4: {  	v2 =	vld [tilespmem:$0x650];
	_ =	sdelay $0x7  }
0xc5: {  	[tilespmem:v2+s30+$0x0] =	vst.idx.add.f32.msk $0xffff, v1  }
0xc6: {  	v2 =	vld [tilespmem:$0x660];
	_ =	sdelay $0x7  }
0xc7: {  	[tilespmem:v2+s30+$0x0] =	vst.idx.add.f32.msk $0xffff, v1  }
0xc8: {  	v2 =	vld [tilespmem:$0x670];
	_ =	sdelay $0x7  }
0xc9: {  	[tilespmem:v2+s30+$0x0] =	vst.idx.add.f32.msk $0xffff, v1  }
0xca: {  	[spmem:s2] =	stream.indirect.scatter.add.f32 [tilespmem:s23], [sflag:$0x3], $0x80, s14, s26, $0xb8;
	[tilespmem:$0x1E820] =	vst v63  }
0xcb: {  	_ =	swait.ge [sflag:s31], $0x4000  }
0xcc: {  	[sflag:s31] =	ssyncset.done $0x0  }
0xcd: {  	[sflag:s31] =	ssyncadd.s32 $0xFFFFC000  }
0xce: {  	[tilespmem:s23], [sflag:$0x1] =	stream.indirect.gather [hbm4b:s4+s26], $0x80, s15, s26, $0xb8;
	[tilespmem:$0x1E820] =	vst v63  }
0xcf: {  	_ =	swait.ge [sflag:s0], $0x4000  }
0xd0: {  	[sflag:s0] =	ssyncset.done $0x0  }
0xd1: {  	[sflag:s0] =	ssyncadd.s32 $0xFFFFC000  }
0xd2: {  	v2 =	vld [tilespmem:$0x680];
	_ =	sdelay $0x7  }
0xd3: {  	[tilespmem:v2+s30+$0x0] =	vst.idx.add.f32.msk $0xffff, v1  }
0xd4: {  	v2 =	vld [tilespmem:$0x690];
	_ =	sdelay $0x7  }
0xd5: {  	[tilespmem:v2+s30+$0x0] =	vst.idx.add.f32.msk $0xffff, v1  }
0xd6: {  	v2 =	vld [tilespmem:$0x6A0];
	_ =	sdelay $0x7  }
0xd7: {  	[tilespmem:v2+s30+$0x0] =	vst.idx.add.f32.msk $0xffff, v1  }
0xd8: {  	v2 =	vld [tilespmem:$0x6B0];
	_ =	sdelay $0x7  }
0xd9: {  	[tilespmem:v2+s30+$0x0] =	vst.idx.add.f32.msk $0xffff, v1  }
0xda: {  	v2 =	vld [tilespmem:$0x6C0];
	_ =	sdelay $0x7  }
0xdb: {  	[tilespmem:v2+s30+$0x0] =	vst.idx.add.f32.msk $0xffff, v1  }
0xdc: {  	v2 =	vld [tilespmem:$0x6D0];
	_ =	sdelay $0x7  }
0xdd: {  	[tilespmem:v2+s30+$0x0] =	vst.idx.add.f32.msk $0xffff, v1  }
0xde: {  	v2 =	vld [tilespmem:$0x6E0];
	_ =	sdelay $0x7  }
0xdf: {  	[tilespmem:v2+s30+$0x0] =	vst.idx.add.f32.msk $0xffff, v1  }
0xe0: {  	v2 =	vld [tilespmem:$0x6F0];
	_ =	sdelay $0x7  }
0xe1: {  	[tilespmem:v2+s30+$0x0] =	vst.idx.add.f32.msk $0xffff, v1  }
0xe2: {  	[spmem:s2] =	stream.indirect.scatter.add.f32 [tilespmem:s28], [sflag:$0x4], $0x80, s16, s26, $0xb8;
	[tilespmem:$0x1E820] =	vst v63  }
0xe3: {  	_ =	swait.ge [sflag:s7], $0x4000  }
0xe4: {  	[sflag:s7] =	ssyncset.done $0x0  }
0xe5: {  	[sflag:s7] =	ssyncadd.s32 $0xFFFFC000  }
0xe6: {  	[tilespmem:s28], [sflag:$0x2] =	stream.indirect.gather [hbm4b:s4+s26], $0x80, s17, s26, $0xb8;
	[tilespmem:$0x1E820] =	vst v63  }
0xe7: {  	_ =	swait.ge [sflag:s29], $0x4000  }
0xe8: {  	[sflag:s29] =	ssyncset.done $0x0  }
0xe9: {  	[sflag:s29] =	ssyncadd.s32 $0xFFFFC000  }
0xea: {  	v2 =	vld [tilespmem:$0x700];
	_ =	sdelay $0x7  }
0xeb: {  	[tilespmem:v2+s30+$0x0] =	vst.idx.add.f32.msk $0xffff, v1  }
0xec: {  	v2 =	vld [tilespmem:$0x710];
	_ =	sdelay $0x7  }
0xed: {  	[tilespmem:v2+s30+$0x0] =	vst.idx.add.f32.msk $0xffff, v1  }
0xee: {  	v2 =	vld [tilespmem:$0x720];
	_ =	sdelay $0x7  }
0xef: {  	[tilespmem:v2+s30+$0x0] =	vst.idx.add.f32.msk $0xffff, v1  }
0xf0: {  	v2 =	vld [tilespmem:$0x730];
	_ =	sdelay $0x7  }
0xf1: {  	[tilespmem:v2+s30+$0x0] =	vst.idx.add.f32.msk $0xffff, v1  }
0xf2: {  	v2 =	vld [tilespmem:$0x740];
	_ =	sdelay $0x7  }
0xf3: {  	[tilespmem:v2+s30+$0x0] =	vst.idx.add.f32.msk $0xffff, v1  }
0xf4: {  	v2 =	vld [tilespmem:$0x750];
	_ =	sdelay $0x7  }
0xf5: {  	[tilespmem:v2+s30+$0x0] =	vst.idx.add.f32.msk $0xffff, v1  }
0xf6: {  	v2 =	vld [tilespmem:$0x760];
	_ =	sdelay $0x7  }
0xf7: {  	[tilespmem:v2+s30+$0x0] =	vst.idx.add.f32.msk $0xffff, v1  }
0xf8: {  	v2 =	vld [tilespmem:$0x770];
	_ =	sdelay $0x7  }
0xf9: {  	[tilespmem:v2+s30+$0x0] =	vst.idx.add.f32.msk $0xffff, v1  }
0xfa: {  	[spmem:s2] =	stream.indirect.scatter.add.f32 [tilespmem:s23], [sflag:$0x3], $0x80, s18, s26, $0xb8;
	[tilespmem:$0x1E820] =	vst v63  }
0xfb: {  	_ =	swait.ge [sflag:s0], $0x4000  }
0xfc: {  	[sflag:s0] =	ssyncset.done $0x0  }
0xfd: {  	[sflag:s0] =	ssyncadd.s32 $0xFFFFC000  }
0xfe: {  	v2 =	vld [tilespmem:$0x780];
	_ =	sdelay $0x7  }
0xff: {  	[tilespmem:v2+s30+$0x0] =	vst.idx.add.f32.msk $0xffff, v1  }
0x100: {  	v2 =	vld [tilespmem:$0x790];
	_ =	sdelay $0x7  }
0x101: {  	[tilespmem:v2+s30+$0x0] =	vst.idx.add.f32.msk $0xffff, v1  }
0x102: {  	v2 =	vld [tilespmem:$0x7A0];
	_ =	sdelay $0x7  }
0x103: {  	[tilespmem:v2+s30+$0x0] =	vst.idx.add.f32.msk $0xffff, v1  }
0x104: {  	v2 =	vld [tilespmem:$0x7B0];
	_ =	sdelay $0x7  }
0x105: {  	[tilespmem:v2+s30+$0x0] =	vst.idx.add.f32.msk $0xffff, v1  }
0x106: {  	v2 =	vld [tilespmem:$0x7C0];
	_ =	sdelay $0x7  }
0x107: {  	[tilespmem:v2+s30+$0x0] =	vst.idx.add.f32.msk $0xffff, v1  }
0x108: {  	v2 =	vld [tilespmem:$0x7D0];
	_ =	sdelay $0x7  }
0x109: {  	[tilespmem:v2+s30+$0x0] =	vst.idx.add.f32.msk $0xffff, v1  }
0x10a: {  	v2 =	vld [tilespmem:$0x7E0];
	_ =	sdelay $0x7  }
0x10b: {  	[tilespmem:v2+s30+$0x0] =	vst.idx.add.f32.msk $0xffff, v1  }
0x10c: {  	v2 =	vld [tilespmem:$0x7F0];
	_ =	sdelay $0x7  }
0x10d: {  	[tilespmem:v2+s30+$0x0] =	vst.idx.add.f32.msk $0xffff, v1  }
0x10e: {  	[spmem:s2] =	stream.indirect.scatter.add.f32 [tilespmem:s28], [sflag:$0x4], $0x80, s19, s26, $0xb8;
	[tilespmem:$0x1E820] =	vst v63  }
0x10f: {  	p0 =	sne.s32 s21, $0x480;
	_ =	swait.ge [sflag:s31], $0x4000  }
.Ltmp2:
0x110: {  	[sflag:s31] =	ssyncset.done $0x0;
	(pc) =	sbr.rel @p0 .LBB2_6-.Ltmp2, $4  }
0x111: {  	[sflag:s31] =	ssyncadd.s32 $0xFFFFC000  }
0x112: {  	_ =	swait.ge [sflag:s7], $0x4000  }
0x113: {  	[sflag:s7] =	ssyncset.done $0x0  }
0x114: {  	s21 =	sadd.s32 $0x80, s21;
	[sflag:s7] =	ssyncadd.s32 $0xFFFFC000  }
0x115: {  	[bflag:$0x0] =	sbarrier.arrive $0xFFFF  }
0x116: {  	[tilespmem:s23], [sflag:$0x5] =	stream.linear.gather [spmem:s9], $0x3E80, $0x38;
	[tilespmem:$0x1E820] =	vst v63  }
0x117: {  	_ =	swait.ge [sflag:s24], $0x3E80  }
0x118: {  	[sflag:s24] =	ssyncset.done $0x0  }
0x119: {  	s5 =	rddreg [dreg:$0x9];
	[sflag:s24] =	ssyncadd.s32 $0xFFFFC180  }
0x11a: {  	[hbm4b:s5+s3] =	stream.linear.scatter [tilespmem:s23], [sflag:$0x5], $0x3E80, $0x38;
	[tilespmem:$0x1E820] =	vst v63  }
0x11b: {  	_ =	swait.ge [sflag:s24], $0x3E80  }
0x11c: {  	[sflag:s24] =	ssyncset.done $0x0  }
0x11d: {  	s21 =	rddreg [dreg:$0xa];
	[sflag:s24] =	ssyncadd.s32 $0xFFFFC180  }
0x11e: {  	[tilespmem:s23], [sflag:$0x5] =	stream.linear.gather [spmem:s21], $0x3E80, $0x38;
	[tilespmem:$0x1E820] =	vst v63  }
0x11f: {  	_ =	swait.ge [sflag:s24], $0x3E80  }
0x120: {  	[sflag:s24] =	ssyncset.done $0x0  }
0x121: {  	s21 =	rddreg [dreg:$0xb];
	[sflag:s24] =	ssyncadd.s32 $0xFFFFC180  }
0x122: {  	[hbm4b:s21+s3] =	stream.linear.scatter [tilespmem:s23], [sflag:$0x5], $0x3E80, $0x38;
	[tilespmem:$0x1E820] =	vst v63  }
0x123: {  	_ =	swait.ge [sflag:s24], $0x3E80  }
0x124: {  	[sflag:s24] =	ssyncset.done $0x0  }
0x125: {  	s21 =	rddreg [dreg:$0xc];
	[sflag:s24] =	ssyncadd.s32 $0xFFFFC180  }
0x126: {  	[tilespmem:s23], [sflag:$0x5] =	stream.linear.gather [spmem:s21], $0x3E80, $0x38;
	[tilespmem:$0x1E820] =	vst v63  }
0x127: {  	_ =	swait.ge [sflag:s24], $0x3E80  }
0x128: {  	[sflag:s24] =	ssyncset.done $0x0  }
0x129: {  	s21 =	rddreg [dreg:$0xd];
	[sflag:s24] =	ssyncadd.s32 $0xFFFFC180  }
0x12a: {  	[hbm4b:s21+s3] =	stream.linear.scatter [tilespmem:s23], [sflag:$0x5], $0x3E80, $0x38;
	[tilespmem:$0x1E820] =	vst v63  }
0x12b: {  	_ =	swait.ge [sflag:s24], $0x3E80  }
0x12c: {  	[sflag:s24] =	ssyncset.done $0x0  }
0x12d: {  	s21 =	rddreg [dreg:$0xe];
	[sflag:s24] =	ssyncadd.s32 $0xFFFFC180  }
0x12e: {  	[tilespmem:s23], [sflag:$0x5] =	stream.linear.gather [spmem:s21], $0x3E80, $0x38;
	[tilespmem:$0x1E820] =	vst v63  }
0x12f: {  	_ =	swait.ge [sflag:s24], $0x3E80  }
0x130: {  	[sflag:s24] =	ssyncset.done $0x0  }
0x131: {  	s21 =	rddreg [dreg:$0xf];
	[sflag:s24] =	ssyncadd.s32 $0xFFFFC180  }
0x132: {  	[hbm4b:s21+s3] =	stream.linear.scatter [tilespmem:s23], [sflag:$0x5], $0x3E80, $0x38;
	[tilespmem:$0x1E820] =	vst v63  }
0x133: {  	_ =	swait.ge [sflag:s24], $0x3E80  }
0x134: {  	[sflag:s24] =	ssyncset.done $0x0  }
0x135: {  	s21 =	rddreg [dreg:$0x10];
	[sflag:s24] =	ssyncadd.s32 $0xFFFFC180  }
0x136: {  	[tilespmem:s23], [sflag:$0x5] =	stream.linear.gather [spmem:s21], $0x3E80, $0x38;
	[tilespmem:$0x1E820] =	vst v63  }
0x137: {  	_ =	swait.ge [sflag:s24], $0x3E80  }
0x138: {  	[sflag:s24] =	ssyncset.done $0x0  }
0x139: {  	s21 =	rddreg [dreg:$0x11];
	[sflag:s24] =	ssyncadd.s32 $0xFFFFC180  }
0x13a: {  	[hbm4b:s21+s3] =	stream.linear.scatter [tilespmem:s23], [sflag:$0x5], $0x3E80, $0x38;
	[tilespmem:$0x1E820] =	vst v63  }
0x13b: {  	_ =	swait.ge [sflag:s24], $0x3E80  }
0x13c: {  	[sflag:s24] =	ssyncset.done $0x0  }
0x13d: {  	s21 =	rddreg [dreg:$0x12];
	[sflag:s24] =	ssyncadd.s32 $0xFFFFC180  }
0x13e: {  	[hbm4b:s21+s3] =	stream.linear.scatter [tilespmem:s30], [sflag:$0x5], $0x2720, $0x38;
	[tilespmem:$0x1E820] =	vst v63  }
0x13f: {  	_ =	swait.ge [sflag:s24], $0x2720  }
0x140: {  	s20 =	sadd.s32 $0x1, s20;
	s21 =	rddreg [dreg:$0x13]  }
0x141: {  	p0 =	sne.s32 s20, s21  }
.Ltmp3:
0x142: {  	_ = 	snop;
	(pc) =	sbr.rel @p0 .LBB2_1-.Ltmp3, $3  }
0x143: {  	_ =	sdelay $0x1  }
0x144: {  	[sflag:s24] =	ssyncset.done $0x0  }
0x145: {  	[sflag:s24] =	ssyncadd.s32 $0xFFFFD8E0  }
0x146: {  	_ =	sfence.sel $0x180000  }
0x147: {  	[bflag:$0x0] =	sbarrier.arrive $0xFFFF  }
0x148: {  	_ =	strace $0x90000047  }
0x149: {  	s0 =	stileid.u32;
	[bflag:$0x2] =	sbarrier.arrive $0xFFFF  }
0x14a: {  	p0 =	sne.s32 s0, $0x0;
	s0 =	rddreg [dreg:$0x2]  }
0x14b: {  	s0 =	sadd.s32 @!p0 $0x100000, s0  }
0x14c: {  	[sflag:s0] =	ssyncadd.tile.s32 @!p0 $0x1;
	_ =	shalt  }
.Lfunc_end2:
_tile_overlayer_lowered:
.L_overlay_start_2:
0x14d: {  	(tag) =	ssettag $0x2  }
0x14e: {  	s0 =	rddreg [dreg:$0x0];
	s2 =	stileid.u32  }
0x14f: {  	s1 =	rddreg [dreg:$0x1];
	p0 =	sne.s32 s2, $0x0  }
0x150: {  	s3 =	rddreg [dreg:$0x2];
	[bflag:$0x3] =	sbarrier.arrive $0xFFFF;
	s2 =	simm.s32 @!p0 $0x1C05  }
0x151: {  	[timem:s3], [sflag:s2] =	dma.local @!p0 [hbm:s0], s1  }
0x152: {  	s0 =	simm.s32 @!p0 $0x5  }
0x153: {  	_ =	swait.ge @!p0 [sflag:s0], s1  }
0x154: {  	s1 =	ssub.s32 @!p0 $0x0, s1;
	[sflag:s0] =	ssyncset.done @!p0 $0x0  }
0x155: {  	[sflag:s0] =	ssyncadd.s32 @!p0 s1  }
0x156: {  	[bflag:$0x3] =	sbarrier.arrive $0xFFFF  }
0x157: {  	_ =	shalt  }

</sc_bundles>
